<compile_context>
chip_gen: v7x
topology: tpu7x:2x2x1
jax: 0.10.2.dev20260603
libtpu: 0.0.44.dev20260713+nightly
codegen_flags: <defaults>
</compile_context>

<pallas_src>
import functools

import jax
import jax.numpy as jnp
from jax import lax
from jax.experimental import pallas as pl
from jax.experimental.pallas import tpu as pltpu
from jax.experimental.pallas import tpu_sc as plsc

N_EMBD = 256
N_EXPERTS = 8
HIDDEN = 682
HID_PAD = 768
N_TOK = 8192
N_ENT = 2 * N_TOK
TILE = 512
CAP = N_ENT + N_EXPERTS * TILE
N_TILES = CAP // TILE
WIN = 128
N_WIN = CAP // WIN
NW = 32
NSUB = 16
EPS = 1024


def _shift_rows(a, k):
    return jnp.pad(a, ((k, 0), (0, 0)))[: a.shape[0], :]


def _shift_lanes(a, k):
    return jnp.pad(a, ((0, 0), (k, 0)))[:, : a.shape[1]]


def _plan_kernel(x_ref, wr_ref, pos_ref, wn_ref, seg_ref):
    x = x_ref[...]
    logits_t = lax.dot_general(
        wr_ref[...], x, (((1,), (1,)), ((), ())),
        preferred_element_type=jnp.float32)
    m = jnp.max(logits_t, axis=0, keepdims=True)
    unnorm = jnp.exp(logits_t - m)
    probs = unnorm / jnp.sum(unnorm, axis=0, keepdims=True)
    eidx = lax.broadcasted_iota(jnp.int32, probs.shape, 0)
    p1 = jnp.max(probs, axis=0, keepdims=True)
    i1 = jnp.min(jnp.where(probs == p1, eidx, N_EXPERTS), axis=0,
                 keepdims=True)
    probs_m = jnp.where(eidx == i1, -1.0, probs)
    p2 = jnp.max(probs_m, axis=0, keepdims=True)
    i2 = jnp.min(jnp.where(probs_m == p2, eidx, N_EXPERTS), axis=0,
                 keepdims=True)
    denom = p1 + p2 + 1e-9
    w1n = p1 / denom
    w2n = p2 / denom

    oh1 = (eidx == i1).astype(jnp.float32)
    oh2 = (eidx == i2).astype(jnp.float32)
    oht = jnp.concatenate([oh1, oh2], axis=1)

    inc = oht
    k = 1
    while k < N_ENT:
        inc = inc + _shift_lanes(inc, k)
        k *= 2
    excl = inc - oht

    counts_i = inc[:, N_ENT - 1:N_ENT].astype(jnp.int32)
    padded = ((counts_i + TILE - 1) // TILE) * TILE
    t = padded
    for k in (1, 2, 4):
        t = t + _shift_rows(t, k)
    seg_start = t - padded
    seg_end = t

    rank = jnp.sum(excl * oht, axis=0, keepdims=True)
    base = jnp.sum(oht * seg_start.astype(jnp.float32), axis=0,
                   keepdims=True)
    pos_ref[...] = (rank + base).astype(jnp.int32)
    wn_ref[...] = jnp.concatenate([w1n, w2n], axis=1)
    seg_ref[...] = jnp.concatenate([seg_start, seg_end], axis=1)


def _dispatch_kernel(pos_hbm, wn_hbm, flat_hbm, xs_hbm, wrow_hbm,
                     idx_v, wnv_v, rows_v, sem):
    cid = lax.axis_index("c")
    sid = lax.axis_index("s")
    wid = sid * 2 + cid
    tpw = N_TOK // NW

    pltpu.sync_copy(flat_hbm.at[pl.ds(wid * tpw, tpw)], rows_v)
    pltpu.sync_copy(pos_hbm.at[pl.ds(2 * wid, 2)], idx_v.at[pl.ds(0, 2)])
    pltpu.sync_copy(pos_hbm.at[pl.ds(N_TOK // 128 + 2 * wid, 2)],
                    idx_v.at[pl.ds(2, 2)])
    pltpu.sync_copy(wn_hbm.at[pl.ds(2 * wid, 2)], wnv_v.at[pl.ds(0, 2)])
    pltpu.sync_copy(wn_hbm.at[pl.ds(N_TOK // 128 + 2 * wid, 2)],
                    wnv_v.at[pl.ds(2, 2)])

    cps = []
    for r0, irow in ((0, 0), (128, 1), (0, 2), (128, 3)):
        cps.append(pltpu.async_copy(
            rows_v.at[pl.ds(r0, 128)], xs_hbm.at[idx_v.at[irow]], sem))
    for cp in cps:
        cp.wait()
    for irow in range(4):
        pltpu.sync_copy(wnv_v.at[irow], wrow_hbm.at[idx_v.at[irow]])


def _expert_kernel(te_ref, xs_ref, wrow_ref, w1_ref, w3_ref, w2_ref,
                   ex_ref):
    xb = xs_ref[...].astype(jnp.bfloat16)
    g = lax.dot_general(
        xb, w1_ref[0], (((1,), (1,)), ((), ())),
        preferred_element_type=jnp.float32)
    u = lax.dot_general(
        xb, w3_ref[0], (((1,), (1,)), ((), ())),
        preferred_element_type=jnp.float32)
    h = (g * jax.nn.sigmoid(g)) * u
    ex = lax.dot_general(
        h.astype(jnp.bfloat16), w2_ref[0], (((1,), (1,)), ((), ())),
        preferred_element_type=jnp.float32)
    ex_ref[...] = ex * wrow_ref[0, 0][:, None]


def _combine_kernel(pos_hbm, ex_hbm, out_hbm,
                    idx1_v, idx2_v, r1_v, r2_v, sem1, sem2):
    cid = lax.axis_index("c")
    sid = lax.axis_index("s")
    wid = sid * 2 + cid
    for chunk in range(2):
        tok0 = wid * (N_TOK // NW) + chunk * 128
        pltpu.sync_copy(pos_hbm.at[0, pl.ds(tok0, 128)], idx1_v)
        pltpu.sync_copy(pos_hbm.at[1, pl.ds(tok0, 128)], idx2_v)
        c1 = pltpu.async_copy(ex_hbm.at[idx1_v], r1_v, sem1)
        c2 = pltpu.async_copy(ex_hbm.at[idx2_v], r2_v, sem2)
        c1.wait()
        c2.wait()

        def add_body(t, _):
            for c in range(N_EMBD // 16):
                sl = pl.ds(c * 16, 16)
                r1_v[t, sl] = r1_v[t, sl] + r2_v[t, sl]
            return ()

        lax.fori_loop(0, 128, add_body, (), unroll=4)
        pltpu.sync_copy(r1_v, out_hbm.at[pl.ds(tok0, 128)])


def kernel(x, W1, W2, W3, Wr):
    B, T, C = x.shape
    flat = x.reshape(-1, C)
    pad = HID_PAD - HIDDEN
    W1p = jnp.pad(W1, ((0, 0), (0, pad), (0, 0))).astype(jnp.bfloat16)
    W3p = jnp.pad(W3, ((0, 0), (0, pad), (0, 0))).astype(jnp.bfloat16)
    W2p = jnp.pad(W2, ((0, 0), (0, 0), (0, pad))).astype(jnp.bfloat16)

    pos_pk, wn_pk, seg = pl.pallas_call(
        _plan_kernel,
        in_specs=[
            pl.BlockSpec((N_TOK, C), lambda: (0, 0)),
            pl.BlockSpec((N_EXPERTS, C), lambda: (0, 0)),
        ],
        out_specs=[
            pl.BlockSpec((1, N_ENT), lambda: (0, 0)),
            pl.BlockSpec((1, N_ENT), lambda: (0, 0)),
            pl.BlockSpec((N_EXPERTS, 2), lambda: (0, 0)),
        ],
        out_shape=[
            jax.ShapeDtypeStruct((1, N_ENT), jnp.int32),
            jax.ShapeDtypeStruct((1, N_ENT), jnp.float32),
            jax.ShapeDtypeStruct((N_EXPERTS, 2), jnp.int32),
        ],
    )(flat, Wr)

    pos2d = pos_pk.reshape(N_ENT // 128, 128)
    wn2d = wn_pk.reshape(N_ENT // 128, 128)
    pos = pos_pk.reshape(2, N_TOK)

    seg_end = seg[:, 1]
    tile_base = jnp.arange(N_TILES, dtype=jnp.int32) * TILE
    te = jnp.sum((tile_base[:, None] >= seg_end[None, :]).astype(jnp.int32),
                 axis=1)
    te = jnp.clip(te, 0, N_EXPERTS - 1)

    mesh = plsc.VectorSubcoreMesh(core_axis_name="c", subcore_axis_name="s",
                                  num_cores=2, num_subcores=16)
    xs, wrow = pl.kernel(
        _dispatch_kernel,
        out_type=[
            jax.ShapeDtypeStruct((CAP, C), jnp.float32),
            jax.ShapeDtypeStruct((CAP,), jnp.float32),
        ],
        mesh=mesh,
        scratch_types=[
            pltpu.VMEM((4, 128), jnp.int32),
            pltpu.VMEM((4, 128), jnp.float32),
            pltpu.VMEM((N_TOK // NW, C), jnp.float32),
            pltpu.SemaphoreType.DMA,
        ],
        compiler_params=pltpu.CompilerParams(needs_layout_passes=False),
    )(pos2d, wn2d, flat)

    grid_spec = pltpu.PrefetchScalarGridSpec(
        num_scalar_prefetch=1,
        grid=(N_TILES,),
        in_specs=[
            pl.BlockSpec((TILE, C), lambda i, te_ref: (i, 0)),
            pl.BlockSpec((1, 1, TILE), lambda i, te_ref: (i, 0, 0)),
            pl.BlockSpec((1, HID_PAD, C),
                         lambda i, te_ref: (te_ref[i], 0, 0)),
            pl.BlockSpec((1, HID_PAD, C),
                         lambda i, te_ref: (te_ref[i], 0, 0)),
            pl.BlockSpec((1, C, HID_PAD),
                         lambda i, te_ref: (te_ref[i], 0, 0)),
        ],
        out_specs=pl.BlockSpec((TILE, C), lambda i, te_ref: (i, 0)),
    )
    ex = pl.pallas_call(
        _expert_kernel,
        grid_spec=grid_spec,
        out_shape=jax.ShapeDtypeStruct((CAP, C), jnp.float32),
        compiler_params=pltpu.CompilerParams(
            dimension_semantics=("arbitrary",),
        ),
    )(te, xs, wrow.reshape(N_TILES, 1, TILE), W1p, W3p, W2p)

    out = pl.kernel(
        _combine_kernel,
        out_type=jax.ShapeDtypeStruct((N_TOK, C), jnp.float32),
        mesh=mesh,
        scratch_types=[
            pltpu.VMEM((128,), jnp.int32),
            pltpu.VMEM((128,), jnp.int32),
            pltpu.VMEM((128, C), jnp.float32),
            pltpu.VMEM((128, C), jnp.float32),
            pltpu.SemaphoreType.DMA,
            pltpu.SemaphoreType.DMA,
        ],
        compiler_params=pltpu.CompilerParams(needs_layout_passes=False),
    )(pos, ex)

    return out.reshape(B, T, C)

# --- scband reference (transcript-rebuilt; emitter-appended) ---
"""Pipeline reference for scband-mo-elayer-27470610825613 (READ-ONLY COPY).

The authoritative reference and input builder live on the scoring server;
editing this copy changes nothing except your own understanding.
"""

import jax, jax.numpy as jnp
import numpy as np

N_EMBD = 256
N_EXPERTS = 8
N_EXPERTS_ACTIVE = 2
HIDDEN = int(8 / 3 * N_EMBD)  # 682


def setup_inputs(seed: int = 0) -> dict:
    key = jax.random.key(seed)
    k0, k1, k2, k3, k4 = jax.random.split(key, 5)
    x = jax.random.normal(k0, (2, 4096, N_EMBD), dtype=jnp.float32)
    # Expert weights stacked over experts, torch Linear layout [out, in]
    W1 = jax.random.normal(k1, (N_EXPERTS, HIDDEN, N_EMBD), dtype=jnp.float32) * 0.02
    W2 = jax.random.normal(k2, (N_EXPERTS, N_EMBD, HIDDEN), dtype=jnp.float32) * 0.02
    W3 = jax.random.normal(k3, (N_EXPERTS, HIDDEN, N_EMBD), dtype=jnp.float32) * 0.02
    Wr = jax.random.normal(k4, (N_EXPERTS, N_EMBD), dtype=jnp.float32) * 0.02
    return {"x": x, "W1": W1, "W2": W2, "W3": W3, "Wr": Wr}


def reference(x, W1, W2, W3, Wr):
    B, T, C = x.shape
    flat = x.reshape(-1, C)
    logits = flat @ Wr.T
    probs = jax.nn.softmax(logits, axis=-1)
    topk_probs, topk_idx = jax.lax.top_k(probs, N_EXPERTS_ACTIVE)
    topk_probs = topk_probs / (jnp.sum(topk_probs, axis=-1, keepdims=True) + 1e-09)
    output = jnp.zeros_like(flat)
    for e_idx in range(N_EXPERTS):
        # combined routing weight for this expert across the top-k slots
        w = jnp.zeros((flat.shape[0],), dtype=flat.dtype)
        for k in range(N_EXPERTS_ACTIVE):
            mask = (topk_idx[:, k] == e_idx).astype(flat.dtype)
            w = w + mask * topk_probs[:, k]
        h = jax.nn.silu(flat @ W1[e_idx].T) * (flat @ W3[e_idx].T)
        ex = h @ W2[e_idx].T
        output = output + w[:, None] * ex
    return output.reshape(B, T, C)

if __name__ == "__main__":
    import jax
    _d = setup_inputs()
    print(jax.jit(kernel)(*tuple(_d.values())))

</pallas_src>

<mosaic_0001>
#map = affine_map<(d0, d1) -> (0, 0)>
#map1 = affine_map<(d0, d1) -> (0)>
module attributes {stable_mosaic.version = 14 : i64} {
  func.func @_dispatch_kernel(%arg0: i32, %arg1: i32, %arg2: memref<128x128xi32, #tpu.memory_space<hbm>>, %arg3: memref<128x128xf32, #tpu.memory_space<hbm>>, %arg4: memref<8192x256xf32, #tpu.memory_space<hbm>>, %arg5: memref<20480x256xf32, #tpu.memory_space<hbm>>, %arg6: memref<20480xf32, #tpu.memory_space<hbm>>, %arg7: memref<4x128xi32, #tpu.memory_space<vmem>>, %arg8: memref<4x128xf32, #tpu.memory_space<vmem>>, %arg9: memref<256x256xf32, #tpu.memory_space<vmem>>, %arg10: memref<!tpu.dma_semaphore, #tpu.memory_space<semaphore_mem>>) attributes {dimension_semantics = [#tpu.dimension_semantics<core_parallel>, #tpu.dimension_semantics<subcore_parallel>], iteration_bounds = array<i64: 2, 16>, scalar_prefetch = 0 : i64, scratch_operands = 4 : i64, tpu.core_type = #tpu.core_type<sc_vector_subcore>, window_params = [{transform_indices = #map}, {transform_indices = #map}, {transform_indices = #map}, {transform_indices = #map}, {transform_indices = #map1}]} {
    %mul3A = arith.constant 2 : i32
    %mul3A_0 = arith.muli %arg1, %mul3A : i32
    %add3A = arith.addi %mul3A_0, %arg0 : i32
    %mul3A_1 = arith.constant 256 : i32
    %mul3A_2 = arith.muli %add3A, %mul3A_1 : i32
    "tpu.region"() ({
      %run_scoped3A_100 = tpu.sem_alloc : memref<!tpu.dma_semaphore, #tpu.memory_space<semaphore_mem>>
      %dma_start3A_101 = arith.constant 0 : i32
      %dma_start3A_102 = tpu.memref_slice %arg4[%mul3A_2, %dma_start3A_101] : memref<8192x256xf32, #tpu.memory_space<hbm>> -> memref<256x256xf32, #tpu.memory_space<hbm>>
      %dma_start3A_103 = arith.constant 0 : i32
      %dma_start3A_104 = tpu.memref_slice %arg4[%mul3A_2, %dma_start3A_103] : memref<8192x256xf32, #tpu.memory_space<hbm>> -> memref<256x256xf32, #tpu.memory_space<hbm>>
      tpu.enqueue_dma source(%dma_start3A_104 : memref<256x256xf32, #tpu.memory_space<hbm>>) target(%arg9 : memref<256x256xf32, #tpu.memory_space<vmem>>) target_semaphore(%run_scoped3A_100 : memref<!tpu.dma_semaphore, #tpu.memory_space<semaphore_mem>>)
      %dma_wait3A_105 = arith.constant 0 : i32
      %dma_wait3A_106 = tpu.memref_slice %arg4[%mul3A_2, %dma_wait3A_105] : memref<8192x256xf32, #tpu.memory_space<hbm>> -> memref<256x256xf32, #tpu.memory_space<hbm>>
      %dma_wait3A_107 = arith.constant 0 : i32
      %dma_wait3A_108 = tpu.memref_slice %arg4[%mul3A_2, %dma_wait3A_107] : memref<8192x256xf32, #tpu.memory_space<hbm>> -> memref<256x256xf32, #tpu.memory_space<hbm>>
      tpu.wait_dma2 semaphore(%run_scoped3A_100 : memref<!tpu.dma_semaphore, #tpu.memory_space<semaphore_mem>>) src(%dma_wait3A_108 : memref<256x256xf32, #tpu.memory_space<hbm>>) dst(%arg9 : memref<256x256xf32, #tpu.memory_space<vmem>>)
      tpu.yield
    }) : () -> ()
    %mul3A_3 = arith.constant 2 : i32
    %mul3A_4 = arith.muli %mul3A_3, %add3A : i32
    "tpu.region"() ({
      %run_scoped3A_100 = tpu.sem_alloc : memref<!tpu.dma_semaphore, #tpu.memory_space<semaphore_mem>>
      %dma_start3A_101 = arith.constant 0 : i32
      %dma_start3A_102 = arith.constant 0 : i32
      %dma_start3A_103 = tpu.memref_slice %arg7[%dma_start3A_101, %dma_start3A_102] : memref<4x128xi32, #tpu.memory_space<vmem>> -> memref<2x128xi32, #tpu.memory_space<vmem>>
      %dma_start3A_104 = arith.constant 0 : i32
      %dma_start3A_105 = tpu.memref_slice %arg2[%mul3A_4, %dma_start3A_104] : memref<128x128xi32, #tpu.memory_space<hbm>> -> memref<2x128xi32, #tpu.memory_space<hbm>>
      %dma_start3A_106 = arith.constant 0 : i32
      %dma_start3A_107 = arith.constant 0 : i32
      %dma_start3A_108 = tpu.memref_slice %arg7[%dma_start3A_106, %dma_start3A_107] : memref<4x128xi32, #tpu.memory_space<vmem>> -> memref<2x128xi32, #tpu.memory_space<vmem>>
      %dma_start3A_109 = arith.constant 0 : i32
      %dma_start3A_110 = tpu.memref_slice %arg2[%mul3A_4, %dma_start3A_109] : memref<128x128xi32, #tpu.memory_space<hbm>> -> memref<2x128xi32, #tpu.memory_space<hbm>>
      tpu.enqueue_dma source(%dma_start3A_110 : memref<2x128xi32, #tpu.memory_space<hbm>>) target(%dma_start3A_108 : memref<2x128xi32, #tpu.memory_space<vmem>>) target_semaphore(%run_scoped3A_100 : memref<!tpu.dma_semaphore, #tpu.memory_space<semaphore_mem>>)
      %dma_wait3A_111 = arith.constant 0 : i32
      %dma_wait3A_112 = arith.constant 0 : i32
      %dma_wait3A_113 = tpu.memref_slice %arg7[%dma_wait3A_111, %dma_wait3A_112] : memref<4x128xi32, #tpu.memory_space<vmem>> -> memref<2x128xi32, #tpu.memory_space<vmem>>
      %dma_wait3A_114 = arith.constant 0 : i32
      %dma_wait3A_115 = tpu.memref_slice %arg2[%mul3A_4, %dma_wait3A_114] : memref<128x128xi32, #tpu.memory_space<hbm>> -> memref<2x128xi32, #tpu.memory_space<hbm>>
      %dma_wait3A_116 = arith.constant 0 : i32
      %dma_wait3A_117 = arith.constant 0 : i32
      %dma_wait3A_118 = tpu.memref_slice %arg7[%dma_wait3A_116, %dma_wait3A_117] : memref<4x128xi32, #tpu.memory_space<vmem>> -> memref<2x128xi32, #tpu.memory_space<vmem>>
      %dma_wait3A_119 = arith.constant 0 : i32
      %dma_wait3A_120 = tpu.memref_slice %arg2[%mul3A_4, %dma_wait3A_119] : memref<128x128xi32, #tpu.memory_space<hbm>> -> memref<2x128xi32, #tpu.memory_space<hbm>>
      tpu.wait_dma2 semaphore(%run_scoped3A_100 : memref<!tpu.dma_semaphore, #tpu.memory_space<semaphore_mem>>) src(%dma_wait3A_120 : memref<2x128xi32, #tpu.memory_space<hbm>>) dst(%dma_wait3A_118 : memref<2x128xi32, #tpu.memory_space<vmem>>)
      tpu.yield
    }) : () -> ()
    %mul3A_5 = arith.constant 2 : i32
    %mul3A_6 = arith.muli %mul3A_5, %add3A : i32
    %add3A_7 = arith.constant 64 : i32
    %add3A_8 = arith.addi %add3A_7, %mul3A_6 : i32
    "tpu.region"() ({
      %run_scoped3A_100 = tpu.sem_alloc : memref<!tpu.dma_semaphore, #tpu.memory_space<semaphore_mem>>
      %dma_start3A_101 = arith.constant 2 : i32
      %dma_start3A_102 = arith.constant 0 : i32
      %dma_start3A_103 = tpu.memref_slice %arg7[%dma_start3A_101, %dma_start3A_102] : memref<4x128xi32, #tpu.memory_space<vmem>> -> memref<2x128xi32, #tpu.memory_space<vmem>>
      %dma_start3A_104 = arith.constant 0 : i32
      %dma_start3A_105 = tpu.memref_slice %arg2[%add3A_8, %dma_start3A_104] : memref<128x128xi32, #tpu.memory_space<hbm>> -> memref<2x128xi32, #tpu.memory_space<hbm>>
      %dma_start3A_106 = arith.constant 2 : i32
      %dma_start3A_107 = arith.constant 0 : i32
      %dma_start3A_108 = tpu.memref_slice %arg7[%dma_start3A_106, %dma_start3A_107] : memref<4x128xi32, #tpu.memory_space<vmem>> -> memref<2x128xi32, #tpu.memory_space<vmem>>
      %dma_start3A_109 = arith.constant 0 : i32
      %dma_start3A_110 = tpu.memref_slice %arg2[%add3A_8, %dma_start3A_109] : memref<128x128xi32, #tpu.memory_space<hbm>> -> memref<2x128xi32, #tpu.memory_space<hbm>>
      tpu.enqueue_dma source(%dma_start3A_110 : memref<2x128xi32, #tpu.memory_space<hbm>>) target(%dma_start3A_108 : memref<2x128xi32, #tpu.memory_space<vmem>>) target_semaphore(%run_scoped3A_100 : memref<!tpu.dma_semaphore, #tpu.memory_space<semaphore_mem>>)
      %dma_wait3A_111 = arith.constant 2 : i32
      %dma_wait3A_112 = arith.constant 0 : i32
      %dma_wait3A_113 = tpu.memref_slice %arg7[%dma_wait3A_111, %dma_wait3A_112] : memref<4x128xi32, #tpu.memory_space<vmem>> -> memref<2x128xi32, #tpu.memory_space<vmem>>
      %dma_wait3A_114 = arith.constant 0 : i32
      %dma_wait3A_115 = tpu.memref_slice %arg2[%add3A_8, %dma_wait3A_114] : memref<128x128xi32, #tpu.memory_space<hbm>> -> memref<2x128xi32, #tpu.memory_space<hbm>>
      %dma_wait3A_116 = arith.constant 2 : i32
      %dma_wait3A_117 = arith.constant 0 : i32
      %dma_wait3A_118 = tpu.memref_slice %arg7[%dma_wait3A_116, %dma_wait3A_117] : memref<4x128xi32, #tpu.memory_space<vmem>> -> memref<2x128xi32, #tpu.memory_space<vmem>>
      %dma_wait3A_119 = arith.constant 0 : i32
      %dma_wait3A_120 = tpu.memref_slice %arg2[%add3A_8, %dma_wait3A_119] : memref<128x128xi32, #tpu.memory_space<hbm>> -> memref<2x128xi32, #tpu.memory_space<hbm>>
      tpu.wait_dma2 semaphore(%run_scoped3A_100 : memref<!tpu.dma_semaphore, #tpu.memory_space<semaphore_mem>>) src(%dma_wait3A_120 : memref<2x128xi32, #tpu.memory_space<hbm>>) dst(%dma_wait3A_118 : memref<2x128xi32, #tpu.memory_space<vmem>>)
      tpu.yield
    }) : () -> ()
    %mul3A_9 = arith.constant 2 : i32
    %mul3A_10 = arith.muli %mul3A_9, %add3A : i32
    "tpu.region"() ({
      %run_scoped3A_100 = tpu.sem_alloc : memref<!tpu.dma_semaphore, #tpu.memory_space<semaphore_mem>>
      %dma_start3A_101 = arith.constant 0 : i32
      %dma_start3A_102 = arith.constant 0 : i32
      %dma_start3A_103 = tpu.memref_slice %arg8[%dma_start3A_101, %dma_start3A_102] : memref<4x128xf32, #tpu.memory_space<vmem>> -> memref<2x128xf32, #tpu.memory_space<vmem>>
      %dma_start3A_104 = arith.constant 0 : i32
      %dma_start3A_105 = tpu.memref_slice %arg3[%mul3A_10, %dma_start3A_104] : memref<128x128xf32, #tpu.memory_space<hbm>> -> memref<2x128xf32, #tpu.memory_space<hbm>>
      %dma_start3A_106 = arith.constant 0 : i32
      %dma_start3A_107 = arith.constant 0 : i32
      %dma_start3A_108 = tpu.memref_slice %arg8[%dma_start3A_106, %dma_start3A_107] : memref<4x128xf32, #tpu.memory_space<vmem>> -> memref<2x128xf32, #tpu.memory_space<vmem>>
      %dma_start3A_109 = arith.constant 0 : i32
      %dma_start3A_110 = tpu.memref_slice %arg3[%mul3A_10, %dma_start3A_109] : memref<128x128xf32, #tpu.memory_space<hbm>> -> memref<2x128xf32, #tpu.memory_space<hbm>>
      tpu.enqueue_dma source(%dma_start3A_110 : memref<2x128xf32, #tpu.memory_space<hbm>>) target(%dma_start3A_108 : memref<2x128xf32, #tpu.memory_space<vmem>>) target_semaphore(%run_scoped3A_100 : memref<!tpu.dma_semaphore, #tpu.memory_space<semaphore_mem>>)
      %dma_wait3A_111 = arith.constant 0 : i32
      %dma_wait3A_112 = arith.constant 0 : i32
      %dma_wait3A_113 = tpu.memref_slice %arg8[%dma_wait3A_111, %dma_wait3A_112] : memref<4x128xf32, #tpu.memory_space<vmem>> -> memref<2x128xf32, #tpu.memory_space<vmem>>
      %dma_wait3A_114 = arith.constant 0 : i32
      %dma_wait3A_115 = tpu.memref_slice %arg3[%mul3A_10, %dma_wait3A_114] : memref<128x128xf32, #tpu.memory_space<hbm>> -> memref<2x128xf32, #tpu.memory_space<hbm>>
      %dma_wait3A_116 = arith.constant 0 : i32
      %dma_wait3A_117 = arith.constant 0 : i32
      %dma_wait3A_118 = tpu.memref_slice %arg8[%dma_wait3A_116, %dma_wait3A_117] : memref<4x128xf32, #tpu.memory_space<vmem>> -> memref<2x128xf32, #tpu.memory_space<vmem>>
      %dma_wait3A_119 = arith.constant 0 : i32
      %dma_wait3A_120 = tpu.memref_slice %arg3[%mul3A_10, %dma_wait3A_119] : memref<128x128xf32, #tpu.memory_space<hbm>> -> memref<2x128xf32, #tpu.memory_space<hbm>>
      tpu.wait_dma2 semaphore(%run_scoped3A_100 : memref<!tpu.dma_semaphore, #tpu.memory_space<semaphore_mem>>) src(%dma_wait3A_120 : memref<2x128xf32, #tpu.memory_space<hbm>>) dst(%dma_wait3A_118 : memref<2x128xf32, #tpu.memory_space<vmem>>)
      tpu.yield
    }) : () -> ()
    %mul3A_11 = arith.constant 2 : i32
    %mul3A_12 = arith.muli %mul3A_11, %add3A : i32
    %add3A_13 = arith.constant 64 : i32
    %add3A_14 = arith.addi %add3A_13, %mul3A_12 : i32
    "tpu.region"() ({
      %run_scoped3A_100 = tpu.sem_alloc : memref<!tpu.dma_semaphore, #tpu.memory_space<semaphore_mem>>
      %dma_start3A_101 = arith.constant 2 : i32
      %dma_start3A_102 = arith.constant 0 : i32
      %dma_start3A_103 = tpu.memref_slice %arg8[%dma_start3A_101, %dma_start3A_102] : memref<4x128xf32, #tpu.memory_space<vmem>> -> memref<2x128xf32, #tpu.memory_space<vmem>>
      %dma_start3A_104 = arith.constant 0 : i32
      %dma_start3A_105 = tpu.memref_slice %arg3[%add3A_14, %dma_start3A_104] : memref<128x128xf32, #tpu.memory_space<hbm>> -> memref<2x128xf32, #tpu.memory_space<hbm>>
      %dma_start3A_106 = arith.constant 2 : i32
      %dma_start3A_107 = arith.constant 0 : i32
      %dma_start3A_108 = tpu.memref_slice %arg8[%dma_start3A_106, %dma_start3A_107] : memref<4x128xf32, #tpu.memory_space<vmem>> -> memref<2x128xf32, #tpu.memory_space<vmem>>
      %dma_start3A_109 = arith.constant 0 : i32
      %dma_start3A_110 = tpu.memref_slice %arg3[%add3A_14, %dma_start3A_109] : memref<128x128xf32, #tpu.memory_space<hbm>> -> memref<2x128xf32, #tpu.memory_space<hbm>>
      tpu.enqueue_dma source(%dma_start3A_110 : memref<2x128xf32, #tpu.memory_space<hbm>>) target(%dma_start3A_108 : memref<2x128xf32, #tpu.memory_space<vmem>>) target_semaphore(%run_scoped3A_100 : memref<!tpu.dma_semaphore, #tpu.memory_space<semaphore_mem>>)
      %dma_wait3A_111 = arith.constant 2 : i32
      %dma_wait3A_112 = arith.constant 0 : i32
      %dma_wait3A_113 = tpu.memref_slice %arg8[%dma_wait3A_111, %dma_wait3A_112] : memref<4x128xf32, #tpu.memory_space<vmem>> -> memref<2x128xf32, #tpu.memory_space<vmem>>
      %dma_wait3A_114 = arith.constant 0 : i32
      %dma_wait3A_115 = tpu.memref_slice %arg3[%add3A_14, %dma_wait3A_114] : memref<128x128xf32, #tpu.memory_space<hbm>> -> memref<2x128xf32, #tpu.memory_space<hbm>>
      %dma_wait3A_116 = arith.constant 2 : i32
      %dma_wait3A_117 = arith.constant 0 : i32
      %dma_wait3A_118 = tpu.memref_slice %arg8[%dma_wait3A_116, %dma_wait3A_117] : memref<4x128xf32, #tpu.memory_space<vmem>> -> memref<2x128xf32, #tpu.memory_space<vmem>>
      %dma_wait3A_119 = arith.constant 0 : i32
      %dma_wait3A_120 = tpu.memref_slice %arg3[%add3A_14, %dma_wait3A_119] : memref<128x128xf32, #tpu.memory_space<hbm>> -> memref<2x128xf32, #tpu.memory_space<hbm>>
      tpu.wait_dma2 semaphore(%run_scoped3A_100 : memref<!tpu.dma_semaphore, #tpu.memory_space<semaphore_mem>>) src(%dma_wait3A_120 : memref<2x128xf32, #tpu.memory_space<hbm>>) dst(%dma_wait3A_118 : memref<2x128xf32, #tpu.memory_space<vmem>>)
      tpu.yield
    }) : () -> ()
    %dma_start3A = arith.constant 0 : i32
    %dma_start3A_15 = arith.constant 0 : i32
    %dma_start3A_16 = arith.constant 0 : i32
    %dma_start3A_17 = tpu.memref_slice %arg9[%dma_start3A_15, %dma_start3A_16] : memref<256x256xf32, #tpu.memory_space<vmem>> -> memref<128x256xf32, #tpu.memory_space<vmem>>
    %dma_start3A_18 = arith.constant 0 : i32
    %dma_start3A_19 = tpu.memref_slice %arg7[%dma_start3A, %dma_start3A_18] : memref<4x128xi32, #tpu.memory_space<vmem>> -> memref<1x128xi32, #tpu.memory_space<vmem>>
    %dma_start3A_20 = tpu.memref_squeeze %dma_start3A_19 : memref<1x128xi32, #tpu.memory_space<vmem>> -> memref<128xi32, #tpu.memory_space<vmem>>
    %dma_start3A_21 = arith.constant 0 : i32
    %dma_start3A_22 = arith.constant 0 : i32
    %dma_start3A_23 = tpu.memref_slice %arg5[%dma_start3A_21, %dma_start3A_22] : memref<20480x256xf32, #tpu.memory_space<hbm>> -> memref<20480x256xf32, #tpu.memory_space<hbm>>
    tpu.enqueue_indirect_dma source(%dma_start3A_17 : memref<128x256xf32, #tpu.memory_space<vmem>>) target(%dma_start3A_23 : memref<20480x256xf32, #tpu.memory_space<hbm>>) offsets(%dma_start3A_20 : memref<128xi32, #tpu.memory_space<vmem>>) semaphore(%arg10 : memref<!tpu.dma_semaphore, #tpu.memory_space<semaphore_mem>>)
    %dma_start3A_24 = arith.constant 1 : i32
    %dma_start3A_25 = arith.constant 128 : i32
    %dma_start3A_26 = arith.constant 0 : i32
    %dma_start3A_27 = tpu.memref_slice %arg9[%dma_start3A_25, %dma_start3A_26] : memref<256x256xf32, #tpu.memory_space<vmem>> -> memref<128x256xf32, #tpu.memory_space<vmem>>
    %dma_start3A_28 = arith.constant 0 : i32
    %dma_start3A_29 = tpu.memref_slice %arg7[%dma_start3A_24, %dma_start3A_28] : memref<4x128xi32, #tpu.memory_space<vmem>> -> memref<1x128xi32, #tpu.memory_space<vmem>>
    %dma_start3A_30 = tpu.memref_squeeze %dma_start3A_29 : memref<1x128xi32, #tpu.memory_space<vmem>> -> memref<128xi32, #tpu.memory_space<vmem>>
    %dma_start3A_31 = arith.constant 0 : i32
    %dma_start3A_32 = arith.constant 0 : i32
    %dma_start3A_33 = tpu.memref_slice %arg5[%dma_start3A_31, %dma_start3A_32] : memref<20480x256xf32, #tpu.memory_space<hbm>> -> memref<20480x256xf32, #tpu.memory_space<hbm>>
    tpu.enqueue_indirect_dma source(%dma_start3A_27 : memref<128x256xf32, #tpu.memory_space<vmem>>) target(%dma_start3A_33 : memref<20480x256xf32, #tpu.memory_space<hbm>>) offsets(%dma_start3A_30 : memref<128xi32, #tpu.memory_space<vmem>>) semaphore(%arg10 : memref<!tpu.dma_semaphore, #tpu.memory_space<semaphore_mem>>)
    %dma_start3A_34 = arith.constant 2 : i32
    %dma_start3A_35 = arith.constant 0 : i32
    %dma_start3A_36 = arith.constant 0 : i32
    %dma_start3A_37 = tpu.memref_slice %arg9[%dma_start3A_35, %dma_start3A_36] : memref<256x256xf32, #tpu.memory_space<vmem>> -> memref<128x256xf32, #tpu.memory_space<vmem>>
    %dma_start3A_38 = arith.constant 0 : i32
    %dma_start3A_39 = tpu.memref_slice %arg7[%dma_start3A_34, %dma_start3A_38] : memref<4x128xi32, #tpu.memory_space<vmem>> -> memref<1x128xi32, #tpu.memory_space<vmem>>
    %dma_start3A_40 = tpu.memref_squeeze %dma_start3A_39 : memref<1x128xi32, #tpu.memory_space<vmem>> -> memref<128xi32, #tpu.memory_space<vmem>>
    %dma_start3A_41 = arith.constant 0 : i32
    %dma_start3A_42 = arith.constant 0 : i32
    %dma_start3A_43 = tpu.memref_slice %arg5[%dma_start3A_41, %dma_start3A_42] : memref<20480x256xf32, #tpu.memory_space<hbm>> -> memref<20480x256xf32, #tpu.memory_space<hbm>>
    tpu.enqueue_indirect_dma source(%dma_start3A_37 : memref<128x256xf32, #tpu.memory_space<vmem>>) target(%dma_start3A_43 : memref<20480x256xf32, #tpu.memory_space<hbm>>) offsets(%dma_start3A_40 : memref<128xi32, #tpu.memory_space<vmem>>) semaphore(%arg10 : memref<!tpu.dma_semaphore, #tpu.memory_space<semaphore_mem>>)
    %dma_start3A_44 = arith.constant 3 : i32
    %dma_start3A_45 = arith.constant 128 : i32
    %dma_start3A_46 = arith.constant 0 : i32
    %dma_start3A_47 = tpu.memref_slice %arg9[%dma_start3A_45, %dma_start3A_46] : memref<256x256xf32, #tpu.memory_space<vmem>> -> memref<128x256xf32, #tpu.memory_space<vmem>>
    %dma_start3A_48 = arith.constant 0 : i32
    %dma_start3A_49 = tpu.memref_slice %arg7[%dma_start3A_44, %dma_start3A_48] : memref<4x128xi32, #tpu.memory_space<vmem>> -> memref<1x128xi32, #tpu.memory_space<vmem>>
    %dma_start3A_50 = tpu.memref_squeeze %dma_start3A_49 : memref<1x128xi32, #tpu.memory_space<vmem>> -> memref<128xi32, #tpu.memory_space<vmem>>
    %dma_start3A_51 = arith.constant 0 : i32
    %dma_start3A_52 = arith.constant 0 : i32
    %dma_start3A_53 = tpu.memref_slice %arg5[%dma_start3A_51, %dma_start3A_52] : memref<20480x256xf32, #tpu.memory_space<hbm>> -> memref<20480x256xf32, #tpu.memory_space<hbm>>
    tpu.enqueue_indirect_dma source(%dma_start3A_47 : memref<128x256xf32, #tpu.memory_space<vmem>>) target(%dma_start3A_53 : memref<20480x256xf32, #tpu.memory_space<hbm>>) offsets(%dma_start3A_50 : memref<128xi32, #tpu.memory_space<vmem>>) semaphore(%arg10 : memref<!tpu.dma_semaphore, #tpu.memory_space<semaphore_mem>>)
    %dma_wait3A = arith.constant 0 : i32
    %dma_wait3A_54 = arith.constant 0 : i32
    %dma_wait3A_55 = arith.constant 0 : i32
    %dma_wait3A_56 = tpu.memref_slice %arg9[%dma_wait3A_54, %dma_wait3A_55] : memref<256x256xf32, #tpu.memory_space<vmem>> -> memref<128x256xf32, #tpu.memory_space<vmem>>
    %dma_wait3A_57 = arith.constant 0 : i32
    %dma_wait3A_58 = tpu.memref_slice %arg7[%dma_wait3A, %dma_wait3A_57] : memref<4x128xi32, #tpu.memory_space<vmem>> -> memref<1x128xi32, #tpu.memory_space<vmem>>
    %dma_wait3A_59 = tpu.memref_squeeze %dma_wait3A_58 : memref<1x128xi32, #tpu.memory_space<vmem>> -> memref<128xi32, #tpu.memory_space<vmem>>
    %dma_wait3A_60 = arith.constant 0 : i32
    %dma_wait3A_61 = arith.constant 0 : i32
    %dma_wait3A_62 = tpu.memref_slice %arg5[%dma_wait3A_60, %dma_wait3A_61] : memref<20480x256xf32, #tpu.memory_space<hbm>> -> memref<20480x256xf32, #tpu.memory_space<hbm>>
    tpu.wait_indirect_dma semaphore(%arg10 : memref<!tpu.dma_semaphore, #tpu.memory_space<semaphore_mem>>) src(%dma_wait3A_56 : memref<128x256xf32, #tpu.memory_space<vmem>>) dst(%dma_wait3A_62 : memref<20480x256xf32, #tpu.memory_space<hbm>>)
    %dma_wait3A_63 = arith.constant 1 : i32
    %dma_wait3A_64 = arith.constant 128 : i32
    %dma_wait3A_65 = arith.constant 0 : i32
    %dma_wait3A_66 = tpu.memref_slice %arg9[%dma_wait3A_64, %dma_wait3A_65] : memref<256x256xf32, #tpu.memory_space<vmem>> -> memref<128x256xf32, #tpu.memory_space<vmem>>
    %dma_wait3A_67 = arith.constant 0 : i32
    %dma_wait3A_68 = tpu.memref_slice %arg7[%dma_wait3A_63, %dma_wait3A_67] : memref<4x128xi32, #tpu.memory_space<vmem>> -> memref<1x128xi32, #tpu.memory_space<vmem>>
    %dma_wait3A_69 = tpu.memref_squeeze %dma_wait3A_68 : memref<1x128xi32, #tpu.memory_space<vmem>> -> memref<128xi32, #tpu.memory_space<vmem>>
    %dma_wait3A_70 = arith.constant 0 : i32
    %dma_wait3A_71 = arith.constant 0 : i32
    %dma_wait3A_72 = tpu.memref_slice %arg5[%dma_wait3A_70, %dma_wait3A_71] : memref<20480x256xf32, #tpu.memory_space<hbm>> -> memref<20480x256xf32, #tpu.memory_space<hbm>>
    tpu.wait_indirect_dma semaphore(%arg10 : memref<!tpu.dma_semaphore, #tpu.memory_space<semaphore_mem>>) src(%dma_wait3A_66 : memref<128x256xf32, #tpu.memory_space<vmem>>) dst(%dma_wait3A_72 : memref<20480x256xf32, #tpu.memory_space<hbm>>)
    %dma_wait3A_73 = arith.constant 2 : i32
    %dma_wait3A_74 = arith.constant 0 : i32
    %dma_wait3A_75 = arith.constant 0 : i32
    %dma_wait3A_76 = tpu.memref_slice %arg9[%dma_wait3A_74, %dma_wait3A_75] : memref<256x256xf32, #tpu.memory_space<vmem>> -> memref<128x256xf32, #tpu.memory_space<vmem>>
    %dma_wait3A_77 = arith.constant 0 : i32
    %dma_wait3A_78 = tpu.memref_slice %arg7[%dma_wait3A_73, %dma_wait3A_77] : memref<4x128xi32, #tpu.memory_space<vmem>> -> memref<1x128xi32, #tpu.memory_space<vmem>>
    %dma_wait3A_79 = tpu.memref_squeeze %dma_wait3A_78 : memref<1x128xi32, #tpu.memory_space<vmem>> -> memref<128xi32, #tpu.memory_space<vmem>>
    %dma_wait3A_80 = arith.constant 0 : i32
    %dma_wait3A_81 = arith.constant 0 : i32
    %dma_wait3A_82 = tpu.memref_slice %arg5[%dma_wait3A_80, %dma_wait3A_81] : memref<20480x256xf32, #tpu.memory_space<hbm>> -> memref<20480x256xf32, #tpu.memory_space<hbm>>
    tpu.wait_indirect_dma semaphore(%arg10 : memref<!tpu.dma_semaphore, #tpu.memory_space<semaphore_mem>>) src(%dma_wait3A_76 : memref<128x256xf32, #tpu.memory_space<vmem>>) dst(%dma_wait3A_82 : memref<20480x256xf32, #tpu.memory_space<hbm>>)
    %dma_wait3A_83 = arith.constant 3 : i32
    %dma_wait3A_84 = arith.constant 128 : i32
    %dma_wait3A_85 = arith.constant 0 : i32
    %dma_wait3A_86 = tpu.memref_slice %arg9[%dma_wait3A_84, %dma_wait3A_85] : memref<256x256xf32, #tpu.memory_space<vmem>> -> memref<128x256xf32, #tpu.memory_space<vmem>>
    %dma_wait3A_87 = arith.constant 0 : i32
    %dma_wait3A_88 = tpu.memref_slice %arg7[%dma_wait3A_83, %dma_wait3A_87] : memref<4x128xi32, #tpu.memory_space<vmem>> -> memref<1x128xi32, #tpu.memory_space<vmem>>
    %dma_wait3A_89 = tpu.memref_squeeze %dma_wait3A_88 : memref<1x128xi32, #tpu.memory_space<vmem>> -> memref<128xi32, #tpu.memory_space<vmem>>
    %dma_wait3A_90 = arith.constant 0 : i32
    %dma_wait3A_91 = arith.constant 0 : i32
    %dma_wait3A_92 = tpu.memref_slice %arg5[%dma_wait3A_90, %dma_wait3A_91] : memref<20480x256xf32, #tpu.memory_space<hbm>> -> memref<20480x256xf32, #tpu.memory_space<hbm>>
    tpu.wait_indirect_dma semaphore(%arg10 : memref<!tpu.dma_semaphore, #tpu.memory_space<semaphore_mem>>) src(%dma_wait3A_86 : memref<128x256xf32, #tpu.memory_space<vmem>>) dst(%dma_wait3A_92 : memref<20480x256xf32, #tpu.memory_space<hbm>>)
    %run_scoped3A = arith.constant 0 : i32
    %run_scoped3A_93 = arith.constant 0 : i32
    "tpu.region"() ({
      %run_scoped3A_100 = tpu.sem_alloc : memref<!tpu.dma_semaphore, #tpu.memory_space<semaphore_mem>>
      %dma_start3A_101 = arith.constant 0 : i32
      %dma_start3A_102 = tpu.memref_slice %arg8[%run_scoped3A, %dma_start3A_101] : memref<4x128xf32, #tpu.memory_space<vmem>> -> memref<1x128xf32, #tpu.memory_space<vmem>>
      %dma_start3A_103 = tpu.memref_squeeze %dma_start3A_102 : memref<1x128xf32, #tpu.memory_space<vmem>> -> memref<128xf32, #tpu.memory_space<vmem>>
      %dma_start3A_104 = arith.constant 0 : i32
      %dma_start3A_105 = tpu.memref_slice %arg7[%run_scoped3A_93, %dma_start3A_104] : memref<4x128xi32, #tpu.memory_space<vmem>> -> memref<1x128xi32, #tpu.memory_space<vmem>>
      %dma_start3A_106 = tpu.memref_squeeze %dma_start3A_105 : memref<1x128xi32, #tpu.memory_space<vmem>> -> memref<128xi32, #tpu.memory_space<vmem>>
      %dma_start3A_107 = arith.constant 0 : i32
      %dma_start3A_108 = tpu.memref_slice %arg6[%dma_start3A_107] : memref<20480xf32, #tpu.memory_space<hbm>> -> memref<20480xf32, #tpu.memory_space<hbm>>
      tpu.enqueue_indirect_dma source(%dma_start3A_103 : memref<128xf32, #tpu.memory_space<vmem>>) target(%dma_start3A_108 : memref<20480xf32, #tpu.memory_space<hbm>>) offsets(%dma_start3A_106 : memref<128xi32, #tpu.memory_space<vmem>>) semaphore(%run_scoped3A_100 : memref<!tpu.dma_semaphore, #tpu.memory_space<semaphore_mem>>)
      %dma_wait3A_109 = arith.constant 0 : i32
      %dma_wait3A_110 = tpu.memref_slice %arg8[%run_scoped3A, %dma_wait3A_109] : memref<4x128xf32, #tpu.memory_space<vmem>> -> memref<1x128xf32, #tpu.memory_space<vmem>>
      %dma_wait3A_111 = tpu.memref_squeeze %dma_wait3A_110 : memref<1x128xf32, #tpu.memory_space<vmem>> -> memref<128xf32, #tpu.memory_space<vmem>>
      %dma_wait3A_112 = arith.constant 0 : i32
      %dma_wait3A_113 = tpu.memref_slice %arg7[%run_scoped3A_93, %dma_wait3A_112] : memref<4x128xi32, #tpu.memory_space<vmem>> -> memref<1x128xi32, #tpu.memory_space<vmem>>
      %dma_wait3A_114 = tpu.memref_squeeze %dma_wait3A_113 : memref<1x128xi32, #tpu.memory_space<vmem>> -> memref<128xi32, #tpu.memory_space<vmem>>
      %dma_wait3A_115 = arith.constant 0 : i32
      %dma_wait3A_116 = tpu.memref_slice %arg6[%dma_wait3A_115] : memref<20480xf32, #tpu.memory_space<hbm>> -> memref<20480xf32, #tpu.memory_space<hbm>>
      tpu.wait_indirect_dma semaphore(%run_scoped3A_100 : memref<!tpu.dma_semaphore, #tpu.memory_space<semaphore_mem>>) src(%dma_wait3A_111 : memref<128xf32, #tpu.memory_space<vmem>>) dst(%dma_wait3A_116 : memref<20480xf32, #tpu.memory_space<hbm>>)
      tpu.yield
    }) : () -> ()
    %run_scoped3A_94 = arith.constant 1 : i32
    %run_scoped3A_95 = arith.constant 1 : i32
    "tpu.region"() ({
      %run_scoped3A_100 = tpu.sem_alloc : memref<!tpu.dma_semaphore, #tpu.memory_space<semaphore_mem>>
      %dma_start3A_101 = arith.constant 0 : i32
      %dma_start3A_102 = tpu.memref_slice %arg8[%run_scoped3A_94, %dma_start3A_101] : memref<4x128xf32, #tpu.memory_space<vmem>> -> memref<1x128xf32, #tpu.memory_space<vmem>>
      %dma_start3A_103 = tpu.memref_squeeze %dma_start3A_102 : memref<1x128xf32, #tpu.memory_space<vmem>> -> memref<128xf32, #tpu.memory_space<vmem>>
      %dma_start3A_104 = arith.constant 0 : i32
      %dma_start3A_105 = tpu.memref_slice %arg7[%run_scoped3A_95, %dma_start3A_104] : memref<4x128xi32, #tpu.memory_space<vmem>> -> memref<1x128xi32, #tpu.memory_space<vmem>>
      %dma_start3A_106 = tpu.memref_squeeze %dma_start3A_105 : memref<1x128xi32, #tpu.memory_space<vmem>> -> memref<128xi32, #tpu.memory_space<vmem>>
      %dma_start3A_107 = arith.constant 0 : i32
      %dma_start3A_108 = tpu.memref_slice %arg6[%dma_start3A_107] : memref<20480xf32, #tpu.memory_space<hbm>> -> memref<20480xf32, #tpu.memory_space<hbm>>
      tpu.enqueue_indirect_dma source(%dma_start3A_103 : memref<128xf32, #tpu.memory_space<vmem>>) target(%dma_start3A_108 : memref<20480xf32, #tpu.memory_space<hbm>>) offsets(%dma_start3A_106 : memref<128xi32, #tpu.memory_space<vmem>>) semaphore(%run_scoped3A_100 : memref<!tpu.dma_semaphore, #tpu.memory_space<semaphore_mem>>)
      %dma_wait3A_109 = arith.constant 0 : i32
      %dma_wait3A_110 = tpu.memref_slice %arg8[%run_scoped3A_94, %dma_wait3A_109] : memref<4x128xf32, #tpu.memory_space<vmem>> -> memref<1x128xf32, #tpu.memory_space<vmem>>
      %dma_wait3A_111 = tpu.memref_squeeze %dma_wait3A_110 : memref<1x128xf32, #tpu.memory_space<vmem>> -> memref<128xf32, #tpu.memory_space<vmem>>
      %dma_wait3A_112 = arith.constant 0 : i32
      %dma_wait3A_113 = tpu.memref_slice %arg7[%run_scoped3A_95, %dma_wait3A_112] : memref<4x128xi32, #tpu.memory_space<vmem>> -> memref<1x128xi32, #tpu.memory_space<vmem>>
      %dma_wait3A_114 = tpu.memref_squeeze %dma_wait3A_113 : memref<1x128xi32, #tpu.memory_space<vmem>> -> memref<128xi32, #tpu.memory_space<vmem>>
      %dma_wait3A_115 = arith.constant 0 : i32
      %dma_wait3A_116 = tpu.memref_slice %arg6[%dma_wait3A_115] : memref<20480xf32, #tpu.memory_space<hbm>> -> memref<20480xf32, #tpu.memory_space<hbm>>
      tpu.wait_indirect_dma semaphore(%run_scoped3A_100 : memref<!tpu.dma_semaphore, #tpu.memory_space<semaphore_mem>>) src(%dma_wait3A_111 : memref<128xf32, #tpu.memory_space<vmem>>) dst(%dma_wait3A_116 : memref<20480xf32, #tpu.memory_space<hbm>>)
      tpu.yield
    }) : () -> ()
    %run_scoped3A_96 = arith.constant 2 : i32
    %run_scoped3A_97 = arith.constant 2 : i32
    "tpu.region"() ({
      %run_scoped3A_100 = tpu.sem_alloc : memref<!tpu.dma_semaphore, #tpu.memory_space<semaphore_mem>>
      %dma_start3A_101 = arith.constant 0 : i32
      %dma_start3A_102 = tpu.memref_slice %arg8[%run_scoped3A_96, %dma_start3A_101] : memref<4x128xf32, #tpu.memory_space<vmem>> -> memref<1x128xf32, #tpu.memory_space<vmem>>
      %dma_start3A_103 = tpu.memref_squeeze %dma_start3A_102 : memref<1x128xf32, #tpu.memory_space<vmem>> -> memref<128xf32, #tpu.memory_space<vmem>>
      %dma_start3A_104 = arith.constant 0 : i32
      %dma_start3A_105 = tpu.memref_slice %arg7[%run_scoped3A_97, %dma_start3A_104] : memref<4x128xi32, #tpu.memory_space<vmem>> -> memref<1x128xi32, #tpu.memory_space<vmem>>
      %dma_start3A_106 = tpu.memref_squeeze %dma_start3A_105 : memref<1x128xi32, #tpu.memory_space<vmem>> -> memref<128xi32, #tpu.memory_space<vmem>>
      %dma_start3A_107 = arith.constant 0 : i32
      %dma_start3A_108 = tpu.memref_slice %arg6[%dma_start3A_107] : memref<20480xf32, #tpu.memory_space<hbm>> -> memref<20480xf32, #tpu.memory_space<hbm>>
      tpu.enqueue_indirect_dma source(%dma_start3A_103 : memref<128xf32, #tpu.memory_space<vmem>>) target(%dma_start3A_108 : memref<20480xf32, #tpu.memory_space<hbm>>) offsets(%dma_start3A_106 : memref<128xi32, #tpu.memory_space<vmem>>) semaphore(%run_scoped3A_100 : memref<!tpu.dma_semaphore, #tpu.memory_space<semaphore_mem>>)
      %dma_wait3A_109 = arith.constant 0 : i32
      %dma_wait3A_110 = tpu.memref_slice %arg8[%run_scoped3A_96, %dma_wait3A_109] : memref<4x128xf32, #tpu.memory_space<vmem>> -> memref<1x128xf32, #tpu.memory_space<vmem>>
      %dma_wait3A_111 = tpu.memref_squeeze %dma_wait3A_110 : memref<1x128xf32, #tpu.memory_space<vmem>> -> memref<128xf32, #tpu.memory_space<vmem>>
      %dma_wait3A_112 = arith.constant 0 : i32
      %dma_wait3A_113 = tpu.memref_slice %arg7[%run_scoped3A_97, %dma_wait3A_112] : memref<4x128xi32, #tpu.memory_space<vmem>> -> memref<1x128xi32, #tpu.memory_space<vmem>>
      %dma_wait3A_114 = tpu.memref_squeeze %dma_wait3A_113 : memref<1x128xi32, #tpu.memory_space<vmem>> -> memref<128xi32, #tpu.memory_space<vmem>>
      %dma_wait3A_115 = arith.constant 0 : i32
      %dma_wait3A_116 = tpu.memref_slice %arg6[%dma_wait3A_115] : memref<20480xf32, #tpu.memory_space<hbm>> -> memref<20480xf32, #tpu.memory_space<hbm>>
      tpu.wait_indirect_dma semaphore(%run_scoped3A_100 : memref<!tpu.dma_semaphore, #tpu.memory_space<semaphore_mem>>) src(%dma_wait3A_111 : memref<128xf32, #tpu.memory_space<vmem>>) dst(%dma_wait3A_116 : memref<20480xf32, #tpu.memory_space<hbm>>)
      tpu.yield
    }) : () -> ()
    %run_scoped3A_98 = arith.constant 3 : i32
    %run_scoped3A_99 = arith.constant 3 : i32
    "tpu.region"() ({
      %run_scoped3A_100 = tpu.sem_alloc : memref<!tpu.dma_semaphore, #tpu.memory_space<semaphore_mem>>
      %dma_start3A_101 = arith.constant 0 : i32
      %dma_start3A_102 = tpu.memref_slice %arg8[%run_scoped3A_98, %dma_start3A_101] : memref<4x128xf32, #tpu.memory_space<vmem>> -> memref<1x128xf32, #tpu.memory_space<vmem>>
      %dma_start3A_103 = tpu.memref_squeeze %dma_start3A_102 : memref<1x128xf32, #tpu.memory_space<vmem>> -> memref<128xf32, #tpu.memory_space<vmem>>
      %dma_start3A_104 = arith.constant 0 : i32
      %dma_start3A_105 = tpu.memref_slice %arg7[%run_scoped3A_99, %dma_start3A_104] : memref<4x128xi32, #tpu.memory_space<vmem>> -> memref<1x128xi32, #tpu.memory_space<vmem>>
      %dma_start3A_106 = tpu.memref_squeeze %dma_start3A_105 : memref<1x128xi32, #tpu.memory_space<vmem>> -> memref<128xi32, #tpu.memory_space<vmem>>
      %dma_start3A_107 = arith.constant 0 : i32
      %dma_start3A_108 = tpu.memref_slice %arg6[%dma_start3A_107] : memref<20480xf32, #tpu.memory_space<hbm>> -> memref<20480xf32, #tpu.memory_space<hbm>>
      tpu.enqueue_indirect_dma source(%dma_start3A_103 : memref<128xf32, #tpu.memory_space<vmem>>) target(%dma_start3A_108 : memref<20480xf32, #tpu.memory_space<hbm>>) offsets(%dma_start3A_106 : memref<128xi32, #tpu.memory_space<vmem>>) semaphore(%run_scoped3A_100 : memref<!tpu.dma_semaphore, #tpu.memory_space<semaphore_mem>>)
      %dma_wait3A_109 = arith.constant 0 : i32
      %dma_wait3A_110 = tpu.memref_slice %arg8[%run_scoped3A_98, %dma_wait3A_109] : memref<4x128xf32, #tpu.memory_space<vmem>> -> memref<1x128xf32, #tpu.memory_space<vmem>>
      %dma_wait3A_111 = tpu.memref_squeeze %dma_wait3A_110 : memref<1x128xf32, #tpu.memory_space<vmem>> -> memref<128xf32, #tpu.memory_space<vmem>>
      %dma_wait3A_112 = arith.constant 0 : i32
      %dma_wait3A_113 = tpu.memref_slice %arg7[%run_scoped3A_99, %dma_wait3A_112] : memref<4x128xi32, #tpu.memory_space<vmem>> -> memref<1x128xi32, #tpu.memory_space<vmem>>
      %dma_wait3A_114 = tpu.memref_squeeze %dma_wait3A_113 : memref<1x128xi32, #tpu.memory_space<vmem>> -> memref<128xi32, #tpu.memory_space<vmem>>
      %dma_wait3A_115 = arith.constant 0 : i32
      %dma_wait3A_116 = tpu.memref_slice %arg6[%dma_wait3A_115] : memref<20480xf32, #tpu.memory_space<hbm>> -> memref<20480xf32, #tpu.memory_space<hbm>>
      tpu.wait_indirect_dma semaphore(%run_scoped3A_100 : memref<!tpu.dma_semaphore, #tpu.memory_space<semaphore_mem>>) src(%dma_wait3A_111 : memref<128xf32, #tpu.memory_space<vmem>>) dst(%dma_wait3A_116 : memref<20480xf32, #tpu.memory_space<hbm>>)
      tpu.yield
    }) : () -> ()
    return
  }
}

#map = affine_map<(d0, d1) -> (0, 0)>
module attributes {stable_mosaic.version = 14 : i64} {
  func.func @_combine_kernel(%arg0: i32, %arg1: i32, %arg2: memref<2x8192xi32, #tpu.memory_space<hbm>>, %arg3: memref<20480x256xf32, #tpu.memory_space<hbm>>, %arg4: memref<8192x256xf32, #tpu.memory_space<hbm>>, %arg5: memref<128xi32, #tpu.memory_space<vmem>>, %arg6: memref<128xi32, #tpu.memory_space<vmem>>, %arg7: memref<128x256xf32, #tpu.memory_space<vmem>>, %arg8: memref<128x256xf32, #tpu.memory_space<vmem>>, %arg9: memref<!tpu.dma_semaphore, #tpu.memory_space<semaphore_mem>>, %arg10: memref<!tpu.dma_semaphore, #tpu.memory_space<semaphore_mem>>) attributes {dimension_semantics = [#tpu.dimension_semantics<core_parallel>, #tpu.dimension_semantics<subcore_parallel>], iteration_bounds = array<i64: 2, 16>, scalar_prefetch = 0 : i64, scratch_operands = 6 : i64, tpu.core_type = #tpu.core_type<sc_vector_subcore>, window_params = [{transform_indices = #map}, {transform_indices = #map}, {transform_indices = #map}]} {
    %mul3A = arith.constant 2 : i32
    %mul3A_0 = arith.muli %arg1, %mul3A : i32
    %add3A = arith.addi %mul3A_0, %arg0 : i32
    %mul3A_1 = arith.constant 256 : i32
    %mul3A_2 = arith.muli %add3A, %mul3A_1 : i32
    %add3A_3 = arith.constant 0 : i32
    %add3A_4 = arith.addi %mul3A_2, %add3A_3 : i32
    %run_scoped3A = arith.constant 0 : i32
    "tpu.region"() ({
      %run_scoped3A_43 = tpu.sem_alloc : memref<!tpu.dma_semaphore, #tpu.memory_space<semaphore_mem>>
      %dma_start3A_44 = tpu.memref_slice %arg2[%run_scoped3A, %add3A_4] : memref<2x8192xi32, #tpu.memory_space<hbm>> -> memref<1x128xi32, #tpu.memory_space<hbm>>
      %dma_start3A_45 = tpu.memref_squeeze %dma_start3A_44 : memref<1x128xi32, #tpu.memory_space<hbm>> -> memref<128xi32, #tpu.memory_space<hbm>>
      %dma_start3A_46 = tpu.memref_slice %arg2[%run_scoped3A, %add3A_4] : memref<2x8192xi32, #tpu.memory_space<hbm>> -> memref<1x128xi32, #tpu.memory_space<hbm>>
      %dma_start3A_47 = tpu.memref_squeeze %dma_start3A_46 : memref<1x128xi32, #tpu.memory_space<hbm>> -> memref<128xi32, #tpu.memory_space<hbm>>
      tpu.enqueue_dma source(%dma_start3A_47 : memref<128xi32, #tpu.memory_space<hbm>>) target(%arg5 : memref<128xi32, #tpu.memory_space<vmem>>) target_semaphore(%run_scoped3A_43 : memref<!tpu.dma_semaphore, #tpu.memory_space<semaphore_mem>>)
      %dma_wait3A_48 = tpu.memref_slice %arg2[%run_scoped3A, %add3A_4] : memref<2x8192xi32, #tpu.memory_space<hbm>> -> memref<1x128xi32, #tpu.memory_space<hbm>>
      %dma_wait3A_49 = tpu.memref_squeeze %dma_wait3A_48 : memref<1x128xi32, #tpu.memory_space<hbm>> -> memref<128xi32, #tpu.memory_space<hbm>>
      %dma_wait3A_50 = tpu.memref_slice %arg2[%run_scoped3A, %add3A_4] : memref<2x8192xi32, #tpu.memory_space<hbm>> -> memref<1x128xi32, #tpu.memory_space<hbm>>
      %dma_wait3A_51 = tpu.memref_squeeze %dma_wait3A_50 : memref<1x128xi32, #tpu.memory_space<hbm>> -> memref<128xi32, #tpu.memory_space<hbm>>
      tpu.wait_dma2 semaphore(%run_scoped3A_43 : memref<!tpu.dma_semaphore, #tpu.memory_space<semaphore_mem>>) src(%dma_wait3A_51 : memref<128xi32, #tpu.memory_space<hbm>>) dst(%arg5 : memref<128xi32, #tpu.memory_space<vmem>>)
      tpu.yield
    }) : () -> ()
    %run_scoped3A_5 = arith.constant 1 : i32
    "tpu.region"() ({
      %run_scoped3A_43 = tpu.sem_alloc : memref<!tpu.dma_semaphore, #tpu.memory_space<semaphore_mem>>
      %dma_start3A_44 = tpu.memref_slice %arg2[%run_scoped3A_5, %add3A_4] : memref<2x8192xi32, #tpu.memory_space<hbm>> -> memref<1x128xi32, #tpu.memory_space<hbm>>
      %dma_start3A_45 = tpu.memref_squeeze %dma_start3A_44 : memref<1x128xi32, #tpu.memory_space<hbm>> -> memref<128xi32, #tpu.memory_space<hbm>>
      %dma_start3A_46 = tpu.memref_slice %arg2[%run_scoped3A_5, %add3A_4] : memref<2x8192xi32, #tpu.memory_space<hbm>> -> memref<1x128xi32, #tpu.memory_space<hbm>>
      %dma_start3A_47 = tpu.memref_squeeze %dma_start3A_46 : memref<1x128xi32, #tpu.memory_space<hbm>> -> memref<128xi32, #tpu.memory_space<hbm>>
      tpu.enqueue_dma source(%dma_start3A_47 : memref<128xi32, #tpu.memory_space<hbm>>) target(%arg6 : memref<128xi32, #tpu.memory_space<vmem>>) target_semaphore(%run_scoped3A_43 : memref<!tpu.dma_semaphore, #tpu.memory_space<semaphore_mem>>)
      %dma_wait3A_48 = tpu.memref_slice %arg2[%run_scoped3A_5, %add3A_4] : memref<2x8192xi32, #tpu.memory_space<hbm>> -> memref<1x128xi32, #tpu.memory_space<hbm>>
      %dma_wait3A_49 = tpu.memref_squeeze %dma_wait3A_48 : memref<1x128xi32, #tpu.memory_space<hbm>> -> memref<128xi32, #tpu.memory_space<hbm>>
      %dma_wait3A_50 = tpu.memref_slice %arg2[%run_scoped3A_5, %add3A_4] : memref<2x8192xi32, #tpu.memory_space<hbm>> -> memref<1x128xi32, #tpu.memory_space<hbm>>
      %dma_wait3A_51 = tpu.memref_squeeze %dma_wait3A_50 : memref<1x128xi32, #tpu.memory_space<hbm>> -> memref<128xi32, #tpu.memory_space<hbm>>
      tpu.wait_dma2 semaphore(%run_scoped3A_43 : memref<!tpu.dma_semaphore, #tpu.memory_space<semaphore_mem>>) src(%dma_wait3A_51 : memref<128xi32, #tpu.memory_space<hbm>>) dst(%arg6 : memref<128xi32, #tpu.memory_space<vmem>>)
      tpu.yield
    }) : () -> ()
    %dma_start3A = arith.constant 0 : i32
    %dma_start3A_6 = arith.constant 0 : i32
    %dma_start3A_7 = tpu.memref_slice %arg3[%dma_start3A, %dma_start3A_6] : memref<20480x256xf32, #tpu.memory_space<hbm>> -> memref<20480x256xf32, #tpu.memory_space<hbm>>
    tpu.enqueue_indirect_dma source(%dma_start3A_7 : memref<20480x256xf32, #tpu.memory_space<hbm>>) target(%arg7 : memref<128x256xf32, #tpu.memory_space<vmem>>) offsets(%arg5 : memref<128xi32, #tpu.memory_space<vmem>>) semaphore(%arg9 : memref<!tpu.dma_semaphore, #tpu.memory_space<semaphore_mem>>)
    %dma_start3A_8 = arith.constant 0 : i32
    %dma_start3A_9 = arith.constant 0 : i32
    %dma_start3A_10 = tpu.memref_slice %arg3[%dma_start3A_8, %dma_start3A_9] : memref<20480x256xf32, #tpu.memory_space<hbm>> -> memref<20480x256xf32, #tpu.memory_space<hbm>>
    tpu.enqueue_indirect_dma source(%dma_start3A_10 : memref<20480x256xf32, #tpu.memory_space<hbm>>) target(%arg8 : memref<128x256xf32, #tpu.memory_space<vmem>>) offsets(%arg6 : memref<128xi32, #tpu.memory_space<vmem>>) semaphore(%arg10 : memref<!tpu.dma_semaphore, #tpu.memory_space<semaphore_mem>>)
    %dma_wait3A = arith.constant 0 : i32
    %dma_wait3A_11 = arith.constant 0 : i32
    %dma_wait3A_12 = tpu.memref_slice %arg3[%dma_wait3A, %dma_wait3A_11] : memref<20480x256xf32, #tpu.memory_space<hbm>> -> memref<20480x256xf32, #tpu.memory_space<hbm>>
    tpu.wait_indirect_dma semaphore(%arg9 : memref<!tpu.dma_semaphore, #tpu.memory_space<semaphore_mem>>) src(%dma_wait3A_12 : memref<20480x256xf32, #tpu.memory_space<hbm>>) dst(%arg7 : memref<128x256xf32, #tpu.memory_space<vmem>>)
    %dma_wait3A_13 = arith.constant 0 : i32
    %dma_wait3A_14 = arith.constant 0 : i32
    %dma_wait3A_15 = tpu.memref_slice %arg3[%dma_wait3A_13, %dma_wait3A_14] : memref<20480x256xf32, #tpu.memory_space<hbm>> -> memref<20480x256xf32, #tpu.memory_space<hbm>>
    tpu.wait_indirect_dma semaphore(%arg10 : memref<!tpu.dma_semaphore, #tpu.memory_space<semaphore_mem>>) src(%dma_wait3A_15 : memref<20480x256xf32, #tpu.memory_space<hbm>>) dst(%arg8 : memref<128x256xf32, #tpu.memory_space<vmem>>)
    %scan3A = arith.constant 0 : i32
    %scan3A_16 = arith.constant 128 : i32
    %scan3A_17 = arith.addi %scan3A, %scan3A_16 : i32
    %scan3A_18 = arith.constant 4 : i32
    scf.for %scan3A_43 = %scan3A to %scan3A_17 step %scan3A_18  : i32 {
      %get3A = arith.index_cast %scan3A_43 : i32 to index
      %get3A_44 = arith.constant 0 : index
      %get3A_45 = tpu.vector_load %arg7[%get3A, %get3A_44] {strides = array<i32>} : memref<128x256xf32, #tpu.memory_space<vmem>>, vector<16xf32>,
      %get3A_46 = arith.index_cast %scan3A_43 : i32 to index
      %get3A_47 = arith.constant 0 : index
      %get3A_48 = tpu.vector_load %arg8[%get3A_46, %get3A_47] {strides = array<i32>} : memref<128x256xf32, #tpu.memory_space<vmem>>, vector<16xf32>,
      %add3A_49 = arith.addf %get3A_45, %get3A_48 : vector<16xf32>
      %swap3A = arith.index_cast %scan3A_43 : i32 to index
      %swap3A_50 = arith.constant 0 : index
      %swap3A_51 = tpu.vector_load %arg7[%swap3A, %swap3A_50] {strides = array<i32>} : memref<128x256xf32, #tpu.memory_space<vmem>>, vector<16xf32>,
      tpu.vector_store %arg7[%swap3A, %swap3A_50], %add3A_49 {strides = array<i32>} : memref<128x256xf32, #tpu.memory_space<vmem>>, vector<16xf32>,
      %get3A_52 = arith.index_cast %scan3A_43 : i32 to index
      %get3A_53 = arith.constant 16 : index
      %get3A_54 = tpu.vector_load %arg7[%get3A_52, %get3A_53] {strides = array<i32>} : memref<128x256xf32, #tpu.memory_space<vmem>>, vector<16xf32>,
      %get3A_55 = arith.index_cast %scan3A_43 : i32 to index
      %get3A_56 = arith.constant 16 : index
      %get3A_57 = tpu.vector_load %arg8[%get3A_55, %get3A_56] {strides = array<i32>} : memref<128x256xf32, #tpu.memory_space<vmem>>, vector<16xf32>,
      %add3A_58 = arith.addf %get3A_54, %get3A_57 : vector<16xf32>
      %swap3A_59 = arith.index_cast %scan3A_43 : i32 to index
      %swap3A_60 = arith.constant 16 : index
      %swap3A_61 = tpu.vector_load %arg7[%swap3A_59, %swap3A_60] {strides = array<i32>} : memref<128x256xf32, #tpu.memory_space<vmem>>, vector<16xf32>,
      tpu.vector_store %arg7[%swap3A_59, %swap3A_60], %add3A_58 {strides = array<i32>} : memref<128x256xf32, #tpu.memory_space<vmem>>, vector<16xf32>,
      %get3A_62 = arith.index_cast %scan3A_43 : i32 to index
      %get3A_63 = arith.constant 32 : index
      %get3A_64 = tpu.vector_load %arg7[%get3A_62, %get3A_63] {strides = array<i32>} : memref<128x256xf32, #tpu.memory_space<vmem>>, vector<16xf32>,
      %get3A_65 = arith.index_cast %scan3A_43 : i32 to index
      %get3A_66 = arith.constant 32 : index
      %get3A_67 = tpu.vector_load %arg8[%get3A_65, %get3A_66] {strides = array<i32>} : memref<128x256xf32, #tpu.memory_space<vmem>>, vector<16xf32>,
      %add3A_68 = arith.addf %get3A_64, %get3A_67 : vector<16xf32>
      %swap3A_69 = arith.index_cast %scan3A_43 : i32 to index
      %swap3A_70 = arith.constant 32 : index
      %swap3A_71 = tpu.vector_load %arg7[%swap3A_69, %swap3A_70] {strides = array<i32>} : memref<128x256xf32, #tpu.memory_space<vmem>>, vector<16xf32>,
      tpu.vector_store %arg7[%swap3A_69, %swap3A_70], %add3A_68 {strides = array<i32>} : memref<128x256xf32, #tpu.memory_space<vmem>>, vector<16xf32>,
      %get3A_72 = arith.index_cast %scan3A_43 : i32 to index
      %get3A_73 = arith.constant 48 : index
      %get3A_74 = tpu.vector_load %arg7[%get3A_72, %get3A_73] {strides = array<i32>} : memref<128x256xf32, #tpu.memory_space<vmem>>, vector<16xf32>,
      %get3A_75 = arith.index_cast %scan3A_43 : i32 to index
      %get3A_76 = arith.constant 48 : index
      %get3A_77 = tpu.vector_load %arg8[%get3A_75, %get3A_76] {strides = array<i32>} : memref<128x256xf32, #tpu.memory_space<vmem>>, vector<16xf32>,
      %add3A_78 = arith.addf %get3A_74, %get3A_77 : vector<16xf32>
      %swap3A_79 = arith.index_cast %scan3A_43 : i32 to index
      %swap3A_80 = arith.constant 48 : index
      %swap3A_81 = tpu.vector_load %arg7[%swap3A_79, %swap3A_80] {strides = array<i32>} : memref<128x256xf32, #tpu.memory_space<vmem>>, vector<16xf32>,
      tpu.vector_store %arg7[%swap3A_79, %swap3A_80], %add3A_78 {strides = array<i32>} : memref<128x256xf32, #tpu.memory_space<vmem>>, vector<16xf32>,
      %get3A_82 = arith.index_cast %scan3A_43 : i32 to index
      %get3A_83 = arith.constant 64 : index
      %get3A_84 = tpu.vector_load %arg7[%get3A_82, %get3A_83] {strides = array<i32>} : memref<128x256xf32, #tpu.memory_space<vmem>>, vector<16xf32>,
      %get3A_85 = arith.index_cast %scan3A_43 : i32 to index
      %get3A_86 = arith.constant 64 : index
      %get3A_87 = tpu.vector_load %arg8[%get3A_85, %get3A_86] {strides = array<i32>} : memref<128x256xf32, #tpu.memory_space<vmem>>, vector<16xf32>,
      %add3A_88 = arith.addf %get3A_84, %get3A_87 : vector<16xf32>
      %swap3A_89 = arith.index_cast %scan3A_43 : i32 to index
      %swap3A_90 = arith.constant 64 : index
      %swap3A_91 = tpu.vector_load %arg7[%swap3A_89, %swap3A_90] {strides = array<i32>} : memref<128x256xf32, #tpu.memory_space<vmem>>, vector<16xf32>,
      tpu.vector_store %arg7[%swap3A_89, %swap3A_90], %add3A_88 {strides = array<i32>} : memref<128x256xf32, #tpu.memory_space<vmem>>, vector<16xf32>,
      %get3A_92 = arith.index_cast %scan3A_43 : i32 to index
      %get3A_93 = arith.constant 80 : index
      %get3A_94 = tpu.vector_load %arg7[%get3A_92, %get3A_93] {strides = array<i32>} : memref<128x256xf32, #tpu.memory_space<vmem>>, vector<16xf32>,
      %get3A_95 = arith.index_cast %scan3A_43 : i32 to index
      %get3A_96 = arith.constant 80 : index
      %get3A_97 = tpu.vector_load %arg8[%get3A_95, %get3A_96] {strides = array<i32>} : memref<128x256xf32, #tpu.memory_space<vmem>>, vector<16xf32>,
      %add3A_98 = arith.addf %get3A_94, %get3A_97 : vector<16xf32>
      %swap3A_99 = arith.index_cast %scan3A_43 : i32 to index
      %swap3A_100 = arith.constant 80 : index
      %swap3A_101 = tpu.vector_load %arg7[%swap3A_99, %swap3A_100] {strides = array<i32>} : memref<128x256xf32, #tpu.memory_space<vmem>>, vector<16xf32>,
      tpu.vector_store %arg7[%swap3A_99, %swap3A_100], %add3A_98 {strides = array<i32>} : memref<128x256xf32, #tpu.memory_space<vmem>>, vector<16xf32>,
      %get3A_102 = arith.index_cast %scan3A_43 : i32 to index
      %get3A_103 = arith.constant 96 : index
      %get3A_104 = tpu.vector_load %arg7[%get3A_102, %get3A_103] {strides = array<i32>} : memref<128x256xf32, #tpu.memory_space<vmem>>, vector<16xf32>,
      %get3A_105 = arith.index_cast %scan3A_43 : i32 to index
      %get3A_106 = arith.constant 96 : index
      %get3A_107 = tpu.vector_load %arg8[%get3A_105, %get3A_106] {strides = array<i32>} : memref<128x256xf32, #tpu.memory_space<vmem>>, vector<16xf32>,
      %add3A_108 = arith.addf %get3A_104, %get3A_107 : vector<16xf32>
      %swap3A_109 = arith.index_cast %scan3A_43 : i32 to index
      %swap3A_110 = arith.constant 96 : index
      %swap3A_111 = tpu.vector_load %arg7[%swap3A_109, %swap3A_110] {strides = array<i32>} : memref<128x256xf32, #tpu.memory_space<vmem>>, vector<16xf32>,
      tpu.vector_store %arg7[%swap3A_109, %swap3A_110], %add3A_108 {strides = array<i32>} : memref<128x256xf32, #tpu.memory_space<vmem>>, vector<16xf32>,
      %get3A_112 = arith.index_cast %scan3A_43 : i32 to index
      %get3A_113 = arith.constant 112 : index
      %get3A_114 = tpu.vector_load %arg7[%get3A_112, %get3A_113] {strides = array<i32>} : memref<128x256xf32, #tpu.memory_space<vmem>>, vector<16xf32>,
      %get3A_115 = arith.index_cast %scan3A_43 : i32 to index
      %get3A_116 = arith.constant 112 : index
      %get3A_117 = tpu.vector_load %arg8[%get3A_115, %get3A_116] {strides = array<i32>} : memref<128x256xf32, #tpu.memory_space<vmem>>, vector<16xf32>,
      %add3A_118 = arith.addf %get3A_114, %get3A_117 : vector<16xf32>
      %swap3A_119 = arith.index_cast %scan3A_43 : i32 to index
      %swap3A_120 = arith.constant 112 : index
      %swap3A_121 = tpu.vector_load %arg7[%swap3A_119, %swap3A_120] {strides = array<i32>} : memref<128x256xf32, #tpu.memory_space<vmem>>, vector<16xf32>,
      tpu.vector_store %arg7[%swap3A_119, %swap3A_120], %add3A_118 {strides = array<i32>} : memref<128x256xf32, #tpu.memory_space<vmem>>, vector<16xf32>,
      %get3A_122 = arith.index_cast %scan3A_43 : i32 to index
      %get3A_123 = arith.constant 128 : index
      %get3A_124 = tpu.vector_load %arg7[%get3A_122, %get3A_123] {strides = array<i32>} : memref<128x256xf32, #tpu.memory_space<vmem>>, vector<16xf32>,
      %get3A_125 = arith.index_cast %scan3A_43 : i32 to index
      %get3A_126 = arith.constant 128 : index
      %get3A_127 = tpu.vector_load %arg8[%get3A_125, %get3A_126] {strides = array<i32>} : memref<128x256xf32, #tpu.memory_space<vmem>>, vector<16xf32>,
      %add3A_128 = arith.addf %get3A_124, %get3A_127 : vector<16xf32>
      %swap3A_129 = arith.index_cast %scan3A_43 : i32 to index
      %swap3A_130 = arith.constant 128 : index
      %swap3A_131 = tpu.vector_load %arg7[%swap3A_129, %swap3A_130] {strides = array<i32>} : memref<128x256xf32, #tpu.memory_space<vmem>>, vector<16xf32>,
      tpu.vector_store %arg7[%swap3A_129, %swap3A_130], %add3A_128 {strides = array<i32>} : memref<128x256xf32, #tpu.memory_space<vmem>>, vector<16xf32>,
      %get3A_132 = arith.index_cast %scan3A_43 : i32 to index
      %get3A_133 = arith.constant 144 : index
      %get3A_134 = tpu.vector_load %arg7[%get3A_132, %get3A_133] {strides = array<i32>} : memref<128x256xf32, #tpu.memory_space<vmem>>, vector<16xf32>,
      %get3A_135 = arith.index_cast %scan3A_43 : i32 to index
      %get3A_136 = arith.constant 144 : index
      %get3A_137 = tpu.vector_load %arg8[%get3A_135, %get3A_136] {strides = array<i32>} : memref<128x256xf32, #tpu.memory_space<vmem>>, vector<16xf32>,
      %add3A_138 = arith.addf %get3A_134, %get3A_137 : vector<16xf32>
      %swap3A_139 = arith.index_cast %scan3A_43 : i32 to index
      %swap3A_140 = arith.constant 144 : index
      %swap3A_141 = tpu.vector_load %arg7[%swap3A_139, %swap3A_140] {strides = array<i32>} : memref<128x256xf32, #tpu.memory_space<vmem>>, vector<16xf32>,
      tpu.vector_store %arg7[%swap3A_139, %swap3A_140], %add3A_138 {strides = array<i32>} : memref<128x256xf32, #tpu.memory_space<vmem>>, vector<16xf32>,
      %get3A_142 = arith.index_cast %scan3A_43 : i32 to index
      %get3A_143 = arith.constant 160 : index
      %get3A_144 = tpu.vector_load %arg7[%get3A_142, %get3A_143] {strides = array<i32>} : memref<128x256xf32, #tpu.memory_space<vmem>>, vector<16xf32>,
      %get3A_145 = arith.index_cast %scan3A_43 : i32 to index
      %get3A_146 = arith.constant 160 : index
      %get3A_147 = tpu.vector_load %arg8[%get3A_145, %get3A_146] {strides = array<i32>} : memref<128x256xf32, #tpu.memory_space<vmem>>, vector<16xf32>,
      %add3A_148 = arith.addf %get3A_144, %get3A_147 : vector<16xf32>
      %swap3A_149 = arith.index_cast %scan3A_43 : i32 to index
      %swap3A_150 = arith.constant 160 : index
      %swap3A_151 = tpu.vector_load %arg7[%swap3A_149, %swap3A_150] {strides = array<i32>} : memref<128x256xf32, #tpu.memory_space<vmem>>, vector<16xf32>,
      tpu.vector_store %arg7[%swap3A_149, %swap3A_150], %add3A_148 {strides = array<i32>} : memref<128x256xf32, #tpu.memory_space<vmem>>, vector<16xf32>,
      %get3A_152 = arith.index_cast %scan3A_43 : i32 to index
      %get3A_153 = arith.constant 176 : index
      %get3A_154 = tpu.vector_load %arg7[%get3A_152, %get3A_153] {strides = array<i32>} : memref<128x256xf32, #tpu.memory_space<vmem>>, vector<16xf32>,
      %get3A_155 = arith.index_cast %scan3A_43 : i32 to index
      %get3A_156 = arith.constant 176 : index
      %get3A_157 = tpu.vector_load %arg8[%get3A_155, %get3A_156] {strides = array<i32>} : memref<128x256xf32, #tpu.memory_space<vmem>>, vector<16xf32>,
      %add3A_158 = arith.addf %get3A_154, %get3A_157 : vector<16xf32>
      %swap3A_159 = arith.index_cast %scan3A_43 : i32 to index
      %swap3A_160 = arith.constant 176 : index
      %swap3A_161 = tpu.vector_load %arg7[%swap3A_159, %swap3A_160] {strides = array<i32>} : memref<128x256xf32, #tpu.memory_space<vmem>>, vector<16xf32>,
      tpu.vector_store %arg7[%swap3A_159, %swap3A_160], %add3A_158 {strides = array<i32>} : memref<128x256xf32, #tpu.memory_space<vmem>>, vector<16xf32>,
      %get3A_162 = arith.index_cast %scan3A_43 : i32 to index
      %get3A_163 = arith.constant 192 : index
      %get3A_164 = tpu.vector_load %arg7[%get3A_162, %get3A_163] {strides = array<i32>} : memref<128x256xf32, #tpu.memory_space<vmem>>, vector<16xf32>,
      %get3A_165 = arith.index_cast %scan3A_43 : i32 to index
      %get3A_166 = arith.constant 192 : index
      %get3A_167 = tpu.vector_load %arg8[%get3A_165, %get3A_166] {strides = array<i32>} : memref<128x256xf32, #tpu.memory_space<vmem>>, vector<16xf32>,
      %add3A_168 = arith.addf %get3A_164, %get3A_167 : vector<16xf32>
      %swap3A_169 = arith.index_cast %scan3A_43 : i32 to index
      %swap3A_170 = arith.constant 192 : index
      %swap3A_171 = tpu.vector_load %arg7[%swap3A_169, %swap3A_170] {strides = array<i32>} : memref<128x256xf32, #tpu.memory_space<vmem>>, vector<16xf32>,
      tpu.vector_store %arg7[%swap3A_169, %swap3A_170], %add3A_168 {strides = array<i32>} : memref<128x256xf32, #tpu.memory_space<vmem>>, vector<16xf32>,
      %get3A_172 = arith.index_cast %scan3A_43 : i32 to index
      %get3A_173 = arith.constant 208 : index
      %get3A_174 = tpu.vector_load %arg7[%get3A_172, %get3A_173] {strides = array<i32>} : memref<128x256xf32, #tpu.memory_space<vmem>>, vector<16xf32>,
      %get3A_175 = arith.index_cast %scan3A_43 : i32 to index
      %get3A_176 = arith.constant 208 : index
      %get3A_177 = tpu.vector_load %arg8[%get3A_175, %get3A_176] {strides = array<i32>} : memref<128x256xf32, #tpu.memory_space<vmem>>, vector<16xf32>,
      %add3A_178 = arith.addf %get3A_174, %get3A_177 : vector<16xf32>
      %swap3A_179 = arith.index_cast %scan3A_43 : i32 to index
      %swap3A_180 = arith.constant 208 : index
      %swap3A_181 = tpu.vector_load %arg7[%swap3A_179, %swap3A_180] {strides = array<i32>} : memref<128x256xf32, #tpu.memory_space<vmem>>, vector<16xf32>,
      tpu.vector_store %arg7[%swap3A_179, %swap3A_180], %add3A_178 {strides = array<i32>} : memref<128x256xf32, #tpu.memory_space<vmem>>, vector<16xf32>,
      %get3A_182 = arith.index_cast %scan3A_43 : i32 to index
      %get3A_183 = arith.constant 224 : index
      %get3A_184 = tpu.vector_load %arg7[%get3A_182, %get3A_183] {strides = array<i32>} : memref<128x256xf32, #tpu.memory_space<vmem>>, vector<16xf32>,
      %get3A_185 = arith.index_cast %scan3A_43 : i32 to index
      %get3A_186 = arith.constant 224 : index
      %get3A_187 = tpu.vector_load %arg8[%get3A_185, %get3A_186] {strides = array<i32>} : memref<128x256xf32, #tpu.memory_space<vmem>>, vector<16xf32>,
      %add3A_188 = arith.addf %get3A_184, %get3A_187 : vector<16xf32>
      %swap3A_189 = arith.index_cast %scan3A_43 : i32 to index
      %swap3A_190 = arith.constant 224 : index
      %swap3A_191 = tpu.vector_load %arg7[%swap3A_189, %swap3A_190] {strides = array<i32>} : memref<128x256xf32, #tpu.memory_space<vmem>>, vector<16xf32>,
      tpu.vector_store %arg7[%swap3A_189, %swap3A_190], %add3A_188 {strides = array<i32>} : memref<128x256xf32, #tpu.memory_space<vmem>>, vector<16xf32>,
      %get3A_192 = arith.index_cast %scan3A_43 : i32 to index
      %get3A_193 = arith.constant 240 : index
      %get3A_194 = tpu.vector_load %arg7[%get3A_192, %get3A_193] {strides = array<i32>} : memref<128x256xf32, #tpu.memory_space<vmem>>, vector<16xf32>,
      %get3A_195 = arith.index_cast %scan3A_43 : i32 to index
      %get3A_196 = arith.constant 240 : index
      %get3A_197 = tpu.vector_load %arg8[%get3A_195, %get3A_196] {strides = array<i32>} : memref<128x256xf32, #tpu.memory_space<vmem>>, vector<16xf32>,
      %add3A_198 = arith.addf %get3A_194, %get3A_197 : vector<16xf32>
      %swap3A_199 = arith.index_cast %scan3A_43 : i32 to index
      %swap3A_200 = arith.constant 240 : index
      %swap3A_201 = tpu.vector_load %arg7[%swap3A_199, %swap3A_200] {strides = array<i32>} : memref<128x256xf32, #tpu.memory_space<vmem>>, vector<16xf32>,
      tpu.vector_store %arg7[%swap3A_199, %swap3A_200], %add3A_198 {strides = array<i32>} : memref<128x256xf32, #tpu.memory_space<vmem>>, vector<16xf32>,
      %scan3A_202 = arith.constant 1 : i32
      %scan3A_203 = arith.addi %scan3A_43, %scan3A_202 : i32
      %get3A_204 = arith.index_cast %scan3A_203 : i32 to index
      %get3A_205 = arith.constant 0 : index
      %get3A_206 = tpu.vector_load %arg7[%get3A_204, %get3A_205] {strides = array<i32>} : memref<128x256xf32, #tpu.memory_space<vmem>>, vector<16xf32>,
      %get3A_207 = arith.index_cast %scan3A_203 : i32 to index
      %get3A_208 = arith.constant 0 : index
      %get3A_209 = tpu.vector_load %arg8[%get3A_207, %get3A_208] {strides = array<i32>} : memref<128x256xf32, #tpu.memory_space<vmem>>, vector<16xf32>,
      %add3A_210 = arith.addf %get3A_206, %get3A_209 : vector<16xf32>
      %swap3A_211 = arith.index_cast %scan3A_203 : i32 to index
      %swap3A_212 = arith.constant 0 : index
      %swap3A_213 = tpu.vector_load %arg7[%swap3A_211, %swap3A_212] {strides = array<i32>} : memref<128x256xf32, #tpu.memory_space<vmem>>, vector<16xf32>,
      tpu.vector_store %arg7[%swap3A_211, %swap3A_212], %add3A_210 {strides = array<i32>} : memref<128x256xf32, #tpu.memory_space<vmem>>, vector<16xf32>,
      %get3A_214 = arith.index_cast %scan3A_203 : i32 to index
      %get3A_215 = arith.constant 16 : index
      %get3A_216 = tpu.vector_load %arg7[%get3A_214, %get3A_215] {strides = array<i32>} : memref<128x256xf32, #tpu.memory_space<vmem>>, vector<16xf32>,
      %get3A_217 = arith.index_cast %scan3A_203 : i32 to index
      %get3A_218 = arith.constant 16 : index
      %get3A_219 = tpu.vector_load %arg8[%get3A_217, %get3A_218] {strides = array<i32>} : memref<128x256xf32, #tpu.memory_space<vmem>>, vector<16xf32>,
      %add3A_220 = arith.addf %get3A_216, %get3A_219 : vector<16xf32>
      %swap3A_221 = arith.index_cast %scan3A_203 : i32 to index
      %swap3A_222 = arith.constant 16 : index
      %swap3A_223 = tpu.vector_load %arg7[%swap3A_221, %swap3A_222] {strides = array<i32>} : memref<128x256xf32, #tpu.memory_space<vmem>>, vector<16xf32>,
      tpu.vector_store %arg7[%swap3A_221, %swap3A_222], %add3A_220 {strides = array<i32>} : memref<128x256xf32, #tpu.memory_space<vmem>>, vector<16xf32>,
      %get3A_224 = arith.index_cast %scan3A_203 : i32 to index
      %get3A_225 = arith.constant 32 : index
      %get3A_226 = tpu.vector_load %arg7[%get3A_224, %get3A_225] {strides = array<i32>} : memref<128x256xf32, #tpu.memory_space<vmem>>, vector<16xf32>,
      %get3A_227 = arith.index_cast %scan3A_203 : i32 to index
      %get3A_228 = arith.constant 32 : index
      %get3A_229 = tpu.vector_load %arg8[%get3A_227, %get3A_228] {strides = array<i32>} : memref<128x256xf32, #tpu.memory_space<vmem>>, vector<16xf32>,
      %add3A_230 = arith.addf %get3A_226, %get3A_229 : vector<16xf32>
      %swap3A_231 = arith.index_cast %scan3A_203 : i32 to index
      %swap3A_232 = arith.constant 32 : index
      %swap3A_233 = tpu.vector_load %arg7[%swap3A_231, %swap3A_232] {strides = array<i32>} : memref<128x256xf32, #tpu.memory_space<vmem>>, vector<16xf32>,
      tpu.vector_store %arg7[%swap3A_231, %swap3A_232], %add3A_230 {strides = array<i32>} : memref<128x256xf32, #tpu.memory_space<vmem>>, vector<16xf32>,
      %get3A_234 = arith.index_cast %scan3A_203 : i32 to index
      %get3A_235 = arith.constant 48 : index
      %get3A_236 = tpu.vector_load %arg7[%get3A_234, %get3A_235] {strides = array<i32>} : memref<128x256xf32, #tpu.memory_space<vmem>>, vector<16xf32>,
      %get3A_237 = arith.index_cast %scan3A_203 : i32 to index
      %get3A_238 = arith.constant 48 : index
      %get3A_239 = tpu.vector_load %arg8[%get3A_237, %get3A_238] {strides = array<i32>} : memref<128x256xf32, #tpu.memory_space<vmem>>, vector<16xf32>,
      %add3A_240 = arith.addf %get3A_236, %get3A_239 : vector<16xf32>
      %swap3A_241 = arith.index_cast %scan3A_203 : i32 to index
      %swap3A_242 = arith.constant 48 : index
      %swap3A_243 = tpu.vector_load %arg7[%swap3A_241, %swap3A_242] {strides = array<i32>} : memref<128x256xf32, #tpu.memory_space<vmem>>, vector<16xf32>,
      tpu.vector_store %arg7[%swap3A_241, %swap3A_242], %add3A_240 {strides = array<i32>} : memref<128x256xf32, #tpu.memory_space<vmem>>, vector<16xf32>,
      %get3A_244 = arith.index_cast %scan3A_203 : i32 to index
      %get3A_245 = arith.constant 64 : index
      %get3A_246 = tpu.vector_load %arg7[%get3A_244, %get3A_245] {strides = array<i32>} : memref<128x256xf32, #tpu.memory_space<vmem>>, vector<16xf32>,
      %get3A_247 = arith.index_cast %scan3A_203 : i32 to index
      %get3A_248 = arith.constant 64 : index
      %get3A_249 = tpu.vector_load %arg8[%get3A_247, %get3A_248] {strides = array<i32>} : memref<128x256xf32, #tpu.memory_space<vmem>>, vector<16xf32>,
      %add3A_250 = arith.addf %get3A_246, %get3A_249 : vector<16xf32>
      %swap3A_251 = arith.index_cast %scan3A_203 : i32 to index
      %swap3A_252 = arith.constant 64 : index
      %swap3A_253 = tpu.vector_load %arg7[%swap3A_251, %swap3A_252] {strides = array<i32>} : memref<128x256xf32, #tpu.memory_space<vmem>>, vector<16xf32>,
      tpu.vector_store %arg7[%swap3A_251, %swap3A_252], %add3A_250 {strides = array<i32>} : memref<128x256xf32, #tpu.memory_space<vmem>>, vector<16xf32>,
      %get3A_254 = arith.index_cast %scan3A_203 : i32 to index
      %get3A_255 = arith.constant 80 : index
      %get3A_256 = tpu.vector_load %arg7[%get3A_254, %get3A_255] {strides = array<i32>} : memref<128x256xf32, #tpu.memory_space<vmem>>, vector<16xf32>,
      %get3A_257 = arith.index_cast %scan3A_203 : i32 to index
      %get3A_258 = arith.constant 80 : index
      %get3A_259 = tpu.vector_load %arg8[%get3A_257, %get3A_258] {strides = array<i32>} : memref<128x256xf32, #tpu.memory_space<vmem>>, vector<16xf32>,
      %add3A_260 = arith.addf %get3A_256, %get3A_259 : vector<16xf32>
      %swap3A_261 = arith.index_cast %scan3A_203 : i32 to index
      %swap3A_262 = arith.constant 80 : index
      %swap3A_263 = tpu.vector_load %arg7[%swap3A_261, %swap3A_262] {strides = array<i32>} : memref<128x256xf32, #tpu.memory_space<vmem>>, vector<16xf32>,
      tpu.vector_store %arg7[%swap3A_261, %swap3A_262], %add3A_260 {strides = array<i32>} : memref<128x256xf32, #tpu.memory_space<vmem>>, vector<16xf32>,
      %get3A_264 = arith.index_cast %scan3A_203 : i32 to index
      %get3A_265 = arith.constant 96 : index
      %get3A_266 = tpu.vector_load %arg7[%get3A_264, %get3A_265] {strides = array<i32>} : memref<128x256xf32, #tpu.memory_space<vmem>>, vector<16xf32>,
      %get3A_267 = arith.index_cast %scan3A_203 : i32 to index
      %get3A_268 = arith.constant 96 : index
      %get3A_269 = tpu.vector_load %arg8[%get3A_267, %get3A_268] {strides = array<i32>} : memref<128x256xf32, #tpu.memory_space<vmem>>, vector<16xf32>,
      %add3A_270 = arith.addf %get3A_266, %get3A_269 : vector<16xf32>
      %swap3A_271 = arith.index_cast %scan3A_203 : i32 to index
      %swap3A_272 = arith.constant 96 : index
      %swap3A_273 = tpu.vector_load %arg7[%swap3A_271, %swap3A_272] {strides = array<i32>} : memref<128x256xf32, #tpu.memory_space<vmem>>, vector<16xf32>,
      tpu.vector_store %arg7[%swap3A_271, %swap3A_272], %add3A_270 {strides = array<i32>} : memref<128x256xf32, #tpu.memory_space<vmem>>, vector<16xf32>,
      %get3A_274 = arith.index_cast %scan3A_203 : i32 to index
      %get3A_275 = arith.constant 112 : index
      %get3A_276 = tpu.vector_load %arg7[%get3A_274, %get3A_275] {strides = array<i32>} : memref<128x256xf32, #tpu.memory_space<vmem>>, vector<16xf32>,
      %get3A_277 = arith.index_cast %scan3A_203 : i32 to index
      %get3A_278 = arith.constant 112 : index
      %get3A_279 = tpu.vector_load %arg8[%get3A_277, %get3A_278] {strides = array<i32>} : memref<128x256xf32, #tpu.memory_space<vmem>>, vector<16xf32>,
      %add3A_280 = arith.addf %get3A_276, %get3A_279 : vector<16xf32>
      %swap3A_281 = arith.index_cast %scan3A_203 : i32 to index
      %swap3A_282 = arith.constant 112 : index
      %swap3A_283 = tpu.vector_load %arg7[%swap3A_281, %swap3A_282] {strides = array<i32>} : memref<128x256xf32, #tpu.memory_space<vmem>>, vector<16xf32>,
      tpu.vector_store %arg7[%swap3A_281, %swap3A_282], %add3A_280 {strides = array<i32>} : memref<128x256xf32, #tpu.memory_space<vmem>>, vector<16xf32>,
      %get3A_284 = arith.index_cast %scan3A_203 : i32 to index
      %get3A_285 = arith.constant 128 : index
      %get3A_286 = tpu.vector_load %arg7[%get3A_284, %get3A_285] {strides = array<i32>} : memref<128x256xf32, #tpu.memory_space<vmem>>, vector<16xf32>,
      %get3A_287 = arith.index_cast %scan3A_203 : i32 to index
      %get3A_288 = arith.constant 128 : index
      %get3A_289 = tpu.vector_load %arg8[%get3A_287, %get3A_288] {strides = array<i32>} : memref<128x256xf32, #tpu.memory_space<vmem>>, vector<16xf32>,
      %add3A_290 = arith.addf %get3A_286, %get3A_289 : vector<16xf32>
      %swap3A_291 = arith.index_cast %scan3A_203 : i32 to index
      %swap3A_292 = arith.constant 128 : index
      %swap3A_293 = tpu.vector_load %arg7[%swap3A_291, %swap3A_292] {strides = array<i32>} : memref<128x256xf32, #tpu.memory_space<vmem>>, vector<16xf32>,
      tpu.vector_store %arg7[%swap3A_291, %swap3A_292], %add3A_290 {strides = array<i32>} : memref<128x256xf32, #tpu.memory_space<vmem>>, vector<16xf32>,
      %get3A_294 = arith.index_cast %scan3A_203 : i32 to index
      %get3A_295 = arith.constant 144 : index
      %get3A_296 = tpu.vector_load %arg7[%get3A_294, %get3A_295] {strides = array<i32>} : memref<128x256xf32, #tpu.memory_space<vmem>>, vector<16xf32>,
      %get3A_297 = arith.index_cast %scan3A_203 : i32 to index
      %get3A_298 = arith.constant 144 : index
      %get3A_299 = tpu.vector_load %arg8[%get3A_297, %get3A_298] {strides = array<i32>} : memref<128x256xf32, #tpu.memory_space<vmem>>, vector<16xf32>,
      %add3A_300 = arith.addf %get3A_296, %get3A_299 : vector<16xf32>
      %swap3A_301 = arith.index_cast %scan3A_203 : i32 to index
      %swap3A_302 = arith.constant 144 : index
      %swap3A_303 = tpu.vector_load %arg7[%swap3A_301, %swap3A_302] {strides = array<i32>} : memref<128x256xf32, #tpu.memory_space<vmem>>, vector<16xf32>,
      tpu.vector_store %arg7[%swap3A_301, %swap3A_302], %add3A_300 {strides = array<i32>} : memref<128x256xf32, #tpu.memory_space<vmem>>, vector<16xf32>,
      %get3A_304 = arith.index_cast %scan3A_203 : i32 to index
      %get3A_305 = arith.constant 160 : index
      %get3A_306 = tpu.vector_load %arg7[%get3A_304, %get3A_305] {strides = array<i32>} : memref<128x256xf32, #tpu.memory_space<vmem>>, vector<16xf32>,
      %get3A_307 = arith.index_cast %scan3A_203 : i32 to index
      %get3A_308 = arith.constant 160 : index
      %get3A_309 = tpu.vector_load %arg8[%get3A_307, %get3A_308] {strides = array<i32>} : memref<128x256xf32, #tpu.memory_space<vmem>>, vector<16xf32>,
      %add3A_310 = arith.addf %get3A_306, %get3A_309 : vector<16xf32>
      %swap3A_311 = arith.index_cast %scan3A_203 : i32 to index
      %swap3A_312 = arith.constant 160 : index
      %swap3A_313 = tpu.vector_load %arg7[%swap3A_311, %swap3A_312] {strides = array<i32>} : memref<128x256xf32, #tpu.memory_space<vmem>>, vector<16xf32>,
      tpu.vector_store %arg7[%swap3A_311, %swap3A_312], %add3A_310 {strides = array<i32>} : memref<128x256xf32, #tpu.memory_space<vmem>>, vector<16xf32>,
      %get3A_314 = arith.index_cast %scan3A_203 : i32 to index
      %get3A_315 = arith.constant 176 : index
      %get3A_316 = tpu.vector_load %arg7[%get3A_314, %get3A_315] {strides = array<i32>} : memref<128x256xf32, #tpu.memory_space<vmem>>, vector<16xf32>,
      %get3A_317 = arith.index_cast %scan3A_203 : i32 to index
      %get3A_318 = arith.constant 176 : index
      %get3A_319 = tpu.vector_load %arg8[%get3A_317, %get3A_318] {strides = array<i32>} : memref<128x256xf32, #tpu.memory_space<vmem>>, vector<16xf32>,
      %add3A_320 = arith.addf %get3A_316, %get3A_319 : vector<16xf32>
      %swap3A_321 = arith.index_cast %scan3A_203 : i32 to index
      %swap3A_322 = arith.constant 176 : index
      %swap3A_323 = tpu.vector_load %arg7[%swap3A_321, %swap3A_322] {strides = array<i32>} : memref<128x256xf32, #tpu.memory_space<vmem>>, vector<16xf32>,
      tpu.vector_store %arg7[%swap3A_321, %swap3A_322], %add3A_320 {strides = array<i32>} : memref<128x256xf32, #tpu.memory_space<vmem>>, vector<16xf32>,
      %get3A_324 = arith.index_cast %scan3A_203 : i32 to index
      %get3A_325 = arith.constant 192 : index
      %get3A_326 = tpu.vector_load %arg7[%get3A_324, %get3A_325] {strides = array<i32>} : memref<128x256xf32, #tpu.memory_space<vmem>>, vector<16xf32>,
      %get3A_327 = arith.index_cast %scan3A_203 : i32 to index
      %get3A_328 = arith.constant 192 : index
      %get3A_329 = tpu.vector_load %arg8[%get3A_327, %get3A_328] {strides = array<i32>} : memref<128x256xf32, #tpu.memory_space<vmem>>, vector<16xf32>,
      %add3A_330 = arith.addf %get3A_326, %get3A_329 : vector<16xf32>
      %swap3A_331 = arith.index_cast %scan3A_203 : i32 to index
      %swap3A_332 = arith.constant 192 : index
      %swap3A_333 = tpu.vector_load %arg7[%swap3A_331, %swap3A_332] {strides = array<i32>} : memref<128x256xf32, #tpu.memory_space<vmem>>, vector<16xf32>,
      tpu.vector_store %arg7[%swap3A_331, %swap3A_332], %add3A_330 {strides = array<i32>} : memref<128x256xf32, #tpu.memory_space<vmem>>, vector<16xf32>,
      %get3A_334 = arith.index_cast %scan3A_203 : i32 to index
      %get3A_335 = arith.constant 208 : index
      %get3A_336 = tpu.vector_load %arg7[%get3A_334, %get3A_335] {strides = array<i32>} : memref<128x256xf32, #tpu.memory_space<vmem>>, vector<16xf32>,
      %get3A_337 = arith.index_cast %scan3A_203 : i32 to index
      %get3A_338 = arith.constant 208 : index
      %get3A_339 = tpu.vector_load %arg8[%get3A_337, %get3A_338] {strides = array<i32>} : memref<128x256xf32, #tpu.memory_space<vmem>>, vector<16xf32>,
      %add3A_340 = arith.addf %get3A_336, %get3A_339 : vector<16xf32>
      %swap3A_341 = arith.index_cast %scan3A_203 : i32 to index
      %swap3A_342 = arith.constant 208 : index
      %swap3A_343 = tpu.vector_load %arg7[%swap3A_341, %swap3A_342] {strides = array<i32>} : memref<128x256xf32, #tpu.memory_space<vmem>>, vector<16xf32>,
      tpu.vector_store %arg7[%swap3A_341, %swap3A_342], %add3A_340 {strides = array<i32>} : memref<128x256xf32, #tpu.memory_space<vmem>>, vector<16xf32>,
      %get3A_344 = arith.index_cast %scan3A_203 : i32 to index
      %get3A_345 = arith.constant 224 : index
      %get3A_346 = tpu.vector_load %arg7[%get3A_344, %get3A_345] {strides = array<i32>} : memref<128x256xf32, #tpu.memory_space<vmem>>, vector<16xf32>,
      %get3A_347 = arith.index_cast %scan3A_203 : i32 to index
      %get3A_348 = arith.constant 224 : index
      %get3A_349 = tpu.vector_load %arg8[%get3A_347, %get3A_348] {strides = array<i32>} : memref<128x256xf32, #tpu.memory_space<vmem>>, vector<16xf32>,
      %add3A_350 = arith.addf %get3A_346, %get3A_349 : vector<16xf32>
      %swap3A_351 = arith.index_cast %scan3A_203 : i32 to index
      %swap3A_352 = arith.constant 224 : index
      %swap3A_353 = tpu.vector_load %arg7[%swap3A_351, %swap3A_352] {strides = array<i32>} : memref<128x256xf32, #tpu.memory_space<vmem>>, vector<16xf32>,
      tpu.vector_store %arg7[%swap3A_351, %swap3A_352], %add3A_350 {strides = array<i32>} : memref<128x256xf32, #tpu.memory_space<vmem>>, vector<16xf32>,
      %get3A_354 = arith.index_cast %scan3A_203 : i32 to index
      %get3A_355 = arith.constant 240 : index
      %get3A_356 = tpu.vector_load %arg7[%get3A_354, %get3A_355] {strides = array<i32>} : memref<128x256xf32, #tpu.memory_space<vmem>>, vector<16xf32>,
      %get3A_357 = arith.index_cast %scan3A_203 : i32 to index
      %get3A_358 = arith.constant 240 : index
      %get3A_359 = tpu.vector_load %arg8[%get3A_357, %get3A_358] {strides = array<i32>} : memref<128x256xf32, #tpu.memory_space<vmem>>, vector<16xf32>,
      %add3A_360 = arith.addf %get3A_356, %get3A_359 : vector<16xf32>
      %swap3A_361 = arith.index_cast %scan3A_203 : i32 to index
      %swap3A_362 = arith.constant 240 : index
      %swap3A_363 = tpu.vector_load %arg7[%swap3A_361, %swap3A_362] {strides = array<i32>} : memref<128x256xf32, #tpu.memory_space<vmem>>, vector<16xf32>,
      tpu.vector_store %arg7[%swap3A_361, %swap3A_362], %add3A_360 {strides = array<i32>} : memref<128x256xf32, #tpu.memory_space<vmem>>, vector<16xf32>,
      %scan3A_364 = arith.constant 2 : i32
      %scan3A_365 = arith.addi %scan3A_43, %scan3A_364 : i32
      %get3A_366 = arith.index_cast %scan3A_365 : i32 to index
      %get3A_367 = arith.constant 0 : index
      %get3A_368 = tpu.vector_load %arg7[%get3A_366, %get3A_367] {strides = array<i32>} : memref<128x256xf32, #tpu.memory_space<vmem>>, vector<16xf32>,
      %get3A_369 = arith.index_cast %scan3A_365 : i32 to index
      %get3A_370 = arith.constant 0 : index
      %get3A_371 = tpu.vector_load %arg8[%get3A_369, %get3A_370] {strides = array<i32>} : memref<128x256xf32, #tpu.memory_space<vmem>>, vector<16xf32>,
      %add3A_372 = arith.addf %get3A_368, %get3A_371 : vector<16xf32>
      %swap3A_373 = arith.index_cast %scan3A_365 : i32 to index
      %swap3A_374 = arith.constant 0 : index
      %swap3A_375 = tpu.vector_load %arg7[%swap3A_373, %swap3A_374] {strides = array<i32>} : memref<128x256xf32, #tpu.memory_space<vmem>>, vector<16xf32>,
      tpu.vector_store %arg7[%swap3A_373, %swap3A_374], %add3A_372 {strides = array<i32>} : memref<128x256xf32, #tpu.memory_space<vmem>>, vector<16xf32>,
      %get3A_376 = arith.index_cast %scan3A_365 : i32 to index
      %get3A_377 = arith.constant 16 : index
      %get3A_378 = tpu.vector_load %arg7[%get3A_376, %get3A_377] {strides = array<i32>} : memref<128x256xf32, #tpu.memory_space<vmem>>, vector<16xf32>,
      %get3A_379 = arith.index_cast %scan3A_365 : i32 to index
      %get3A_380 = arith.constant 16 : index
      %get3A_381 = tpu.vector_load %arg8[%get3A_379, %get3A_380] {strides = array<i32>} : memref<128x256xf32, #tpu.memory_space<vmem>>, vector<16xf32>,
      %add3A_382 = arith.addf %get3A_378, %get3A_381 : vector<16xf32>
      %swap3A_383 = arith.index_cast %scan3A_365 : i32 to index
      %swap3A_384 = arith.constant 16 : index
      %swap3A_385 = tpu.vector_load %arg7[%swap3A_383, %swap3A_384] {strides = array<i32>} : memref<128x256xf32, #tpu.memory_space<vmem>>, vector<16xf32>,
      tpu.vector_store %arg7[%swap3A_383, %swap3A_384], %add3A_382 {strides = array<i32>} : memref<128x256xf32, #tpu.memory_space<vmem>>, vector<16xf32>,
      %get3A_386 = arith.index_cast %scan3A_365 : i32 to index
      %get3A_387 = arith.constant 32 : index
      %get3A_388 = tpu.vector_load %arg7[%get3A_386, %get3A_387] {strides = array<i32>} : memref<128x256xf32, #tpu.memory_space<vmem>>, vector<16xf32>,
      %get3A_389 = arith.index_cast %scan3A_365 : i32 to index
      %get3A_390 = arith.constant 32 : index
      %get3A_391 = tpu.vector_load %arg8[%get3A_389, %get3A_390] {strides = array<i32>} : memref<128x256xf32, #tpu.memory_space<vmem>>, vector<16xf32>,
      %add3A_392 = arith.addf %get3A_388, %get3A_391 : vector<16xf32>
      %swap3A_393 = arith.index_cast %scan3A_365 : i32 to index
      %swap3A_394 = arith.constant 32 : index
      %swap3A_395 = tpu.vector_load %arg7[%swap3A_393, %swap3A_394] {strides = array<i32>} : memref<128x256xf32, #tpu.memory_space<vmem>>, vector<16xf32>,
      tpu.vector_store %arg7[%swap3A_393, %swap3A_394], %add3A_392 {strides = array<i32>} : memref<128x256xf32, #tpu.memory_space<vmem>>, vector<16xf32>,
      %get3A_396 = arith.index_cast %scan3A_365 : i32 to index
      %get3A_397 = arith.constant 48 : index
      %get3A_398 = tpu.vector_load %arg7[%get3A_396, %get3A_397] {strides = array<i32>} : memref<128x256xf32, #tpu.memory_space<vmem>>, vector<16xf32>,
      %get3A_399 = arith.index_cast %scan3A_365 : i32 to index
      %get3A_400 = arith.constant 48 : index
      %get3A_401 = tpu.vector_load %arg8[%get3A_399, %get3A_400] {strides = array<i32>} : memref<128x256xf32, #tpu.memory_space<vmem>>, vector<16xf32>,
      %add3A_402 = arith.addf %get3A_398, %get3A_401 : vector<16xf32>
      %swap3A_403 = arith.index_cast %scan3A_365 : i32 to index
      %swap3A_404 = arith.constant 48 : index
      %swap3A_405 = tpu.vector_load %arg7[%swap3A_403, %swap3A_404] {strides = array<i32>} : memref<128x256xf32, #tpu.memory_space<vmem>>, vector<16xf32>,
      tpu.vector_store %arg7[%swap3A_403, %swap3A_404], %add3A_402 {strides = array<i32>} : memref<128x256xf32, #tpu.memory_space<vmem>>, vector<16xf32>,
      %get3A_406 = arith.index_cast %scan3A_365 : i32 to index
      %get3A_407 = arith.constant 64 : index
      %get3A_408 = tpu.vector_load %arg7[%get3A_406, %get3A_407] {strides = array<i32>} : memref<128x256xf32, #tpu.memory_space<vmem>>, vector<16xf32>,
      %get3A_409 = arith.index_cast %scan3A_365 : i32 to index
      %get3A_410 = arith.constant 64 : index
      %get3A_411 = tpu.vector_load %arg8[%get3A_409, %get3A_410] {strides = array<i32>} : memref<128x256xf32, #tpu.memory_space<vmem>>, vector<16xf32>,
      %add3A_412 = arith.addf %get3A_408, %get3A_411 : vector<16xf32>
      %swap3A_413 = arith.index_cast %scan3A_365 : i32 to index
      %swap3A_414 = arith.constant 64 : index
      %swap3A_415 = tpu.vector_load %arg7[%swap3A_413, %swap3A_414] {strides = array<i32>} : memref<128x256xf32, #tpu.memory_space<vmem>>, vector<16xf32>,
      tpu.vector_store %arg7[%swap3A_413, %swap3A_414], %add3A_412 {strides = array<i32>} : memref<128x256xf32, #tpu.memory_space<vmem>>, vector<16xf32>,
      %get3A_416 = arith.index_cast %scan3A_365 : i32 to index
      %get3A_417 = arith.constant 80 : index
      %get3A_418 = tpu.vector_load %arg7[%get3A_416, %get3A_417] {strides = array<i32>} : memref<128x256xf32, #tpu.memory_space<vmem>>, vector<16xf32>,
      %get3A_419 = arith.index_cast %scan3A_365 : i32 to index
      %get3A_420 = arith.constant 80 : index
      %get3A_421 = tpu.vector_load %arg8[%get3A_419, %get3A_420] {strides = array<i32>} : memref<128x256xf32, #tpu.memory_space<vmem>>, vector<16xf32>,
      %add3A_422 = arith.addf %get3A_418, %get3A_421 : vector<16xf32>
      %swap3A_423 = arith.index_cast %scan3A_365 : i32 to index
      %swap3A_424 = arith.constant 80 : index
      %swap3A_425 = tpu.vector_load %arg7[%swap3A_423, %swap3A_424] {strides = array<i32>} : memref<128x256xf32, #tpu.memory_space<vmem>>, vector<16xf32>,
      tpu.vector_store %arg7[%swap3A_423, %swap3A_424], %add3A_422 {strides = array<i32>} : memref<128x256xf32, #tpu.memory_space<vmem>>, vector<16xf32>,
      %get3A_426 = arith.index_cast %scan3A_365 : i32 to index
      %get3A_427 = arith.constant 96 : index
      %get3A_428 = tpu.vector_load %arg7[%get3A_426, %get3A_427] {strides = array<i32>} : memref<128x256xf32, #tpu.memory_space<vmem>>, vector<16xf32>,
      %get3A_429 = arith.index_cast %scan3A_365 : i32 to index
      %get3A_430 = arith.constant 96 : index
      %get3A_431 = tpu.vector_load %arg8[%get3A_429, %get3A_430] {strides = array<i32>} : memref<128x256xf32, #tpu.memory_space<vmem>>, vector<16xf32>,
      %add3A_432 = arith.addf %get3A_428, %get3A_431 : vector<16xf32>
      %swap3A_433 = arith.index_cast %scan3A_365 : i32 to index
      %swap3A_434 = arith.constant 96 : index
      %swap3A_435 = tpu.vector_load %arg7[%swap3A_433, %swap3A_434] {strides = array<i32>} : memref<128x256xf32, #tpu.memory_space<vmem>>, vector<16xf32>,
      tpu.vector_store %arg7[%swap3A_433, %swap3A_434], %add3A_432 {strides = array<i32>} : memref<128x256xf32, #tpu.memory_space<vmem>>, vector<16xf32>,
      %get3A_436 = arith.index_cast %scan3A_365 : i32 to index
      %get3A_437 = arith.constant 112 : index
      %get3A_438 = tpu.vector_load %arg7[%get3A_436, %get3A_437] {strides = array<i32>} : memref<128x256xf32, #tpu.memory_space<vmem>>, vector<16xf32>,
      %get3A_439 = arith.index_cast %scan3A_365 : i32 to index
      %get3A_440 = arith.constant 112 : index
      %get3A_441 = tpu.vector_load %arg8[%get3A_439, %get3A_440] {strides = array<i32>} : memref<128x256xf32, #tpu.memory_space<vmem>>, vector<16xf32>,
      %add3A_442 = arith.addf %get3A_438, %get3A_441 : vector<16xf32>
      %swap3A_443 = arith.index_cast %scan3A_365 : i32 to index
      %swap3A_444 = arith.constant 112 : index
      %swap3A_445 = tpu.vector_load %arg7[%swap3A_443, %swap3A_444] {strides = array<i32>} : memref<128x256xf32, #tpu.memory_space<vmem>>, vector<16xf32>,
      tpu.vector_store %arg7[%swap3A_443, %swap3A_444], %add3A_442 {strides = array<i32>} : memref<128x256xf32, #tpu.memory_space<vmem>>, vector<16xf32>,
      %get3A_446 = arith.index_cast %scan3A_365 : i32 to index
      %get3A_447 = arith.constant 128 : index
      %get3A_448 = tpu.vector_load %arg7[%get3A_446, %get3A_447] {strides = array<i32>} : memref<128x256xf32, #tpu.memory_space<vmem>>, vector<16xf32>,
      %get3A_449 = arith.index_cast %scan3A_365 : i32 to index
      %get3A_450 = arith.constant 128 : index
      %get3A_451 = tpu.vector_load %arg8[%get3A_449, %get3A_450] {strides = array<i32>} : memref<128x256xf32, #tpu.memory_space<vmem>>, vector<16xf32>,
      %add3A_452 = arith.addf %get3A_448, %get3A_451 : vector<16xf32>
      %swap3A_453 = arith.index_cast %scan3A_365 : i32 to index
      %swap3A_454 = arith.constant 128 : index
      %swap3A_455 = tpu.vector_load %arg7[%swap3A_453, %swap3A_454] {strides = array<i32>} : memref<128x256xf32, #tpu.memory_space<vmem>>, vector<16xf32>,
      tpu.vector_store %arg7[%swap3A_453, %swap3A_454], %add3A_452 {strides = array<i32>} : memref<128x256xf32, #tpu.memory_space<vmem>>, vector<16xf32>,
      %get3A_456 = arith.index_cast %scan3A_365 : i32 to index
      %get3A_457 = arith.constant 144 : index
      %get3A_458 = tpu.vector_load %arg7[%get3A_456, %get3A_457] {strides = array<i32>} : memref<128x256xf32, #tpu.memory_space<vmem>>, vector<16xf32>,
      %get3A_459 = arith.index_cast %scan3A_365 : i32 to index
      %get3A_460 = arith.constant 144 : index
      %get3A_461 = tpu.vector_load %arg8[%get3A_459, %get3A_460] {strides = array<i32>} : memref<128x256xf32, #tpu.memory_space<vmem>>, vector<16xf32>,
      %add3A_462 = arith.addf %get3A_458, %get3A_461 : vector<16xf32>
      %swap3A_463 = arith.index_cast %scan3A_365 : i32 to index
      %swap3A_464 = arith.constant 144 : index
      %swap3A_465 = tpu.vector_load %arg7[%swap3A_463, %swap3A_464] {strides = array<i32>} : memref<128x256xf32, #tpu.memory_space<vmem>>, vector<16xf32>,
      tpu.vector_store %arg7[%swap3A_463, %swap3A_464], %add3A_462 {strides = array<i32>} : memref<128x256xf32, #tpu.memory_space<vmem>>, vector<16xf32>,
      %get3A_466 = arith.index_cast %scan3A_365 : i32 to index
      %get3A_467 = arith.constant 160 : index
      %get3A_468 = tpu.vector_load %arg7[%get3A_466, %get3A_467] {strides = array<i32>} : memref<128x256xf32, #tpu.memory_space<vmem>>, vector<16xf32>,
      %get3A_469 = arith.index_cast %scan3A_365 : i32 to index
      %get3A_470 = arith.constant 160 : index
      %get3A_471 = tpu.vector_load %arg8[%get3A_469, %get3A_470] {strides = array<i32>} : memref<128x256xf32, #tpu.memory_space<vmem>>, vector<16xf32>,
      %add3A_472 = arith.addf %get3A_468, %get3A_471 : vector<16xf32>
      %swap3A_473 = arith.index_cast %scan3A_365 : i32 to index
      %swap3A_474 = arith.constant 160 : index
      %swap3A_475 = tpu.vector_load %arg7[%swap3A_473, %swap3A_474] {strides = array<i32>} : memref<128x256xf32, #tpu.memory_space<vmem>>, vector<16xf32>,
      tpu.vector_store %arg7[%swap3A_473, %swap3A_474], %add3A_472 {strides = array<i32>} : memref<128x256xf32, #tpu.memory_space<vmem>>, vector<16xf32>,
      %get3A_476 = arith.index_cast %scan3A_365 : i32 to index
      %get3A_477 = arith.constant 176 : index
      %get3A_478 = tpu.vector_load %arg7[%get3A_476, %get3A_477] {strides = array<i32>} : memref<128x256xf32, #tpu.memory_space<vmem>>, vector<16xf32>,
      %get3A_479 = arith.index_cast %scan3A_365 : i32 to index
      %get3A_480 = arith.constant 176 : index
      %get3A_481 = tpu.vector_load %arg8[%get3A_479, %get3A_480] {strides = array<i32>} : memref<128x256xf32, #tpu.memory_space<vmem>>, vector<16xf32>,
      %add3A_482 = arith.addf %get3A_478, %get3A_481 : vector<16xf32>
      %swap3A_483 = arith.index_cast %scan3A_365 : i32 to index
      %swap3A_484 = arith.constant 176 : index
      %swap3A_485 = tpu.vector_load %arg7[%swap3A_483, %swap3A_484] {strides = array<i32>} : memref<128x256xf32, #tpu.memory_space<vmem>>, vector<16xf32>,
      tpu.vector_store %arg7[%swap3A_483, %swap3A_484], %add3A_482 {strides = array<i32>} : memref<128x256xf32, #tpu.memory_space<vmem>>, vector<16xf32>,
      %get3A_486 = arith.index_cast %scan3A_365 : i32 to index
      %get3A_487 = arith.constant 192 : index
      %get3A_488 = tpu.vector_load %arg7[%get3A_486, %get3A_487] {strides = array<i32>} : memref<128x256xf32, #tpu.memory_space<vmem>>, vector<16xf32>,
      %get3A_489 = arith.index_cast %scan3A_365 : i32 to index
      %get3A_490 = arith.constant 192 : index
      %get3A_491 = tpu.vector_load %arg8[%get3A_489, %get3A_490] {strides = array<i32>} : memref<128x256xf32, #tpu.memory_space<vmem>>, vector<16xf32>,
      %add3A_492 = arith.addf %get3A_488, %get3A_491 : vector<16xf32>
      %swap3A_493 = arith.index_cast %scan3A_365 : i32 to index
      %swap3A_494 = arith.constant 192 : index
      %swap3A_495 = tpu.vector_load %arg7[%swap3A_493, %swap3A_494] {strides = array<i32>} : memref<128x256xf32, #tpu.memory_space<vmem>>, vector<16xf32>,
      tpu.vector_store %arg7[%swap3A_493, %swap3A_494], %add3A_492 {strides = array<i32>} : memref<128x256xf32, #tpu.memory_space<vmem>>, vector<16xf32>,
      %get3A_496 = arith.index_cast %scan3A_365 : i32 to index
      %get3A_497 = arith.constant 208 : index
      %get3A_498 = tpu.vector_load %arg7[%get3A_496, %get3A_497] {strides = array<i32>} : memref<128x256xf32, #tpu.memory_space<vmem>>, vector<16xf32>,
      %get3A_499 = arith.index_cast %scan3A_365 : i32 to index
      %get3A_500 = arith.constant 208 : index
      %get3A_501 = tpu.vector_load %arg8[%get3A_499, %get3A_500] {strides = array<i32>} : memref<128x256xf32, #tpu.memory_space<vmem>>, vector<16xf32>,
      %add3A_502 = arith.addf %get3A_498, %get3A_501 : vector<16xf32>
      %swap3A_503 = arith.index_cast %scan3A_365 : i32 to index
      %swap3A_504 = arith.constant 208 : index
      %swap3A_505 = tpu.vector_load %arg7[%swap3A_503, %swap3A_504] {strides = array<i32>} : memref<128x256xf32, #tpu.memory_space<vmem>>, vector<16xf32>,
      tpu.vector_store %arg7[%swap3A_503, %swap3A_504], %add3A_502 {strides = array<i32>} : memref<128x256xf32, #tpu.memory_space<vmem>>, vector<16xf32>,
      %get3A_506 = arith.index_cast %scan3A_365 : i32 to index
      %get3A_507 = arith.constant 224 : index
      %get3A_508 = tpu.vector_load %arg7[%get3A_506, %get3A_507] {strides = array<i32>} : memref<128x256xf32, #tpu.memory_space<vmem>>, vector<16xf32>,
      %get3A_509 = arith.index_cast %scan3A_365 : i32 to index
      %get3A_510 = arith.constant 224 : index
      %get3A_511 = tpu.vector_load %arg8[%get3A_509, %get3A_510] {strides = array<i32>} : memref<128x256xf32, #tpu.memory_space<vmem>>, vector<16xf32>,
      %add3A_512 = arith.addf %get3A_508, %get3A_511 : vector<16xf32>
      %swap3A_513 = arith.index_cast %scan3A_365 : i32 to index
      %swap3A_514 = arith.constant 224 : index
      %swap3A_515 = tpu.vector_load %arg7[%swap3A_513, %swap3A_514] {strides = array<i32>} : memref<128x256xf32, #tpu.memory_space<vmem>>, vector<16xf32>,
      tpu.vector_store %arg7[%swap3A_513, %swap3A_514], %add3A_512 {strides = array<i32>} : memref<128x256xf32, #tpu.memory_space<vmem>>, vector<16xf32>,
      %get3A_516 = arith.index_cast %scan3A_365 : i32 to index
      %get3A_517 = arith.constant 240 : index
      %get3A_518 = tpu.vector_load %arg7[%get3A_516, %get3A_517] {strides = array<i32>} : memref<128x256xf32, #tpu.memory_space<vmem>>, vector<16xf32>,
      %get3A_519 = arith.index_cast %scan3A_365 : i32 to index
      %get3A_520 = arith.constant 240 : index
      %get3A_521 = tpu.vector_load %arg8[%get3A_519, %get3A_520] {strides = array<i32>} : memref<128x256xf32, #tpu.memory_space<vmem>>, vector<16xf32>,
      %add3A_522 = arith.addf %get3A_518, %get3A_521 : vector<16xf32>
      %swap3A_523 = arith.index_cast %scan3A_365 : i32 to index
      %swap3A_524 = arith.constant 240 : index
      %swap3A_525 = tpu.vector_load %arg7[%swap3A_523, %swap3A_524] {strides = array<i32>} : memref<128x256xf32, #tpu.memory_space<vmem>>, vector<16xf32>,
      tpu.vector_store %arg7[%swap3A_523, %swap3A_524], %add3A_522 {strides = array<i32>} : memref<128x256xf32, #tpu.memory_space<vmem>>, vector<16xf32>,
      %scan3A_526 = arith.constant 3 : i32
      %scan3A_527 = arith.addi %scan3A_43, %scan3A_526 : i32
      %get3A_528 = arith.index_cast %scan3A_527 : i32 to index
      %get3A_529 = arith.constant 0 : index
      %get3A_530 = tpu.vector_load %arg7[%get3A_528, %get3A_529] {strides = array<i32>} : memref<128x256xf32, #tpu.memory_space<vmem>>, vector<16xf32>,
      %get3A_531 = arith.index_cast %scan3A_527 : i32 to index
      %get3A_532 = arith.constant 0 : index
      %get3A_533 = tpu.vector_load %arg8[%get3A_531, %get3A_532] {strides = array<i32>} : memref<128x256xf32, #tpu.memory_space<vmem>>, vector<16xf32>,
      %add3A_534 = arith.addf %get3A_530, %get3A_533 : vector<16xf32>
      %swap3A_535 = arith.index_cast %scan3A_527 : i32 to index
      %swap3A_536 = arith.constant 0 : index
      %swap3A_537 = tpu.vector_load %arg7[%swap3A_535, %swap3A_536] {strides = array<i32>} : memref<128x256xf32, #tpu.memory_space<vmem>>, vector<16xf32>,
      tpu.vector_store %arg7[%swap3A_535, %swap3A_536], %add3A_534 {strides = array<i32>} : memref<128x256xf32, #tpu.memory_space<vmem>>, vector<16xf32>,
      %get3A_538 = arith.index_cast %scan3A_527 : i32 to index
      %get3A_539 = arith.constant 16 : index
      %get3A_540 = tpu.vector_load %arg7[%get3A_538, %get3A_539] {strides = array<i32>} : memref<128x256xf32, #tpu.memory_space<vmem>>, vector<16xf32>,
      %get3A_541 = arith.index_cast %scan3A_527 : i32 to index
      %get3A_542 = arith.constant 16 : index
      %get3A_543 = tpu.vector_load %arg8[%get3A_541, %get3A_542] {strides = array<i32>} : memref<128x256xf32, #tpu.memory_space<vmem>>, vector<16xf32>,
      %add3A_544 = arith.addf %get3A_540, %get3A_543 : vector<16xf32>
      %swap3A_545 = arith.index_cast %scan3A_527 : i32 to index
      %swap3A_546 = arith.constant 16 : index
      %swap3A_547 = tpu.vector_load %arg7[%swap3A_545, %swap3A_546] {strides = array<i32>} : memref<128x256xf32, #tpu.memory_space<vmem>>, vector<16xf32>,
      tpu.vector_store %arg7[%swap3A_545, %swap3A_546], %add3A_544 {strides = array<i32>} : memref<128x256xf32, #tpu.memory_space<vmem>>, vector<16xf32>,
      %get3A_548 = arith.index_cast %scan3A_527 : i32 to index
      %get3A_549 = arith.constant 32 : index
      %get3A_550 = tpu.vector_load %arg7[%get3A_548, %get3A_549] {strides = array<i32>} : memref<128x256xf32, #tpu.memory_space<vmem>>, vector<16xf32>,
      %get3A_551 = arith.index_cast %scan3A_527 : i32 to index
      %get3A_552 = arith.constant 32 : index
      %get3A_553 = tpu.vector_load %arg8[%get3A_551, %get3A_552] {strides = array<i32>} : memref<128x256xf32, #tpu.memory_space<vmem>>, vector<16xf32>,
      %add3A_554 = arith.addf %get3A_550, %get3A_553 : vector<16xf32>
      %swap3A_555 = arith.index_cast %scan3A_527 : i32 to index
      %swap3A_556 = arith.constant 32 : index
      %swap3A_557 = tpu.vector_load %arg7[%swap3A_555, %swap3A_556] {strides = array<i32>} : memref<128x256xf32, #tpu.memory_space<vmem>>, vector<16xf32>,
      tpu.vector_store %arg7[%swap3A_555, %swap3A_556], %add3A_554 {strides = array<i32>} : memref<128x256xf32, #tpu.memory_space<vmem>>, vector<16xf32>,
      %get3A_558 = arith.index_cast %scan3A_527 : i32 to index
      %get3A_559 = arith.constant 48 : index
      %get3A_560 = tpu.vector_load %arg7[%get3A_558, %get3A_559] {strides = array<i32>} : memref<128x256xf32, #tpu.memory_space<vmem>>, vector<16xf32>,
      %get3A_561 = arith.index_cast %scan3A_527 : i32 to index
      %get3A_562 = arith.constant 48 : index
      %get3A_563 = tpu.vector_load %arg8[%get3A_561, %get3A_562] {strides = array<i32>} : memref<128x256xf32, #tpu.memory_space<vmem>>, vector<16xf32>,
      %add3A_564 = arith.addf %get3A_560, %get3A_563 : vector<16xf32>
      %swap3A_565 = arith.index_cast %scan3A_527 : i32 to index
      %swap3A_566 = arith.constant 48 : index
      %swap3A_567 = tpu.vector_load %arg7[%swap3A_565, %swap3A_566] {strides = array<i32>} : memref<128x256xf32, #tpu.memory_space<vmem>>, vector<16xf32>,
      tpu.vector_store %arg7[%swap3A_565, %swap3A_566], %add3A_564 {strides = array<i32>} : memref<128x256xf32, #tpu.memory_space<vmem>>, vector<16xf32>,
      %get3A_568 = arith.index_cast %scan3A_527 : i32 to index
      %get3A_569 = arith.constant 64 : index
      %get3A_570 = tpu.vector_load %arg7[%get3A_568, %get3A_569] {strides = array<i32>} : memref<128x256xf32, #tpu.memory_space<vmem>>, vector<16xf32>,
      %get3A_571 = arith.index_cast %scan3A_527 : i32 to index
      %get3A_572 = arith.constant 64 : index
      %get3A_573 = tpu.vector_load %arg8[%get3A_571, %get3A_572] {strides = array<i32>} : memref<128x256xf32, #tpu.memory_space<vmem>>, vector<16xf32>,
      %add3A_574 = arith.addf %get3A_570, %get3A_573 : vector<16xf32>
      %swap3A_575 = arith.index_cast %scan3A_527 : i32 to index
      %swap3A_576 = arith.constant 64 : index
      %swap3A_577 = tpu.vector_load %arg7[%swap3A_575, %swap3A_576] {strides = array<i32>} : memref<128x256xf32, #tpu.memory_space<vmem>>, vector<16xf32>,
      tpu.vector_store %arg7[%swap3A_575, %swap3A_576], %add3A_574 {strides = array<i32>} : memref<128x256xf32, #tpu.memory_space<vmem>>, vector<16xf32>,
      %get3A_578 = arith.index_cast %scan3A_527 : i32 to index
      %get3A_579 = arith.constant 80 : index
      %get3A_580 = tpu.vector_load %arg7[%get3A_578, %get3A_579] {strides = array<i32>} : memref<128x256xf32, #tpu.memory_space<vmem>>, vector<16xf32>,
      %get3A_581 = arith.index_cast %scan3A_527 : i32 to index
      %get3A_582 = arith.constant 80 : index
      %get3A_583 = tpu.vector_load %arg8[%get3A_581, %get3A_582] {strides = array<i32>} : memref<128x256xf32, #tpu.memory_space<vmem>>, vector<16xf32>,
      %add3A_584 = arith.addf %get3A_580, %get3A_583 : vector<16xf32>
      %swap3A_585 = arith.index_cast %scan3A_527 : i32 to index
      %swap3A_586 = arith.constant 80 : index
      %swap3A_587 = tpu.vector_load %arg7[%swap3A_585, %swap3A_586] {strides = array<i32>} : memref<128x256xf32, #tpu.memory_space<vmem>>, vector<16xf32>,
      tpu.vector_store %arg7[%swap3A_585, %swap3A_586], %add3A_584 {strides = array<i32>} : memref<128x256xf32, #tpu.memory_space<vmem>>, vector<16xf32>,
      %get3A_588 = arith.index_cast %scan3A_527 : i32 to index
      %get3A_589 = arith.constant 96 : index
      %get3A_590 = tpu.vector_load %arg7[%get3A_588, %get3A_589] {strides = array<i32>} : memref<128x256xf32, #tpu.memory_space<vmem>>, vector<16xf32>,
      %get3A_591 = arith.index_cast %scan3A_527 : i32 to index
      %get3A_592 = arith.constant 96 : index
      %get3A_593 = tpu.vector_load %arg8[%get3A_591, %get3A_592] {strides = array<i32>} : memref<128x256xf32, #tpu.memory_space<vmem>>, vector<16xf32>,
      %add3A_594 = arith.addf %get3A_590, %get3A_593 : vector<16xf32>
      %swap3A_595 = arith.index_cast %scan3A_527 : i32 to index
      %swap3A_596 = arith.constant 96 : index
      %swap3A_597 = tpu.vector_load %arg7[%swap3A_595, %swap3A_596] {strides = array<i32>} : memref<128x256xf32, #tpu.memory_space<vmem>>, vector<16xf32>,
      tpu.vector_store %arg7[%swap3A_595, %swap3A_596], %add3A_594 {strides = array<i32>} : memref<128x256xf32, #tpu.memory_space<vmem>>, vector<16xf32>,
      %get3A_598 = arith.index_cast %scan3A_527 : i32 to index
      %get3A_599 = arith.constant 112 : index
      %get3A_600 = tpu.vector_load %arg7[%get3A_598, %get3A_599] {strides = array<i32>} : memref<128x256xf32, #tpu.memory_space<vmem>>, vector<16xf32>,
      %get3A_601 = arith.index_cast %scan3A_527 : i32 to index
      %get3A_602 = arith.constant 112 : index
      %get3A_603 = tpu.vector_load %arg8[%get3A_601, %get3A_602] {strides = array<i32>} : memref<128x256xf32, #tpu.memory_space<vmem>>, vector<16xf32>,
      %add3A_604 = arith.addf %get3A_600, %get3A_603 : vector<16xf32>
      %swap3A_605 = arith.index_cast %scan3A_527 : i32 to index
      %swap3A_606 = arith.constant 112 : index
      %swap3A_607 = tpu.vector_load %arg7[%swap3A_605, %swap3A_606] {strides = array<i32>} : memref<128x256xf32, #tpu.memory_space<vmem>>, vector<16xf32>,
      tpu.vector_store %arg7[%swap3A_605, %swap3A_606], %add3A_604 {strides = array<i32>} : memref<128x256xf32, #tpu.memory_space<vmem>>, vector<16xf32>,
      %get3A_608 = arith.index_cast %scan3A_527 : i32 to index
      %get3A_609 = arith.constant 128 : index
      %get3A_610 = tpu.vector_load %arg7[%get3A_608, %get3A_609] {strides = array<i32>} : memref<128x256xf32, #tpu.memory_space<vmem>>, vector<16xf32>,
      %get3A_611 = arith.index_cast %scan3A_527 : i32 to index
      %get3A_612 = arith.constant 128 : index
      %get3A_613 = tpu.vector_load %arg8[%get3A_611, %get3A_612] {strides = array<i32>} : memref<128x256xf32, #tpu.memory_space<vmem>>, vector<16xf32>,
      %add3A_614 = arith.addf %get3A_610, %get3A_613 : vector<16xf32>
      %swap3A_615 = arith.index_cast %scan3A_527 : i32 to index
      %swap3A_616 = arith.constant 128 : index
      %swap3A_617 = tpu.vector_load %arg7[%swap3A_615, %swap3A_616] {strides = array<i32>} : memref<128x256xf32, #tpu.memory_space<vmem>>, vector<16xf32>,
      tpu.vector_store %arg7[%swap3A_615, %swap3A_616], %add3A_614 {strides = array<i32>} : memref<128x256xf32, #tpu.memory_space<vmem>>, vector<16xf32>,
      %get3A_618 = arith.index_cast %scan3A_527 : i32 to index
      %get3A_619 = arith.constant 144 : index
      %get3A_620 = tpu.vector_load %arg7[%get3A_618, %get3A_619] {strides = array<i32>} : memref<128x256xf32, #tpu.memory_space<vmem>>, vector<16xf32>,
      %get3A_621 = arith.index_cast %scan3A_527 : i32 to index
      %get3A_622 = arith.constant 144 : index
      %get3A_623 = tpu.vector_load %arg8[%get3A_621, %get3A_622] {strides = array<i32>} : memref<128x256xf32, #tpu.memory_space<vmem>>, vector<16xf32>,
      %add3A_624 = arith.addf %get3A_620, %get3A_623 : vector<16xf32>
      %swap3A_625 = arith.index_cast %scan3A_527 : i32 to index
      %swap3A_626 = arith.constant 144 : index
      %swap3A_627 = tpu.vector_load %arg7[%swap3A_625, %swap3A_626] {strides = array<i32>} : memref<128x256xf32, #tpu.memory_space<vmem>>, vector<16xf32>,
      tpu.vector_store %arg7[%swap3A_625, %swap3A_626], %add3A_624 {strides = array<i32>} : memref<128x256xf32, #tpu.memory_space<vmem>>, vector<16xf32>,
      %get3A_628 = arith.index_cast %scan3A_527 : i32 to index
      %get3A_629 = arith.constant 160 : index
      %get3A_630 = tpu.vector_load %arg7[%get3A_628, %get3A_629] {strides = array<i32>} : memref<128x256xf32, #tpu.memory_space<vmem>>, vector<16xf32>,
      %get3A_631 = arith.index_cast %scan3A_527 : i32 to index
      %get3A_632 = arith.constant 160 : index
      %get3A_633 = tpu.vector_load %arg8[%get3A_631, %get3A_632] {strides = array<i32>} : memref<128x256xf32, #tpu.memory_space<vmem>>, vector<16xf32>,
      %add3A_634 = arith.addf %get3A_630, %get3A_633 : vector<16xf32>
      %swap3A_635 = arith.index_cast %scan3A_527 : i32 to index
      %swap3A_636 = arith.constant 160 : index
      %swap3A_637 = tpu.vector_load %arg7[%swap3A_635, %swap3A_636] {strides = array<i32>} : memref<128x256xf32, #tpu.memory_space<vmem>>, vector<16xf32>,
      tpu.vector_store %arg7[%swap3A_635, %swap3A_636], %add3A_634 {strides = array<i32>} : memref<128x256xf32, #tpu.memory_space<vmem>>, vector<16xf32>,
      %get3A_638 = arith.index_cast %scan3A_527 : i32 to index
      %get3A_639 = arith.constant 176 : index
      %get3A_640 = tpu.vector_load %arg7[%get3A_638, %get3A_639] {strides = array<i32>} : memref<128x256xf32, #tpu.memory_space<vmem>>, vector<16xf32>,
      %get3A_641 = arith.index_cast %scan3A_527 : i32 to index
      %get3A_642 = arith.constant 176 : index
      %get3A_643 = tpu.vector_load %arg8[%get3A_641, %get3A_642] {strides = array<i32>} : memref<128x256xf32, #tpu.memory_space<vmem>>, vector<16xf32>,
      %add3A_644 = arith.addf %get3A_640, %get3A_643 : vector<16xf32>
      %swap3A_645 = arith.index_cast %scan3A_527 : i32 to index
      %swap3A_646 = arith.constant 176 : index
      %swap3A_647 = tpu.vector_load %arg7[%swap3A_645, %swap3A_646] {strides = array<i32>} : memref<128x256xf32, #tpu.memory_space<vmem>>, vector<16xf32>,
      tpu.vector_store %arg7[%swap3A_645, %swap3A_646], %add3A_644 {strides = array<i32>} : memref<128x256xf32, #tpu.memory_space<vmem>>, vector<16xf32>,
      %get3A_648 = arith.index_cast %scan3A_527 : i32 to index
      %get3A_649 = arith.constant 192 : index
      %get3A_650 = tpu.vector_load %arg7[%get3A_648, %get3A_649] {strides = array<i32>} : memref<128x256xf32, #tpu.memory_space<vmem>>, vector<16xf32>,
      %get3A_651 = arith.index_cast %scan3A_527 : i32 to index
      %get3A_652 = arith.constant 192 : index
      %get3A_653 = tpu.vector_load %arg8[%get3A_651, %get3A_652] {strides = array<i32>} : memref<128x256xf32, #tpu.memory_space<vmem>>, vector<16xf32>,
      %add3A_654 = arith.addf %get3A_650, %get3A_653 : vector<16xf32>
      %swap3A_655 = arith.index_cast %scan3A_527 : i32 to index
      %swap3A_656 = arith.constant 192 : index
      %swap3A_657 = tpu.vector_load %arg7[%swap3A_655, %swap3A_656] {strides = array<i32>} : memref<128x256xf32, #tpu.memory_space<vmem>>, vector<16xf32>,
      tpu.vector_store %arg7[%swap3A_655, %swap3A_656], %add3A_654 {strides = array<i32>} : memref<128x256xf32, #tpu.memory_space<vmem>>, vector<16xf32>,
      %get3A_658 = arith.index_cast %scan3A_527 : i32 to index
      %get3A_659 = arith.constant 208 : index
      %get3A_660 = tpu.vector_load %arg7[%get3A_658, %get3A_659] {strides = array<i32>} : memref<128x256xf32, #tpu.memory_space<vmem>>, vector<16xf32>,
      %get3A_661 = arith.index_cast %scan3A_527 : i32 to index
      %get3A_662 = arith.constant 208 : index
      %get3A_663 = tpu.vector_load %arg8[%get3A_661, %get3A_662] {strides = array<i32>} : memref<128x256xf32, #tpu.memory_space<vmem>>, vector<16xf32>,
      %add3A_664 = arith.addf %get3A_660, %get3A_663 : vector<16xf32>
      %swap3A_665 = arith.index_cast %scan3A_527 : i32 to index
      %swap3A_666 = arith.constant 208 : index
      %swap3A_667 = tpu.vector_load %arg7[%swap3A_665, %swap3A_666] {strides = array<i32>} : memref<128x256xf32, #tpu.memory_space<vmem>>, vector<16xf32>,
      tpu.vector_store %arg7[%swap3A_665, %swap3A_666], %add3A_664 {strides = array<i32>} : memref<128x256xf32, #tpu.memory_space<vmem>>, vector<16xf32>,
      %get3A_668 = arith.index_cast %scan3A_527 : i32 to index
      %get3A_669 = arith.constant 224 : index
      %get3A_670 = tpu.vector_load %arg7[%get3A_668, %get3A_669] {strides = array<i32>} : memref<128x256xf32, #tpu.memory_space<vmem>>, vector<16xf32>,
      %get3A_671 = arith.index_cast %scan3A_527 : i32 to index
      %get3A_672 = arith.constant 224 : index
      %get3A_673 = tpu.vector_load %arg8[%get3A_671, %get3A_672] {strides = array<i32>} : memref<128x256xf32, #tpu.memory_space<vmem>>, vector<16xf32>,
      %add3A_674 = arith.addf %get3A_670, %get3A_673 : vector<16xf32>
      %swap3A_675 = arith.index_cast %scan3A_527 : i32 to index
      %swap3A_676 = arith.constant 224 : index
      %swap3A_677 = tpu.vector_load %arg7[%swap3A_675, %swap3A_676] {strides = array<i32>} : memref<128x256xf32, #tpu.memory_space<vmem>>, vector<16xf32>,
      tpu.vector_store %arg7[%swap3A_675, %swap3A_676], %add3A_674 {strides = array<i32>} : memref<128x256xf32, #tpu.memory_space<vmem>>, vector<16xf32>,
      %get3A_678 = arith.index_cast %scan3A_527 : i32 to index
      %get3A_679 = arith.constant 240 : index
      %get3A_680 = tpu.vector_load %arg7[%get3A_678, %get3A_679] {strides = array<i32>} : memref<128x256xf32, #tpu.memory_space<vmem>>, vector<16xf32>,
      %get3A_681 = arith.index_cast %scan3A_527 : i32 to index
      %get3A_682 = arith.constant 240 : index
      %get3A_683 = tpu.vector_load %arg8[%get3A_681, %get3A_682] {strides = array<i32>} : memref<128x256xf32, #tpu.memory_space<vmem>>, vector<16xf32>,
      %add3A_684 = arith.addf %get3A_680, %get3A_683 : vector<16xf32>
      %swap3A_685 = arith.index_cast %scan3A_527 : i32 to index
      %swap3A_686 = arith.constant 240 : index
      %swap3A_687 = tpu.vector_load %arg7[%swap3A_685, %swap3A_686] {strides = array<i32>} : memref<128x256xf32, #tpu.memory_space<vmem>>, vector<16xf32>,
      tpu.vector_store %arg7[%swap3A_685, %swap3A_686], %add3A_684 {strides = array<i32>} : memref<128x256xf32, #tpu.memory_space<vmem>>, vector<16xf32>,
    }
    %scan3A_19 = arith.constant 128 : i32
    "tpu.region"() ({
      %run_scoped3A_43 = tpu.sem_alloc : memref<!tpu.dma_semaphore, #tpu.memory_space<semaphore_mem>>
      %dma_start3A_44 = arith.constant 0 : i32
      %dma_start3A_45 = tpu.memref_slice %arg4[%add3A_4, %dma_start3A_44] : memref<8192x256xf32, #tpu.memory_space<hbm>> -> memref<128x256xf32, #tpu.memory_space<hbm>>
      %dma_start3A_46 = arith.constant 0 : i32
      %dma_start3A_47 = tpu.memref_slice %arg4[%add3A_4, %dma_start3A_46] : memref<8192x256xf32, #tpu.memory_space<hbm>> -> memref<128x256xf32, #tpu.memory_space<hbm>>
      tpu.enqueue_dma source(%arg7 : memref<128x256xf32, #tpu.memory_space<vmem>>) target(%dma_start3A_47 : memref<128x256xf32, #tpu.memory_space<hbm>>) target_semaphore(%run_scoped3A_43 : memref<!tpu.dma_semaphore, #tpu.memory_space<semaphore_mem>>)
      %dma_wait3A_48 = arith.constant 0 : i32
      %dma_wait3A_49 = tpu.memref_slice %arg4[%add3A_4, %dma_wait3A_48] : memref<8192x256xf32, #tpu.memory_space<hbm>> -> memref<128x256xf32, #tpu.memory_space<hbm>>
      %dma_wait3A_50 = arith.constant 0 : i32
      %dma_wait3A_51 = tpu.memref_slice %arg4[%add3A_4, %dma_wait3A_50] : memref<8192x256xf32, #tpu.memory_space<hbm>> -> memref<128x256xf32, #tpu.memory_space<hbm>>
      tpu.wait_dma2 semaphore(%run_scoped3A_43 : memref<!tpu.dma_semaphore, #tpu.memory_space<semaphore_mem>>) src(%arg7 : memref<128x256xf32, #tpu.memory_space<vmem>>) dst(%dma_wait3A_51 : memref<128x256xf32, #tpu.memory_space<hbm>>)
      tpu.yield
    }) : () -> ()
    %mul3A_20 = arith.constant 256 : i32
    %mul3A_21 = arith.muli %add3A, %mul3A_20 : i32
    %add3A_22 = arith.constant 128 : i32
    %add3A_23 = arith.addi %mul3A_21, %add3A_22 : i32
    %run_scoped3A_24 = arith.constant 0 : i32
    "tpu.region"() ({
      %run_scoped3A_43 = tpu.sem_alloc : memref<!tpu.dma_semaphore, #tpu.memory_space<semaphore_mem>>
      %dma_start3A_44 = tpu.memref_slice %arg2[%run_scoped3A_24, %add3A_23] : memref<2x8192xi32, #tpu.memory_space<hbm>> -> memref<1x128xi32, #tpu.memory_space<hbm>>
      %dma_start3A_45 = tpu.memref_squeeze %dma_start3A_44 : memref<1x128xi32, #tpu.memory_space<hbm>> -> memref<128xi32, #tpu.memory_space<hbm>>
      %dma_start3A_46 = tpu.memref_slice %arg2[%run_scoped3A_24, %add3A_23] : memref<2x8192xi32, #tpu.memory_space<hbm>> -> memref<1x128xi32, #tpu.memory_space<hbm>>
      %dma_start3A_47 = tpu.memref_squeeze %dma_start3A_46 : memref<1x128xi32, #tpu.memory_space<hbm>> -> memref<128xi32, #tpu.memory_space<hbm>>
      tpu.enqueue_dma source(%dma_start3A_47 : memref<128xi32, #tpu.memory_space<hbm>>) target(%arg5 : memref<128xi32, #tpu.memory_space<vmem>>) target_semaphore(%run_scoped3A_43 : memref<!tpu.dma_semaphore, #tpu.memory_space<semaphore_mem>>)
      %dma_wait3A_48 = tpu.memref_slice %arg2[%run_scoped3A_24, %add3A_23] : memref<2x8192xi32, #tpu.memory_space<hbm>> -> memref<1x128xi32, #tpu.memory_space<hbm>>
      %dma_wait3A_49 = tpu.memref_squeeze %dma_wait3A_48 : memref<1x128xi32, #tpu.memory_space<hbm>> -> memref<128xi32, #tpu.memory_space<hbm>>
      %dma_wait3A_50 = tpu.memref_slice %arg2[%run_scoped3A_24, %add3A_23] : memref<2x8192xi32, #tpu.memory_space<hbm>> -> memref<1x128xi32, #tpu.memory_space<hbm>>
      %dma_wait3A_51 = tpu.memref_squeeze %dma_wait3A_50 : memref<1x128xi32, #tpu.memory_space<hbm>> -> memref<128xi32, #tpu.memory_space<hbm>>
      tpu.wait_dma2 semaphore(%run_scoped3A_43 : memref<!tpu.dma_semaphore, #tpu.memory_space<semaphore_mem>>) src(%dma_wait3A_51 : memref<128xi32, #tpu.memory_space<hbm>>) dst(%arg5 : memref<128xi32, #tpu.memory_space<vmem>>)
      tpu.yield
    }) : () -> ()
    %run_scoped3A_25 = arith.constant 1 : i32
    "tpu.region"() ({
      %run_scoped3A_43 = tpu.sem_alloc : memref<!tpu.dma_semaphore, #tpu.memory_space<semaphore_mem>>
      %dma_start3A_44 = tpu.memref_slice %arg2[%run_scoped3A_25, %add3A_23] : memref<2x8192xi32, #tpu.memory_space<hbm>> -> memref<1x128xi32, #tpu.memory_space<hbm>>
      %dma_start3A_45 = tpu.memref_squeeze %dma_start3A_44 : memref<1x128xi32, #tpu.memory_space<hbm>> -> memref<128xi32, #tpu.memory_space<hbm>>
      %dma_start3A_46 = tpu.memref_slice %arg2[%run_scoped3A_25, %add3A_23] : memref<2x8192xi32, #tpu.memory_space<hbm>> -> memref<1x128xi32, #tpu.memory_space<hbm>>
      %dma_start3A_47 = tpu.memref_squeeze %dma_start3A_46 : memref<1x128xi32, #tpu.memory_space<hbm>> -> memref<128xi32, #tpu.memory_space<hbm>>
      tpu.enqueue_dma source(%dma_start3A_47 : memref<128xi32, #tpu.memory_space<hbm>>) target(%arg6 : memref<128xi32, #tpu.memory_space<vmem>>) target_semaphore(%run_scoped3A_43 : memref<!tpu.dma_semaphore, #tpu.memory_space<semaphore_mem>>)
      %dma_wait3A_48 = tpu.memref_slice %arg2[%run_scoped3A_25, %add3A_23] : memref<2x8192xi32, #tpu.memory_space<hbm>> -> memref<1x128xi32, #tpu.memory_space<hbm>>
      %dma_wait3A_49 = tpu.memref_squeeze %dma_wait3A_48 : memref<1x128xi32, #tpu.memory_space<hbm>> -> memref<128xi32, #tpu.memory_space<hbm>>
      %dma_wait3A_50 = tpu.memref_slice %arg2[%run_scoped3A_25, %add3A_23] : memref<2x8192xi32, #tpu.memory_space<hbm>> -> memref<1x128xi32, #tpu.memory_space<hbm>>
      %dma_wait3A_51 = tpu.memref_squeeze %dma_wait3A_50 : memref<1x128xi32, #tpu.memory_space<hbm>> -> memref<128xi32, #tpu.memory_space<hbm>>
      tpu.wait_dma2 semaphore(%run_scoped3A_43 : memref<!tpu.dma_semaphore, #tpu.memory_space<semaphore_mem>>) src(%dma_wait3A_51 : memref<128xi32, #tpu.memory_space<hbm>>) dst(%arg6 : memref<128xi32, #tpu.memory_space<vmem>>)
      tpu.yield
    }) : () -> ()
    %dma_start3A_26 = arith.constant 0 : i32
    %dma_start3A_27 = arith.constant 0 : i32
    %dma_start3A_28 = tpu.memref_slice %arg3[%dma_start3A_26, %dma_start3A_27] : memref<20480x256xf32, #tpu.memory_space<hbm>> -> memref<20480x256xf32, #tpu.memory_space<hbm>>
    tpu.enqueue_indirect_dma source(%dma_start3A_28 : memref<20480x256xf32, #tpu.memory_space<hbm>>) target(%arg7 : memref<128x256xf32, #tpu.memory_space<vmem>>) offsets(%arg5 : memref<128xi32, #tpu.memory_space<vmem>>) semaphore(%arg9 : memref<!tpu.dma_semaphore, #tpu.memory_space<semaphore_mem>>)
    %dma_start3A_29 = arith.constant 0 : i32
    %dma_start3A_30 = arith.constant 0 : i32
    %dma_start3A_31 = tpu.memref_slice %arg3[%dma_start3A_29, %dma_start3A_30] : memref<20480x256xf32, #tpu.memory_space<hbm>> -> memref<20480x256xf32, #tpu.memory_space<hbm>>
    tpu.enqueue_indirect_dma source(%dma_start3A_31 : memref<20480x256xf32, #tpu.memory_space<hbm>>) target(%arg8 : memref<128x256xf32, #tpu.memory_space<vmem>>) offsets(%arg6 : memref<128xi32, #tpu.memory_space<vmem>>) semaphore(%arg10 : memref<!tpu.dma_semaphore, #tpu.memory_space<semaphore_mem>>)
    %dma_wait3A_32 = arith.constant 0 : i32
    %dma_wait3A_33 = arith.constant 0 : i32
    %dma_wait3A_34 = tpu.memref_slice %arg3[%dma_wait3A_32, %dma_wait3A_33] : memref<20480x256xf32, #tpu.memory_space<hbm>> -> memref<20480x256xf32, #tpu.memory_space<hbm>>
    tpu.wait_indirect_dma semaphore(%arg9 : memref<!tpu.dma_semaphore, #tpu.memory_space<semaphore_mem>>) src(%dma_wait3A_34 : memref<20480x256xf32, #tpu.memory_space<hbm>>) dst(%arg7 : memref<128x256xf32, #tpu.memory_space<vmem>>)
    %dma_wait3A_35 = arith.constant 0 : i32
    %dma_wait3A_36 = arith.constant 0 : i32
    %dma_wait3A_37 = tpu.memref_slice %arg3[%dma_wait3A_35, %dma_wait3A_36] : memref<20480x256xf32, #tpu.memory_space<hbm>> -> memref<20480x256xf32, #tpu.memory_space<hbm>>
    tpu.wait_indirect_dma semaphore(%arg10 : memref<!tpu.dma_semaphore, #tpu.memory_space<semaphore_mem>>) src(%dma_wait3A_37 : memref<20480x256xf32, #tpu.memory_space<hbm>>) dst(%arg8 : memref<128x256xf32, #tpu.memory_space<vmem>>)
    %scan3A_38 = arith.constant 0 : i32
    %scan3A_39 = arith.constant 128 : i32
    %scan3A_40 = arith.addi %scan3A_38, %scan3A_39 : i32
    %scan3A_41 = arith.constant 4 : i32
    scf.for %scan3A_43 = %scan3A_38 to %scan3A_40 step %scan3A_41  : i32 {
      %get3A = arith.index_cast %scan3A_43 : i32 to index
      %get3A_44 = arith.constant 0 : index
      %get3A_45 = tpu.vector_load %arg7[%get3A, %get3A_44] {strides = array<i32>} : memref<128x256xf32, #tpu.memory_space<vmem>>, vector<16xf32>,
      %get3A_46 = arith.index_cast %scan3A_43 : i32 to index
      %get3A_47 = arith.constant 0 : index
      %get3A_48 = tpu.vector_load %arg8[%get3A_46, %get3A_47] {strides = array<i32>} : memref<128x256xf32, #tpu.memory_space<vmem>>, vector<16xf32>,
      %add3A_49 = arith.addf %get3A_45, %get3A_48 : vector<16xf32>
      %swap3A = arith.index_cast %scan3A_43 : i32 to index
      %swap3A_50 = arith.constant 0 : index
      %swap3A_51 = tpu.vector_load %arg7[%swap3A, %swap3A_50] {strides = array<i32>} : memref<128x256xf32, #tpu.memory_space<vmem>>, vector<16xf32>,
      tpu.vector_store %arg7[%swap3A, %swap3A_50], %add3A_49 {strides = array<i32>} : memref<128x256xf32, #tpu.memory_space<vmem>>, vector<16xf32>,
      %get3A_52 = arith.index_cast %scan3A_43 : i32 to index
      %get3A_53 = arith.constant 16 : index
      %get3A_54 = tpu.vector_load %arg7[%get3A_52, %get3A_53] {strides = array<i32>} : memref<128x256xf32, #tpu.memory_space<vmem>>, vector<16xf32>,
      %get3A_55 = arith.index_cast %scan3A_43 : i32 to index
      %get3A_56 = arith.constant 16 : index
      %get3A_57 = tpu.vector_load %arg8[%get3A_55, %get3A_56] {strides = array<i32>} : memref<128x256xf32, #tpu.memory_space<vmem>>, vector<16xf32>,
      %add3A_58 = arith.addf %get3A_54, %get3A_57 : vector<16xf32>
      %swap3A_59 = arith.index_cast %scan3A_43 : i32 to index
      %swap3A_60 = arith.constant 16 : index
      %swap3A_61 = tpu.vector_load %arg7[%swap3A_59, %swap3A_60] {strides = array<i32>} : memref<128x256xf32, #tpu.memory_space<vmem>>, vector<16xf32>,
      tpu.vector_store %arg7[%swap3A_59, %swap3A_60], %add3A_58 {strides = array<i32>} : memref<128x256xf32, #tpu.memory_space<vmem>>, vector<16xf32>,
      %get3A_62 = arith.index_cast %scan3A_43 : i32 to index
      %get3A_63 = arith.constant 32 : index
      %get3A_64 = tpu.vector_load %arg7[%get3A_62, %get3A_63] {strides = array<i32>} : memref<128x256xf32, #tpu.memory_space<vmem>>, vector<16xf32>,
      %get3A_65 = arith.index_cast %scan3A_43 : i32 to index
      %get3A_66 = arith.constant 32 : index
      %get3A_67 = tpu.vector_load %arg8[%get3A_65, %get3A_66] {strides = array<i32>} : memref<128x256xf32, #tpu.memory_space<vmem>>, vector<16xf32>,
      %add3A_68 = arith.addf %get3A_64, %get3A_67 : vector<16xf32>
      %swap3A_69 = arith.index_cast %scan3A_43 : i32 to index
      %swap3A_70 = arith.constant 32 : index
      %swap3A_71 = tpu.vector_load %arg7[%swap3A_69, %swap3A_70] {strides = array<i32>} : memref<128x256xf32, #tpu.memory_space<vmem>>, vector<16xf32>,
      tpu.vector_store %arg7[%swap3A_69, %swap3A_70], %add3A_68 {strides = array<i32>} : memref<128x256xf32, #tpu.memory_space<vmem>>, vector<16xf32>,
      %get3A_72 = arith.index_cast %scan3A_43 : i32 to index
      %get3A_73 = arith.constant 48 : index
      %get3A_74 = tpu.vector_load %arg7[%get3A_72, %get3A_73] {strides = array<i32>} : memref<128x256xf32, #tpu.memory_space<vmem>>, vector<16xf32>,
      %get3A_75 = arith.index_cast %scan3A_43 : i32 to index
      %get3A_76 = arith.constant 48 : index
      %get3A_77 = tpu.vector_load %arg8[%get3A_75, %get3A_76] {strides = array<i32>} : memref<128x256xf32, #tpu.memory_space<vmem>>, vector<16xf32>,
      %add3A_78 = arith.addf %get3A_74, %get3A_77 : vector<16xf32>
      %swap3A_79 = arith.index_cast %scan3A_43 : i32 to index
      %swap3A_80 = arith.constant 48 : index
      %swap3A_81 = tpu.vector_load %arg7[%swap3A_79, %swap3A_80] {strides = array<i32>} : memref<128x256xf32, #tpu.memory_space<vmem>>, vector<16xf32>,
      tpu.vector_store %arg7[%swap3A_79, %swap3A_80], %add3A_78 {strides = array<i32>} : memref<128x256xf32, #tpu.memory_space<vmem>>, vector<16xf32>,
      %get3A_82 = arith.index_cast %scan3A_43 : i32 to index
      %get3A_83 = arith.constant 64 : index
      %get3A_84 = tpu.vector_load %arg7[%get3A_82, %get3A_83] {strides = array<i32>} : memref<128x256xf32, #tpu.memory_space<vmem>>, vector<16xf32>,
      %get3A_85 = arith.index_cast %scan3A_43 : i32 to index
      %get3A_86 = arith.constant 64 : index
      %get3A_87 = tpu.vector_load %arg8[%get3A_85, %get3A_86] {strides = array<i32>} : memref<128x256xf32, #tpu.memory_space<vmem>>, vector<16xf32>,
      %add3A_88 = arith.addf %get3A_84, %get3A_87 : vector<16xf32>
      %swap3A_89 = arith.index_cast %scan3A_43 : i32 to index
      %swap3A_90 = arith.constant 64 : index
      %swap3A_91 = tpu.vector_load %arg7[%swap3A_89, %swap3A_90] {strides = array<i32>} : memref<128x256xf32, #tpu.memory_space<vmem>>, vector<16xf32>,
      tpu.vector_store %arg7[%swap3A_89, %swap3A_90], %add3A_88 {strides = array<i32>} : memref<128x256xf32, #tpu.memory_space<vmem>>, vector<16xf32>,
      %get3A_92 = arith.index_cast %scan3A_43 : i32 to index
      %get3A_93 = arith.constant 80 : index
      %get3A_94 = tpu.vector_load %arg7[%get3A_92, %get3A_93] {strides = array<i32>} : memref<128x256xf32, #tpu.memory_space<vmem>>, vector<16xf32>,
      %get3A_95 = arith.index_cast %scan3A_43 : i32 to index
      %get3A_96 = arith.constant 80 : index
      %get3A_97 = tpu.vector_load %arg8[%get3A_95, %get3A_96] {strides = array<i32>} : memref<128x256xf32, #tpu.memory_space<vmem>>, vector<16xf32>,
      %add3A_98 = arith.addf %get3A_94, %get3A_97 : vector<16xf32>
      %swap3A_99 = arith.index_cast %scan3A_43 : i32 to index
      %swap3A_100 = arith.constant 80 : index
      %swap3A_101 = tpu.vector_load %arg7[%swap3A_99, %swap3A_100] {strides = array<i32>} : memref<128x256xf32, #tpu.memory_space<vmem>>, vector<16xf32>,
      tpu.vector_store %arg7[%swap3A_99, %swap3A_100], %add3A_98 {strides = array<i32>} : memref<128x256xf32, #tpu.memory_space<vmem>>, vector<16xf32>,
      %get3A_102 = arith.index_cast %scan3A_43 : i32 to index
      %get3A_103 = arith.constant 96 : index
      %get3A_104 = tpu.vector_load %arg7[%get3A_102, %get3A_103] {strides = array<i32>} : memref<128x256xf32, #tpu.memory_space<vmem>>, vector<16xf32>,
      %get3A_105 = arith.index_cast %scan3A_43 : i32 to index
      %get3A_106 = arith.constant 96 : index
      %get3A_107 = tpu.vector_load %arg8[%get3A_105, %get3A_106] {strides = array<i32>} : memref<128x256xf32, #tpu.memory_space<vmem>>, vector<16xf32>,
      %add3A_108 = arith.addf %get3A_104, %get3A_107 : vector<16xf32>
      %swap3A_109 = arith.index_cast %scan3A_43 : i32 to index
      %swap3A_110 = arith.constant 96 : index
      %swap3A_111 = tpu.vector_load %arg7[%swap3A_109, %swap3A_110] {strides = array<i32>} : memref<128x256xf32, #tpu.memory_space<vmem>>, vector<16xf32>,
      tpu.vector_store %arg7[%swap3A_109, %swap3A_110], %add3A_108 {strides = array<i32>} : memref<128x256xf32, #tpu.memory_space<vmem>>, vector<16xf32>,
      %get3A_112 = arith.index_cast %scan3A_43 : i32 to index
      %get3A_113 = arith.constant 112 : index
      %get3A_114 = tpu.vector_load %arg7[%get3A_112, %get3A_113] {strides = array<i32>} : memref<128x256xf32, #tpu.memory_space<vmem>>, vector<16xf32>,
      %get3A_115 = arith.index_cast %scan3A_43 : i32 to index
      %get3A_116 = arith.constant 112 : index
      %get3A_117 = tpu.vector_load %arg8[%get3A_115, %get3A_116] {strides = array<i32>} : memref<128x256xf32, #tpu.memory_space<vmem>>, vector<16xf32>,
      %add3A_118 = arith.addf %get3A_114, %get3A_117 : vector<16xf32>
      %swap3A_119 = arith.index_cast %scan3A_43 : i32 to index
      %swap3A_120 = arith.constant 112 : index
      %swap3A_121 = tpu.vector_load %arg7[%swap3A_119, %swap3A_120] {strides = array<i32>} : memref<128x256xf32, #tpu.memory_space<vmem>>, vector<16xf32>,
      tpu.vector_store %arg7[%swap3A_119, %swap3A_120], %add3A_118 {strides = array<i32>} : memref<128x256xf32, #tpu.memory_space<vmem>>, vector<16xf32>,
      %get3A_122 = arith.index_cast %scan3A_43 : i32 to index
      %get3A_123 = arith.constant 128 : index
      %get3A_124 = tpu.vector_load %arg7[%get3A_122, %get3A_123] {strides = array<i32>} : memref<128x256xf32, #tpu.memory_space<vmem>>, vector<16xf32>,
      %get3A_125 = arith.index_cast %scan3A_43 : i32 to index
      %get3A_126 = arith.constant 128 : index
      %get3A_127 = tpu.vector_load %arg8[%get3A_125, %get3A_126] {strides = array<i32>} : memref<128x256xf32, #tpu.memory_space<vmem>>, vector<16xf32>,
      %add3A_128 = arith.addf %get3A_124, %get3A_127 : vector<16xf32>
      %swap3A_129 = arith.index_cast %scan3A_43 : i32 to index
      %swap3A_130 = arith.constant 128 : index
      %swap3A_131 = tpu.vector_load %arg7[%swap3A_129, %swap3A_130] {strides = array<i32>} : memref<128x256xf32, #tpu.memory_space<vmem>>, vector<16xf32>,
      tpu.vector_store %arg7[%swap3A_129, %swap3A_130], %add3A_128 {strides = array<i32>} : memref<128x256xf32, #tpu.memory_space<vmem>>, vector<16xf32>,
      %get3A_132 = arith.index_cast %scan3A_43 : i32 to index
      %get3A_133 = arith.constant 144 : index
      %get3A_134 = tpu.vector_load %arg7[%get3A_132, %get3A_133] {strides = array<i32>} : memref<128x256xf32, #tpu.memory_space<vmem>>, vector<16xf32>,
      %get3A_135 = arith.index_cast %scan3A_43 : i32 to index
      %get3A_136 = arith.constant 144 : index
      %get3A_137 = tpu.vector_load %arg8[%get3A_135, %get3A_136] {strides = array<i32>} : memref<128x256xf32, #tpu.memory_space<vmem>>, vector<16xf32>,
      %add3A_138 = arith.addf %get3A_134, %get3A_137 : vector<16xf32>
      %swap3A_139 = arith.index_cast %scan3A_43 : i32 to index
      %swap3A_140 = arith.constant 144 : index
      %swap3A_141 = tpu.vector_load %arg7[%swap3A_139, %swap3A_140] {strides = array<i32>} : memref<128x256xf32, #tpu.memory_space<vmem>>, vector<16xf32>,
      tpu.vector_store %arg7[%swap3A_139, %swap3A_140], %add3A_138 {strides = array<i32>} : memref<128x256xf32, #tpu.memory_space<vmem>>, vector<16xf32>,
      %get3A_142 = arith.index_cast %scan3A_43 : i32 to index
      %get3A_143 = arith.constant 160 : index
      %get3A_144 = tpu.vector_load %arg7[%get3A_142, %get3A_143] {strides = array<i32>} : memref<128x256xf32, #tpu.memory_space<vmem>>, vector<16xf32>,
      %get3A_145 = arith.index_cast %scan3A_43 : i32 to index
      %get3A_146 = arith.constant 160 : index
      %get3A_147 = tpu.vector_load %arg8[%get3A_145, %get3A_146] {strides = array<i32>} : memref<128x256xf32, #tpu.memory_space<vmem>>, vector<16xf32>,
      %add3A_148 = arith.addf %get3A_144, %get3A_147 : vector<16xf32>
      %swap3A_149 = arith.index_cast %scan3A_43 : i32 to index
      %swap3A_150 = arith.constant 160 : index
      %swap3A_151 = tpu.vector_load %arg7[%swap3A_149, %swap3A_150] {strides = array<i32>} : memref<128x256xf32, #tpu.memory_space<vmem>>, vector<16xf32>,
      tpu.vector_store %arg7[%swap3A_149, %swap3A_150], %add3A_148 {strides = array<i32>} : memref<128x256xf32, #tpu.memory_space<vmem>>, vector<16xf32>,
      %get3A_152 = arith.index_cast %scan3A_43 : i32 to index
      %get3A_153 = arith.constant 176 : index
      %get3A_154 = tpu.vector_load %arg7[%get3A_152, %get3A_153] {strides = array<i32>} : memref<128x256xf32, #tpu.memory_space<vmem>>, vector<16xf32>,
      %get3A_155 = arith.index_cast %scan3A_43 : i32 to index
      %get3A_156 = arith.constant 176 : index
      %get3A_157 = tpu.vector_load %arg8[%get3A_155, %get3A_156] {strides = array<i32>} : memref<128x256xf32, #tpu.memory_space<vmem>>, vector<16xf32>,
      %add3A_158 = arith.addf %get3A_154, %get3A_157 : vector<16xf32>
      %swap3A_159 = arith.index_cast %scan3A_43 : i32 to index
      %swap3A_160 = arith.constant 176 : index
      %swap3A_161 = tpu.vector_load %arg7[%swap3A_159, %swap3A_160] {strides = array<i32>} : memref<128x256xf32, #tpu.memory_space<vmem>>, vector<16xf32>,
      tpu.vector_store %arg7[%swap3A_159, %swap3A_160], %add3A_158 {strides = array<i32>} : memref<128x256xf32, #tpu.memory_space<vmem>>, vector<16xf32>,
      %get3A_162 = arith.index_cast %scan3A_43 : i32 to index
      %get3A_163 = arith.constant 192 : index
      %get3A_164 = tpu.vector_load %arg7[%get3A_162, %get3A_163] {strides = array<i32>} : memref<128x256xf32, #tpu.memory_space<vmem>>, vector<16xf32>,
      %get3A_165 = arith.index_cast %scan3A_43 : i32 to index
      %get3A_166 = arith.constant 192 : index
      %get3A_167 = tpu.vector_load %arg8[%get3A_165, %get3A_166] {strides = array<i32>} : memref<128x256xf32, #tpu.memory_space<vmem>>, vector<16xf32>,
      %add3A_168 = arith.addf %get3A_164, %get3A_167 : vector<16xf32>
      %swap3A_169 = arith.index_cast %scan3A_43 : i32 to index
      %swap3A_170 = arith.constant 192 : index
      %swap3A_171 = tpu.vector_load %arg7[%swap3A_169, %swap3A_170] {strides = array<i32>} : memref<128x256xf32, #tpu.memory_space<vmem>>, vector<16xf32>,
      tpu.vector_store %arg7[%swap3A_169, %swap3A_170], %add3A_168 {strides = array<i32>} : memref<128x256xf32, #tpu.memory_space<vmem>>, vector<16xf32>,
      %get3A_172 = arith.index_cast %scan3A_43 : i32 to index
      %get3A_173 = arith.constant 208 : index
      %get3A_174 = tpu.vector_load %arg7[%get3A_172, %get3A_173] {strides = array<i32>} : memref<128x256xf32, #tpu.memory_space<vmem>>, vector<16xf32>,
      %get3A_175 = arith.index_cast %scan3A_43 : i32 to index
      %get3A_176 = arith.constant 208 : index
      %get3A_177 = tpu.vector_load %arg8[%get3A_175, %get3A_176] {strides = array<i32>} : memref<128x256xf32, #tpu.memory_space<vmem>>, vector<16xf32>,
      %add3A_178 = arith.addf %get3A_174, %get3A_177 : vector<16xf32>
      %swap3A_179 = arith.index_cast %scan3A_43 : i32 to index
      %swap3A_180 = arith.constant 208 : index
      %swap3A_181 = tpu.vector_load %arg7[%swap3A_179, %swap3A_180] {strides = array<i32>} : memref<128x256xf32, #tpu.memory_space<vmem>>, vector<16xf32>,
      tpu.vector_store %arg7[%swap3A_179, %swap3A_180], %add3A_178 {strides = array<i32>} : memref<128x256xf32, #tpu.memory_space<vmem>>, vector<16xf32>,
      %get3A_182 = arith.index_cast %scan3A_43 : i32 to index
      %get3A_183 = arith.constant 224 : index
      %get3A_184 = tpu.vector_load %arg7[%get3A_182, %get3A_183] {strides = array<i32>} : memref<128x256xf32, #tpu.memory_space<vmem>>, vector<16xf32>,
      %get3A_185 = arith.index_cast %scan3A_43 : i32 to index
      %get3A_186 = arith.constant 224 : index
      %get3A_187 = tpu.vector_load %arg8[%get3A_185, %get3A_186] {strides = array<i32>} : memref<128x256xf32, #tpu.memory_space<vmem>>, vector<16xf32>,
      %add3A_188 = arith.addf %get3A_184, %get3A_187 : vector<16xf32>
      %swap3A_189 = arith.index_cast %scan3A_43 : i32 to index
      %swap3A_190 = arith.constant 224 : index
      %swap3A_191 = tpu.vector_load %arg7[%swap3A_189, %swap3A_190] {strides = array<i32>} : memref<128x256xf32, #tpu.memory_space<vmem>>, vector<16xf32>,
      tpu.vector_store %arg7[%swap3A_189, %swap3A_190], %add3A_188 {strides = array<i32>} : memref<128x256xf32, #tpu.memory_space<vmem>>, vector<16xf32>,
      %get3A_192 = arith.index_cast %scan3A_43 : i32 to index
      %get3A_193 = arith.constant 240 : index
      %get3A_194 = tpu.vector_load %arg7[%get3A_192, %get3A_193] {strides = array<i32>} : memref<128x256xf32, #tpu.memory_space<vmem>>, vector<16xf32>,
      %get3A_195 = arith.index_cast %scan3A_43 : i32 to index
      %get3A_196 = arith.constant 240 : index
      %get3A_197 = tpu.vector_load %arg8[%get3A_195, %get3A_196] {strides = array<i32>} : memref<128x256xf32, #tpu.memory_space<vmem>>, vector<16xf32>,
      %add3A_198 = arith.addf %get3A_194, %get3A_197 : vector<16xf32>
      %swap3A_199 = arith.index_cast %scan3A_43 : i32 to index
      %swap3A_200 = arith.constant 240 : index
      %swap3A_201 = tpu.vector_load %arg7[%swap3A_199, %swap3A_200] {strides = array<i32>} : memref<128x256xf32, #tpu.memory_space<vmem>>, vector<16xf32>,
      tpu.vector_store %arg7[%swap3A_199, %swap3A_200], %add3A_198 {strides = array<i32>} : memref<128x256xf32, #tpu.memory_space<vmem>>, vector<16xf32>,
      %scan3A_202 = arith.constant 1 : i32
      %scan3A_203 = arith.addi %scan3A_43, %scan3A_202 : i32
      %get3A_204 = arith.index_cast %scan3A_203 : i32 to index
      %get3A_205 = arith.constant 0 : index
      %get3A_206 = tpu.vector_load %arg7[%get3A_204, %get3A_205] {strides = array<i32>} : memref<128x256xf32, #tpu.memory_space<vmem>>, vector<16xf32>,
      %get3A_207 = arith.index_cast %scan3A_203 : i32 to index
      %get3A_208 = arith.constant 0 : index
      %get3A_209 = tpu.vector_load %arg8[%get3A_207, %get3A_208] {strides = array<i32>} : memref<128x256xf32, #tpu.memory_space<vmem>>, vector<16xf32>,
      %add3A_210 = arith.addf %get3A_206, %get3A_209 : vector<16xf32>
      %swap3A_211 = arith.index_cast %scan3A_203 : i32 to index
      %swap3A_212 = arith.constant 0 : index
      %swap3A_213 = tpu.vector_load %arg7[%swap3A_211, %swap3A_212] {strides = array<i32>} : memref<128x256xf32, #tpu.memory_space<vmem>>, vector<16xf32>,
      tpu.vector_store %arg7[%swap3A_211, %swap3A_212], %add3A_210 {strides = array<i32>} : memref<128x256xf32, #tpu.memory_space<vmem>>, vector<16xf32>,
      %get3A_214 = arith.index_cast %scan3A_203 : i32 to index
      %get3A_215 = arith.constant 16 : index
      %get3A_216 = tpu.vector_load %arg7[%get3A_214, %get3A_215] {strides = array<i32>} : memref<128x256xf32, #tpu.memory_space<vmem>>, vector<16xf32>,
      %get3A_217 = arith.index_cast %scan3A_203 : i32 to index
      %get3A_218 = arith.constant 16 : index
      %get3A_219 = tpu.vector_load %arg8[%get3A_217, %get3A_218] {strides = array<i32>} : memref<128x256xf32, #tpu.memory_space<vmem>>, vector<16xf32>,
      %add3A_220 = arith.addf %get3A_216, %get3A_219 : vector<16xf32>
      %swap3A_221 = arith.index_cast %scan3A_203 : i32 to index
      %swap3A_222 = arith.constant 16 : index
      %swap3A_223 = tpu.vector_load %arg7[%swap3A_221, %swap3A_222] {strides = array<i32>} : memref<128x256xf32, #tpu.memory_space<vmem>>, vector<16xf32>,
      tpu.vector_store %arg7[%swap3A_221, %swap3A_222], %add3A_220 {strides = array<i32>} : memref<128x256xf32, #tpu.memory_space<vmem>>, vector<16xf32>,
      %get3A_224 = arith.index_cast %scan3A_203 : i32 to index
      %get3A_225 = arith.constant 32 : index
      %get3A_226 = tpu.vector_load %arg7[%get3A_224, %get3A_225] {strides = array<i32>} : memref<128x256xf32, #tpu.memory_space<vmem>>, vector<16xf32>,
      %get3A_227 = arith.index_cast %scan3A_203 : i32 to index
      %get3A_228 = arith.constant 32 : index
      %get3A_229 = tpu.vector_load %arg8[%get3A_227, %get3A_228] {strides = array<i32>} : memref<128x256xf32, #tpu.memory_space<vmem>>, vector<16xf32>,
      %add3A_230 = arith.addf %get3A_226, %get3A_229 : vector<16xf32>
      %swap3A_231 = arith.index_cast %scan3A_203 : i32 to index
      %swap3A_232 = arith.constant 32 : index
      %swap3A_233 = tpu.vector_load %arg7[%swap3A_231, %swap3A_232] {strides = array<i32>} : memref<128x256xf32, #tpu.memory_space<vmem>>, vector<16xf32>,
      tpu.vector_store %arg7[%swap3A_231, %swap3A_232], %add3A_230 {strides = array<i32>} : memref<128x256xf32, #tpu.memory_space<vmem>>, vector<16xf32>,
      %get3A_234 = arith.index_cast %scan3A_203 : i32 to index
      %get3A_235 = arith.constant 48 : index
      %get3A_236 = tpu.vector_load %arg7[%get3A_234, %get3A_235] {strides = array<i32>} : memref<128x256xf32, #tpu.memory_space<vmem>>, vector<16xf32>,
      %get3A_237 = arith.index_cast %scan3A_203 : i32 to index
      %get3A_238 = arith.constant 48 : index
      %get3A_239 = tpu.vector_load %arg8[%get3A_237, %get3A_238] {strides = array<i32>} : memref<128x256xf32, #tpu.memory_space<vmem>>, vector<16xf32>,
      %add3A_240 = arith.addf %get3A_236, %get3A_239 : vector<16xf32>
      %swap3A_241 = arith.index_cast %scan3A_203 : i32 to index
      %swap3A_242 = arith.constant 48 : index
      %swap3A_243 = tpu.vector_load %arg7[%swap3A_241, %swap3A_242] {strides = array<i32>} : memref<128x256xf32, #tpu.memory_space<vmem>>, vector<16xf32>,
      tpu.vector_store %arg7[%swap3A_241, %swap3A_242], %add3A_240 {strides = array<i32>} : memref<128x256xf32, #tpu.memory_space<vmem>>, vector<16xf32>,
      %get3A_244 = arith.index_cast %scan3A_203 : i32 to index
      %get3A_245 = arith.constant 64 : index
      %get3A_246 = tpu.vector_load %arg7[%get3A_244, %get3A_245] {strides = array<i32>} : memref<128x256xf32, #tpu.memory_space<vmem>>, vector<16xf32>,
      %get3A_247 = arith.index_cast %scan3A_203 : i32 to index
      %get3A_248 = arith.constant 64 : index
      %get3A_249 = tpu.vector_load %arg8[%get3A_247, %get3A_248] {strides = array<i32>} : memref<128x256xf32, #tpu.memory_space<vmem>>, vector<16xf32>,
      %add3A_250 = arith.addf %get3A_246, %get3A_249 : vector<16xf32>
      %swap3A_251 = arith.index_cast %scan3A_203 : i32 to index
      %swap3A_252 = arith.constant 64 : index
      %swap3A_253 = tpu.vector_load %arg7[%swap3A_251, %swap3A_252] {strides = array<i32>} : memref<128x256xf32, #tpu.memory_space<vmem>>, vector<16xf32>,
      tpu.vector_store %arg7[%swap3A_251, %swap3A_252], %add3A_250 {strides = array<i32>} : memref<128x256xf32, #tpu.memory_space<vmem>>, vector<16xf32>,
      %get3A_254 = arith.index_cast %scan3A_203 : i32 to index
      %get3A_255 = arith.constant 80 : index
      %get3A_256 = tpu.vector_load %arg7[%get3A_254, %get3A_255] {strides = array<i32>} : memref<128x256xf32, #tpu.memory_space<vmem>>, vector<16xf32>,
      %get3A_257 = arith.index_cast %scan3A_203 : i32 to index
      %get3A_258 = arith.constant 80 : index
      %get3A_259 = tpu.vector_load %arg8[%get3A_257, %get3A_258] {strides = array<i32>} : memref<128x256xf32, #tpu.memory_space<vmem>>, vector<16xf32>,
      %add3A_260 = arith.addf %get3A_256, %get3A_259 : vector<16xf32>
      %swap3A_261 = arith.index_cast %scan3A_203 : i32 to index
      %swap3A_262 = arith.constant 80 : index
      %swap3A_263 = tpu.vector_load %arg7[%swap3A_261, %swap3A_262] {strides = array<i32>} : memref<128x256xf32, #tpu.memory_space<vmem>>, vector<16xf32>,
      tpu.vector_store %arg7[%swap3A_261, %swap3A_262], %add3A_260 {strides = array<i32>} : memref<128x256xf32, #tpu.memory_space<vmem>>, vector<16xf32>,
      %get3A_264 = arith.index_cast %scan3A_203 : i32 to index
      %get3A_265 = arith.constant 96 : index
      %get3A_266 = tpu.vector_load %arg7[%get3A_264, %get3A_265] {strides = array<i32>} : memref<128x256xf32, #tpu.memory_space<vmem>>, vector<16xf32>,
      %get3A_267 = arith.index_cast %scan3A_203 : i32 to index
      %get3A_268 = arith.constant 96 : index
      %get3A_269 = tpu.vector_load %arg8[%get3A_267, %get3A_268] {strides = array<i32>} : memref<128x256xf32, #tpu.memory_space<vmem>>, vector<16xf32>,
      %add3A_270 = arith.addf %get3A_266, %get3A_269 : vector<16xf32>
      %swap3A_271 = arith.index_cast %scan3A_203 : i32 to index
      %swap3A_272 = arith.constant 96 : index
      %swap3A_273 = tpu.vector_load %arg7[%swap3A_271, %swap3A_272] {strides = array<i32>} : memref<128x256xf32, #tpu.memory_space<vmem>>, vector<16xf32>,
      tpu.vector_store %arg7[%swap3A_271, %swap3A_272], %add3A_270 {strides = array<i32>} : memref<128x256xf32, #tpu.memory_space<vmem>>, vector<16xf32>,
      %get3A_274 = arith.index_cast %scan3A_203 : i32 to index
      %get3A_275 = arith.constant 112 : index
      %get3A_276 = tpu.vector_load %arg7[%get3A_274, %get3A_275] {strides = array<i32>} : memref<128x256xf32, #tpu.memory_space<vmem>>, vector<16xf32>,
      %get3A_277 = arith.index_cast %scan3A_203 : i32 to index
      %get3A_278 = arith.constant 112 : index
      %get3A_279 = tpu.vector_load %arg8[%get3A_277, %get3A_278] {strides = array<i32>} : memref<128x256xf32, #tpu.memory_space<vmem>>, vector<16xf32>,
      %add3A_280 = arith.addf %get3A_276, %get3A_279 : vector<16xf32>
      %swap3A_281 = arith.index_cast %scan3A_203 : i32 to index
      %swap3A_282 = arith.constant 112 : index
      %swap3A_283 = tpu.vector_load %arg7[%swap3A_281, %swap3A_282] {strides = array<i32>} : memref<128x256xf32, #tpu.memory_space<vmem>>, vector<16xf32>,
      tpu.vector_store %arg7[%swap3A_281, %swap3A_282], %add3A_280 {strides = array<i32>} : memref<128x256xf32, #tpu.memory_space<vmem>>, vector<16xf32>,
      %get3A_284 = arith.index_cast %scan3A_203 : i32 to index
      %get3A_285 = arith.constant 128 : index
      %get3A_286 = tpu.vector_load %arg7[%get3A_284, %get3A_285] {strides = array<i32>} : memref<128x256xf32, #tpu.memory_space<vmem>>, vector<16xf32>,
      %get3A_287 = arith.index_cast %scan3A_203 : i32 to index
      %get3A_288 = arith.constant 128 : index
      %get3A_289 = tpu.vector_load %arg8[%get3A_287, %get3A_288] {strides = array<i32>} : memref<128x256xf32, #tpu.memory_space<vmem>>, vector<16xf32>,
      %add3A_290 = arith.addf %get3A_286, %get3A_289 : vector<16xf32>
      %swap3A_291 = arith.index_cast %scan3A_203 : i32 to index
      %swap3A_292 = arith.constant 128 : index
      %swap3A_293 = tpu.vector_load %arg7[%swap3A_291, %swap3A_292] {strides = array<i32>} : memref<128x256xf32, #tpu.memory_space<vmem>>, vector<16xf32>,
      tpu.vector_store %arg7[%swap3A_291, %swap3A_292], %add3A_290 {strides = array<i32>} : memref<128x256xf32, #tpu.memory_space<vmem>>, vector<16xf32>,
      %get3A_294 = arith.index_cast %scan3A_203 : i32 to index
      %get3A_295 = arith.constant 144 : index
      %get3A_296 = tpu.vector_load %arg7[%get3A_294, %get3A_295] {strides = array<i32>} : memref<128x256xf32, #tpu.memory_space<vmem>>, vector<16xf32>,
      %get3A_297 = arith.index_cast %scan3A_203 : i32 to index
      %get3A_298 = arith.constant 144 : index
      %get3A_299 = tpu.vector_load %arg8[%get3A_297, %get3A_298] {strides = array<i32>} : memref<128x256xf32, #tpu.memory_space<vmem>>, vector<16xf32>,
      %add3A_300 = arith.addf %get3A_296, %get3A_299 : vector<16xf32>
      %swap3A_301 = arith.index_cast %scan3A_203 : i32 to index
      %swap3A_302 = arith.constant 144 : index
      %swap3A_303 = tpu.vector_load %arg7[%swap3A_301, %swap3A_302] {strides = array<i32>} : memref<128x256xf32, #tpu.memory_space<vmem>>, vector<16xf32>,
      tpu.vector_store %arg7[%swap3A_301, %swap3A_302], %add3A_300 {strides = array<i32>} : memref<128x256xf32, #tpu.memory_space<vmem>>, vector<16xf32>,
      %get3A_304 = arith.index_cast %scan3A_203 : i32 to index
      %get3A_305 = arith.constant 160 : index
      %get3A_306 = tpu.vector_load %arg7[%get3A_304, %get3A_305] {strides = array<i32>} : memref<128x256xf32, #tpu.memory_space<vmem>>, vector<16xf32>,
      %get3A_307 = arith.index_cast %scan3A_203 : i32 to index
      %get3A_308 = arith.constant 160 : index
      %get3A_309 = tpu.vector_load %arg8[%get3A_307, %get3A_308] {strides = array<i32>} : memref<128x256xf32, #tpu.memory_space<vmem>>, vector<16xf32>,
      %add3A_310 = arith.addf %get3A_306, %get3A_309 : vector<16xf32>
      %swap3A_311 = arith.index_cast %scan3A_203 : i32 to index
      %swap3A_312 = arith.constant 160 : index
      %swap3A_313 = tpu.vector_load %arg7[%swap3A_311, %swap3A_312] {strides = array<i32>} : memref<128x256xf32, #tpu.memory_space<vmem>>, vector<16xf32>,
      tpu.vector_store %arg7[%swap3A_311, %swap3A_312], %add3A_310 {strides = array<i32>} : memref<128x256xf32, #tpu.memory_space<vmem>>, vector<16xf32>,
      %get3A_314 = arith.index_cast %scan3A_203 : i32 to index
      %get3A_315 = arith.constant 176 : index
      %get3A_316 = tpu.vector_load %arg7[%get3A_314, %get3A_315] {strides = array<i32>} : memref<128x256xf32, #tpu.memory_space<vmem>>, vector<16xf32>,
      %get3A_317 = arith.index_cast %scan3A_203 : i32 to index
      %get3A_318 = arith.constant 176 : index
      %get3A_319 = tpu.vector_load %arg8[%get3A_317, %get3A_318] {strides = array<i32>} : memref<128x256xf32, #tpu.memory_space<vmem>>, vector<16xf32>,
      %add3A_320 = arith.addf %get3A_316, %get3A_319 : vector<16xf32>
      %swap3A_321 = arith.index_cast %scan3A_203 : i32 to index
      %swap3A_322 = arith.constant 176 : index
      %swap3A_323 = tpu.vector_load %arg7[%swap3A_321, %swap3A_322] {strides = array<i32>} : memref<128x256xf32, #tpu.memory_space<vmem>>, vector<16xf32>,
      tpu.vector_store %arg7[%swap3A_321, %swap3A_322], %add3A_320 {strides = array<i32>} : memref<128x256xf32, #tpu.memory_space<vmem>>, vector<16xf32>,
      %get3A_324 = arith.index_cast %scan3A_203 : i32 to index
      %get3A_325 = arith.constant 192 : index
      %get3A_326 = tpu.vector_load %arg7[%get3A_324, %get3A_325] {strides = array<i32>} : memref<128x256xf32, #tpu.memory_space<vmem>>, vector<16xf32>,
      %get3A_327 = arith.index_cast %scan3A_203 : i32 to index
      %get3A_328 = arith.constant 192 : index
      %get3A_329 = tpu.vector_load %arg8[%get3A_327, %get3A_328] {strides = array<i32>} : memref<128x256xf32, #tpu.memory_space<vmem>>, vector<16xf32>,
      %add3A_330 = arith.addf %get3A_326, %get3A_329 : vector<16xf32>
      %swap3A_331 = arith.index_cast %scan3A_203 : i32 to index
      %swap3A_332 = arith.constant 192 : index
      %swap3A_333 = tpu.vector_load %arg7[%swap3A_331, %swap3A_332] {strides = array<i32>} : memref<128x256xf32, #tpu.memory_space<vmem>>, vector<16xf32>,
      tpu.vector_store %arg7[%swap3A_331, %swap3A_332], %add3A_330 {strides = array<i32>} : memref<128x256xf32, #tpu.memory_space<vmem>>, vector<16xf32>,
      %get3A_334 = arith.index_cast %scan3A_203 : i32 to index
      %get3A_335 = arith.constant 208 : index
      %get3A_336 = tpu.vector_load %arg7[%get3A_334, %get3A_335] {strides = array<i32>} : memref<128x256xf32, #tpu.memory_space<vmem>>, vector<16xf32>,
      %get3A_337 = arith.index_cast %scan3A_203 : i32 to index
      %get3A_338 = arith.constant 208 : index
      %get3A_339 = tpu.vector_load %arg8[%get3A_337, %get3A_338] {strides = array<i32>} : memref<128x256xf32, #tpu.memory_space<vmem>>, vector<16xf32>,
      %add3A_340 = arith.addf %get3A_336, %get3A_339 : vector<16xf32>
      %swap3A_341 = arith.index_cast %scan3A_203 : i32 to index
      %swap3A_342 = arith.constant 208 : index
      %swap3A_343 = tpu.vector_load %arg7[%swap3A_341, %swap3A_342] {strides = array<i32>} : memref<128x256xf32, #tpu.memory_space<vmem>>, vector<16xf32>,
      tpu.vector_store %arg7[%swap3A_341, %swap3A_342], %add3A_340 {strides = array<i32>} : memref<128x256xf32, #tpu.memory_space<vmem>>, vector<16xf32>,
      %get3A_344 = arith.index_cast %scan3A_203 : i32 to index
      %get3A_345 = arith.constant 224 : index
      %get3A_346 = tpu.vector_load %arg7[%get3A_344, %get3A_345] {strides = array<i32>} : memref<128x256xf32, #tpu.memory_space<vmem>>, vector<16xf32>,
      %get3A_347 = arith.index_cast %scan3A_203 : i32 to index
      %get3A_348 = arith.constant 224 : index
      %get3A_349 = tpu.vector_load %arg8[%get3A_347, %get3A_348] {strides = array<i32>} : memref<128x256xf32, #tpu.memory_space<vmem>>, vector<16xf32>,
      %add3A_350 = arith.addf %get3A_346, %get3A_349 : vector<16xf32>
      %swap3A_351 = arith.index_cast %scan3A_203 : i32 to index
      %swap3A_352 = arith.constant 224 : index
      %swap3A_353 = tpu.vector_load %arg7[%swap3A_351, %swap3A_352] {strides = array<i32>} : memref<128x256xf32, #tpu.memory_space<vmem>>, vector<16xf32>,
      tpu.vector_store %arg7[%swap3A_351, %swap3A_352], %add3A_350 {strides = array<i32>} : memref<128x256xf32, #tpu.memory_space<vmem>>, vector<16xf32>,
      %get3A_354 = arith.index_cast %scan3A_203 : i32 to index
      %get3A_355 = arith.constant 240 : index
      %get3A_356 = tpu.vector_load %arg7[%get3A_354, %get3A_355] {strides = array<i32>} : memref<128x256xf32, #tpu.memory_space<vmem>>, vector<16xf32>,
      %get3A_357 = arith.index_cast %scan3A_203 : i32 to index
      %get3A_358 = arith.constant 240 : index
      %get3A_359 = tpu.vector_load %arg8[%get3A_357, %get3A_358] {strides = array<i32>} : memref<128x256xf32, #tpu.memory_space<vmem>>, vector<16xf32>,
      %add3A_360 = arith.addf %get3A_356, %get3A_359 : vector<16xf32>
      %swap3A_361 = arith.index_cast %scan3A_203 : i32 to index
      %swap3A_362 = arith.constant 240 : index
      %swap3A_363 = tpu.vector_load %arg7[%swap3A_361, %swap3A_362] {strides = array<i32>} : memref<128x256xf32, #tpu.memory_space<vmem>>, vector<16xf32>,
      tpu.vector_store %arg7[%swap3A_361, %swap3A_362], %add3A_360 {strides = array<i32>} : memref<128x256xf32, #tpu.memory_space<vmem>>, vector<16xf32>,
      %scan3A_364 = arith.constant 2 : i32
      %scan3A_365 = arith.addi %scan3A_43, %scan3A_364 : i32
      %get3A_366 = arith.index_cast %scan3A_365 : i32 to index
      %get3A_367 = arith.constant 0 : index
      %get3A_368 = tpu.vector_load %arg7[%get3A_366, %get3A_367] {strides = array<i32>} : memref<128x256xf32, #tpu.memory_space<vmem>>, vector<16xf32>,
      %get3A_369 = arith.index_cast %scan3A_365 : i32 to index
      %get3A_370 = arith.constant 0 : index
      %get3A_371 = tpu.vector_load %arg8[%get3A_369, %get3A_370] {strides = array<i32>} : memref<128x256xf32, #tpu.memory_space<vmem>>, vector<16xf32>,
      %add3A_372 = arith.addf %get3A_368, %get3A_371 : vector<16xf32>
      %swap3A_373 = arith.index_cast %scan3A_365 : i32 to index
      %swap3A_374 = arith.constant 0 : index
      %swap3A_375 = tpu.vector_load %arg7[%swap3A_373, %swap3A_374] {strides = array<i32>} : memref<128x256xf32, #tpu.memory_space<vmem>>, vector<16xf32>,
      tpu.vector_store %arg7[%swap3A_373, %swap3A_374], %add3A_372 {strides = array<i32>} : memref<128x256xf32, #tpu.memory_space<vmem>>, vector<16xf32>,
      %get3A_376 = arith.index_cast %scan3A_365 : i32 to index
      %get3A_377 = arith.constant 16 : index
      %get3A_378 = tpu.vector_load %arg7[%get3A_376, %get3A_377] {strides = array<i32>} : memref<128x256xf32, #tpu.memory_space<vmem>>, vector<16xf32>,
      %get3A_379 = arith.index_cast %scan3A_365 : i32 to index
      %get3A_380 = arith.constant 16 : index
      %get3A_381 = tpu.vector_load %arg8[%get3A_379, %get3A_380] {strides = array<i32>} : memref<128x256xf32, #tpu.memory_space<vmem>>, vector<16xf32>,
      %add3A_382 = arith.addf %get3A_378, %get3A_381 : vector<16xf32>
      %swap3A_383 = arith.index_cast %scan3A_365 : i32 to index
      %swap3A_384 = arith.constant 16 : index
      %swap3A_385 = tpu.vector_load %arg7[%swap3A_383, %swap3A_384] {strides = array<i32>} : memref<128x256xf32, #tpu.memory_space<vmem>>, vector<16xf32>,
      tpu.vector_store %arg7[%swap3A_383, %swap3A_384], %add3A_382 {strides = array<i32>} : memref<128x256xf32, #tpu.memory_space<vmem>>, vector<16xf32>,
      %get3A_386 = arith.index_cast %scan3A_365 : i32 to index
      %get3A_387 = arith.constant 32 : index
      %get3A_388 = tpu.vector_load %arg7[%get3A_386, %get3A_387] {strides = array<i32>} : memref<128x256xf32, #tpu.memory_space<vmem>>, vector<16xf32>,
      %get3A_389 = arith.index_cast %scan3A_365 : i32 to index
      %get3A_390 = arith.constant 32 : index
      %get3A_391 = tpu.vector_load %arg8[%get3A_389, %get3A_390] {strides = array<i32>} : memref<128x256xf32, #tpu.memory_space<vmem>>, vector<16xf32>,
      %add3A_392 = arith.addf %get3A_388, %get3A_391 : vector<16xf32>
      %swap3A_393 = arith.index_cast %scan3A_365 : i32 to index
      %swap3A_394 = arith.constant 32 : index
      %swap3A_395 = tpu.vector_load %arg7[%swap3A_393, %swap3A_394] {strides = array<i32>} : memref<128x256xf32, #tpu.memory_space<vmem>>, vector<16xf32>,
      tpu.vector_store %arg7[%swap3A_393, %swap3A_394], %add3A_392 {strides = array<i32>} : memref<128x256xf32, #tpu.memory_space<vmem>>, vector<16xf32>,
      %get3A_396 = arith.index_cast %scan3A_365 : i32 to index
      %get3A_397 = arith.constant 48 : index
      %get3A_398 = tpu.vector_load %arg7[%get3A_396, %get3A_397] {strides = array<i32>} : memref<128x256xf32, #tpu.memory_space<vmem>>, vector<16xf32>,
      %get3A_399 = arith.index_cast %scan3A_365 : i32 to index
      %get3A_400 = arith.constant 48 : index
      %get3A_401 = tpu.vector_load %arg8[%get3A_399, %get3A_400] {strides = array<i32>} : memref<128x256xf32, #tpu.memory_space<vmem>>, vector<16xf32>,
      %add3A_402 = arith.addf %get3A_398, %get3A_401 : vector<16xf32>
      %swap3A_403 = arith.index_cast %scan3A_365 : i32 to index
      %swap3A_404 = arith.constant 48 : index
      %swap3A_405 = tpu.vector_load %arg7[%swap3A_403, %swap3A_404] {strides = array<i32>} : memref<128x256xf32, #tpu.memory_space<vmem>>, vector<16xf32>,
      tpu.vector_store %arg7[%swap3A_403, %swap3A_404], %add3A_402 {strides = array<i32>} : memref<128x256xf32, #tpu.memory_space<vmem>>, vector<16xf32>,
      %get3A_406 = arith.index_cast %scan3A_365 : i32 to index
      %get3A_407 = arith.constant 64 : index
      %get3A_408 = tpu.vector_load %arg7[%get3A_406, %get3A_407] {strides = array<i32>} : memref<128x256xf32, #tpu.memory_space<vmem>>, vector<16xf32>,
      %get3A_409 = arith.index_cast %scan3A_365 : i32 to index
      %get3A_410 = arith.constant 64 : index
      %get3A_411 = tpu.vector_load %arg8[%get3A_409, %get3A_410] {strides = array<i32>} : memref<128x256xf32, #tpu.memory_space<vmem>>, vector<16xf32>,
      %add3A_412 = arith.addf %get3A_408, %get3A_411 : vector<16xf32>
      %swap3A_413 = arith.index_cast %scan3A_365 : i32 to index
      %swap3A_414 = arith.constant 64 : index
      %swap3A_415 = tpu.vector_load %arg7[%swap3A_413, %swap3A_414] {strides = array<i32>} : memref<128x256xf32, #tpu.memory_space<vmem>>, vector<16xf32>,
      tpu.vector_store %arg7[%swap3A_413, %swap3A_414], %add3A_412 {strides = array<i32>} : memref<128x256xf32, #tpu.memory_space<vmem>>, vector<16xf32>,
      %get3A_416 = arith.index_cast %scan3A_365 : i32 to index
      %get3A_417 = arith.constant 80 : index
      %get3A_418 = tpu.vector_load %arg7[%get3A_416, %get3A_417] {strides = array<i32>} : memref<128x256xf32, #tpu.memory_space<vmem>>, vector<16xf32>,
      %get3A_419 = arith.index_cast %scan3A_365 : i32 to index
      %get3A_420 = arith.constant 80 : index
      %get3A_421 = tpu.vector_load %arg8[%get3A_419, %get3A_420] {strides = array<i32>} : memref<128x256xf32, #tpu.memory_space<vmem>>, vector<16xf32>,
      %add3A_422 = arith.addf %get3A_418, %get3A_421 : vector<16xf32>
      %swap3A_423 = arith.index_cast %scan3A_365 : i32 to index
      %swap3A_424 = arith.constant 80 : index
      %swap3A_425 = tpu.vector_load %arg7[%swap3A_423, %swap3A_424] {strides = array<i32>} : memref<128x256xf32, #tpu.memory_space<vmem>>, vector<16xf32>,
      tpu.vector_store %arg7[%swap3A_423, %swap3A_424], %add3A_422 {strides = array<i32>} : memref<128x256xf32, #tpu.memory_space<vmem>>, vector<16xf32>,
      %get3A_426 = arith.index_cast %scan3A_365 : i32 to index
      %get3A_427 = arith.constant 96 : index
      %get3A_428 = tpu.vector_load %arg7[%get3A_426, %get3A_427] {strides = array<i32>} : memref<128x256xf32, #tpu.memory_space<vmem>>, vector<16xf32>,
      %get3A_429 = arith.index_cast %scan3A_365 : i32 to index
      %get3A_430 = arith.constant 96 : index
      %get3A_431 = tpu.vector_load %arg8[%get3A_429, %get3A_430] {strides = array<i32>} : memref<128x256xf32, #tpu.memory_space<vmem>>, vector<16xf32>,
      %add3A_432 = arith.addf %get3A_428, %get3A_431 : vector<16xf32>
      %swap3A_433 = arith.index_cast %scan3A_365 : i32 to index
      %swap3A_434 = arith.constant 96 : index
      %swap3A_435 = tpu.vector_load %arg7[%swap3A_433, %swap3A_434] {strides = array<i32>} : memref<128x256xf32, #tpu.memory_space<vmem>>, vector<16xf32>,
      tpu.vector_store %arg7[%swap3A_433, %swap3A_434], %add3A_432 {strides = array<i32>} : memref<128x256xf32, #tpu.memory_space<vmem>>, vector<16xf32>,
      %get3A_436 = arith.index_cast %scan3A_365 : i32 to index
      %get3A_437 = arith.constant 112 : index
      %get3A_438 = tpu.vector_load %arg7[%get3A_436, %get3A_437] {strides = array<i32>} : memref<128x256xf32, #tpu.memory_space<vmem>>, vector<16xf32>,
      %get3A_439 = arith.index_cast %scan3A_365 : i32 to index
      %get3A_440 = arith.constant 112 : index
      %get3A_441 = tpu.vector_load %arg8[%get3A_439, %get3A_440] {strides = array<i32>} : memref<128x256xf32, #tpu.memory_space<vmem>>, vector<16xf32>,
      %add3A_442 = arith.addf %get3A_438, %get3A_441 : vector<16xf32>
      %swap3A_443 = arith.index_cast %scan3A_365 : i32 to index
      %swap3A_444 = arith.constant 112 : index
      %swap3A_445 = tpu.vector_load %arg7[%swap3A_443, %swap3A_444] {strides = array<i32>} : memref<128x256xf32, #tpu.memory_space<vmem>>, vector<16xf32>,
      tpu.vector_store %arg7[%swap3A_443, %swap3A_444], %add3A_442 {strides = array<i32>} : memref<128x256xf32, #tpu.memory_space<vmem>>, vector<16xf32>,
      %get3A_446 = arith.index_cast %scan3A_365 : i32 to index
      %get3A_447 = arith.constant 128 : index
      %get3A_448 = tpu.vector_load %arg7[%get3A_446, %get3A_447] {strides = array<i32>} : memref<128x256xf32, #tpu.memory_space<vmem>>, vector<16xf32>,
      %get3A_449 = arith.index_cast %scan3A_365 : i32 to index
      %get3A_450 = arith.constant 128 : index
      %get3A_451 = tpu.vector_load %arg8[%get3A_449, %get3A_450] {strides = array<i32>} : memref<128x256xf32, #tpu.memory_space<vmem>>, vector<16xf32>,
      %add3A_452 = arith.addf %get3A_448, %get3A_451 : vector<16xf32>
      %swap3A_453 = arith.index_cast %scan3A_365 : i32 to index
      %swap3A_454 = arith.constant 128 : index
      %swap3A_455 = tpu.vector_load %arg7[%swap3A_453, %swap3A_454] {strides = array<i32>} : memref<128x256xf32, #tpu.memory_space<vmem>>, vector<16xf32>,
      tpu.vector_store %arg7[%swap3A_453, %swap3A_454], %add3A_452 {strides = array<i32>} : memref<128x256xf32, #tpu.memory_space<vmem>>, vector<16xf32>,
      %get3A_456 = arith.index_cast %scan3A_365 : i32 to index
      %get3A_457 = arith.constant 144 : index
      %get3A_458 = tpu.vector_load %arg7[%get3A_456, %get3A_457] {strides = array<i32>} : memref<128x256xf32, #tpu.memory_space<vmem>>, vector<16xf32>,
      %get3A_459 = arith.index_cast %scan3A_365 : i32 to index
      %get3A_460 = arith.constant 144 : index
      %get3A_461 = tpu.vector_load %arg8[%get3A_459, %get3A_460] {strides = array<i32>} : memref<128x256xf32, #tpu.memory_space<vmem>>, vector<16xf32>,
      %add3A_462 = arith.addf %get3A_458, %get3A_461 : vector<16xf32>
      %swap3A_463 = arith.index_cast %scan3A_365 : i32 to index
      %swap3A_464 = arith.constant 144 : index
      %swap3A_465 = tpu.vector_load %arg7[%swap3A_463, %swap3A_464] {strides = array<i32>} : memref<128x256xf32, #tpu.memory_space<vmem>>, vector<16xf32>,
      tpu.vector_store %arg7[%swap3A_463, %swap3A_464], %add3A_462 {strides = array<i32>} : memref<128x256xf32, #tpu.memory_space<vmem>>, vector<16xf32>,
      %get3A_466 = arith.index_cast %scan3A_365 : i32 to index
      %get3A_467 = arith.constant 160 : index
      %get3A_468 = tpu.vector_load %arg7[%get3A_466, %get3A_467] {strides = array<i32>} : memref<128x256xf32, #tpu.memory_space<vmem>>, vector<16xf32>,
      %get3A_469 = arith.index_cast %scan3A_365 : i32 to index
      %get3A_470 = arith.constant 160 : index
      %get3A_471 = tpu.vector_load %arg8[%get3A_469, %get3A_470] {strides = array<i32>} : memref<128x256xf32, #tpu.memory_space<vmem>>, vector<16xf32>,
      %add3A_472 = arith.addf %get3A_468, %get3A_471 : vector<16xf32>
      %swap3A_473 = arith.index_cast %scan3A_365 : i32 to index
      %swap3A_474 = arith.constant 160 : index
      %swap3A_475 = tpu.vector_load %arg7[%swap3A_473, %swap3A_474] {strides = array<i32>} : memref<128x256xf32, #tpu.memory_space<vmem>>, vector<16xf32>,
      tpu.vector_store %arg7[%swap3A_473, %swap3A_474], %add3A_472 {strides = array<i32>} : memref<128x256xf32, #tpu.memory_space<vmem>>, vector<16xf32>,
      %get3A_476 = arith.index_cast %scan3A_365 : i32 to index
      %get3A_477 = arith.constant 176 : index
      %get3A_478 = tpu.vector_load %arg7[%get3A_476, %get3A_477] {strides = array<i32>} : memref<128x256xf32, #tpu.memory_space<vmem>>, vector<16xf32>,
      %get3A_479 = arith.index_cast %scan3A_365 : i32 to index
      %get3A_480 = arith.constant 176 : index
      %get3A_481 = tpu.vector_load %arg8[%get3A_479, %get3A_480] {strides = array<i32>} : memref<128x256xf32, #tpu.memory_space<vmem>>, vector<16xf32>,
      %add3A_482 = arith.addf %get3A_478, %get3A_481 : vector<16xf32>
      %swap3A_483 = arith.index_cast %scan3A_365 : i32 to index
      %swap3A_484 = arith.constant 176 : index
      %swap3A_485 = tpu.vector_load %arg7[%swap3A_483, %swap3A_484] {strides = array<i32>} : memref<128x256xf32, #tpu.memory_space<vmem>>, vector<16xf32>,
      tpu.vector_store %arg7[%swap3A_483, %swap3A_484], %add3A_482 {strides = array<i32>} : memref<128x256xf32, #tpu.memory_space<vmem>>, vector<16xf32>,
      %get3A_486 = arith.index_cast %scan3A_365 : i32 to index
      %get3A_487 = arith.constant 192 : index
      %get3A_488 = tpu.vector_load %arg7[%get3A_486, %get3A_487] {strides = array<i32>} : memref<128x256xf32, #tpu.memory_space<vmem>>, vector<16xf32>,
      %get3A_489 = arith.index_cast %scan3A_365 : i32 to index
      %get3A_490 = arith.constant 192 : index
      %get3A_491 = tpu.vector_load %arg8[%get3A_489, %get3A_490] {strides = array<i32>} : memref<128x256xf32, #tpu.memory_space<vmem>>, vector<16xf32>,
      %add3A_492 = arith.addf %get3A_488, %get3A_491 : vector<16xf32>
      %swap3A_493 = arith.index_cast %scan3A_365 : i32 to index
      %swap3A_494 = arith.constant 192 : index
      %swap3A_495 = tpu.vector_load %arg7[%swap3A_493, %swap3A_494] {strides = array<i32>} : memref<128x256xf32, #tpu.memory_space<vmem>>, vector<16xf32>,
      tpu.vector_store %arg7[%swap3A_493, %swap3A_494], %add3A_492 {strides = array<i32>} : memref<128x256xf32, #tpu.memory_space<vmem>>, vector<16xf32>,
      %get3A_496 = arith.index_cast %scan3A_365 : i32 to index
      %get3A_497 = arith.constant 208 : index
      %get3A_498 = tpu.vector_load %arg7[%get3A_496, %get3A_497] {strides = array<i32>} : memref<128x256xf32, #tpu.memory_space<vmem>>, vector<16xf32>,
      %get3A_499 = arith.index_cast %scan3A_365 : i32 to index
      %get3A_500 = arith.constant 208 : index
      %get3A_501 = tpu.vector_load %arg8[%get3A_499, %get3A_500] {strides = array<i32>} : memref<128x256xf32, #tpu.memory_space<vmem>>, vector<16xf32>,
      %add3A_502 = arith.addf %get3A_498, %get3A_501 : vector<16xf32>
      %swap3A_503 = arith.index_cast %scan3A_365 : i32 to index
      %swap3A_504 = arith.constant 208 : index
      %swap3A_505 = tpu.vector_load %arg7[%swap3A_503, %swap3A_504] {strides = array<i32>} : memref<128x256xf32, #tpu.memory_space<vmem>>, vector<16xf32>,
      tpu.vector_store %arg7[%swap3A_503, %swap3A_504], %add3A_502 {strides = array<i32>} : memref<128x256xf32, #tpu.memory_space<vmem>>, vector<16xf32>,
      %get3A_506 = arith.index_cast %scan3A_365 : i32 to index
      %get3A_507 = arith.constant 224 : index
      %get3A_508 = tpu.vector_load %arg7[%get3A_506, %get3A_507] {strides = array<i32>} : memref<128x256xf32, #tpu.memory_space<vmem>>, vector<16xf32>,
      %get3A_509 = arith.index_cast %scan3A_365 : i32 to index
      %get3A_510 = arith.constant 224 : index
      %get3A_511 = tpu.vector_load %arg8[%get3A_509, %get3A_510] {strides = array<i32>} : memref<128x256xf32, #tpu.memory_space<vmem>>, vector<16xf32>,
      %add3A_512 = arith.addf %get3A_508, %get3A_511 : vector<16xf32>
      %swap3A_513 = arith.index_cast %scan3A_365 : i32 to index
      %swap3A_514 = arith.constant 224 : index
      %swap3A_515 = tpu.vector_load %arg7[%swap3A_513, %swap3A_514] {strides = array<i32>} : memref<128x256xf32, #tpu.memory_space<vmem>>, vector<16xf32>,
      tpu.vector_store %arg7[%swap3A_513, %swap3A_514], %add3A_512 {strides = array<i32>} : memref<128x256xf32, #tpu.memory_space<vmem>>, vector<16xf32>,
      %get3A_516 = arith.index_cast %scan3A_365 : i32 to index
      %get3A_517 = arith.constant 240 : index
      %get3A_518 = tpu.vector_load %arg7[%get3A_516, %get3A_517] {strides = array<i32>} : memref<128x256xf32, #tpu.memory_space<vmem>>, vector<16xf32>,
      %get3A_519 = arith.index_cast %scan3A_365 : i32 to index
      %get3A_520 = arith.constant 240 : index
      %get3A_521 = tpu.vector_load %arg8[%get3A_519, %get3A_520] {strides = array<i32>} : memref<128x256xf32, #tpu.memory_space<vmem>>, vector<16xf32>,
      %add3A_522 = arith.addf %get3A_518, %get3A_521 : vector<16xf32>
      %swap3A_523 = arith.index_cast %scan3A_365 : i32 to index
      %swap3A_524 = arith.constant 240 : index
      %swap3A_525 = tpu.vector_load %arg7[%swap3A_523, %swap3A_524] {strides = array<i32>} : memref<128x256xf32, #tpu.memory_space<vmem>>, vector<16xf32>,
      tpu.vector_store %arg7[%swap3A_523, %swap3A_524], %add3A_522 {strides = array<i32>} : memref<128x256xf32, #tpu.memory_space<vmem>>, vector<16xf32>,
      %scan3A_526 = arith.constant 3 : i32
      %scan3A_527 = arith.addi %scan3A_43, %scan3A_526 : i32
      %get3A_528 = arith.index_cast %scan3A_527 : i32 to index
      %get3A_529 = arith.constant 0 : index
      %get3A_530 = tpu.vector_load %arg7[%get3A_528, %get3A_529] {strides = array<i32>} : memref<128x256xf32, #tpu.memory_space<vmem>>, vector<16xf32>,
      %get3A_531 = arith.index_cast %scan3A_527 : i32 to index
      %get3A_532 = arith.constant 0 : index
      %get3A_533 = tpu.vector_load %arg8[%get3A_531, %get3A_532] {strides = array<i32>} : memref<128x256xf32, #tpu.memory_space<vmem>>, vector<16xf32>,
      %add3A_534 = arith.addf %get3A_530, %get3A_533 : vector<16xf32>
      %swap3A_535 = arith.index_cast %scan3A_527 : i32 to index
      %swap3A_536 = arith.constant 0 : index
      %swap3A_537 = tpu.vector_load %arg7[%swap3A_535, %swap3A_536] {strides = array<i32>} : memref<128x256xf32, #tpu.memory_space<vmem>>, vector<16xf32>,
      tpu.vector_store %arg7[%swap3A_535, %swap3A_536], %add3A_534 {strides = array<i32>} : memref<128x256xf32, #tpu.memory_space<vmem>>, vector<16xf32>,
      %get3A_538 = arith.index_cast %scan3A_527 : i32 to index
      %get3A_539 = arith.constant 16 : index
      %get3A_540 = tpu.vector_load %arg7[%get3A_538, %get3A_539] {strides = array<i32>} : memref<128x256xf32, #tpu.memory_space<vmem>>, vector<16xf32>,
      %get3A_541 = arith.index_cast %scan3A_527 : i32 to index
      %get3A_542 = arith.constant 16 : index
      %get3A_543 = tpu.vector_load %arg8[%get3A_541, %get3A_542] {strides = array<i32>} : memref<128x256xf32, #tpu.memory_space<vmem>>, vector<16xf32>,
      %add3A_544 = arith.addf %get3A_540, %get3A_543 : vector<16xf32>
      %swap3A_545 = arith.index_cast %scan3A_527 : i32 to index
      %swap3A_546 = arith.constant 16 : index
      %swap3A_547 = tpu.vector_load %arg7[%swap3A_545, %swap3A_546] {strides = array<i32>} : memref<128x256xf32, #tpu.memory_space<vmem>>, vector<16xf32>,
      tpu.vector_store %arg7[%swap3A_545, %swap3A_546], %add3A_544 {strides = array<i32>} : memref<128x256xf32, #tpu.memory_space<vmem>>, vector<16xf32>,
      %get3A_548 = arith.index_cast %scan3A_527 : i32 to index
      %get3A_549 = arith.constant 32 : index
      %get3A_550 = tpu.vector_load %arg7[%get3A_548, %get3A_549] {strides = array<i32>} : memref<128x256xf32, #tpu.memory_space<vmem>>, vector<16xf32>,
      %get3A_551 = arith.index_cast %scan3A_527 : i32 to index
      %get3A_552 = arith.constant 32 : index
      %get3A_553 = tpu.vector_load %arg8[%get3A_551, %get3A_552] {strides = array<i32>} : memref<128x256xf32, #tpu.memory_space<vmem>>, vector<16xf32>,
      %add3A_554 = arith.addf %get3A_550, %get3A_553 : vector<16xf32>
      %swap3A_555 = arith.index_cast %scan3A_527 : i32 to index
      %swap3A_556 = arith.constant 32 : index
      %swap3A_557 = tpu.vector_load %arg7[%swap3A_555, %swap3A_556] {strides = array<i32>} : memref<128x256xf32, #tpu.memory_space<vmem>>, vector<16xf32>,
      tpu.vector_store %arg7[%swap3A_555, %swap3A_556], %add3A_554 {strides = array<i32>} : memref<128x256xf32, #tpu.memory_space<vmem>>, vector<16xf32>,
      %get3A_558 = arith.index_cast %scan3A_527 : i32 to index
      %get3A_559 = arith.constant 48 : index
      %get3A_560 = tpu.vector_load %arg7[%get3A_558, %get3A_559] {strides = array<i32>} : memref<128x256xf32, #tpu.memory_space<vmem>>, vector<16xf32>,
      %get3A_561 = arith.index_cast %scan3A_527 : i32 to index
      %get3A_562 = arith.constant 48 : index
      %get3A_563 = tpu.vector_load %arg8[%get3A_561, %get3A_562] {strides = array<i32>} : memref<128x256xf32, #tpu.memory_space<vmem>>, vector<16xf32>,
      %add3A_564 = arith.addf %get3A_560, %get3A_563 : vector<16xf32>
      %swap3A_565 = arith.index_cast %scan3A_527 : i32 to index
      %swap3A_566 = arith.constant 48 : index
      %swap3A_567 = tpu.vector_load %arg7[%swap3A_565, %swap3A_566] {strides = array<i32>} : memref<128x256xf32, #tpu.memory_space<vmem>>, vector<16xf32>,
      tpu.vector_store %arg7[%swap3A_565, %swap3A_566], %add3A_564 {strides = array<i32>} : memref<128x256xf32, #tpu.memory_space<vmem>>, vector<16xf32>,
      %get3A_568 = arith.index_cast %scan3A_527 : i32 to index
      %get3A_569 = arith.constant 64 : index
      %get3A_570 = tpu.vector_load %arg7[%get3A_568, %get3A_569] {strides = array<i32>} : memref<128x256xf32, #tpu.memory_space<vmem>>, vector<16xf32>,
      %get3A_571 = arith.index_cast %scan3A_527 : i32 to index
      %get3A_572 = arith.constant 64 : index
      %get3A_573 = tpu.vector_load %arg8[%get3A_571, %get3A_572] {strides = array<i32>} : memref<128x256xf32, #tpu.memory_space<vmem>>, vector<16xf32>,
      %add3A_574 = arith.addf %get3A_570, %get3A_573 : vector<16xf32>
      %swap3A_575 = arith.index_cast %scan3A_527 : i32 to index
      %swap3A_576 = arith.constant 64 : index
      %swap3A_577 = tpu.vector_load %arg7[%swap3A_575, %swap3A_576] {strides = array<i32>} : memref<128x256xf32, #tpu.memory_space<vmem>>, vector<16xf32>,
      tpu.vector_store %arg7[%swap3A_575, %swap3A_576], %add3A_574 {strides = array<i32>} : memref<128x256xf32, #tpu.memory_space<vmem>>, vector<16xf32>,
      %get3A_578 = arith.index_cast %scan3A_527 : i32 to index
      %get3A_579 = arith.constant 80 : index
      %get3A_580 = tpu.vector_load %arg7[%get3A_578, %get3A_579] {strides = array<i32>} : memref<128x256xf32, #tpu.memory_space<vmem>>, vector<16xf32>,
      %get3A_581 = arith.index_cast %scan3A_527 : i32 to index
      %get3A_582 = arith.constant 80 : index
      %get3A_583 = tpu.vector_load %arg8[%get3A_581, %get3A_582] {strides = array<i32>} : memref<128x256xf32, #tpu.memory_space<vmem>>, vector<16xf32>,
      %add3A_584 = arith.addf %get3A_580, %get3A_583 : vector<16xf32>
      %swap3A_585 = arith.index_cast %scan3A_527 : i32 to index
      %swap3A_586 = arith.constant 80 : index
      %swap3A_587 = tpu.vector_load %arg7[%swap3A_585, %swap3A_586] {strides = array<i32>} : memref<128x256xf32, #tpu.memory_space<vmem>>, vector<16xf32>,
      tpu.vector_store %arg7[%swap3A_585, %swap3A_586], %add3A_584 {strides = array<i32>} : memref<128x256xf32, #tpu.memory_space<vmem>>, vector<16xf32>,
      %get3A_588 = arith.index_cast %scan3A_527 : i32 to index
      %get3A_589 = arith.constant 96 : index
      %get3A_590 = tpu.vector_load %arg7[%get3A_588, %get3A_589] {strides = array<i32>} : memref<128x256xf32, #tpu.memory_space<vmem>>, vector<16xf32>,
      %get3A_591 = arith.index_cast %scan3A_527 : i32 to index
      %get3A_592 = arith.constant 96 : index
      %get3A_593 = tpu.vector_load %arg8[%get3A_591, %get3A_592] {strides = array<i32>} : memref<128x256xf32, #tpu.memory_space<vmem>>, vector<16xf32>,
      %add3A_594 = arith.addf %get3A_590, %get3A_593 : vector<16xf32>
      %swap3A_595 = arith.index_cast %scan3A_527 : i32 to index
      %swap3A_596 = arith.constant 96 : index
      %swap3A_597 = tpu.vector_load %arg7[%swap3A_595, %swap3A_596] {strides = array<i32>} : memref<128x256xf32, #tpu.memory_space<vmem>>, vector<16xf32>,
      tpu.vector_store %arg7[%swap3A_595, %swap3A_596], %add3A_594 {strides = array<i32>} : memref<128x256xf32, #tpu.memory_space<vmem>>, vector<16xf32>,
      %get3A_598 = arith.index_cast %scan3A_527 : i32 to index
      %get3A_599 = arith.constant 112 : index
      %get3A_600 = tpu.vector_load %arg7[%get3A_598, %get3A_599] {strides = array<i32>} : memref<128x256xf32, #tpu.memory_space<vmem>>, vector<16xf32>,
      %get3A_601 = arith.index_cast %scan3A_527 : i32 to index
      %get3A_602 = arith.constant 112 : index
      %get3A_603 = tpu.vector_load %arg8[%get3A_601, %get3A_602] {strides = array<i32>} : memref<128x256xf32, #tpu.memory_space<vmem>>, vector<16xf32>,
      %add3A_604 = arith.addf %get3A_600, %get3A_603 : vector<16xf32>
      %swap3A_605 = arith.index_cast %scan3A_527 : i32 to index
      %swap3A_606 = arith.constant 112 : index
      %swap3A_607 = tpu.vector_load %arg7[%swap3A_605, %swap3A_606] {strides = array<i32>} : memref<128x256xf32, #tpu.memory_space<vmem>>, vector<16xf32>,
      tpu.vector_store %arg7[%swap3A_605, %swap3A_606], %add3A_604 {strides = array<i32>} : memref<128x256xf32, #tpu.memory_space<vmem>>, vector<16xf32>,
      %get3A_608 = arith.index_cast %scan3A_527 : i32 to index
      %get3A_609 = arith.constant 128 : index
      %get3A_610 = tpu.vector_load %arg7[%get3A_608, %get3A_609] {strides = array<i32>} : memref<128x256xf32, #tpu.memory_space<vmem>>, vector<16xf32>,
      %get3A_611 = arith.index_cast %scan3A_527 : i32 to index
      %get3A_612 = arith.constant 128 : index
      %get3A_613 = tpu.vector_load %arg8[%get3A_611, %get3A_612] {strides = array<i32>} : memref<128x256xf32, #tpu.memory_space<vmem>>, vector<16xf32>,
      %add3A_614 = arith.addf %get3A_610, %get3A_613 : vector<16xf32>
      %swap3A_615 = arith.index_cast %scan3A_527 : i32 to index
      %swap3A_616 = arith.constant 128 : index
      %swap3A_617 = tpu.vector_load %arg7[%swap3A_615, %swap3A_616] {strides = array<i32>} : memref<128x256xf32, #tpu.memory_space<vmem>>, vector<16xf32>,
      tpu.vector_store %arg7[%swap3A_615, %swap3A_616], %add3A_614 {strides = array<i32>} : memref<128x256xf32, #tpu.memory_space<vmem>>, vector<16xf32>,
      %get3A_618 = arith.index_cast %scan3A_527 : i32 to index
      %get3A_619 = arith.constant 144 : index
      %get3A_620 = tpu.vector_load %arg7[%get3A_618, %get3A_619] {strides = array<i32>} : memref<128x256xf32, #tpu.memory_space<vmem>>, vector<16xf32>,
      %get3A_621 = arith.index_cast %scan3A_527 : i32 to index
      %get3A_622 = arith.constant 144 : index
      %get3A_623 = tpu.vector_load %arg8[%get3A_621, %get3A_622] {strides = array<i32>} : memref<128x256xf32, #tpu.memory_space<vmem>>, vector<16xf32>,
      %add3A_624 = arith.addf %get3A_620, %get3A_623 : vector<16xf32>
      %swap3A_625 = arith.index_cast %scan3A_527 : i32 to index
      %swap3A_626 = arith.constant 144 : index
      %swap3A_627 = tpu.vector_load %arg7[%swap3A_625, %swap3A_626] {strides = array<i32>} : memref<128x256xf32, #tpu.memory_space<vmem>>, vector<16xf32>,
      tpu.vector_store %arg7[%swap3A_625, %swap3A_626], %add3A_624 {strides = array<i32>} : memref<128x256xf32, #tpu.memory_space<vmem>>, vector<16xf32>,
      %get3A_628 = arith.index_cast %scan3A_527 : i32 to index
      %get3A_629 = arith.constant 160 : index
      %get3A_630 = tpu.vector_load %arg7[%get3A_628, %get3A_629] {strides = array<i32>} : memref<128x256xf32, #tpu.memory_space<vmem>>, vector<16xf32>,
      %get3A_631 = arith.index_cast %scan3A_527 : i32 to index
      %get3A_632 = arith.constant 160 : index
      %get3A_633 = tpu.vector_load %arg8[%get3A_631, %get3A_632] {strides = array<i32>} : memref<128x256xf32, #tpu.memory_space<vmem>>, vector<16xf32>,
      %add3A_634 = arith.addf %get3A_630, %get3A_633 : vector<16xf32>
      %swap3A_635 = arith.index_cast %scan3A_527 : i32 to index
      %swap3A_636 = arith.constant 160 : index
      %swap3A_637 = tpu.vector_load %arg7[%swap3A_635, %swap3A_636] {strides = array<i32>} : memref<128x256xf32, #tpu.memory_space<vmem>>, vector<16xf32>,
      tpu.vector_store %arg7[%swap3A_635, %swap3A_636], %add3A_634 {strides = array<i32>} : memref<128x256xf32, #tpu.memory_space<vmem>>, vector<16xf32>,
      %get3A_638 = arith.index_cast %scan3A_527 : i32 to index
      %get3A_639 = arith.constant 176 : index
      %get3A_640 = tpu.vector_load %arg7[%get3A_638, %get3A_639] {strides = array<i32>} : memref<128x256xf32, #tpu.memory_space<vmem>>, vector<16xf32>,
      %get3A_641 = arith.index_cast %scan3A_527 : i32 to index
      %get3A_642 = arith.constant 176 : index
      %get3A_643 = tpu.vector_load %arg8[%get3A_641, %get3A_642] {strides = array<i32>} : memref<128x256xf32, #tpu.memory_space<vmem>>, vector<16xf32>,
      %add3A_644 = arith.addf %get3A_640, %get3A_643 : vector<16xf32>
      %swap3A_645 = arith.index_cast %scan3A_527 : i32 to index
      %swap3A_646 = arith.constant 176 : index
      %swap3A_647 = tpu.vector_load %arg7[%swap3A_645, %swap3A_646] {strides = array<i32>} : memref<128x256xf32, #tpu.memory_space<vmem>>, vector<16xf32>,
      tpu.vector_store %arg7[%swap3A_645, %swap3A_646], %add3A_644 {strides = array<i32>} : memref<128x256xf32, #tpu.memory_space<vmem>>, vector<16xf32>,
      %get3A_648 = arith.index_cast %scan3A_527 : i32 to index
      %get3A_649 = arith.constant 192 : index
      %get3A_650 = tpu.vector_load %arg7[%get3A_648, %get3A_649] {strides = array<i32>} : memref<128x256xf32, #tpu.memory_space<vmem>>, vector<16xf32>,
      %get3A_651 = arith.index_cast %scan3A_527 : i32 to index
      %get3A_652 = arith.constant 192 : index
      %get3A_653 = tpu.vector_load %arg8[%get3A_651, %get3A_652] {strides = array<i32>} : memref<128x256xf32, #tpu.memory_space<vmem>>, vector<16xf32>,
      %add3A_654 = arith.addf %get3A_650, %get3A_653 : vector<16xf32>
      %swap3A_655 = arith.index_cast %scan3A_527 : i32 to index
      %swap3A_656 = arith.constant 192 : index
      %swap3A_657 = tpu.vector_load %arg7[%swap3A_655, %swap3A_656] {strides = array<i32>} : memref<128x256xf32, #tpu.memory_space<vmem>>, vector<16xf32>,
      tpu.vector_store %arg7[%swap3A_655, %swap3A_656], %add3A_654 {strides = array<i32>} : memref<128x256xf32, #tpu.memory_space<vmem>>, vector<16xf32>,
      %get3A_658 = arith.index_cast %scan3A_527 : i32 to index
      %get3A_659 = arith.constant 208 : index
      %get3A_660 = tpu.vector_load %arg7[%get3A_658, %get3A_659] {strides = array<i32>} : memref<128x256xf32, #tpu.memory_space<vmem>>, vector<16xf32>,
      %get3A_661 = arith.index_cast %scan3A_527 : i32 to index
      %get3A_662 = arith.constant 208 : index
      %get3A_663 = tpu.vector_load %arg8[%get3A_661, %get3A_662] {strides = array<i32>} : memref<128x256xf32, #tpu.memory_space<vmem>>, vector<16xf32>,
      %add3A_664 = arith.addf %get3A_660, %get3A_663 : vector<16xf32>
      %swap3A_665 = arith.index_cast %scan3A_527 : i32 to index
      %swap3A_666 = arith.constant 208 : index
      %swap3A_667 = tpu.vector_load %arg7[%swap3A_665, %swap3A_666] {strides = array<i32>} : memref<128x256xf32, #tpu.memory_space<vmem>>, vector<16xf32>,
      tpu.vector_store %arg7[%swap3A_665, %swap3A_666], %add3A_664 {strides = array<i32>} : memref<128x256xf32, #tpu.memory_space<vmem>>, vector<16xf32>,
      %get3A_668 = arith.index_cast %scan3A_527 : i32 to index
      %get3A_669 = arith.constant 224 : index
      %get3A_670 = tpu.vector_load %arg7[%get3A_668, %get3A_669] {strides = array<i32>} : memref<128x256xf32, #tpu.memory_space<vmem>>, vector<16xf32>,
      %get3A_671 = arith.index_cast %scan3A_527 : i32 to index
      %get3A_672 = arith.constant 224 : index
      %get3A_673 = tpu.vector_load %arg8[%get3A_671, %get3A_672] {strides = array<i32>} : memref<128x256xf32, #tpu.memory_space<vmem>>, vector<16xf32>,
      %add3A_674 = arith.addf %get3A_670, %get3A_673 : vector<16xf32>
      %swap3A_675 = arith.index_cast %scan3A_527 : i32 to index
      %swap3A_676 = arith.constant 224 : index
      %swap3A_677 = tpu.vector_load %arg7[%swap3A_675, %swap3A_676] {strides = array<i32>} : memref<128x256xf32, #tpu.memory_space<vmem>>, vector<16xf32>,
      tpu.vector_store %arg7[%swap3A_675, %swap3A_676], %add3A_674 {strides = array<i32>} : memref<128x256xf32, #tpu.memory_space<vmem>>, vector<16xf32>,
      %get3A_678 = arith.index_cast %scan3A_527 : i32 to index
      %get3A_679 = arith.constant 240 : index
      %get3A_680 = tpu.vector_load %arg7[%get3A_678, %get3A_679] {strides = array<i32>} : memref<128x256xf32, #tpu.memory_space<vmem>>, vector<16xf32>,
      %get3A_681 = arith.index_cast %scan3A_527 : i32 to index
      %get3A_682 = arith.constant 240 : index
      %get3A_683 = tpu.vector_load %arg8[%get3A_681, %get3A_682] {strides = array<i32>} : memref<128x256xf32, #tpu.memory_space<vmem>>, vector<16xf32>,
      %add3A_684 = arith.addf %get3A_680, %get3A_683 : vector<16xf32>
      %swap3A_685 = arith.index_cast %scan3A_527 : i32 to index
      %swap3A_686 = arith.constant 240 : index
      %swap3A_687 = tpu.vector_load %arg7[%swap3A_685, %swap3A_686] {strides = array<i32>} : memref<128x256xf32, #tpu.memory_space<vmem>>, vector<16xf32>,
      tpu.vector_store %arg7[%swap3A_685, %swap3A_686], %add3A_684 {strides = array<i32>} : memref<128x256xf32, #tpu.memory_space<vmem>>, vector<16xf32>,
    }
    %scan3A_42 = arith.constant 128 : i32
    "tpu.region"() ({
      %run_scoped3A_43 = tpu.sem_alloc : memref<!tpu.dma_semaphore, #tpu.memory_space<semaphore_mem>>
      %dma_start3A_44 = arith.constant 0 : i32
      %dma_start3A_45 = tpu.memref_slice %arg4[%add3A_23, %dma_start3A_44] : memref<8192x256xf32, #tpu.memory_space<hbm>> -> memref<128x256xf32, #tpu.memory_space<hbm>>
      %dma_start3A_46 = arith.constant 0 : i32
      %dma_start3A_47 = tpu.memref_slice %arg4[%add3A_23, %dma_start3A_46] : memref<8192x256xf32, #tpu.memory_space<hbm>> -> memref<128x256xf32, #tpu.memory_space<hbm>>
      tpu.enqueue_dma source(%arg7 : memref<128x256xf32, #tpu.memory_space<vmem>>) target(%dma_start3A_47 : memref<128x256xf32, #tpu.memory_space<hbm>>) target_semaphore(%run_scoped3A_43 : memref<!tpu.dma_semaphore, #tpu.memory_space<semaphore_mem>>)
      %dma_wait3A_48 = arith.constant 0 : i32
      %dma_wait3A_49 = tpu.memref_slice %arg4[%add3A_23, %dma_wait3A_48] : memref<8192x256xf32, #tpu.memory_space<hbm>> -> memref<128x256xf32, #tpu.memory_space<hbm>>
      %dma_wait3A_50 = arith.constant 0 : i32
      %dma_wait3A_51 = tpu.memref_slice %arg4[%add3A_23, %dma_wait3A_50] : memref<8192x256xf32, #tpu.memory_space<hbm>> -> memref<128x256xf32, #tpu.memory_space<hbm>>
      tpu.wait_dma2 semaphore(%run_scoped3A_43 : memref<!tpu.dma_semaphore, #tpu.memory_space<semaphore_mem>>) src(%arg7 : memref<128x256xf32, #tpu.memory_space<vmem>>) dst(%dma_wait3A_51 : memref<128x256xf32, #tpu.memory_space<hbm>>)
      tpu.yield
    }) : () -> ()
    return
  }
}

module attributes {stable_mosaic.version = 14 : i64} {
  func.func @_plan_kernel(%arg0: memref<8192x256xf32, #tpu.memory_space<vmem>>, %arg1: memref<8x256xf32, #tpu.memory_space<vmem>>, %arg2: memref<1x16384xi32, #tpu.memory_space<vmem>>, %arg3: memref<1x16384xf32, #tpu.memory_space<vmem>>, %arg4: memref<8x2xi32, #tpu.memory_space<vmem>>) attributes {dimension_semantics = [], scalar_prefetch = 0 : i64, scratch_operands = 0 : i64, tpu.core_type = #tpu.core_type<tc>} {
    %get3A = arith.constant 0 : index
    %get3A_0 = arith.constant 0 : index
    %get3A_1 = vector.load %arg0[%get3A, %get3A_0] : memref<8192x256xf32, #tpu.memory_space<vmem>>, vector<8192x256xf32>
    %get3A_2 = arith.constant 0 : index
    %get3A_3 = arith.constant 0 : index
    %get3A_4 = vector.load %arg1[%get3A_2, %get3A_3] : memref<8x256xf32, #tpu.memory_space<vmem>>, vector<8x256xf32>
    %dot_general3A = arith.constant dense<0.000000e+00> : vector<8x8192xf32>
    %dot_general3A_5 = tpu.matmul %get3A_4, %get3A_1, %dot_general3A {dimension_numbers = #tpu.dot_dimension_numbers<[1], [1], [0], [0], [0, 0, 1, 0], [], []>, transpose_lhs_hint = false} : vector<8x256xf32>, vector<8192x256xf32>, vector<8x8192xf32> -> vector<8x8192xf32>
    %reduce_max3A = arith.constant dense<0xFF800000> : vector<8192xf32>
    %reduce_max3A_6 = vector.multi_reduction <maximumf>, %dot_general3A_5, %reduce_max3A [0] : vector<8x8192xf32> to vector<8192xf32>
    %broadcast_in_dim3A = vector.shape_cast %reduce_max3A_6 : vector<8192xf32> to vector<1x8192xf32>
    %sub3A = vector.broadcast %broadcast_in_dim3A : vector<1x8192xf32> to vector<8x8192xf32>
    %sub3A_7 = arith.subf %dot_general3A_5, %sub3A : vector<8x8192xf32>
    %exp3A = math.exp %sub3A_7 : vector<8x8192xf32>
    %reduce_sum3A = arith.constant dense<0.000000e+00> : vector<8192xf32>
    %reduce_sum3A_8 = vector.multi_reduction <add>, %exp3A, %reduce_sum3A [0] : vector<8x8192xf32> to vector<8192xf32>
    %broadcast_in_dim3A_9 = vector.shape_cast %reduce_sum3A_8 : vector<8192xf32> to vector<1x8192xf32>
    %div3A = vector.broadcast %broadcast_in_dim3A_9 : vector<1x8192xf32> to vector<8x8192xf32>
    %div3A_10 = arith.divf %exp3A, %div3A : vector<8x8192xf32>
    %iota3A = tpu.iota {dimensions = array<i32: 0>} : vector<8x8192xi32>
    %reduce_max3A_11 = arith.constant dense<0xFF800000> : vector<8192xf32>
    %reduce_max3A_12 = vector.multi_reduction <maximumf>, %div3A_10, %reduce_max3A_11 [0] : vector<8x8192xf32> to vector<8192xf32>
    %broadcast_in_dim3A_13 = vector.shape_cast %reduce_max3A_12 : vector<8192xf32> to vector<1x8192xf32>
    %eq3A = vector.broadcast %broadcast_in_dim3A_13 : vector<1x8192xf32> to vector<8x8192xf32>
    %eq3A_14 = arith.cmpf oeq, %div3A_10, %eq3A : vector<8x8192xf32>
    %jit3A = arith.constant 8 : i32
    %broadcast_in_dim3A_15 = vector.broadcast %jit3A : i32 to vector<8x8192xi32>
    %select_n3A = arith.select %eq3A_14, %iota3A, %broadcast_in_dim3A_15 : vector<8x8192xi1>, vector<8x8192xi32>
    %reduce_min3A = arith.constant dense<2147483647> : vector<8192xi32>
    %reduce_min3A_16 = vector.multi_reduction <minsi>, %select_n3A, %reduce_min3A [0] : vector<8x8192xi32> to vector<8192xi32>
    %broadcast_in_dim3A_17 = vector.shape_cast %reduce_min3A_16 : vector<8192xi32> to vector<1x8192xi32>
    %eq3A_18 = vector.broadcast %broadcast_in_dim3A_17 : vector<1x8192xi32> to vector<8x8192xi32>
    %eq3A_19 = arith.cmpi eq, %iota3A, %eq3A_18 : vector<8x8192xi32>
    %jit3A_20 = arith.constant -1.000000e+00 : f32
    %broadcast_in_dim3A_21 = vector.broadcast %jit3A_20 : f32 to vector<8x8192xf32>
    %select_n3A_22 = arith.select %eq3A_19, %broadcast_in_dim3A_21, %div3A_10 : vector<8x8192xi1>, vector<8x8192xf32>
    %reduce_max3A_23 = arith.constant dense<0xFF800000> : vector<8192xf32>
    %reduce_max3A_24 = vector.multi_reduction <maximumf>, %select_n3A_22, %reduce_max3A_23 [0] : vector<8x8192xf32> to vector<8192xf32>
    %broadcast_in_dim3A_25 = vector.shape_cast %reduce_max3A_24 : vector<8192xf32> to vector<1x8192xf32>
    %eq3A_26 = vector.broadcast %broadcast_in_dim3A_25 : vector<1x8192xf32> to vector<8x8192xf32>
    %eq3A_27 = arith.cmpf oeq, %select_n3A_22, %eq3A_26 : vector<8x8192xf32>
    %jit3A_28 = arith.constant 8 : i32
    %broadcast_in_dim3A_29 = vector.broadcast %jit3A_28 : i32 to vector<8x8192xi32>
    %select_n3A_30 = arith.select %eq3A_27, %iota3A, %broadcast_in_dim3A_29 : vector<8x8192xi1>, vector<8x8192xi32>
    %reduce_min3A_31 = arith.constant dense<2147483647> : vector<8192xi32>
    %reduce_min3A_32 = vector.multi_reduction <minsi>, %select_n3A_30, %reduce_min3A_31 [0] : vector<8x8192xi32> to vector<8192xi32>
    %broadcast_in_dim3A_33 = vector.shape_cast %reduce_min3A_32 : vector<8192xi32> to vector<1x8192xi32>
    %add3A = arith.addf %broadcast_in_dim3A_13, %broadcast_in_dim3A_25 : vector<1x8192xf32>
    %add3A_34 = arith.constant 9.99999971E-10 : f32
    %add3A_35 = vector.broadcast %add3A_34 : f32 to vector<1x8192xf32>
    %add3A_36 = arith.addf %add3A, %add3A_35 : vector<1x8192xf32>
    %div3A_37 = arith.divf %broadcast_in_dim3A_13, %add3A_36 : vector<1x8192xf32>
    %div3A_38 = arith.divf %broadcast_in_dim3A_25, %add3A_36 : vector<1x8192xf32>
    %eq3A_39 = vector.broadcast %broadcast_in_dim3A_17 : vector<1x8192xi32> to vector<8x8192xi32>
    %eq3A_40 = arith.cmpi eq, %iota3A, %eq3A_39 : vector<8x8192xi32>
    %convert_element_type3A = arith.extui %eq3A_40 : vector<8x8192xi1> to vector<8x8192xi32>
    %convert_element_type3A_41 = arith.sitofp %convert_element_type3A : vector<8x8192xi32> to vector<8x8192xf32>
    %eq3A_42 = vector.broadcast %broadcast_in_dim3A_33 : vector<1x8192xi32> to vector<8x8192xi32>
    %eq3A_43 = arith.cmpi eq, %iota3A, %eq3A_42 : vector<8x8192xi32>
    %convert_element_type3A_44 = arith.extui %eq3A_43 : vector<8x8192xi1> to vector<8x8192xi32>
    %convert_element_type3A_45 = arith.sitofp %convert_element_type3A_44 : vector<8x8192xi32> to vector<8x8192xf32>
    %concatenate3A = tpu.concatenate %convert_element_type3A_41, %convert_element_type3A_45 in 1 : vector<8x8192xf32>, vector<8x8192xf32> -> vector<8x16384xf32>
    %jit3A_46 = arith.constant 0 : i32
    %convert_element_type3A_47 = arith.sitofp %jit3A_46 : i32 to f32
    %pad3A = vector.broadcast %convert_element_type3A_47 : f32 to vector<8x1xf32>
    %pad3A_48 = tpu.concatenate %pad3A, %concatenate3A in 1 : vector<8x1xf32>, vector<8x16384xf32> -> vector<8x16385xf32>
    %slice3A = vector.extract_strided_slice %pad3A_48 {offsets = [0, 0], sizes = [8, 16384], strides = [1, 1]} : vector<8x16385xf32> to vector<8x16384xf32>
    %add3A_49 = arith.addf %concatenate3A, %slice3A : vector<8x16384xf32>
    %jit3A_50 = arith.constant 0 : i32
    %convert_element_type3A_51 = arith.sitofp %jit3A_50 : i32 to f32
    %pad3A_52 = vector.broadcast %convert_element_type3A_51 : f32 to vector<8x2xf32>
    %pad3A_53 = tpu.concatenate %pad3A_52, %add3A_49 in 1 : vector<8x2xf32>, vector<8x16384xf32> -> vector<8x16386xf32>
    %slice3A_54 = vector.extract_strided_slice %pad3A_53 {offsets = [0, 0], sizes = [8, 16384], strides = [1, 1]} : vector<8x16386xf32> to vector<8x16384xf32>
    %add3A_55 = arith.addf %add3A_49, %slice3A_54 : vector<8x16384xf32>
    %jit3A_56 = arith.constant 0 : i32
    %convert_element_type3A_57 = arith.sitofp %jit3A_56 : i32 to f32
    %pad3A_58 = vector.broadcast %convert_element_type3A_57 : f32 to vector<8x4xf32>
    %pad3A_59 = tpu.concatenate %pad3A_58, %add3A_55 in 1 : vector<8x4xf32>, vector<8x16384xf32> -> vector<8x16388xf32>
    %slice3A_60 = vector.extract_strided_slice %pad3A_59 {offsets = [0, 0], sizes = [8, 16384], strides = [1, 1]} : vector<8x16388xf32> to vector<8x16384xf32>
    %add3A_61 = arith.addf %add3A_55, %slice3A_60 : vector<8x16384xf32>
    %jit3A_62 = arith.constant 0 : i32
    %convert_element_type3A_63 = arith.sitofp %jit3A_62 : i32 to f32
    %pad3A_64 = vector.broadcast %convert_element_type3A_63 : f32 to vector<8x8xf32>
    %pad3A_65 = tpu.concatenate %pad3A_64, %add3A_61 in 1 : vector<8x8xf32>, vector<8x16384xf32> -> vector<8x16392xf32>
    %slice3A_66 = vector.extract_strided_slice %pad3A_65 {offsets = [0, 0], sizes = [8, 16384], strides = [1, 1]} : vector<8x16392xf32> to vector<8x16384xf32>
    %add3A_67 = arith.addf %add3A_61, %slice3A_66 : vector<8x16384xf32>
    %jit3A_68 = arith.constant 0 : i32
    %convert_element_type3A_69 = arith.sitofp %jit3A_68 : i32 to f32
    %pad3A_70 = vector.broadcast %convert_element_type3A_69 : f32 to vector<8x16xf32>
    %pad3A_71 = tpu.concatenate %pad3A_70, %add3A_67 in 1 : vector<8x16xf32>, vector<8x16384xf32> -> vector<8x16400xf32>
    %slice3A_72 = vector.extract_strided_slice %pad3A_71 {offsets = [0, 0], sizes = [8, 16384], strides = [1, 1]} : vector<8x16400xf32> to vector<8x16384xf32>
    %add3A_73 = arith.addf %add3A_67, %slice3A_72 : vector<8x16384xf32>
    %jit3A_74 = arith.constant 0 : i32
    %convert_element_type3A_75 = arith.sitofp %jit3A_74 : i32 to f32
    %pad3A_76 = vector.broadcast %convert_element_type3A_75 : f32 to vector<8x32xf32>
    %pad3A_77 = tpu.concatenate %pad3A_76, %add3A_73 in 1 : vector<8x32xf32>, vector<8x16384xf32> -> vector<8x16416xf32>
    %slice3A_78 = vector.extract_strided_slice %pad3A_77 {offsets = [0, 0], sizes = [8, 16384], strides = [1, 1]} : vector<8x16416xf32> to vector<8x16384xf32>
    %add3A_79 = arith.addf %add3A_73, %slice3A_78 : vector<8x16384xf32>
    %jit3A_80 = arith.constant 0 : i32
    %convert_element_type3A_81 = arith.sitofp %jit3A_80 : i32 to f32
    %pad3A_82 = vector.broadcast %convert_element_type3A_81 : f32 to vector<8x64xf32>
    %pad3A_83 = tpu.concatenate %pad3A_82, %add3A_79 in 1 : vector<8x64xf32>, vector<8x16384xf32> -> vector<8x16448xf32>
    %slice3A_84 = vector.extract_strided_slice %pad3A_83 {offsets = [0, 0], sizes = [8, 16384], strides = [1, 1]} : vector<8x16448xf32> to vector<8x16384xf32>
    %add3A_85 = arith.addf %add3A_79, %slice3A_84 : vector<8x16384xf32>
    %jit3A_86 = arith.constant 0 : i32
    %convert_element_type3A_87 = arith.sitofp %jit3A_86 : i32 to f32
    %pad3A_88 = vector.broadcast %convert_element_type3A_87 : f32 to vector<8x128xf32>
    %pad3A_89 = tpu.concatenate %pad3A_88, %add3A_85 in 1 : vector<8x128xf32>, vector<8x16384xf32> -> vector<8x16512xf32>
    %slice3A_90 = vector.extract_strided_slice %pad3A_89 {offsets = [0, 0], sizes = [8, 16384], strides = [1, 1]} : vector<8x16512xf32> to vector<8x16384xf32>
    %add3A_91 = arith.addf %add3A_85, %slice3A_90 : vector<8x16384xf32>
    %jit3A_92 = arith.constant 0 : i32
    %convert_element_type3A_93 = arith.sitofp %jit3A_92 : i32 to f32
    %pad3A_94 = vector.broadcast %convert_element_type3A_93 : f32 to vector<8x256xf32>
    %pad3A_95 = tpu.concatenate %pad3A_94, %add3A_91 in 1 : vector<8x256xf32>, vector<8x16384xf32> -> vector<8x16640xf32>
    %slice3A_96 = vector.extract_strided_slice %pad3A_95 {offsets = [0, 0], sizes = [8, 16384], strides = [1, 1]} : vector<8x16640xf32> to vector<8x16384xf32>
    %add3A_97 = arith.addf %add3A_91, %slice3A_96 : vector<8x16384xf32>
    %jit3A_98 = arith.constant 0 : i32
    %convert_element_type3A_99 = arith.sitofp %jit3A_98 : i32 to f32
    %pad3A_100 = vector.broadcast %convert_element_type3A_99 : f32 to vector<8x512xf32>
    %pad3A_101 = tpu.concatenate %pad3A_100, %add3A_97 in 1 : vector<8x512xf32>, vector<8x16384xf32> -> vector<8x16896xf32>
    %slice3A_102 = vector.extract_strided_slice %pad3A_101 {offsets = [0, 0], sizes = [8, 16384], strides = [1, 1]} : vector<8x16896xf32> to vector<8x16384xf32>
    %add3A_103 = arith.addf %add3A_97, %slice3A_102 : vector<8x16384xf32>
    %jit3A_104 = arith.constant 0 : i32
    %convert_element_type3A_105 = arith.sitofp %jit3A_104 : i32 to f32
    %pad3A_106 = vector.broadcast %convert_element_type3A_105 : f32 to vector<8x1024xf32>
    %pad3A_107 = tpu.concatenate %pad3A_106, %add3A_103 in 1 : vector<8x1024xf32>, vector<8x16384xf32> -> vector<8x17408xf32>
    %slice3A_108 = vector.extract_strided_slice %pad3A_107 {offsets = [0, 0], sizes = [8, 16384], strides = [1, 1]} : vector<8x17408xf32> to vector<8x16384xf32>
    %add3A_109 = arith.addf %add3A_103, %slice3A_108 : vector<8x16384xf32>
    %jit3A_110 = arith.constant 0 : i32
    %convert_element_type3A_111 = arith.sitofp %jit3A_110 : i32 to f32
    %pad3A_112 = vector.broadcast %convert_element_type3A_111 : f32 to vector<8x2048xf32>
    %pad3A_113 = tpu.concatenate %pad3A_112, %add3A_109 in 1 : vector<8x2048xf32>, vector<8x16384xf32> -> vector<8x18432xf32>
    %slice3A_114 = vector.extract_strided_slice %pad3A_113 {offsets = [0, 0], sizes = [8, 16384], strides = [1, 1]} : vector<8x18432xf32> to vector<8x16384xf32>
    %add3A_115 = arith.addf %add3A_109, %slice3A_114 : vector<8x16384xf32>
    %jit3A_116 = arith.constant 0 : i32
    %convert_element_type3A_117 = arith.sitofp %jit3A_116 : i32 to f32
    %pad3A_118 = vector.broadcast %convert_element_type3A_117 : f32 to vector<8x4096xf32>
    %pad3A_119 = tpu.concatenate %pad3A_118, %add3A_115 in 1 : vector<8x4096xf32>, vector<8x16384xf32> -> vector<8x20480xf32>
    %slice3A_120 = vector.extract_strided_slice %pad3A_119 {offsets = [0, 0], sizes = [8, 16384], strides = [1, 1]} : vector<8x20480xf32> to vector<8x16384xf32>
    %add3A_121 = arith.addf %add3A_115, %slice3A_120 : vector<8x16384xf32>
    %jit3A_122 = arith.constant 0 : i32
    %convert_element_type3A_123 = arith.sitofp %jit3A_122 : i32 to f32
    %pad3A_124 = vector.broadcast %convert_element_type3A_123 : f32 to vector<8x8192xf32>
    %pad3A_125 = tpu.concatenate %pad3A_124, %add3A_121 in 1 : vector<8x8192xf32>, vector<8x16384xf32> -> vector<8x24576xf32>
    %slice3A_126 = vector.extract_strided_slice %pad3A_125 {offsets = [0, 0], sizes = [8, 16384], strides = [1, 1]} : vector<8x24576xf32> to vector<8x16384xf32>
    %add3A_127 = arith.addf %add3A_121, %slice3A_126 : vector<8x16384xf32>
    %sub3A_128 = arith.subf %add3A_127, %concatenate3A : vector<8x16384xf32>
    %slice3A_129 = vector.extract_strided_slice %add3A_127 {offsets = [0, 16383], sizes = [8, 1], strides = [1, 1]} : vector<8x16384xf32> to vector<8x1xf32>
    %convert_element_type3A_130 = arith.fptosi %slice3A_129 : vector<8x1xf32> to vector<8x1xi32>
    %add3A_131 = arith.constant 512 : i32
    %add3A_132 = vector.broadcast %add3A_131 : i32 to vector<8x1xi32>
    %add3A_133 = arith.addi %convert_element_type3A_130, %add3A_132 : vector<8x1xi32>
    %sub3A_134 = arith.constant 1 : i32
    %sub3A_135 = vector.broadcast %sub3A_134 : i32 to vector<8x1xi32>
    %sub3A_136 = arith.subi %add3A_133, %sub3A_135 : vector<8x1xi32>
    %jit3A_137 = arith.constant 512 : i32
    %div3A_138 = vector.broadcast %jit3A_137 : i32 to vector<8x1xi32>
    %div3A_139 = arith.divsi %sub3A_136, %div3A_138 : vector<8x1xi32>
    %sign3A = arith.constant 0 : i32
    %sign3A_140 = vector.broadcast %sign3A : i32 to vector<8x1xi32>
    %sign3A_141 = arith.cmpi sgt, %sub3A_136, %sign3A_140 : vector<8x1xi32>
    %sign3A_142 = arith.extui %sign3A_141 : vector<8x1xi1> to vector<8x1xi32>
    %sign3A_143 = arith.constant 0 : i32
    %sign3A_144 = vector.broadcast %sign3A_143 : i32 to vector<8x1xi32>
    %sign3A_145 = arith.cmpi slt, %sub3A_136, %sign3A_144 : vector<8x1xi32>
    %sign3A_146 = arith.extui %sign3A_145 : vector<8x1xi1> to vector<8x1xi32>
    %sign3A_147 = arith.subi %sign3A_142, %sign3A_146 : vector<8x1xi32>
    %sign3A_148 = arith.constant 0 : i32
    %sign3A_149 = arith.cmpi sgt, %jit3A_137, %sign3A_148 : i32
    %sign3A_150 = arith.extui %sign3A_149 : i1 to i32
    %sign3A_151 = arith.constant 0 : i32
    %sign3A_152 = arith.cmpi slt, %jit3A_137, %sign3A_151 : i32
    %sign3A_153 = arith.extui %sign3A_152 : i1 to i32
    %sign3A_154 = arith.subi %sign3A_150, %sign3A_153 : i32
    %ne3A = vector.broadcast %sign3A_154 : i32 to vector<8x1xi32>
    %ne3A_155 = arith.cmpi ne, %sign3A_147, %ne3A : vector<8x1xi32>
    %rem3A = vector.broadcast %jit3A_137 : i32 to vector<8x1xi32>
    %rem3A_156 = arith.remsi %sub3A_136, %rem3A : vector<8x1xi32>
    %ne3A_157 = arith.constant 0 : i32
    %ne3A_158 = vector.broadcast %ne3A_157 : i32 to vector<8x1xi32>
    %ne3A_159 = arith.cmpi ne, %rem3A_156, %ne3A_158 : vector<8x1xi32>
    %and3A = arith.andi %ne3A_155, %ne3A_159 : vector<8x1xi1>
    %sub3A_160 = arith.constant 1 : i32
    %sub3A_161 = vector.broadcast %sub3A_160 : i32 to vector<8x1xi32>
    %sub3A_162 = arith.subi %div3A_139, %sub3A_161 : vector<8x1xi32>
    %select_n3A_163 = arith.select %and3A, %sub3A_162, %div3A_139 : vector<8x1xi1>, vector<8x1xi32>
    %mul3A = arith.constant 512 : i32
    %mul3A_164 = vector.broadcast %mul3A : i32 to vector<8x1xi32>
    %mul3A_165 = arith.muli %select_n3A_163, %mul3A_164 : vector<8x1xi32>
    %jit3A_166 = arith.constant 0 : i32
    %pad3A_167 = vector.broadcast %jit3A_166 : i32 to vector<1x1xi32>
    %pad3A_168 = tpu.concatenate %pad3A_167, %mul3A_165 in 0 : vector<1x1xi32>, vector<8x1xi32> -> vector<9x1xi32>
    %slice3A_169 = vector.extract_strided_slice %pad3A_168 {offsets = [0, 0], sizes = [8, 1], strides = [1, 1]} : vector<9x1xi32> to vector<8x1xi32>
    %add3A_170 = arith.addi %mul3A_165, %slice3A_169 : vector<8x1xi32>
    %jit3A_171 = arith.constant 0 : i32
    %pad3A_172 = vector.broadcast %jit3A_171 : i32 to vector<2x1xi32>
    %pad3A_173 = tpu.concatenate %pad3A_172, %add3A_170 in 0 : vector<2x1xi32>, vector<8x1xi32> -> vector<10x1xi32>
    %slice3A_174 = vector.extract_strided_slice %pad3A_173 {offsets = [0, 0], sizes = [8, 1], strides = [1, 1]} : vector<10x1xi32> to vector<8x1xi32>
    %add3A_175 = arith.addi %add3A_170, %slice3A_174 : vector<8x1xi32>
    %jit3A_176 = arith.constant 0 : i32
    %pad3A_177 = vector.broadcast %jit3A_176 : i32 to vector<4x1xi32>
    %pad3A_178 = tpu.concatenate %pad3A_177, %add3A_175 in 0 : vector<4x1xi32>, vector<8x1xi32> -> vector<12x1xi32>
    %slice3A_179 = vector.extract_strided_slice %pad3A_178 {offsets = [0, 0], sizes = [8, 1], strides = [1, 1]} : vector<12x1xi32> to vector<8x1xi32>
    %add3A_180 = arith.addi %add3A_175, %slice3A_179 : vector<8x1xi32>
    %sub3A_181 = arith.subi %add3A_180, %mul3A_165 : vector<8x1xi32>
    %mul3A_182 = arith.mulf %sub3A_128, %concatenate3A : vector<8x16384xf32>
    %reduce_sum3A_183 = arith.constant dense<0.000000e+00> : vector<16384xf32>
    %reduce_sum3A_184 = vector.multi_reduction <add>, %mul3A_182, %reduce_sum3A_183 [0] : vector<8x16384xf32> to vector<16384xf32>
    %broadcast_in_dim3A_185 = vector.shape_cast %reduce_sum3A_184 : vector<16384xf32> to vector<1x16384xf32>
    %convert_element_type3A_186 = arith.sitofp %sub3A_181 : vector<8x1xi32> to vector<8x1xf32>
    %mul3A_187 = vector.broadcast %convert_element_type3A_186 : vector<8x1xf32> to vector<8x16384xf32>
    %mul3A_188 = arith.mulf %concatenate3A, %mul3A_187 : vector<8x16384xf32>
    %reduce_sum3A_189 = arith.constant dense<0.000000e+00> : vector<16384xf32>
    %reduce_sum3A_190 = vector.multi_reduction <add>, %mul3A_188, %reduce_sum3A_189 [0] : vector<8x16384xf32> to vector<16384xf32>
    %broadcast_in_dim3A_191 = vector.shape_cast %reduce_sum3A_190 : vector<16384xf32> to vector<1x16384xf32>
    %add3A_192 = arith.addf %broadcast_in_dim3A_185, %broadcast_in_dim3A_191 : vector<1x16384xf32>
    %convert_element_type3A_193 = arith.fptosi %add3A_192 : vector<1x16384xf32> to vector<1x16384xi32>
    %swap3A = arith.constant 0 : index
    %swap3A_194 = arith.constant 0 : index
    %swap3A_195 = vector.load %arg2[%swap3A, %swap3A_194] : memref<1x16384xi32, #tpu.memory_space<vmem>>, vector<1x16384xi32>
    tpu.vector_store %arg2[%swap3A, %swap3A_194], %convert_element_type3A_193 {strides = array<i32>} : memref<1x16384xi32, #tpu.memory_space<vmem>>, vector<1x16384xi32>,
    %concatenate3A_196 = tpu.concatenate %div3A_37, %div3A_38 in 1 : vector<1x8192xf32>, vector<1x8192xf32> -> vector<1x16384xf32>
    %swap3A_197 = arith.constant 0 : index
    %swap3A_198 = arith.constant 0 : index
    %swap3A_199 = vector.load %arg3[%swap3A_197, %swap3A_198] : memref<1x16384xf32, #tpu.memory_space<vmem>>, vector<1x16384xf32>
    tpu.vector_store %arg3[%swap3A_197, %swap3A_198], %concatenate3A_196 {strides = array<i32>} : memref<1x16384xf32, #tpu.memory_space<vmem>>, vector<1x16384xf32>,
    %concatenate3A_200 = tpu.concatenate %sub3A_181, %add3A_180 in 1 : vector<8x1xi32>, vector<8x1xi32> -> vector<8x2xi32>
    %swap3A_201 = arith.constant 0 : index
    %swap3A_202 = arith.constant 0 : index
    %swap3A_203 = vector.load %arg4[%swap3A_201, %swap3A_202] : memref<8x2xi32, #tpu.memory_space<vmem>>, vector<8x2xi32>
    tpu.vector_store %arg4[%swap3A_201, %swap3A_202], %concatenate3A_200 {strides = array<i32>} : memref<8x2xi32, #tpu.memory_space<vmem>>, vector<8x2xi32>,
    return
  }
}

module attributes {stable_mosaic.version = 14 : i64} {
  func.func @_expert_kernel(%arg0: i32, %arg1: memref<40xi32, #tpu.memory_space<smem>>, %arg2: memref<512x256xf32, #tpu.memory_space<vmem>>, %arg3: memref<1x1x512xf32, #tpu.memory_space<vmem>>, %arg4: memref<1x768x256xbf16, #tpu.memory_space<vmem>>, %arg5: memref<1x768x256xbf16, #tpu.memory_space<vmem>>, %arg6: memref<1x256x768xbf16, #tpu.memory_space<vmem>>, %arg7: memref<512x256xf32, #tpu.memory_space<vmem>>) attributes {dimension_semantics = [#tpu.dimension_semantics<arbitrary>], iteration_bounds = array<i64: 40>, scalar_prefetch = 1 : i64, scratch_operands = 0 : i64, tpu.core_type = #tpu.core_type<tc>, window_params = [{transform_indices = @transform_0, window_bounds = array<i64: 512, 256>}, {transform_indices = @transform_1, window_bounds = array<i64: 1, 1, 512>}, {transform_indices = @transform_2, window_bounds = array<i64: 1, 768, 256>}, {transform_indices = @transform_3, window_bounds = array<i64: 1, 768, 256>}, {transform_indices = @transform_4, window_bounds = array<i64: 1, 256, 768>}, {transform_indices = @transform_5, window_bounds = array<i64: 512, 256>}]} {
    %get3A = arith.constant 0 : index
    %get3A_0 = arith.constant 0 : index
    %get3A_1 = vector.load %arg2[%get3A, %get3A_0] : memref<512x256xf32, #tpu.memory_space<vmem>>, vector<512x256xf32>
    %convert_element_type3A = arith.truncf %get3A_1 : vector<512x256xf32> to vector<512x256xbf16>
    %get3A_2 = arith.constant 0 : index
    %get3A_3 = arith.constant 0 : index
    %get3A_4 = arith.constant 0 : index
    %get3A_5 = vector.load %arg4[%get3A_2, %get3A_3, %get3A_4] : memref<1x768x256xbf16, #tpu.memory_space<vmem>>, vector<1x768x256xbf16>
    %get3A_6 = vector.shape_cast %get3A_5 : vector<1x768x256xbf16> to vector<768x256xbf16>
    %dot_general3A = arith.constant dense<0.000000e+00> : vector<512x768xf32>
    %dot_general3A_7 = tpu.matmul %convert_element_type3A, %get3A_6, %dot_general3A {dimension_numbers = #tpu.dot_dimension_numbers<[1], [1], [0], [0], [0, 0, 1, 0], [], []>, transpose_lhs_hint = false} : vector<512x256xbf16>, vector<768x256xbf16>, vector<512x768xf32> -> vector<512x768xf32>
    %get3A_8 = arith.constant 0 : index
    %get3A_9 = arith.constant 0 : index
    %get3A_10 = arith.constant 0 : index
    %get3A_11 = vector.load %arg5[%get3A_8, %get3A_9, %get3A_10] : memref<1x768x256xbf16, #tpu.memory_space<vmem>>, vector<1x768x256xbf16>
    %get3A_12 = vector.shape_cast %get3A_11 : vector<1x768x256xbf16> to vector<768x256xbf16>
    %dot_general3A_13 = arith.constant dense<0.000000e+00> : vector<512x768xf32>
    %dot_general3A_14 = tpu.matmul %convert_element_type3A, %get3A_12, %dot_general3A_13 {dimension_numbers = #tpu.dot_dimension_numbers<[1], [1], [0], [0], [0, 0, 1, 0], [], []>, transpose_lhs_hint = false} : vector<512x256xbf16>, vector<768x256xbf16>, vector<512x768xf32> -> vector<512x768xf32>
    %logistic3A = arith.negf %dot_general3A_7 : vector<512x768xf32>
    %logistic3A_15 = math.exp %logistic3A : vector<512x768xf32>
    %logistic3A_16 = arith.constant 1.000000e+00 : f32
    %logistic3A_17 = vector.broadcast %logistic3A_16 : f32 to vector<512x768xf32>
    %logistic3A_18 = arith.addf %logistic3A_17, %logistic3A_15 : vector<512x768xf32>
    %logistic3A_19 = arith.divf %logistic3A_17, %logistic3A_18 : vector<512x768xf32>
    %mul3A = arith.mulf %dot_general3A_7, %logistic3A_19 : vector<512x768xf32>
    %mul3A_20 = arith.mulf %mul3A, %dot_general3A_14 : vector<512x768xf32>
    %convert_element_type3A_21 = arith.truncf %mul3A_20 : vector<512x768xf32> to vector<512x768xbf16>
    %get3A_22 = arith.constant 0 : index
    %get3A_23 = arith.constant 0 : index
    %get3A_24 = arith.constant 0 : index
    %get3A_25 = vector.load %arg6[%get3A_22, %get3A_23, %get3A_24] : memref<1x256x768xbf16, #tpu.memory_space<vmem>>, vector<1x256x768xbf16>
    %get3A_26 = vector.shape_cast %get3A_25 : vector<1x256x768xbf16> to vector<256x768xbf16>
    %dot_general3A_27 = arith.constant dense<0.000000e+00> : vector<512x256xf32>
    %dot_general3A_28 = tpu.matmul %convert_element_type3A_21, %get3A_26, %dot_general3A_27 {dimension_numbers = #tpu.dot_dimension_numbers<[1], [1], [0], [0], [0, 0, 1, 0], [], []>, transpose_lhs_hint = false} : vector<512x768xbf16>, vector<256x768xbf16>, vector<512x256xf32> -> vector<512x256xf32>
    %get3A_29 = arith.constant 0 : index
    %get3A_30 = arith.constant 0 : index
    %get3A_31 = arith.constant 0 : index
    %get3A_32 = vector.load %arg3[%get3A_29, %get3A_30, %get3A_31] : memref<1x1x512xf32, #tpu.memory_space<vmem>>, vector<1x1x512xf32>
    %get3A_33 = vector.shape_cast %get3A_32 : vector<1x1x512xf32> to vector<512xf32>
    %broadcast_in_dim3A = vector.shape_cast %get3A_33 : vector<512xf32> to vector<512x1xf32>
    %mul3A_34 = vector.broadcast %broadcast_in_dim3A : vector<512x1xf32> to vector<512x256xf32>
    %mul3A_35 = arith.mulf %dot_general3A_28, %mul3A_34 : vector<512x256xf32>
    %swap3A = arith.constant 0 : index
    %swap3A_36 = arith.constant 0 : index
    %swap3A_37 = vector.load %arg7[%swap3A, %swap3A_36] : memref<512x256xf32, #tpu.memory_space<vmem>>, vector<512x256xf32>
    tpu.vector_store %arg7[%swap3A, %swap3A_36], %mul3A_35 {strides = array<i32>} : memref<512x256xf32, #tpu.memory_space<vmem>>, vector<512x256xf32>,
    return
  }
  func.func @transform_0(%arg0: i32, %arg1: memref<40xi32, #tpu.memory_space<smem>>) -> (i32, i32) {
    %c0_i32 = arith.constant 0 : i32
    %c0_i32_0 = arith.constant 0 : i32
    return %arg0, %c0_i32 : i32, i32
  }
  func.func @transform_1(%arg0: i32, %arg1: memref<40xi32, #tpu.memory_space<smem>>) -> (i32, i32, i32) {
    %c0_i32 = arith.constant 0 : i32
    %c0_i32_0 = arith.constant 0 : i32
    %c0_i32_1 = arith.constant 0 : i32
    return %arg0, %c0_i32, %c0_i32_0 : i32, i32, i32
  }
  func.func @transform_2(%arg0: i32, %arg1: memref<40xi32, #tpu.memory_space<smem>>) -> (i32, i32, i32) {
    %get3A = arith.index_cast %arg0 : i32 to index
    %get3A_0 = memref.load %arg1[%get3A] : memref<40xi32, #tpu.memory_space<smem>>
    %c0_i32 = arith.constant 0 : i32
    %c0_i32_1 = arith.constant 0 : i32
    %c0_i32_2 = arith.constant 0 : i32
    return %get3A_0, %c0_i32, %c0_i32_1 : i32, i32, i32
  }
  func.func @transform_3(%arg0: i32, %arg1: memref<40xi32, #tpu.memory_space<smem>>) -> (i32, i32, i32) {
    %get3A = arith.index_cast %arg0 : i32 to index
    %get3A_0 = memref.load %arg1[%get3A] : memref<40xi32, #tpu.memory_space<smem>>
    %c0_i32 = arith.constant 0 : i32
    %c0_i32_1 = arith.constant 0 : i32
    %c0_i32_2 = arith.constant 0 : i32
    return %get3A_0, %c0_i32, %c0_i32_1 : i32, i32, i32
  }
  func.func @transform_4(%arg0: i32, %arg1: memref<40xi32, #tpu.memory_space<smem>>) -> (i32, i32, i32) {
    %get3A = arith.index_cast %arg0 : i32 to index
    %get3A_0 = memref.load %arg1[%get3A] : memref<40xi32, #tpu.memory_space<smem>>
    %c0_i32 = arith.constant 0 : i32
    %c0_i32_1 = arith.constant 0 : i32
    %c0_i32_2 = arith.constant 0 : i32
    return %get3A_0, %c0_i32, %c0_i32_1 : i32, i32, i32
  }
  func.func @transform_5(%arg0: i32, %arg1: memref<40xi32, #tpu.memory_space<smem>>) -> (i32, i32) {
    %c0_i32 = arith.constant 0 : i32
    %c0_i32_0 = arith.constant 0 : i32
    return %arg0, %c0_i32 : i32, i32
  }
}

</mosaic_0001>

<sc_bundles>
// kernel: kernel.6.cloned.1.call-start
scs
__scs_entry_jumppad:
0x0: {  	(pc) =	sbr.rel $0x88, $3  }
0x1: {  	(tag) =	ssettag $0x0;
	lr =	simm.s32 $0x1  }
0x2: {  	[smem:$0x3F9C] =	sst lr;
	_ =	strace $0xD0000000  }
0x3: {  	_ = 	snop  }
0x4: {  	_ = 	snop  }
0x5: {  	_ = 	snop  }
0x6: {  	_ = 	snop  }
0x7: {  	_ = 	snop  }
__scs_overlays_trampoline_lowered:
0x8: {  	[smem:$0x3FAB] =	sst s0  }
0x9: {  	[smem:$0x3FAC] =	sst s1  }
0xa: {  	[smem:$0x3FAD] =	sst s2  }
0xb: {  	[smem:$0x3FAE] =	sst s3  }
0xc: {  	[smem:$0x3FAF] =	sst s4  }
0xd: {  	[smem:$0x3FB0] =	sst s5  }
0xe: {  	[smem:$0x3FB1] =	sst s6  }
0xf: {  	[smem:$0x3FB2] =	sst s7  }
0x10: {  	[smem:$0x3FB3] =	sst s8  }
0x11: {  	[smem:$0x3FB4] =	sst s9;
	s0 =	simm.s32 @!p0 $0x0  }
0x12: {  	s1 =	sld [smem:$0x3F9A];
	s0 =	simm.s32 @p0 $0x1  }
0x13: {  	[smem:$0x3FB5] =	sst s0;
	s0 =	simm.s32 @!p1 $0x0  }
0x14: {  	s2 =	sld [smem:$0x3F99];
	s0 =	simm.s32 @p1 $0x1  }
0x15: {  	[smem:$0x3FB6] =	sst s0;
	s0 =	simm.s32 @!p2 $0x0  }
0x16: {  	s3 =	sld [smem:$0x3FDB];
	s0 =	simm.s32 @p2 $0x1  }
0x17: {  	s4 =	simm.s32 $0x1BF5;
	[smem:$0x3FB8] =	sst s0  }
0x18: {  	s0 =	sld [smem:$0x3F9B];
	_ =	swait.ge [sflag:s4], $0x0  }
0x19: {  	s7 =	sld [smem:$0x3F9C]  }
0x1a: {  	s8 =	sadd.s32 $0xFFFFE003, lr  }
0x1b: {  	s9 =	sadd.s32 $0xFFFFFEF7, lr;
	s5 =	simm.s32 $0xFFFFFFFF;
	p2 =	slt.u32 s8, $0xFFFFF086  }
0x1c: {  	p1 =	slt.u32 s9, $0xF7A;
	s5 =	simm.s32 @!p2 $0x0  }
0x1d: {  	s5 =	simm.s32 @p1 $0x1;
	p0 =	seq.s32 s7, s2  }
0x1e: {  	s7 =	smul.u32 @!p0 $0xF7A, s2;
	p2 =	seq.s32 @!p0 s5, $0x0  }
0x1f: {  	s9 =	smul.u32 $0xF7A, s1;
	s8 =	simm.s32 @!p0 $0x1BF5;
	p2 =	por !p2, p0  }
0x20: {  	[sflag:s8] =	ssyncset.s32 @!p0 $0xFFFFF086;
	s6 =	sadd.s32 @!p0 s3, s7;
	s7 =	simm.s32 @!p0 $0x108  }
0x21: {  	s3 =	sadd.s32 s3, s9;
	s6 =	sadd.s32 @!p0 $0x88, s6;
	s7 =	simm.s32 @p2 $0x1082  }
0x22: {  	[simem:s7], [sflag:s8] =	dma.local @!p0 [hbm:s6], $0xF7A  }
0x23: {  	s9 =	sor.u32 $0xD0000000, s2;
	s6 =	simm.s32 $0x108;
	_ =	swait.ge @!p0 [sflag:s8], $0x0  }
0x24: {  	s3 =	sadd.s32 $0x88, s3;
	s6 =	simm.s32 @!p1 $0x1082;
	[sflag:s4] =	ssyncset.s32 $0xFFFFF086  }
0x25: {  	[simem:s6], [sflag:s4] =	dma.local [hbm:s3], $0xF7A  }
0x26: {  	[smem:$0x3F9C] =	sst s1;
	(tag) =	ssettag s2;
	_ =	strace s9  }
0x27: {  	s1 =	sld [smem:$0x3FAC]  }
0x28: {  	s2 =	sld [smem:$0x3FAD]  }
0x29: {  	s4 =	sld [smem:$0x3FAF]  }
0x2a: {  	p0 =	seq.s32 s5, $0x0;
	s5 =	sld [smem:$0x3FB0]  }
0x2b: {  	s6 =	sld [smem:$0x3FB1]  }
0x2c: {  	s7 =	sld [smem:$0x3FB2]  }
0x2d: {  	s3 =	simm.s32 $0x108;
	s8 =	sld [smem:$0x3FB3]  }
0x2e: {  	s3 =	simm.s32 @!p0 $0x1082;
	s9 =	sld [smem:$0x3FB4]  }
0x2f: {  	lr =	sadd.s32 s0, s3;
	s0 =	sld [smem:$0x3FAB]  }
0x30: {  	s3 =	sld [smem:$0x3FAE]  }
0x31: {  	[smem:$0x3FB7] =	sst s10  }
0x32: {  	s10 =	sld [smem:$0x3FB5];
	_ =	sdelay $0x3  }
0x33: {  	p0 =	seq.s32 s10, $0x1;
	s10 =	sld [smem:$0x3FB7];
	_ =	sdelay $0x3  }
0x34: {  	[smem:$0x3FB7] =	sst s10  }
0x35: {  	s10 =	sld [smem:$0x3FB6];
	_ =	sdelay $0x3  }
0x36: {  	p1 =	seq.s32 s10, $0x1;
	s10 =	sld [smem:$0x3FB7];
	_ =	sdelay $0x3  }
0x37: {  	[smem:$0x3FB7] =	sst s10  }
0x38: {  	s10 =	sld [smem:$0x3FB8]  }
0x39: {  	_ = 	snop;
	(pc) =	sbr.ind lr, $3  }
0x3a: {  	_ = 	snop  }
0x3b: {  	_ = 	snop  }
0x3c: {  	p2 =	seq.s32 s10, $0x1;
	s10 =	sld [smem:$0x3FB7]  }
0x3d: {  	_ =	shalt  }
0x3e: {  	_ =	shalt  }
0x3f: {  	_ =	shalt  }
0x40: {  	_ =	shalt  }
0x41: {  	_ =	shalt  }
0x42: {  	_ =	shalt  }
0x43: {  	_ =	shalt  }
0x44: {  	_ =	shalt  }
0x45: {  	_ =	shalt  }
0x46: {  	_ =	shalt  }
0x47: {  	_ =	shalt  }
0x48: {  	_ =	shalt  }
0x49: {  	_ =	shalt  }
0x4a: {  	_ =	shalt  }
0x4b: {  	_ =	shalt  }
0x4c: {  	_ =	shalt  }
0x4d: {  	_ =	shalt  }
0x4e: {  	_ =	shalt  }
0x4f: {  	_ =	shalt  }
0x50: {  	_ =	shalt  }
0x51: {  	_ =	shalt  }
0x52: {  	_ =	shalt  }
0x53: {  	_ =	shalt  }
0x54: {  	_ =	shalt  }
0x55: {  	_ =	shalt  }
0x56: {  	_ =	shalt  }
0x57: {  	_ =	shalt  }
0x58: {  	_ =	shalt  }
0x59: {  	_ =	shalt  }
0x5a: {  	_ =	shalt  }
0x5b: {  	_ =	shalt  }
0x5c: {  	_ =	shalt  }
0x5d: {  	_ =	shalt  }
0x5e: {  	_ =	shalt  }
0x5f: {  	_ =	shalt  }
0x60: {  	_ =	shalt  }
0x61: {  	_ =	shalt  }
0x62: {  	_ =	shalt  }
0x63: {  	_ =	shalt  }
0x64: {  	_ =	shalt  }
0x65: {  	_ =	shalt  }
0x66: {  	_ =	shalt  }
0x67: {  	_ =	shalt  }
0x68: {  	_ =	shalt  }
0x69: {  	_ =	shalt  }
0x6a: {  	_ =	shalt  }
0x6b: {  	_ =	shalt  }
0x6c: {  	_ =	shalt  }
0x6d: {  	_ =	shalt  }
0x6e: {  	_ =	shalt  }
0x6f: {  	_ =	shalt  }
0x70: {  	_ =	shalt  }
0x71: {  	_ =	shalt  }
0x72: {  	_ =	shalt  }
0x73: {  	_ =	shalt  }
0x74: {  	_ =	shalt  }
0x75: {  	_ =	shalt  }
0x76: {  	_ =	shalt  }
0x77: {  	_ =	shalt  }
0x78: {  	_ =	shalt  }
0x79: {  	_ =	shalt  }
0x7a: {  	_ =	shalt  }
0x7b: {  	_ =	shalt  }
0x7c: {  	_ =	shalt  }
0x7d: {  	_ =	shalt  }
0x7e: {  	_ =	shalt  }
0x7f: {  	_ =	shalt  }
0x80: {  	_ =	shalt  }
0x81: {  	_ =	shalt  }
0x82: {  	_ =	shalt  }
0x83: {  	_ =	shalt  }
0x84: {  	_ =	shalt  }
0x85: {  	_ =	shalt  }
0x86: {  	_ =	shalt  }
0x87: {  	_ =	shalt  }
.Lfunc_end0:
.L_simem_size_0:
called_computation_lowered:
.L_overlay_start_0:
0x88: {  	s2 =	sld [smem:$0x3FD9]  }
0x89: {  	s3 =	sld [smem:$0x3FFE];
	_ =	sdelay $0x1  }
0x8a: {  	s1 =	srdreg.scid  }
0x8b: {  	s0 =	sand.u32 $0x1, s1  }
0x8c: {  	s17 =	sshll.u32 s0, $0xA;
	s2 =	sadd.s32 s3, s2  }
0x8d: {  	s2 =	sadd.s32 s2, s17  }
0x8e: {  	[smem:$0x3FC3] =	sst s2  }
0x8f: {  	_ = 	snop  }
0x90: {  	s2 =	sld [smem:$0x3FC9]  }
0x91: {  	s18 =	sld [smem:$0x3FD0];
	(tm) =	ssettm $0x1  }
0x92: {  	s4 =	sld [smem:$0x3FFB];
	_ =	sdelay $0x3  }
0x93: {  	_ =	strace s4  }
0x94: {  	s4 =	sld [smem:$0x3FFC];
	_ =	sdelay $0x3  }
0x95: {  	_ =	strace s4  }
0x96: {  	s4 =	sld [smem:$0x3FFD];
	_ =	sdelay $0x3  }
0x97: {  	_ =	strace s4  }
0x98: {  	_ =	strace $0x8FFFFFFF  }
0x99: {  	s19 =	sld [smem:$0x3FDB];
	_ =	sdelay $0x1  }
0x9a: {  	s5 =	simm.s32 $_scs_section_size  }
0x9b: {  	s6 =	simm.s32 $_size__tile_overlayer_lowered;
	s7 =	simm.s32 $_tile_overlayer_lowered  }
0x9c: {  	s22 =	simm.s32 $0x1BFF;
	s21 =	sshll.u32 s7, $0x1;
	s4 =	sadd.s32 s5, s19  }
0x9d: {  	s8 =	simm.s32 $0x0;
	s20 =	sshll.u32 s6, $0x1;
	s6 =	sadd.s32 s21, s4  }
0x9e: {  	[timem:s8], [sflag:s22] =	dma.local [hbm:s6], s20  }
0x9f: {  	_ =	swait.ge [sflag:s22], s20  }
0xa0: {  	s5 =	ssub.s32 $0x0, s20;
	[sflag:s22] =	ssyncset.done $0x0  }
0xa1: {  	[sflag:s22] =	ssyncadd.s32 s5;
	_ =	sdelay $0x1  }
0xa2: {  	s23 =	simm.s32 $0x1B8B  }
0xa3: {  	_ =	swait.ge [sflag:s23], $0x1  }
0xa4: {  	[sflag:s23] =	ssyncset.done $0x0  }
0xa5: {  	s25 =	simm.s32 $0x1B8E;
	s24 =	sld [smem:$0x3FFE];
	[sflag:s23] =	ssyncadd.s32 $0xFFFFFFFF  }
0xa6: {  	s26 =	simm.s32 $execute0_lowered;
	[smem:$0x3FD2] =	sst s25  }
0xa7: {  	s6 =	sshll.u32 s26, $0x1;
	_ =	strace $0x80000046;
	[dreg:$0x1] =	wrdreg $0xFFFFFFFF  }
0xa8: {  	s28 =	simm.s32 $_size_execute0_lowered;
	s4 =	sadd.s32 s4, s6;
	[dreg:$0x0] =	wrdreg $0x0  }
0xa9: {  	s6 =	sshll.u32 s28, $0x1;
	[dreg:$0x2] =	wrdreg s4  }
0xaa: {  	[dreg:$0x3] =	wrdreg s6  }
0xab: {  	[dreg:$0x4] =	wrdreg $0xC0  }
0xac: {  	_ =	task [dreg:s8], $0x5FFFF  }
0xad: {  	[dreg:$0x1] =	wrdreg $0xFFFFFFFF  }
0xae: {  	[dreg:$0x0] =	wrdreg $0x60  }
0xaf: {  	[dreg:$0x2] =	wrdreg s24  }
0xb0: {  	[dreg:$0x3] =	wrdreg s2  }
0xb1: {  	[dreg:$0x4] =	wrdreg s18  }
0xb2: {  	[dreg:$0x5] =	wrdreg $0x9  }
0xb3: {  	_ =	task.clear_ibuf [dreg:s8], $0x6FFFF;
	_ =	strace $0x90000046  }
0xb4: {  	s29 =	simm.s32 $0x9;
	_ =	strace $0x80000048  }
0xb5: {  	_ =	swait.ge [sflag:s29], $0x1  }
0xb6: {  	[sflag:s29] =	ssyncadd.s32 $0xFFFFFFFF  }
0xb7: {  	_ =	strace $0x90000048  }
0xb8: {  	_ =	sfence  }
0xb9: {  	s30 =	sld [smem:$0x0];
	_ =	sdelay $0x2  }
0xba: {  	s31 =	sshll.u32 s1, $0xD;
	s1 =	sshrl.u32 s1, $0x2  }
0xbb: {  	s3 =	sand.u32 $0x4000, s31;
	s1 =	sadd.s32 s1, s30  }
0xbc: {  	s0 =	sor.u32 s3, s0;
	s1 =	sshll.u32 s1, $0x11  }
0xbd: {  	s0 =	sor.u32 s1, s0  }
0xbe: {  	s0 =	sadd.s32 $0x8F2B, s0  }
0xbf: {  	[sflag:s0] =	ssyncadd.remote.s32 $0x1  }
0xc0: {  	_ =	sfence.sel $0xFFFF  }
0xc1: {  	[dreg:$0x0] =	wrdreg $0xFFFFFFFF;
	(pc) =	sbr.abs _section_cstart, $3  }
0xc2: {  	[dreg:$0x1] =	wrdreg $0xFFFFFFFF  }
0xc3: {  	_ =	task.clear_ibuf [dreg:s8], $0x2FFFF;
	_ =	strace $0x9FFFFFFF  }
0xc4: {  	(tm) =	ssettm $0x7FFFFFFF  }
0xc5: {  	_ =	shalt  }
tec
execute0_lowered:
.L_overlay_start_1:
0x0: {  	(tag) =	ssettag $0x1  }
0x1: {  	s0 =	rddreg [dreg:$0x0]  }
0x2: {  	s1 =	rddreg [dreg:$0x1]  }
0x3: {  	s4 =	srdreg.scid;
	s5 =	stileid.u32  }
0x4: {  	s3 =	simm.s32 $0x0;
	s24 =	simm.s32 $0x280;
	s25 =	simm.s32 $0x180  }
0x5: {  	s26 =	simm.s32 $0x380;
	s28 =	simm.s32 $0x3400;
	s29 =	simm.s32 $0x3C00  }
0x6: {  	s30 =	simm.s32 $0x4400;
	s31 =	simm.s32 $0x4C00;
	s9 =	simm.s32 $0x6C00  }
0x7: {  	s10 =	simm.s32 $0x7400;
	s11 =	simm.s32 $0x7C00;
	s12 =	simm.s32 $0x8400  }
0x8: {  	s13 =	simm.s32 $0x8C00;
	s14 =	simm.s32 $0x9400;
	s15 =	simm.s32 $0x9C00  }
0x9: {  	s4 =	sand.u32 $0x1, s4;
	s5 =	sshll.u32 s5, $0x1;
	[smem:$0x7FF] =	sst s3  }
0xa: {  	s7 =	sadd.s32 $0x2200, s0;
	_ =	strace $0x80000047;
	[dreg:$0x9] =	wrdreg s24  }
0xb: {  	s8 =	sadd.s32 $0x2A00, s0;
	s5 =	sor.u32 s4, s5;
	[dreg:$0xa] =	wrdreg s25  }
0xc: {  	s19 =	ssub.s32 $0x2, s4;
	s4 =	sadd.s32 $0x3200, s0;
	[dreg:$0xb] =	wrdreg s26  }
0xd: {  	s24 =	simm.s32 $0x1C00;
	s25 =	simm.s32 $0x2400;
	s26 =	simm.s32 $0x2C00  }
0xe: {  	s6 =	sshll.u32 s5, $0xD;
	s5 =	sshll.u32 s5, $0x5;
	s21 =	sshrl.u32 s19, $0x1  }
0xf: {  	s1 =	sadd.s32 s1, s6;
	s16 =	sadd.s32 s7, s5;
	s17 =	sor.u32 $0x400, s5  }
0x10: {  	s20 =	sadd.s32 s8, s5;
	s23 =	ssub.s32 s19, s21;
	[dreg:$0x4] =	wrdreg s1  }
0x11: {  	s21 =	simm.s32 $0xBC00;
	[dreg:$0x5] =	wrdreg s16;
	s18 =	sadd.s32 s7, s17  }
0x12: {  	[dreg:$0x7] =	wrdreg s20;
	s22 =	sadd.s32 s8, s17;
	s5 =	smax.u32 s23, $0x1  }
0x13: {  	v2 =	vlaneseq.u32;
	s7 =	simm.s32 $0x2;
	s17 =	simm.s32 $0x1;
	s23 =	simm.s32 $0x1400  }
0x14: {  	vm0 =	vmmov $0xffff;
	v1 =	vshrl.u32 v2, $0x3;
	s8 =	simm.s32 $0x6400;
	s16 =	simm.s32 $0xA400;
	[dreg:$0x6] =	wrdreg s18  }
0x15: {  	v0 =	vand.u32 $0x7, v2;
	v2 =	vor.u32 $0x8, v2;
	v1 =	vmul.u32 $0x8, v1;
	[dreg:$0x8] =	wrdreg s22;
	s22 =	simm.s32 $0xB400;
	s18 =	simm.s32 $0xC400  }
.LBB2_1:
0x16: {  	s19 =	rddreg [dreg:$0x4];
	s2 =	simm.s32 $0x400  }
0x17: {  	[tilespmem:s2], [sflag:$0x2] =	stream.linear.gather [hbm4b:s19+s3], $0x10000, $0x38;
	[tilespmem:$0x10400] =	vst v63  }
0x18: {  	_ =	swait.ge [sflag:s7], $0x10000  }
0x19: {  	[sflag:s7] =	ssyncset.done $0x0  }
0x1a: {  	s0 =	rddreg [dreg:$0x5];
	[sflag:s7] =	ssyncadd.s32 $0xFFFF0000  }
0x1b: {  	[tilespmem:s3], [sflag:$0x2] =	stream.linear.gather [hbm4b:s0+s3], $0x100, $0x38;
	[tilespmem:$0x10400] =	vst v63  }
0x1c: {  	_ =	swait.ge [sflag:s7], $0x100  }
0x1d: {  	[sflag:s7] =	ssyncset.done $0x0  }
0x1e: {  	s0 =	simm.s32 $0x100;
	s1 =	rddreg [dreg:$0x6];
	[sflag:s7] =	ssyncadd.s32 $0xFFFFFF00  }
0x1f: {  	[tilespmem:s0], [sflag:$0x2] =	stream.linear.gather [hbm4b:s1+s3], $0x100, $0x38;
	[tilespmem:$0x10400] =	vst v63  }
0x20: {  	_ =	swait.ge [sflag:s7], $0x100  }
0x21: {  	[sflag:s7] =	ssyncset.done $0x0  }
0x22: {  	s20 =	simm.s32 $0x200;
	s6 =	rddreg [dreg:$0x7];
	[sflag:s7] =	ssyncadd.s32 $0xFFFFFF00  }
0x23: {  	[tilespmem:s20], [sflag:$0x2] =	stream.linear.gather [hbm4b:s6+s3], $0x100, $0x38;
	[tilespmem:$0x10400] =	vst v63  }
0x24: {  	_ =	swait.ge [sflag:s7], $0x100  }
0x25: {  	[sflag:s7] =	ssyncset.done $0x0  }
0x26: {  	s1 =	simm.s32 $0x300;
	s0 =	rddreg [dreg:$0x8];
	[sflag:s7] =	ssyncadd.s32 $0xFFFFFF00  }
0x27: {  	[tilespmem:s1], [sflag:$0x2] =	stream.linear.gather [hbm4b:s0+s3], $0x100, $0x38;
	[tilespmem:$0x10400] =	vst v63  }
0x28: {  	_ =	swait.ge [sflag:s7], $0x100  }
0x29: {  	[sflag:s7] =	ssyncset.done $0x0  }
0x2a: {  	[sflag:s7] =	ssyncadd.s32 $0xFFFFFF00  }
0x2b: {  	v3 =	vld [tilespmem:$0x0];
	_ =	sdelay $0x4  }
0x2c: {  	v4 =	vshll.u32 v3, $0x1  }
0x2d: {  	v3 =	vand.u32 $0x7, v3;
	v4 =	vand.u32 $0xFFFFFFF0, v4  }
0x2e: {  	v3 =	vor.u32 v3, v4  }
0x2f: {  	v4 =	vperm.xlane v3, v0;
	_ =	sdelay $0x1  }
0x30: {  	v3 =	vperm.xlane v3, v2;
	v4 =	vadd.s32 v1, v4;
	_ =	sdelay $0x1  }
0x31: {  	v3 =	vadd.s32 v1, v3;
	_ =	sdelay $0x2  }
0x32: {  	[hbm4b:s4+s3] =	stream.indirect_vreg.scatter [tilespmem:s2], [sflag:$0x1], $0x80, v4, vm0, $0xb8;
	[tilespmem:$0x10400] =	vst v63  }
0x33: {  	s19 =	simm.s32 $0xC00  }
0x34: {  	[hbm4b:s4+s3] =	stream.indirect_vreg.scatter [tilespmem:s19], [sflag:$0x1], $0x80, v3, vm0, $0xb8;
	[tilespmem:$0x10400] =	vst v63  }
0x35: {  	v3 =	vld [tilespmem:$0x10];
	_ =	sdelay $0x4  }
0x36: {  	v33 =	vshll.u32 v3, $0x1  }
0x37: {  	v3 =	vand.u32 $0x7, v3;
	v4 =	vand.u32 $0xFFFFFFF0, v33  }
0x38: {  	v3 =	vor.u32 v3, v4  }
0x39: {  	v4 =	vperm.xlane v3, v0;
	_ =	sdelay $0x1  }
0x3a: {  	v3 =	vperm.xlane v3, v2;
	v4 =	vadd.s32 v1, v4;
	_ =	sdelay $0x1  }
0x3b: {  	v3 =	vadd.s32 v1, v3;
	_ =	sdelay $0x2  }
0x3c: {  	[hbm4b:s4+s3] =	stream.indirect_vreg.scatter [tilespmem:s23], [sflag:$0x1], $0x80, v4, vm0, $0xb8;
	[tilespmem:$0x10400] =	vst v63  }
0x3d: {  	_ = 	snop  }
0x3e: {  	[hbm4b:s4+s3] =	stream.indirect_vreg.scatter [tilespmem:s24], [sflag:$0x1], $0x80, v3, vm0, $0xb8;
	[tilespmem:$0x10400] =	vst v63  }
0x3f: {  	v3 =	vld [tilespmem:$0x20];
	_ =	sdelay $0x4  }
0x40: {  	v34 =	vshll.u32 v3, $0x1  }
0x41: {  	v3 =	vand.u32 $0x7, v3;
	v4 =	vand.u32 $0xFFFFFFF0, v34  }
0x42: {  	v3 =	vor.u32 v3, v4  }
0x43: {  	v4 =	vperm.xlane v3, v0;
	_ =	sdelay $0x1  }
0x44: {  	v3 =	vperm.xlane v3, v2;
	v4 =	vadd.s32 v1, v4;
	_ =	sdelay $0x1  }
0x45: {  	v3 =	vadd.s32 v1, v3;
	_ =	sdelay $0x2  }
0x46: {  	[hbm4b:s4+s3] =	stream.indirect_vreg.scatter [tilespmem:s25], [sflag:$0x1], $0x80, v4, vm0, $0xb8;
	[tilespmem:$0x10400] =	vst v63  }
0x47: {  	_ = 	snop  }
0x48: {  	[hbm4b:s4+s3] =	stream.indirect_vreg.scatter [tilespmem:s26], [sflag:$0x1], $0x80, v3, vm0, $0xb8;
	[tilespmem:$0x10400] =	vst v63  }
0x49: {  	v3 =	vld [tilespmem:$0x30];
	_ =	sdelay $0x4  }
0x4a: {  	v35 =	vshll.u32 v3, $0x1  }
0x4b: {  	v3 =	vand.u32 $0x7, v3;
	v4 =	vand.u32 $0xFFFFFFF0, v35  }
0x4c: {  	v3 =	vor.u32 v3, v4  }
0x4d: {  	v4 =	vperm.xlane v3, v0;
	_ =	sdelay $0x1  }
0x4e: {  	v3 =	vperm.xlane v3, v2;
	v4 =	vadd.s32 v1, v4;
	_ =	sdelay $0x1  }
0x4f: {  	v3 =	vadd.s32 v1, v3;
	_ =	sdelay $0x2  }
0x50: {  	[hbm4b:s4+s3] =	stream.indirect_vreg.scatter [tilespmem:s28], [sflag:$0x1], $0x80, v4, vm0, $0xb8;
	[tilespmem:$0x10400] =	vst v63  }
0x51: {  	_ = 	snop  }
0x52: {  	[hbm4b:s4+s3] =	stream.indirect_vreg.scatter [tilespmem:s29], [sflag:$0x1], $0x80, v3, vm0, $0xb8;
	[tilespmem:$0x10400] =	vst v63  }
0x53: {  	v3 =	vld [tilespmem:$0x40];
	_ =	sdelay $0x4  }
0x54: {  	v36 =	vshll.u32 v3, $0x1  }
0x55: {  	v3 =	vand.u32 $0x7, v3;
	v4 =	vand.u32 $0xFFFFFFF0, v36  }
0x56: {  	v3 =	vor.u32 v3, v4  }
0x57: {  	v4 =	vperm.xlane v3, v0;
	_ =	sdelay $0x1  }
0x58: {  	v3 =	vperm.xlane v3, v2;
	v4 =	vadd.s32 v1, v4;
	_ =	sdelay $0x1  }
0x59: {  	v3 =	vadd.s32 v1, v3;
	_ =	sdelay $0x2  }
0x5a: {  	[hbm4b:s4+s3] =	stream.indirect_vreg.scatter [tilespmem:s30], [sflag:$0x1], $0x80, v4, vm0, $0xb8;
	[tilespmem:$0x10400] =	vst v63  }
0x5b: {  	_ = 	snop  }
0x5c: {  	[hbm4b:s4+s3] =	stream.indirect_vreg.scatter [tilespmem:s31], [sflag:$0x1], $0x80, v3, vm0, $0xb8;
	[tilespmem:$0x10400] =	vst v63  }
0x5d: {  	v3 =	vld [tilespmem:$0x50];
	_ =	sdelay $0x4  }
0x5e: {  	v37 =	vshll.u32 v3, $0x1  }
0x5f: {  	v3 =	vand.u32 $0x7, v3;
	v4 =	vand.u32 $0xFFFFFFF0, v37  }
0x60: {  	v3 =	vor.u32 v3, v4  }
0x61: {  	v4 =	vperm.xlane v3, v0;
	_ =	sdelay $0x1  }
0x62: {  	v3 =	vperm.xlane v3, v2;
	v4 =	vadd.s32 v1, v4;
	_ =	sdelay $0x1  }
0x63: {  	v3 =	vadd.s32 v1, v3;
	_ =	sdelay $0x1  }
0x64: {  	s6 =	simm.s32 $0x5400  }
0x65: {  	[hbm4b:s4+s3] =	stream.indirect_vreg.scatter [tilespmem:s6], [sflag:$0x1], $0x80, v4, vm0, $0xb8;
	[tilespmem:$0x10400] =	vst v63  }
0x66: {  	s1 =	simm.s32 $0x5C00  }
0x67: {  	[hbm4b:s4+s3] =	stream.indirect_vreg.scatter [tilespmem:s1], [sflag:$0x1], $0x80, v3, vm0, $0xb8;
	[tilespmem:$0x10400] =	vst v63  }
0x68: {  	v3 =	vld [tilespmem:$0x60];
	_ =	sdelay $0x4  }
0x69: {  	v38 =	vshll.u32 v3, $0x1  }
0x6a: {  	v3 =	vand.u32 $0x7, v3;
	v4 =	vand.u32 $0xFFFFFFF0, v38  }
0x6b: {  	v3 =	vor.u32 v3, v4  }
0x6c: {  	v4 =	vperm.xlane v3, v0;
	_ =	sdelay $0x1  }
0x6d: {  	v3 =	vperm.xlane v3, v2;
	v4 =	vadd.s32 v1, v4;
	_ =	sdelay $0x1  }
0x6e: {  	v3 =	vadd.s32 v1, v3;
	_ =	sdelay $0x2  }
0x6f: {  	[hbm4b:s4+s3] =	stream.indirect_vreg.scatter [tilespmem:s8], [sflag:$0x1], $0x80, v4, vm0, $0xb8;
	[tilespmem:$0x10400] =	vst v63  }
0x70: {  	_ = 	snop  }
0x71: {  	[hbm4b:s4+s3] =	stream.indirect_vreg.scatter [tilespmem:s9], [sflag:$0x1], $0x80, v3, vm0, $0xb8;
	[tilespmem:$0x10400] =	vst v63  }
0x72: {  	v3 =	vld [tilespmem:$0x70];
	_ =	sdelay $0x4  }
0x73: {  	v39 =	vshll.u32 v3, $0x1  }
0x74: {  	v3 =	vand.u32 $0x7, v3;
	v4 =	vand.u32 $0xFFFFFFF0, v39  }
0x75: {  	v3 =	vor.u32 v3, v4  }
0x76: {  	v4 =	vperm.xlane v3, v0;
	_ =	sdelay $0x1  }
0x77: {  	v3 =	vperm.xlane v3, v2;
	v4 =	vadd.s32 v1, v4;
	_ =	sdelay $0x1  }
0x78: {  	v3 =	vadd.s32 v1, v3;
	_ =	sdelay $0x2  }
0x79: {  	[hbm4b:s4+s3] =	stream.indirect_vreg.scatter [tilespmem:s10], [sflag:$0x1], $0x80, v4, vm0, $0xb8;
	[tilespmem:$0x10400] =	vst v63  }
0x7a: {  	_ = 	snop  }
0x7b: {  	[hbm4b:s4+s3] =	stream.indirect_vreg.scatter [tilespmem:s11], [sflag:$0x1], $0x80, v3, vm0, $0xb8;
	[tilespmem:$0x10400] =	vst v63  }
0x7c: {  	v3 =	vld [tilespmem:$0x80];
	_ =	sdelay $0x4  }
0x7d: {  	v40 =	vshll.u32 v3, $0x1  }
0x7e: {  	v3 =	vand.u32 $0x7, v3;
	v4 =	vand.u32 $0xFFFFFFF0, v40  }
0x7f: {  	v3 =	vor.u32 v3, v4  }
0x80: {  	v4 =	vperm.xlane v3, v0;
	_ =	sdelay $0x1  }
0x81: {  	v3 =	vperm.xlane v3, v2;
	v4 =	vadd.s32 v1, v4;
	_ =	sdelay $0x1  }
0x82: {  	v3 =	vadd.s32 v1, v3;
	_ =	sdelay $0x2  }
0x83: {  	[hbm4b:s4+s3] =	stream.indirect_vreg.scatter [tilespmem:s12], [sflag:$0x1], $0x80, v4, vm0, $0xb8;
	[tilespmem:$0x10400] =	vst v63  }
0x84: {  	_ = 	snop  }
0x85: {  	[hbm4b:s4+s3] =	stream.indirect_vreg.scatter [tilespmem:s13], [sflag:$0x1], $0x80, v3, vm0, $0xb8;
	[tilespmem:$0x10400] =	vst v63  }
0x86: {  	v3 =	vld [tilespmem:$0x90];
	_ =	sdelay $0x4  }
0x87: {  	v41 =	vshll.u32 v3, $0x1  }
0x88: {  	v3 =	vand.u32 $0x7, v3;
	v4 =	vand.u32 $0xFFFFFFF0, v41  }
0x89: {  	v3 =	vor.u32 v3, v4  }
0x8a: {  	v4 =	vperm.xlane v3, v0;
	_ =	sdelay $0x1  }
0x8b: {  	v3 =	vperm.xlane v3, v2;
	v4 =	vadd.s32 v1, v4;
	_ =	sdelay $0x1  }
0x8c: {  	v3 =	vadd.s32 v1, v3;
	_ =	sdelay $0x2  }
0x8d: {  	[hbm4b:s4+s3] =	stream.indirect_vreg.scatter [tilespmem:s14], [sflag:$0x1], $0x80, v4, vm0, $0xb8;
	[tilespmem:$0x10400] =	vst v63  }
0x8e: {  	_ = 	snop  }
0x8f: {  	[hbm4b:s4+s3] =	stream.indirect_vreg.scatter [tilespmem:s15], [sflag:$0x1], $0x80, v3, vm0, $0xb8;
	[tilespmem:$0x10400] =	vst v63  }
0x90: {  	v3 =	vld [tilespmem:$0xA0];
	_ =	sdelay $0x4  }
0x91: {  	v42 =	vshll.u32 v3, $0x1  }
0x92: {  	v3 =	vand.u32 $0x7, v3;
	v4 =	vand.u32 $0xFFFFFFF0, v42  }
0x93: {  	v3 =	vor.u32 v3, v4  }
0x94: {  	v4 =	vperm.xlane v3, v0;
	_ =	sdelay $0x1  }
0x95: {  	v3 =	vperm.xlane v3, v2;
	v4 =	vadd.s32 v1, v4;
	_ =	sdelay $0x1  }
0x96: {  	v3 =	vadd.s32 v1, v3;
	_ =	sdelay $0x2  }
0x97: {  	[hbm4b:s4+s3] =	stream.indirect_vreg.scatter [tilespmem:s16], [sflag:$0x1], $0x80, v4, vm0, $0xb8;
	[tilespmem:$0x10400] =	vst v63  }
0x98: {  	s6 =	simm.s32 $0xAC00  }
0x99: {  	[hbm4b:s4+s3] =	stream.indirect_vreg.scatter [tilespmem:s6], [sflag:$0x1], $0x80, v3, vm0, $0xb8;
	[tilespmem:$0x10400] =	vst v63  }
0x9a: {  	v3 =	vld [tilespmem:$0xB0];
	_ =	sdelay $0x4  }
0x9b: {  	v43 =	vshll.u32 v3, $0x1  }
0x9c: {  	v3 =	vand.u32 $0x7, v3;
	v4 =	vand.u32 $0xFFFFFFF0, v43  }
0x9d: {  	v3 =	vor.u32 v3, v4  }
0x9e: {  	v4 =	vperm.xlane v3, v0;
	_ =	sdelay $0x1  }
0x9f: {  	v3 =	vperm.xlane v3, v2;
	v4 =	vadd.s32 v1, v4;
	_ =	sdelay $0x1  }
0xa0: {  	v3 =	vadd.s32 v1, v3;
	_ =	sdelay $0x2  }
0xa1: {  	[hbm4b:s4+s3] =	stream.indirect_vreg.scatter [tilespmem:s22], [sflag:$0x1], $0x80, v4, vm0, $0xb8;
	[tilespmem:$0x10400] =	vst v63  }
0xa2: {  	_ = 	snop  }
0xa3: {  	[hbm4b:s4+s3] =	stream.indirect_vreg.scatter [tilespmem:s21], [sflag:$0x1], $0x80, v3, vm0, $0xb8;
	[tilespmem:$0x10400] =	vst v63  }
0xa4: {  	v3 =	vld [tilespmem:$0xC0];
	_ =	sdelay $0x4  }
0xa5: {  	v44 =	vshll.u32 v3, $0x1  }
0xa6: {  	v3 =	vand.u32 $0x7, v3;
	v4 =	vand.u32 $0xFFFFFFF0, v44  }
0xa7: {  	v3 =	vor.u32 v3, v4  }
0xa8: {  	v4 =	vperm.xlane v3, v0;
	_ =	sdelay $0x1  }
0xa9: {  	v3 =	vperm.xlane v3, v2;
	v4 =	vadd.s32 v1, v4;
	_ =	sdelay $0x1  }
0xaa: {  	v3 =	vadd.s32 v1, v3;
	_ =	sdelay $0x2  }
0xab: {  	[hbm4b:s4+s3] =	stream.indirect_vreg.scatter [tilespmem:s18], [sflag:$0x1], $0x80, v4, vm0, $0xb8;
	[tilespmem:$0x10400] =	vst v63  }
0xac: {  	s20 =	simm.s32 $0xCC00  }
0xad: {  	[hbm4b:s4+s3] =	stream.indirect_vreg.scatter [tilespmem:s20], [sflag:$0x1], $0x80, v3, vm0, $0xb8;
	[tilespmem:$0x10400] =	vst v63  }
0xae: {  	v3 =	vld [tilespmem:$0xD0];
	_ =	sdelay $0x4  }
0xaf: {  	v45 =	vshll.u32 v3, $0x1  }
0xb0: {  	v3 =	vand.u32 $0x7, v3;
	v4 =	vand.u32 $0xFFFFFFF0, v45  }
0xb1: {  	v3 =	vor.u32 v3, v4  }
0xb2: {  	v4 =	vperm.xlane v3, v0;
	_ =	sdelay $0x1  }
0xb3: {  	v3 =	vperm.xlane v3, v2;
	v4 =	vadd.s32 v1, v4;
	_ =	sdelay $0x1  }
0xb4: {  	v3 =	vadd.s32 v1, v3;
	_ =	sdelay $0x1  }
0xb5: {  	s0 =	simm.s32 $0xD400  }
0xb6: {  	[hbm4b:s4+s3] =	stream.indirect_vreg.scatter [tilespmem:s0], [sflag:$0x1], $0x80, v4, vm0, $0xb8;
	[tilespmem:$0x10400] =	vst v63  }
0xb7: {  	s0 =	simm.s32 $0xDC00  }
0xb8: {  	[hbm4b:s4+s3] =	stream.indirect_vreg.scatter [tilespmem:s0], [sflag:$0x1], $0x80, v3, vm0, $0xb8;
	[tilespmem:$0x10400] =	vst v63  }
0xb9: {  	v3 =	vld [tilespmem:$0xE0];
	_ =	sdelay $0x4  }
0xba: {  	v46 =	vshll.u32 v3, $0x1  }
0xbb: {  	v3 =	vand.u32 $0x7, v3;
	v4 =	vand.u32 $0xFFFFFFF0, v46  }
0xbc: {  	v3 =	vor.u32 v3, v4  }
0xbd: {  	v4 =	vperm.xlane v3, v0;
	_ =	sdelay $0x1  }
0xbe: {  	v3 =	vperm.xlane v3, v2;
	v4 =	vadd.s32 v1, v4;
	_ =	sdelay $0x1  }
0xbf: {  	v3 =	vadd.s32 v1, v3;
	_ =	sdelay $0x1  }
0xc0: {  	s0 =	simm.s32 $0xE400  }
0xc1: {  	[hbm4b:s4+s3] =	stream.indirect_vreg.scatter [tilespmem:s0], [sflag:$0x1], $0x80, v4, vm0, $0xb8;
	[tilespmem:$0x10400] =	vst v63  }
0xc2: {  	s0 =	simm.s32 $0xEC00  }
0xc3: {  	[hbm4b:s4+s3] =	stream.indirect_vreg.scatter [tilespmem:s0], [sflag:$0x1], $0x80, v3, vm0, $0xb8;
	[tilespmem:$0x10400] =	vst v63  }
0xc4: {  	v3 =	vld [tilespmem:$0xF0];
	_ =	sdelay $0x4  }
0xc5: {  	v47 =	vshll.u32 v3, $0x1  }
0xc6: {  	v3 =	vand.u32 $0x7, v3;
	v4 =	vand.u32 $0xFFFFFFF0, v47  }
0xc7: {  	v3 =	vor.u32 v3, v4  }
0xc8: {  	v4 =	vperm.xlane v3, v0;
	_ =	sdelay $0x1  }
0xc9: {  	v3 =	vperm.xlane v3, v2;
	v4 =	vadd.s32 v1, v4;
	_ =	sdelay $0x1  }
0xca: {  	v3 =	vadd.s32 v1, v3;
	_ =	sdelay $0x1  }
0xcb: {  	s0 =	simm.s32 $0xF400  }
0xcc: {  	[hbm4b:s4+s3] =	stream.indirect_vreg.scatter [tilespmem:s0], [sflag:$0x1], $0x80, v4, vm0, $0xb8;
	[tilespmem:$0x10400] =	vst v63  }
0xcd: {  	s0 =	simm.s32 $0xFC00  }
0xce: {  	[hbm4b:s4+s3] =	stream.indirect_vreg.scatter [tilespmem:s0], [sflag:$0x1], $0x80, v3, vm0, $0xb8;
	[tilespmem:$0x10400] =	vst v63  }
0xcf: {  	v3 =	vld [tilespmem:$0x100];
	_ =	sdelay $0x4  }
0xd0: {  	v48 =	vshll.u32 v3, $0x1  }
0xd1: {  	v3 =	vand.u32 $0x7, v3;
	v4 =	vand.u32 $0xFFFFFFF0, v48  }
0xd2: {  	v3 =	vor.u32 v3, v4  }
0xd3: {  	v4 =	vperm.xlane v3, v0;
	_ =	sdelay $0x1  }
0xd4: {  	v3 =	vperm.xlane v3, v2;
	v4 =	vadd.s32 v1, v4;
	_ =	sdelay $0x1  }
0xd5: {  	v3 =	vadd.s32 v1, v3;
	_ =	sdelay $0x2  }
0xd6: {  	[hbm4b:s4+s3] =	stream.indirect_vreg.scatter [tilespmem:s2], [sflag:$0x1], $0x80, v4, vm0, $0xb8;
	[tilespmem:$0x10400] =	vst v63  }
0xd7: {  	_ = 	snop  }
0xd8: {  	[hbm4b:s4+s3] =	stream.indirect_vreg.scatter [tilespmem:s19], [sflag:$0x1], $0x80, v3, vm0, $0xb8;
	[tilespmem:$0x10400] =	vst v63  }
0xd9: {  	v3 =	vld [tilespmem:$0x110];
	_ =	sdelay $0x4  }
0xda: {  	v49 =	vshll.u32 v3, $0x1  }
0xdb: {  	v3 =	vand.u32 $0x7, v3;
	v4 =	vand.u32 $0xFFFFFFF0, v49  }
0xdc: {  	v3 =	vor.u32 v3, v4  }
0xdd: {  	v4 =	vperm.xlane v3, v0;
	_ =	sdelay $0x1  }
0xde: {  	v3 =	vperm.xlane v3, v2;
	v4 =	vadd.s32 v1, v4;
	_ =	sdelay $0x1  }
0xdf: {  	v3 =	vadd.s32 v1, v3;
	_ =	sdelay $0x2  }
0xe0: {  	[hbm4b:s4+s3] =	stream.indirect_vreg.scatter [tilespmem:s23], [sflag:$0x1], $0x80, v4, vm0, $0xb8;
	[tilespmem:$0x10400] =	vst v63  }
0xe1: {  	_ = 	snop  }
0xe2: {  	[hbm4b:s4+s3] =	stream.indirect_vreg.scatter [tilespmem:s24], [sflag:$0x1], $0x80, v3, vm0, $0xb8;
	[tilespmem:$0x10400] =	vst v63  }
0xe3: {  	v3 =	vld [tilespmem:$0x120];
	_ =	sdelay $0x4  }
0xe4: {  	v50 =	vshll.u32 v3, $0x1  }
0xe5: {  	v3 =	vand.u32 $0x7, v3;
	v4 =	vand.u32 $0xFFFFFFF0, v50  }
0xe6: {  	v3 =	vor.u32 v3, v4  }
0xe7: {  	v4 =	vperm.xlane v3, v0;
	_ =	sdelay $0x1  }
0xe8: {  	v3 =	vperm.xlane v3, v2;
	v4 =	vadd.s32 v1, v4;
	_ =	sdelay $0x1  }
0xe9: {  	v3 =	vadd.s32 v1, v3;
	_ =	sdelay $0x2  }
0xea: {  	[hbm4b:s4+s3] =	stream.indirect_vreg.scatter [tilespmem:s25], [sflag:$0x1], $0x80, v4, vm0, $0xb8;
	[tilespmem:$0x10400] =	vst v63  }
0xeb: {  	_ = 	snop  }
0xec: {  	[hbm4b:s4+s3] =	stream.indirect_vreg.scatter [tilespmem:s26], [sflag:$0x1], $0x80, v3, vm0, $0xb8;
	[tilespmem:$0x10400] =	vst v63  }
0xed: {  	v3 =	vld [tilespmem:$0x130];
	_ =	sdelay $0x4  }
0xee: {  	v51 =	vshll.u32 v3, $0x1  }
0xef: {  	v3 =	vand.u32 $0x7, v3;
	v4 =	vand.u32 $0xFFFFFFF0, v51  }
0xf0: {  	v3 =	vor.u32 v3, v4  }
0xf1: {  	v4 =	vperm.xlane v3, v0;
	_ =	sdelay $0x1  }
0xf2: {  	v3 =	vperm.xlane v3, v2;
	v4 =	vadd.s32 v1, v4;
	_ =	sdelay $0x1  }
0xf3: {  	v3 =	vadd.s32 v1, v3;
	_ =	sdelay $0x2  }
0xf4: {  	[hbm4b:s4+s3] =	stream.indirect_vreg.scatter [tilespmem:s28], [sflag:$0x1], $0x80, v4, vm0, $0xb8;
	[tilespmem:$0x10400] =	vst v63  }
0xf5: {  	_ = 	snop  }
0xf6: {  	[hbm4b:s4+s3] =	stream.indirect_vreg.scatter [tilespmem:s29], [sflag:$0x1], $0x80, v3, vm0, $0xb8;
	[tilespmem:$0x10400] =	vst v63  }
0xf7: {  	v3 =	vld [tilespmem:$0x140];
	_ =	sdelay $0x4  }
0xf8: {  	v52 =	vshll.u32 v3, $0x1  }
0xf9: {  	v3 =	vand.u32 $0x7, v3;
	v4 =	vand.u32 $0xFFFFFFF0, v52  }
0xfa: {  	v3 =	vor.u32 v3, v4  }
0xfb: {  	v4 =	vperm.xlane v3, v0;
	_ =	sdelay $0x1  }
0xfc: {  	v3 =	vperm.xlane v3, v2;
	v4 =	vadd.s32 v1, v4;
	_ =	sdelay $0x1  }
0xfd: {  	v3 =	vadd.s32 v1, v3;
	_ =	sdelay $0x2  }
0xfe: {  	[hbm4b:s4+s3] =	stream.indirect_vreg.scatter [tilespmem:s30], [sflag:$0x1], $0x80, v4, vm0, $0xb8;
	[tilespmem:$0x10400] =	vst v63  }
0xff: {  	_ = 	snop  }
0x100: {  	[hbm4b:s4+s3] =	stream.indirect_vreg.scatter [tilespmem:s31], [sflag:$0x1], $0x80, v3, vm0, $0xb8;
	[tilespmem:$0x10400] =	vst v63  }
0x101: {  	v3 =	vld [tilespmem:$0x150];
	_ =	sdelay $0x4  }
0x102: {  	v53 =	vshll.u32 v3, $0x1  }
0x103: {  	v3 =	vand.u32 $0x7, v3;
	v4 =	vand.u32 $0xFFFFFFF0, v53  }
0x104: {  	v3 =	vor.u32 v3, v4  }
0x105: {  	v4 =	vperm.xlane v3, v0;
	_ =	sdelay $0x1  }
0x106: {  	v3 =	vperm.xlane v3, v2;
	v4 =	vadd.s32 v1, v4;
	_ =	sdelay $0x1  }
0x107: {  	v3 =	vadd.s32 v1, v3;
	_ =	sdelay $0x1  }
0x108: {  	s19 =	simm.s32 $0x5400  }
0x109: {  	[hbm4b:s4+s3] =	stream.indirect_vreg.scatter [tilespmem:s19], [sflag:$0x1], $0x80, v4, vm0, $0xb8;
	[tilespmem:$0x10400] =	vst v63  }
0x10a: {  	_ = 	snop  }
0x10b: {  	[hbm4b:s4+s3] =	stream.indirect_vreg.scatter [tilespmem:s1], [sflag:$0x1], $0x80, v3, vm0, $0xb8;
	[tilespmem:$0x10400] =	vst v63  }
0x10c: {  	v3 =	vld [tilespmem:$0x160];
	_ =	sdelay $0x4  }
0x10d: {  	v54 =	vshll.u32 v3, $0x1  }
0x10e: {  	v3 =	vand.u32 $0x7, v3;
	v4 =	vand.u32 $0xFFFFFFF0, v54  }
0x10f: {  	v3 =	vor.u32 v3, v4  }
0x110: {  	v4 =	vperm.xlane v3, v0;
	_ =	sdelay $0x1  }
0x111: {  	v3 =	vperm.xlane v3, v2;
	v4 =	vadd.s32 v1, v4;
	_ =	sdelay $0x1  }
0x112: {  	v3 =	vadd.s32 v1, v3;
	_ =	sdelay $0x2  }
0x113: {  	[hbm4b:s4+s3] =	stream.indirect_vreg.scatter [tilespmem:s8], [sflag:$0x1], $0x80, v4, vm0, $0xb8;
	[tilespmem:$0x10400] =	vst v63  }
0x114: {  	_ = 	snop  }
0x115: {  	[hbm4b:s4+s3] =	stream.indirect_vreg.scatter [tilespmem:s9], [sflag:$0x1], $0x80, v3, vm0, $0xb8;
	[tilespmem:$0x10400] =	vst v63  }
0x116: {  	v3 =	vld [tilespmem:$0x170];
	_ =	sdelay $0x4  }
0x117: {  	v55 =	vshll.u32 v3, $0x1  }
0x118: {  	v3 =	vand.u32 $0x7, v3;
	v4 =	vand.u32 $0xFFFFFFF0, v55  }
0x119: {  	v3 =	vor.u32 v3, v4  }
0x11a: {  	v4 =	vperm.xlane v3, v0;
	_ =	sdelay $0x1  }
0x11b: {  	v3 =	vperm.xlane v3, v2;
	v4 =	vadd.s32 v1, v4;
	_ =	sdelay $0x1  }
0x11c: {  	v3 =	vadd.s32 v1, v3;
	_ =	sdelay $0x2  }
0x11d: {  	[hbm4b:s4+s3] =	stream.indirect_vreg.scatter [tilespmem:s10], [sflag:$0x1], $0x80, v4, vm0, $0xb8;
	[tilespmem:$0x10400] =	vst v63  }
0x11e: {  	_ = 	snop  }
0x11f: {  	[hbm4b:s4+s3] =	stream.indirect_vreg.scatter [tilespmem:s11], [sflag:$0x1], $0x80, v3, vm0, $0xb8;
	[tilespmem:$0x10400] =	vst v63  }
0x120: {  	v3 =	vld [tilespmem:$0x180];
	_ =	sdelay $0x4  }
0x121: {  	v56 =	vshll.u32 v3, $0x1  }
0x122: {  	v3 =	vand.u32 $0x7, v3;
	v4 =	vand.u32 $0xFFFFFFF0, v56  }
0x123: {  	v3 =	vor.u32 v3, v4  }
0x124: {  	v4 =	vperm.xlane v3, v0;
	_ =	sdelay $0x1  }
0x125: {  	v3 =	vperm.xlane v3, v2;
	v4 =	vadd.s32 v1, v4;
	_ =	sdelay $0x1  }
0x126: {  	v3 =	vadd.s32 v1, v3;
	_ =	sdelay $0x2  }
0x127: {  	[hbm4b:s4+s3] =	stream.indirect_vreg.scatter [tilespmem:s12], [sflag:$0x1], $0x80, v4, vm0, $0xb8;
	[tilespmem:$0x10400] =	vst v63  }
0x128: {  	_ = 	snop  }
0x129: {  	[hbm4b:s4+s3] =	stream.indirect_vreg.scatter [tilespmem:s13], [sflag:$0x1], $0x80, v3, vm0, $0xb8;
	[tilespmem:$0x10400] =	vst v63  }
0x12a: {  	v3 =	vld [tilespmem:$0x190];
	_ =	sdelay $0x4  }
0x12b: {  	v57 =	vshll.u32 v3, $0x1  }
0x12c: {  	v3 =	vand.u32 $0x7, v3;
	v4 =	vand.u32 $0xFFFFFFF0, v57  }
0x12d: {  	v3 =	vor.u32 v3, v4  }
0x12e: {  	v4 =	vperm.xlane v3, v0;
	_ =	sdelay $0x1  }
0x12f: {  	v3 =	vperm.xlane v3, v2;
	v4 =	vadd.s32 v1, v4;
	_ =	sdelay $0x1  }
0x130: {  	v3 =	vadd.s32 v1, v3;
	_ =	sdelay $0x2  }
0x131: {  	[hbm4b:s4+s3] =	stream.indirect_vreg.scatter [tilespmem:s14], [sflag:$0x1], $0x80, v4, vm0, $0xb8;
	[tilespmem:$0x10400] =	vst v63  }
0x132: {  	_ = 	snop  }
0x133: {  	[hbm4b:s4+s3] =	stream.indirect_vreg.scatter [tilespmem:s15], [sflag:$0x1], $0x80, v3, vm0, $0xb8;
	[tilespmem:$0x10400] =	vst v63  }
0x134: {  	v3 =	vld [tilespmem:$0x1A0];
	_ =	sdelay $0x4  }
0x135: {  	v58 =	vshll.u32 v3, $0x1  }
0x136: {  	v3 =	vand.u32 $0x7, v3;
	v4 =	vand.u32 $0xFFFFFFF0, v58  }
0x137: {  	v3 =	vor.u32 v3, v4  }
0x138: {  	v4 =	vperm.xlane v3, v0;
	_ =	sdelay $0x1  }
0x139: {  	v3 =	vperm.xlane v3, v2;
	v4 =	vadd.s32 v1, v4;
	_ =	sdelay $0x1  }
0x13a: {  	v3 =	vadd.s32 v1, v3;
	_ =	sdelay $0x2  }
0x13b: {  	[hbm4b:s4+s3] =	stream.indirect_vreg.scatter [tilespmem:s16], [sflag:$0x1], $0x80, v4, vm0, $0xb8;
	[tilespmem:$0x10400] =	vst v63  }
0x13c: {  	_ = 	snop  }
0x13d: {  	[hbm4b:s4+s3] =	stream.indirect_vreg.scatter [tilespmem:s6], [sflag:$0x1], $0x80, v3, vm0, $0xb8;
	[tilespmem:$0x10400] =	vst v63  }
0x13e: {  	v3 =	vld [tilespmem:$0x1B0];
	_ =	sdelay $0x4  }
0x13f: {  	v59 =	vshll.u32 v3, $0x1  }
0x140: {  	v3 =	vand.u32 $0x7, v3;
	v4 =	vand.u32 $0xFFFFFFF0, v59  }
0x141: {  	v3 =	vor.u32 v3, v4  }
0x142: {  	v4 =	vperm.xlane v3, v0;
	_ =	sdelay $0x1  }
0x143: {  	v3 =	vperm.xlane v3, v2;
	v4 =	vadd.s32 v1, v4;
	_ =	sdelay $0x1  }
0x144: {  	v3 =	vadd.s32 v1, v3;
	_ =	sdelay $0x2  }
0x145: {  	[hbm4b:s4+s3] =	stream.indirect_vreg.scatter [tilespmem:s22], [sflag:$0x1], $0x80, v4, vm0, $0xb8;
	[tilespmem:$0x10400] =	vst v63  }
0x146: {  	_ = 	snop  }
0x147: {  	[hbm4b:s4+s3] =	stream.indirect_vreg.scatter [tilespmem:s21], [sflag:$0x1], $0x80, v3, vm0, $0xb8;
	[tilespmem:$0x10400] =	vst v63  }
0x148: {  	v3 =	vld [tilespmem:$0x1C0];
	_ =	sdelay $0x4  }
0x149: {  	v60 =	vshll.u32 v3, $0x1  }
0x14a: {  	v3 =	vand.u32 $0x7, v3;
	v4 =	vand.u32 $0xFFFFFFF0, v60  }
0x14b: {  	v3 =	vor.u32 v3, v4  }
0x14c: {  	v4 =	vperm.xlane v3, v0;
	_ =	sdelay $0x1  }
0x14d: {  	v3 =	vperm.xlane v3, v2;
	v4 =	vadd.s32 v1, v4;
	_ =	sdelay $0x1  }
0x14e: {  	v3 =	vadd.s32 v1, v3;
	_ =	sdelay $0x2  }
0x14f: {  	[hbm4b:s4+s3] =	stream.indirect_vreg.scatter [tilespmem:s18], [sflag:$0x1], $0x80, v4, vm0, $0xb8;
	[tilespmem:$0x10400] =	vst v63  }
0x150: {  	_ = 	snop  }
0x151: {  	[hbm4b:s4+s3] =	stream.indirect_vreg.scatter [tilespmem:s20], [sflag:$0x1], $0x80, v3, vm0, $0xb8;
	[tilespmem:$0x10400] =	vst v63  }
0x152: {  	v3 =	vld [tilespmem:$0x1D0];
	_ =	sdelay $0x4  }
0x153: {  	v61 =	vshll.u32 v3, $0x1  }
0x154: {  	v3 =	vand.u32 $0x7, v3;
	v4 =	vand.u32 $0xFFFFFFF0, v61  }
0x155: {  	v3 =	vor.u32 v3, v4  }
0x156: {  	v4 =	vperm.xlane v3, v0;
	_ =	sdelay $0x1  }
0x157: {  	v3 =	vperm.xlane v3, v2;
	v4 =	vadd.s32 v1, v4;
	_ =	sdelay $0x1  }
0x158: {  	v3 =	vadd.s32 v1, v3;
	_ =	sdelay $0x1  }
0x159: {  	s19 =	simm.s32 $0xD400  }
0x15a: {  	[hbm4b:s4+s3] =	stream.indirect_vreg.scatter [tilespmem:s19], [sflag:$0x1], $0x80, v4, vm0, $0xb8;
	[tilespmem:$0x10400] =	vst v63  }
0x15b: {  	s20 =	simm.s32 $0xDC00  }
0x15c: {  	[hbm4b:s4+s3] =	stream.indirect_vreg.scatter [tilespmem:s20], [sflag:$0x1], $0x80, v3, vm0, $0xb8;
	[tilespmem:$0x10400] =	vst v63  }
0x15d: {  	v3 =	vld [tilespmem:$0x1E0];
	_ =	sdelay $0x4  }
0x15e: {  	v62 =	vshll.u32 v3, $0x1  }
0x15f: {  	v3 =	vand.u32 $0x7, v3;
	v4 =	vand.u32 $0xFFFFFFF0, v62  }
0x160: {  	v3 =	vor.u32 v3, v4  }
0x161: {  	v4 =	vperm.xlane v3, v0;
	_ =	sdelay $0x1  }
0x162: {  	v3 =	vperm.xlane v3, v2;
	v4 =	vadd.s32 v1, v4;
	_ =	sdelay $0x1  }
0x163: {  	v3 =	vadd.s32 v1, v3;
	_ =	sdelay $0x1  }
0x164: {  	s2 =	simm.s32 $0xE400  }
0x165: {  	[hbm4b:s4+s3] =	stream.indirect_vreg.scatter [tilespmem:s2], [sflag:$0x1], $0x80, v4, vm0, $0xb8;
	[tilespmem:$0x10400] =	vst v63  }
0x166: {  	s6 =	simm.s32 $0xEC00  }
0x167: {  	[hbm4b:s4+s3] =	stream.indirect_vreg.scatter [tilespmem:s6], [sflag:$0x1], $0x80, v3, vm0, $0xb8;
	[tilespmem:$0x10400] =	vst v63  }
0x168: {  	v3 =	vld [tilespmem:$0x1F0];
	_ =	sdelay $0x4  }
0x169: {  	v63 =	vshll.u32 v3, $0x1  }
0x16a: {  	v3 =	vand.u32 $0x7, v3;
	v4 =	vand.u32 $0xFFFFFFF0, v63  }
0x16b: {  	v3 =	vor.u32 v3, v4  }
0x16c: {  	v4 =	vperm.xlane v3, v0;
	_ =	sdelay $0x1  }
0x16d: {  	v3 =	vperm.xlane v3, v2;
	v4 =	vadd.s32 v1, v4;
	_ =	sdelay $0x1  }
0x16e: {  	v3 =	vadd.s32 v1, v3;
	_ =	sdelay $0x1  }
0x16f: {  	s19 =	simm.s32 $0xF400  }
0x170: {  	[hbm4b:s4+s3] =	stream.indirect_vreg.scatter [tilespmem:s19], [sflag:$0x1], $0x80, v4, vm0, $0xb8;
	[tilespmem:$0x10400] =	vst v63  }
0x171: {  	_ = 	snop  }
0x172: {  	[hbm4b:s4+s3] =	stream.indirect_vreg.scatter [tilespmem:s0], [sflag:$0x1], $0x80, v3, vm0, $0xb8;
	[tilespmem:$0x10400] =	vst v63  }
0x173: {  	_ =	swait.ge [sflag:s17], $0x8000  }
0x174: {  	[sflag:s17] =	ssyncset.done $0x0  }
0x175: {  	[sflag:s17] =	ssyncadd.s32 $0xFFFF8000  }
0x176: {  	_ =	swait.ge [sflag:s17], $0x8000  }
0x177: {  	[sflag:s17] =	ssyncset.done $0x0  }
0x178: {  	[sflag:s17] =	ssyncadd.s32 $0xFFFF8000  }
0x179: {  	_ =	swait.ge [sflag:s17], $0x8000  }
0x17a: {  	[sflag:s17] =	ssyncset.done $0x0  }
0x17b: {  	[sflag:s17] =	ssyncadd.s32 $0xFFFF8000  }
0x17c: {  	_ =	swait.ge [sflag:s17], $0x8000  }
0x17d: {  	[sflag:s17] =	ssyncset.done $0x0  }
0x17e: {  	[sflag:s17] =	ssyncadd.s32 $0xFFFF8000  }
0x17f: {  	s1 =	simm.s32 $0x80;
	s20 =	simm.s32 $0x200;
	s0 =	rddreg [dreg:$0x2]  }
0x180: {  	[hbm4b:s0+s1] =	stream.indirect.scatter [tilespmem:s20], [sflag:$0x2], $0x1, s3, s1, $0xb8;
	[tilespmem:$0x10400] =	vst v63  }
0x181: {  	_ =	swait.ge [sflag:s7], $0x80  }
0x182: {  	[sflag:s7] =	ssyncset.done $0x0  }
0x183: {  	s6 =	rddreg [dreg:$0x9];
	[sflag:s7] =	ssyncadd.s32 $0xFFFFFF80  }
0x184: {  	[hbm4b:s0+s1] =	stream.indirect.scatter [tilespmem:s6], [sflag:$0x2], $0x1, s1, s1, $0xb8;
	[tilespmem:$0x10400] =	vst v63  }
0x185: {  	_ =	swait.ge [sflag:s7], $0x80  }
0x186: {  	[sflag:s7] =	ssyncset.done $0x0  }
0x187: {  	s19 =	simm.s32 $0x100;
	s20 =	simm.s32 $0x300;
	[sflag:s7] =	ssyncadd.s32 $0xFFFFFF80  }
0x188: {  	[hbm4b:s0+s1] =	stream.indirect.scatter [tilespmem:s20], [sflag:$0x2], $0x1, s19, s1, $0xb8;
	[tilespmem:$0x10400] =	vst v63  }
0x189: {  	_ =	swait.ge [sflag:s7], $0x80  }
0x18a: {  	p0 =	sne.s32 s5, $0x1;
	s2 =	rddreg [dreg:$0xa];
	[sflag:s7] =	ssyncset.done $0x0  }
.Ltmp0:
0x18b: {  	s6 =	rddreg [dreg:$0xb];
	[sflag:s7] =	ssyncadd.s32 $0xFFFFFF80;
	(pc) =	sbr.rel @p0 .LBB2_1-.Ltmp0, $4  }
0x18c: {  	[hbm4b:s0+s1] =	stream.indirect.scatter [tilespmem:s6], [sflag:$0x2], $0x1, s2, s1, $0xb8;
	[tilespmem:$0x10400] =	vst v63  }
0x18d: {  	_ =	swait.ge [sflag:s7], $0x80  }
0x18e: {  	[sflag:s7] =	ssyncset.done $0x0  }
0x18f: {  	s5 =	sadd.s32 $0xFFFFFFFF, s5;
	[sflag:s7] =	ssyncadd.s32 $0xFFFFFF80  }
0x190: {  	_ =	sfence.sel $0x180000  }
0x191: {  	[bflag:$0x0] =	sbarrier.arrive $0xFFFF  }
0x192: {  	_ =	strace $0x90000047  }
0x193: {  	s0 =	stileid.u32;
	[bflag:$0x2] =	sbarrier.arrive $0xFFFF  }
0x194: {  	p0 =	sne.s32 s0, $0x0;
	s0 =	rddreg [dreg:$0x3]  }
0x195: {  	s0 =	sadd.s32 @!p0 $0x100000, s0  }
0x196: {  	[sflag:s0] =	ssyncadd.tile.s32 @!p0 $0x1;
	_ =	shalt  }
.Lfunc_end2:
_tile_overlayer_lowered:
.L_overlay_start_2:
0x197: {  	(tag) =	ssettag $0x2  }
0x198: {  	s0 =	rddreg [dreg:$0x0];
	s2 =	stileid.u32  }
0x199: {  	s1 =	rddreg [dreg:$0x1];
	p0 =	sne.s32 s2, $0x0  }
0x19a: {  	s3 =	rddreg [dreg:$0x2];
	[bflag:$0x3] =	sbarrier.arrive $0xFFFF;
	s2 =	simm.s32 @!p0 $0x1C02  }
0x19b: {  	[timem:s3], [sflag:s2] =	dma.local @!p0 [hbm:s0], s1  }
0x19c: {  	s0 =	simm.s32 @!p0 $0x2  }
0x19d: {  	_ =	swait.ge @!p0 [sflag:s0], s1  }
0x19e: {  	s1 =	ssub.s32 @!p0 $0x0, s1;
	[sflag:s0] =	ssyncset.done @!p0 $0x0  }
0x19f: {  	[sflag:s0] =	ssyncadd.s32 @!p0 s1  }
0x1a0: {  	[bflag:$0x3] =	sbarrier.arrive $0xFFFF  }
0x1a1: {  	_ =	shalt  }

// kernel: kernel.9.cloned.1.call-start
scs
__scs_entry_jumppad:
0x0: {  	(pc) =	sbr.rel $0x88, $3  }
0x1: {  	(tag) =	ssettag $0x0;
	lr =	simm.s32 $0x1  }
0x2: {  	[smem:$0x3F9C] =	sst lr;
	_ =	strace $0xD0000000  }
0x3: {  	_ = 	snop  }
0x4: {  	_ = 	snop  }
0x5: {  	_ = 	snop  }
0x6: {  	_ = 	snop  }
0x7: {  	_ = 	snop  }
__scs_overlays_trampoline_lowered:
0x8: {  	[smem:$0x3FAB] =	sst s0  }
0x9: {  	[smem:$0x3FAC] =	sst s1  }
0xa: {  	[smem:$0x3FAD] =	sst s2  }
0xb: {  	[smem:$0x3FAE] =	sst s3  }
0xc: {  	[smem:$0x3FAF] =	sst s4  }
0xd: {  	[smem:$0x3FB0] =	sst s5  }
0xe: {  	[smem:$0x3FB1] =	sst s6  }
0xf: {  	[smem:$0x3FB2] =	sst s7  }
0x10: {  	[smem:$0x3FB3] =	sst s8  }
0x11: {  	[smem:$0x3FB4] =	sst s9;
	s0 =	simm.s32 @!p0 $0x0  }
0x12: {  	s1 =	sld [smem:$0x3F9A];
	s0 =	simm.s32 @p0 $0x1  }
0x13: {  	[smem:$0x3FB5] =	sst s0;
	s0 =	simm.s32 @!p1 $0x0  }
0x14: {  	s2 =	sld [smem:$0x3F99];
	s0 =	simm.s32 @p1 $0x1  }
0x15: {  	[smem:$0x3FB6] =	sst s0;
	s0 =	simm.s32 @!p2 $0x0  }
0x16: {  	s3 =	sld [smem:$0x3FDB];
	s0 =	simm.s32 @p2 $0x1  }
0x17: {  	s4 =	simm.s32 $0x1BF5;
	[smem:$0x3FB8] =	sst s0  }
0x18: {  	s0 =	sld [smem:$0x3F9B];
	_ =	swait.ge [sflag:s4], $0x0  }
0x19: {  	s7 =	sld [smem:$0x3F9C]  }
0x1a: {  	s8 =	sadd.s32 $0xFFFFE003, lr  }
0x1b: {  	s9 =	sadd.s32 $0xFFFFFEF7, lr;
	s5 =	simm.s32 $0xFFFFFFFF;
	p2 =	slt.u32 s8, $0xFFFFF086  }
0x1c: {  	p1 =	slt.u32 s9, $0xF7A;
	s5 =	simm.s32 @!p2 $0x0  }
0x1d: {  	s5 =	simm.s32 @p1 $0x1;
	p0 =	seq.s32 s7, s2  }
0x1e: {  	s7 =	smul.u32 @!p0 $0xF7A, s2;
	p2 =	seq.s32 @!p0 s5, $0x0  }
0x1f: {  	s9 =	smul.u32 $0xF7A, s1;
	s8 =	simm.s32 @!p0 $0x1BF5;
	p2 =	por !p2, p0  }
0x20: {  	[sflag:s8] =	ssyncset.s32 @!p0 $0xFFFFF086;
	s6 =	sadd.s32 @!p0 s3, s7;
	s7 =	simm.s32 @!p0 $0x108  }
0x21: {  	s3 =	sadd.s32 s3, s9;
	s6 =	sadd.s32 @!p0 $0x88, s6;
	s7 =	simm.s32 @p2 $0x1082  }
0x22: {  	[simem:s7], [sflag:s8] =	dma.local @!p0 [hbm:s6], $0xF7A  }
0x23: {  	s9 =	sor.u32 $0xD0000000, s2;
	s6 =	simm.s32 $0x108;
	_ =	swait.ge @!p0 [sflag:s8], $0x0  }
0x24: {  	s3 =	sadd.s32 $0x88, s3;
	s6 =	simm.s32 @!p1 $0x1082;
	[sflag:s4] =	ssyncset.s32 $0xFFFFF086  }
0x25: {  	[simem:s6], [sflag:s4] =	dma.local [hbm:s3], $0xF7A  }
0x26: {  	[smem:$0x3F9C] =	sst s1;
	(tag) =	ssettag s2;
	_ =	strace s9  }
0x27: {  	s1 =	sld [smem:$0x3FAC]  }
0x28: {  	s2 =	sld [smem:$0x3FAD]  }
0x29: {  	s4 =	sld [smem:$0x3FAF]  }
0x2a: {  	p0 =	seq.s32 s5, $0x0;
	s5 =	sld [smem:$0x3FB0]  }
0x2b: {  	s6 =	sld [smem:$0x3FB1]  }
0x2c: {  	s7 =	sld [smem:$0x3FB2]  }
0x2d: {  	s3 =	simm.s32 $0x108;
	s8 =	sld [smem:$0x3FB3]  }
0x2e: {  	s3 =	simm.s32 @!p0 $0x1082;
	s9 =	sld [smem:$0x3FB4]  }
0x2f: {  	lr =	sadd.s32 s0, s3;
	s0 =	sld [smem:$0x3FAB]  }
0x30: {  	s3 =	sld [smem:$0x3FAE]  }
0x31: {  	[smem:$0x3FB7] =	sst s10  }
0x32: {  	s10 =	sld [smem:$0x3FB5];
	_ =	sdelay $0x3  }
0x33: {  	p0 =	seq.s32 s10, $0x1;
	s10 =	sld [smem:$0x3FB7];
	_ =	sdelay $0x3  }
0x34: {  	[smem:$0x3FB7] =	sst s10  }
0x35: {  	s10 =	sld [smem:$0x3FB6];
	_ =	sdelay $0x3  }
0x36: {  	p1 =	seq.s32 s10, $0x1;
	s10 =	sld [smem:$0x3FB7];
	_ =	sdelay $0x3  }
0x37: {  	[smem:$0x3FB7] =	sst s10  }
0x38: {  	s10 =	sld [smem:$0x3FB8]  }
0x39: {  	_ = 	snop;
	(pc) =	sbr.ind lr, $3  }
0x3a: {  	_ = 	snop  }
0x3b: {  	_ = 	snop  }
0x3c: {  	p2 =	seq.s32 s10, $0x1;
	s10 =	sld [smem:$0x3FB7]  }
0x3d: {  	_ =	shalt  }
0x3e: {  	_ =	shalt  }
0x3f: {  	_ =	shalt  }
0x40: {  	_ =	shalt  }
0x41: {  	_ =	shalt  }
0x42: {  	_ =	shalt  }
0x43: {  	_ =	shalt  }
0x44: {  	_ =	shalt  }
0x45: {  	_ =	shalt  }
0x46: {  	_ =	shalt  }
0x47: {  	_ =	shalt  }
0x48: {  	_ =	shalt  }
0x49: {  	_ =	shalt  }
0x4a: {  	_ =	shalt  }
0x4b: {  	_ =	shalt  }
0x4c: {  	_ =	shalt  }
0x4d: {  	_ =	shalt  }
0x4e: {  	_ =	shalt  }
0x4f: {  	_ =	shalt  }
0x50: {  	_ =	shalt  }
0x51: {  	_ =	shalt  }
0x52: {  	_ =	shalt  }
0x53: {  	_ =	shalt  }
0x54: {  	_ =	shalt  }
0x55: {  	_ =	shalt  }
0x56: {  	_ =	shalt  }
0x57: {  	_ =	shalt  }
0x58: {  	_ =	shalt  }
0x59: {  	_ =	shalt  }
0x5a: {  	_ =	shalt  }
0x5b: {  	_ =	shalt  }
0x5c: {  	_ =	shalt  }
0x5d: {  	_ =	shalt  }
0x5e: {  	_ =	shalt  }
0x5f: {  	_ =	shalt  }
0x60: {  	_ =	shalt  }
0x61: {  	_ =	shalt  }
0x62: {  	_ =	shalt  }
0x63: {  	_ =	shalt  }
0x64: {  	_ =	shalt  }
0x65: {  	_ =	shalt  }
0x66: {  	_ =	shalt  }
0x67: {  	_ =	shalt  }
0x68: {  	_ =	shalt  }
0x69: {  	_ =	shalt  }
0x6a: {  	_ =	shalt  }
0x6b: {  	_ =	shalt  }
0x6c: {  	_ =	shalt  }
0x6d: {  	_ =	shalt  }
0x6e: {  	_ =	shalt  }
0x6f: {  	_ =	shalt  }
0x70: {  	_ =	shalt  }
0x71: {  	_ =	shalt  }
0x72: {  	_ =	shalt  }
0x73: {  	_ =	shalt  }
0x74: {  	_ =	shalt  }
0x75: {  	_ =	shalt  }
0x76: {  	_ =	shalt  }
0x77: {  	_ =	shalt  }
0x78: {  	_ =	shalt  }
0x79: {  	_ =	shalt  }
0x7a: {  	_ =	shalt  }
0x7b: {  	_ =	shalt  }
0x7c: {  	_ =	shalt  }
0x7d: {  	_ =	shalt  }
0x7e: {  	_ =	shalt  }
0x7f: {  	_ =	shalt  }
0x80: {  	_ =	shalt  }
0x81: {  	_ =	shalt  }
0x82: {  	_ =	shalt  }
0x83: {  	_ =	shalt  }
0x84: {  	_ =	shalt  }
0x85: {  	_ =	shalt  }
0x86: {  	_ =	shalt  }
0x87: {  	_ =	shalt  }
.Lfunc_end0:
.L_simem_size_0:
called_computation.1_lowered:
.L_overlay_start_0:
0x88: {  	s2 =	sld [smem:$0x3FD9]  }
0x89: {  	s3 =	sld [smem:$0x3FFE];
	_ =	sdelay $0x1  }
0x8a: {  	s1 =	srdreg.scid  }
0x8b: {  	s0 =	sand.u32 $0x1, s1  }
0x8c: {  	s17 =	sshll.u32 s0, $0xA;
	s2 =	sadd.s32 s3, s2  }
0x8d: {  	s2 =	sadd.s32 s2, s17  }
0x8e: {  	[smem:$0x3FC3] =	sst s2  }
0x8f: {  	_ = 	snop  }
0x90: {  	s2 =	sld [smem:$0x3FD0];
	(tm) =	ssettm $0x1  }
0x91: {  	s18 =	sld [smem:$0x3FFB];
	_ =	sdelay $0x3  }
0x92: {  	_ =	strace s18  }
0x93: {  	s3 =	sld [smem:$0x3FFC];
	_ =	sdelay $0x3  }
0x94: {  	_ =	strace s3  }
0x95: {  	s3 =	sld [smem:$0x3FFD];
	_ =	sdelay $0x3  }
0x96: {  	_ =	strace s3  }
0x97: {  	_ =	strace $0x8FFFFFFF  }
0x98: {  	s19 =	sld [smem:$0x3FDB];
	_ =	sdelay $0x1  }
0x99: {  	s4 =	simm.s32 $_scs_section_size  }
0x9a: {  	s5 =	simm.s32 $_size__tile_overlayer_lowered;
	s6 =	simm.s32 $_tile_overlayer_lowered  }
0x9b: {  	s22 =	simm.s32 $0x1BFF;
	s21 =	sshll.u32 s6, $0x1;
	s3 =	sadd.s32 s4, s19  }
0x9c: {  	s7 =	simm.s32 $0x0;
	s20 =	sshll.u32 s5, $0x1;
	s5 =	sadd.s32 s21, s3  }
0x9d: {  	[timem:s7], [sflag:s22] =	dma.local [hbm:s5], s20  }
0x9e: {  	_ =	swait.ge [sflag:s22], s20  }
0x9f: {  	s4 =	ssub.s32 $0x0, s20;
	[sflag:s22] =	ssyncset.done $0x0  }
0xa0: {  	[sflag:s22] =	ssyncadd.s32 s4;
	_ =	sdelay $0x1  }
0xa1: {  	s23 =	simm.s32 $0x1B8B  }
0xa2: {  	_ =	swait.ge [sflag:s23], $0x1  }
0xa3: {  	[sflag:s23] =	ssyncset.done $0x0  }
0xa4: {  	s25 =	simm.s32 $0x1B8E;
	s24 =	sld [smem:$0x3FFE];
	[sflag:s23] =	ssyncadd.s32 $0xFFFFFFFF  }
0xa5: {  	s26 =	simm.s32 $execute0_lowered;
	[smem:$0x3FD2] =	sst s25  }
0xa6: {  	s5 =	sshll.u32 s26, $0x1;
	_ =	strace $0x80000049;
	[dreg:$0x1] =	wrdreg $0xFFFFFFFF  }
0xa7: {  	s28 =	simm.s32 $_size_execute0_lowered;
	s3 =	sadd.s32 s3, s5;
	[dreg:$0x0] =	wrdreg $0x0  }
0xa8: {  	s5 =	sshll.u32 s28, $0x1;
	[dreg:$0x2] =	wrdreg s3  }
0xa9: {  	[dreg:$0x3] =	wrdreg s5  }
0xaa: {  	[dreg:$0x4] =	wrdreg $0xC0  }
0xab: {  	_ =	task [dreg:s7], $0x5FFFF  }
0xac: {  	[dreg:$0x1] =	wrdreg $0xFFFFFFFF  }
0xad: {  	[dreg:$0x0] =	wrdreg $0x60  }
0xae: {  	[dreg:$0x2] =	wrdreg s24  }
0xaf: {  	[dreg:$0x3] =	wrdreg s2  }
0xb0: {  	[dreg:$0x4] =	wrdreg $0x9  }
0xb1: {  	_ =	task.clear_ibuf [dreg:s7], $0x5FFFF;
	_ =	strace $0x90000049  }
0xb2: {  	s29 =	simm.s32 $0x9;
	_ =	strace $0x8000004B  }
0xb3: {  	_ =	swait.ge [sflag:s29], $0x1  }
0xb4: {  	[sflag:s29] =	ssyncadd.s32 $0xFFFFFFFF  }
0xb5: {  	_ =	strace $0x9000004B  }
0xb6: {  	_ =	sfence  }
0xb7: {  	s30 =	sld [smem:$0x0];
	_ =	sdelay $0x2  }
0xb8: {  	s31 =	sshll.u32 s1, $0xD;
	s1 =	sshrl.u32 s1, $0x2  }
0xb9: {  	s3 =	sand.u32 $0x4000, s31;
	s1 =	sadd.s32 s1, s30  }
0xba: {  	s0 =	sor.u32 s3, s0;
	s1 =	sshll.u32 s1, $0x11  }
0xbb: {  	s0 =	sor.u32 s1, s0  }
0xbc: {  	s0 =	sadd.s32 $0x8F2B, s0  }
0xbd: {  	[sflag:s0] =	ssyncadd.remote.s32 $0x1  }
0xbe: {  	_ =	sfence.sel $0xFFFF  }
0xbf: {  	[dreg:$0x0] =	wrdreg $0xFFFFFFFF;
	(pc) =	sbr.abs _section_cstart, $3  }
0xc0: {  	[dreg:$0x1] =	wrdreg $0xFFFFFFFF  }
0xc1: {  	_ =	task.clear_ibuf [dreg:s7], $0x2FFFF;
	_ =	strace $0x9FFFFFFF  }
0xc2: {  	(tm) =	ssettm $0x7FFFFFFF  }
0xc3: {  	_ =	shalt  }
tec
execute0_lowered:
.L_overlay_start_1:
0x0: {  	(tag) =	ssettag $0x1  }
0x1: {  	s0 =	rddreg [dreg:$0x0]  }
0x2: {  	s1 =	rddreg [dreg:$0x1];
	s3 =	srdreg.scid;
	s2 =	simm.s32 $0x0  }
0x3: {  	s4 =	stileid.u32;
	s11 =	simm.s32 $0x3;
	s13 =	simm.s32 $0x100  }
0x4: {  	s29 =	simm.s32 $0x7900;
	s30 =	simm.s32 $0x8100;
	s31 =	simm.s32 $0x8900  }
0x5: {  	s12 =	simm.s32 $0xA100;
	s14 =	simm.s32 $0xA900;
	s15 =	simm.s32 $0xB100  }
0x6: {  	s16 =	simm.s32 $0xC100;
	s17 =	simm.s32 $0xC900;
	s18 =	simm.s32 $0xD100  }
0x7: {  	s19 =	simm.s32 $0xD900;
	s20 =	simm.s32 $0xE900;
	s21 =	simm.s32 $0xF900  }
0x8: {  	s3 =	sand.u32 $0x1, s3;
	[smem:$0x7FF] =	sst s2;
	s4 =	sshll.u32 s4, $0x9  }
0x9: {  	s22 =	sadd.s32 $0xA3200, s0;
	s5 =	sshll.u32 s3, $0x8;
	_ =	strace $0x8000004A  }
0xa: {  	s6 =	ssub.s32 $0x2, s3;
	s3 =	sadd.s32 $0xA3A00, s0;
	s4 =	sor.u32 s5, s4  }
0xb: {  	s0 =	sadd.s32 $0xA3210, s0;
	s7 =	sshrl.u32 s6, $0x1;
	s8 =	sshrl.u32 s4, $0x2  }
0xc: {  	s6 =	ssub.s32 s6, s7;
	s24 =	sshll.u32 s4, $0x5;
	s4 =	sor.u32 $0x80, s4  }
0xd: {  	s23 =	sadd.s32 s22, s8;
	s8 =	sadd.s32 s8, s0;
	s7 =	sadd.s32 s1, s24  }
0xe: {  	s25 =	sshrl.u32 s4, $0x2;
	s26 =	sshll.u32 s4, $0x5;
	[dreg:$0x3] =	wrdreg s23  }
0xf: {  	s28 =	smax.u32 s6, $0x1;
	s4 =	simm.s32 $0xB900;
	[dreg:$0x4] =	wrdreg s8  }
0x10: {  	s6 =	simm.s32 $0xF100;
	[dreg:$0x5] =	wrdreg s7;
	s5 =	sadd.s32 s22, s25  }
0x11: {  	s0 =	sadd.s32 s25, s0;
	[dreg:$0x9] =	wrdreg s28;
	s22 =	simm.s32 $0x1  }
0x12: {  	v2 =	vlaneseq.u32;
	s7 =	simm.s32 $0x2;
	s23 =	simm.s32 $0x0;
	[dreg:$0x6] =	wrdreg s5  }
0x13: {  	vm0 =	vmmov $0xffff;
	v1 =	vshrl.u32 v2, $0x3;
	[dreg:$0x7] =	wrdreg s0;
	s0 =	sadd.s32 s1, s26;
	s1 =	simm.s32 $0x9900  }
0x14: {  	v0 =	vand.u32 $0x7, v2;
	v2 =	vor.u32 $0x8, v2;
	v1 =	vmul.u32 $0x8, v1;
	s5 =	simm.s32 $0xE100;
	[dreg:$0x8] =	wrdreg s0;
	s0 =	simm.s32 $0x9100  }
.LBB2_1:
0x15: {  	s8 =	rddreg [dreg:$0x3]  }
0x16: {  	[tilespmem:s2], [sflag:$0x3] =	stream.linear.gather [hbm4b:s8+s2], $0x80, $0x38;
	[tilespmem:$0x10100] =	vst v63  }
0x17: {  	_ =	swait.ge [sflag:s11], $0x80  }
0x18: {  	[sflag:s11] =	ssyncset.done $0x0  }
0x19: {  	s9 =	simm.s32 $0x80;
	s25 =	rddreg [dreg:$0x4];
	[sflag:s11] =	ssyncadd.s32 $0xFFFFFF80  }
0x1a: {  	[tilespmem:s9], [sflag:$0x3] =	stream.linear.gather [hbm4b:s25+s2], $0x80, $0x38;
	[tilespmem:$0x10100] =	vst v63  }
0x1b: {  	_ =	swait.ge [sflag:s11], $0x80  }
0x1c: {  	[sflag:s11] =	ssyncset.done $0x0  }
0x1d: {  	[sflag:s11] =	ssyncadd.s32 $0xFFFFFF80  }
0x1e: {  	v3 =	vld [tilespmem:$0x0];
	_ =	sdelay $0x4  }
0x1f: {  	v4 =	vshll.u32 v3, $0x1  }
0x20: {  	v3 =	vand.u32 $0x7, v3;
	v4 =	vand.u32 $0xFFFFFFF0, v4  }
0x21: {  	v3 =	vor.u32 v3, v4  }
0x22: {  	v4 =	vperm.xlane v3, v0;
	_ =	sdelay $0x1  }
0x23: {  	v3 =	vperm.xlane v3, v2;
	v4 =	vadd.s32 v1, v4;
	_ =	sdelay $0x1  }
0x24: {  	v3 =	vadd.s32 v1, v3;
	_ =	sdelay $0x2  }
0x25: {  	[tilespmem:s13], [sflag:$0x1] =	stream.indirect_vreg.gather [hbm4b:s3+s2], $0x80, v4, vm0, $0xb8;
	[tilespmem:$0x10100] =	vst v63  }
0x26: {  	s26 =	simm.s32 $0x900  }
0x27: {  	[tilespmem:s26], [sflag:$0x1] =	stream.indirect_vreg.gather [hbm4b:s3+s2], $0x80, v3, vm0, $0xb8;
	[tilespmem:$0x10100] =	vst v63  }
0x28: {  	v3 =	vld [tilespmem:$0x10];
	_ =	sdelay $0x4  }
0x29: {  	v49 =	vshll.u32 v3, $0x1  }
0x2a: {  	v3 =	vand.u32 $0x7, v3;
	v4 =	vand.u32 $0xFFFFFFF0, v49  }
0x2b: {  	v3 =	vor.u32 v3, v4  }
0x2c: {  	v4 =	vperm.xlane v3, v0;
	_ =	sdelay $0x1  }
0x2d: {  	v3 =	vperm.xlane v3, v2;
	v4 =	vadd.s32 v1, v4;
	_ =	sdelay $0x1  }
0x2e: {  	v3 =	vadd.s32 v1, v3;
	_ =	sdelay $0x1  }
0x2f: {  	s28 =	simm.s32 $0x1100  }
0x30: {  	[tilespmem:s28], [sflag:$0x1] =	stream.indirect_vreg.gather [hbm4b:s3+s2], $0x80, v4, vm0, $0xb8;
	[tilespmem:$0x10100] =	vst v63  }
0x31: {  	s9 =	simm.s32 $0x1900  }
0x32: {  	[tilespmem:s9], [sflag:$0x1] =	stream.indirect_vreg.gather [hbm4b:s3+s2], $0x80, v3, vm0, $0xb8;
	[tilespmem:$0x10100] =	vst v63  }
0x33: {  	v3 =	vld [tilespmem:$0x20];
	_ =	sdelay $0x4  }
0x34: {  	v50 =	vshll.u32 v3, $0x1  }
0x35: {  	v3 =	vand.u32 $0x7, v3;
	v4 =	vand.u32 $0xFFFFFFF0, v50  }
0x36: {  	v3 =	vor.u32 v3, v4  }
0x37: {  	v4 =	vperm.xlane v3, v0;
	_ =	sdelay $0x1  }
0x38: {  	v3 =	vperm.xlane v3, v2;
	v4 =	vadd.s32 v1, v4;
	_ =	sdelay $0x1  }
0x39: {  	v3 =	vadd.s32 v1, v3;
	_ =	sdelay $0x1  }
0x3a: {  	s10 =	simm.s32 $0x2100  }
0x3b: {  	[tilespmem:s10], [sflag:$0x1] =	stream.indirect_vreg.gather [hbm4b:s3+s2], $0x80, v4, vm0, $0xb8;
	[tilespmem:$0x10100] =	vst v63  }
0x3c: {  	s24 =	simm.s32 $0x2900  }
0x3d: {  	[tilespmem:s24], [sflag:$0x1] =	stream.indirect_vreg.gather [hbm4b:s3+s2], $0x80, v3, vm0, $0xb8;
	[tilespmem:$0x10100] =	vst v63  }
0x3e: {  	v3 =	vld [tilespmem:$0x30];
	_ =	sdelay $0x4  }
0x3f: {  	v51 =	vshll.u32 v3, $0x1  }
0x40: {  	v3 =	vand.u32 $0x7, v3;
	v4 =	vand.u32 $0xFFFFFFF0, v51  }
0x41: {  	v3 =	vor.u32 v3, v4  }
0x42: {  	v4 =	vperm.xlane v3, v0;
	_ =	sdelay $0x1  }
0x43: {  	v3 =	vperm.xlane v3, v2;
	v4 =	vadd.s32 v1, v4;
	_ =	sdelay $0x1  }
0x44: {  	v3 =	vadd.s32 v1, v3;
	_ =	sdelay $0x1  }
0x45: {  	s25 =	simm.s32 $0x3100  }
0x46: {  	[tilespmem:s25], [sflag:$0x1] =	stream.indirect_vreg.gather [hbm4b:s3+s2], $0x80, v4, vm0, $0xb8;
	[tilespmem:$0x10100] =	vst v63  }
0x47: {  	s26 =	simm.s32 $0x3900  }
0x48: {  	[tilespmem:s26], [sflag:$0x1] =	stream.indirect_vreg.gather [hbm4b:s3+s2], $0x80, v3, vm0, $0xb8;
	[tilespmem:$0x10100] =	vst v63  }
0x49: {  	v3 =	vld [tilespmem:$0x40];
	_ =	sdelay $0x4  }
0x4a: {  	v52 =	vshll.u32 v3, $0x1  }
0x4b: {  	v3 =	vand.u32 $0x7, v3;
	v4 =	vand.u32 $0xFFFFFFF0, v52  }
0x4c: {  	v3 =	vor.u32 v3, v4  }
0x4d: {  	v4 =	vperm.xlane v3, v0;
	_ =	sdelay $0x1  }
0x4e: {  	v3 =	vperm.xlane v3, v2;
	v4 =	vadd.s32 v1, v4;
	_ =	sdelay $0x1  }
0x4f: {  	v3 =	vadd.s32 v1, v3;
	_ =	sdelay $0x1  }
0x50: {  	s28 =	simm.s32 $0x4100  }
0x51: {  	[tilespmem:s28], [sflag:$0x1] =	stream.indirect_vreg.gather [hbm4b:s3+s2], $0x80, v4, vm0, $0xb8;
	[tilespmem:$0x10100] =	vst v63  }
0x52: {  	s9 =	simm.s32 $0x4900  }
0x53: {  	[tilespmem:s9], [sflag:$0x1] =	stream.indirect_vreg.gather [hbm4b:s3+s2], $0x80, v3, vm0, $0xb8;
	[tilespmem:$0x10100] =	vst v63  }
0x54: {  	v3 =	vld [tilespmem:$0x50];
	_ =	sdelay $0x4  }
0x55: {  	v53 =	vshll.u32 v3, $0x1  }
0x56: {  	v3 =	vand.u32 $0x7, v3;
	v4 =	vand.u32 $0xFFFFFFF0, v53  }
0x57: {  	v3 =	vor.u32 v3, v4  }
0x58: {  	v4 =	vperm.xlane v3, v0;
	_ =	sdelay $0x1  }
0x59: {  	v3 =	vperm.xlane v3, v2;
	v4 =	vadd.s32 v1, v4;
	_ =	sdelay $0x1  }
0x5a: {  	v3 =	vadd.s32 v1, v3;
	_ =	sdelay $0x1  }
0x5b: {  	s10 =	simm.s32 $0x5100  }
0x5c: {  	[tilespmem:s10], [sflag:$0x1] =	stream.indirect_vreg.gather [hbm4b:s3+s2], $0x80, v4, vm0, $0xb8;
	[tilespmem:$0x10100] =	vst v63  }
0x5d: {  	s24 =	simm.s32 $0x5900  }
0x5e: {  	[tilespmem:s24], [sflag:$0x1] =	stream.indirect_vreg.gather [hbm4b:s3+s2], $0x80, v3, vm0, $0xb8;
	[tilespmem:$0x10100] =	vst v63  }
0x5f: {  	v3 =	vld [tilespmem:$0x60];
	_ =	sdelay $0x4  }
0x60: {  	v54 =	vshll.u32 v3, $0x1  }
0x61: {  	v3 =	vand.u32 $0x7, v3;
	v4 =	vand.u32 $0xFFFFFFF0, v54  }
0x62: {  	v3 =	vor.u32 v3, v4  }
0x63: {  	v4 =	vperm.xlane v3, v0;
	_ =	sdelay $0x1  }
0x64: {  	v3 =	vperm.xlane v3, v2;
	v4 =	vadd.s32 v1, v4;
	_ =	sdelay $0x1  }
0x65: {  	v3 =	vadd.s32 v1, v3;
	_ =	sdelay $0x1  }
0x66: {  	s25 =	simm.s32 $0x6100  }
0x67: {  	[tilespmem:s25], [sflag:$0x1] =	stream.indirect_vreg.gather [hbm4b:s3+s2], $0x80, v4, vm0, $0xb8;
	[tilespmem:$0x10100] =	vst v63  }
0x68: {  	s26 =	simm.s32 $0x6900  }
0x69: {  	[tilespmem:s26], [sflag:$0x1] =	stream.indirect_vreg.gather [hbm4b:s3+s2], $0x80, v3, vm0, $0xb8;
	[tilespmem:$0x10100] =	vst v63  }
0x6a: {  	v3 =	vld [tilespmem:$0x70];
	_ =	sdelay $0x4  }
0x6b: {  	v55 =	vshll.u32 v3, $0x1  }
0x6c: {  	v3 =	vand.u32 $0x7, v3;
	v4 =	vand.u32 $0xFFFFFFF0, v55  }
0x6d: {  	v3 =	vor.u32 v3, v4  }
0x6e: {  	v4 =	vperm.xlane v3, v0;
	_ =	sdelay $0x1  }
0x6f: {  	v3 =	vperm.xlane v3, v2;
	v4 =	vadd.s32 v1, v4;
	_ =	sdelay $0x1  }
0x70: {  	v3 =	vadd.s32 v1, v3;
	_ =	sdelay $0x1  }
0x71: {  	s28 =	simm.s32 $0x7100  }
0x72: {  	[tilespmem:s28], [sflag:$0x1] =	stream.indirect_vreg.gather [hbm4b:s3+s2], $0x80, v4, vm0, $0xb8;
	[tilespmem:$0x10100] =	vst v63  }
0x73: {  	_ = 	snop  }
0x74: {  	[tilespmem:s29], [sflag:$0x1] =	stream.indirect_vreg.gather [hbm4b:s3+s2], $0x80, v3, vm0, $0xb8;
	[tilespmem:$0x10100] =	vst v63  }
0x75: {  	v3 =	vld [tilespmem:$0x80];
	_ =	sdelay $0x4  }
0x76: {  	v56 =	vshll.u32 v3, $0x1  }
0x77: {  	v3 =	vand.u32 $0x7, v3;
	v4 =	vand.u32 $0xFFFFFFF0, v56  }
0x78: {  	v3 =	vor.u32 v3, v4  }
0x79: {  	v4 =	vperm.xlane v3, v0;
	_ =	sdelay $0x1  }
0x7a: {  	v3 =	vperm.xlane v3, v2;
	v4 =	vadd.s32 v1, v4;
	_ =	sdelay $0x1  }
0x7b: {  	v3 =	vadd.s32 v1, v3;
	_ =	sdelay $0x2  }
0x7c: {  	[tilespmem:s30], [sflag:$0x2] =	stream.indirect_vreg.gather [hbm4b:s3+s2], $0x80, v4, vm0, $0xb8;
	[tilespmem:$0x10100] =	vst v63  }
0x7d: {  	_ = 	snop  }
0x7e: {  	[tilespmem:s31], [sflag:$0x2] =	stream.indirect_vreg.gather [hbm4b:s3+s2], $0x80, v3, vm0, $0xb8;
	[tilespmem:$0x10100] =	vst v63  }
0x7f: {  	v3 =	vld [tilespmem:$0x90];
	_ =	sdelay $0x4  }
0x80: {  	v57 =	vshll.u32 v3, $0x1  }
0x81: {  	v3 =	vand.u32 $0x7, v3;
	v4 =	vand.u32 $0xFFFFFFF0, v57  }
0x82: {  	v3 =	vor.u32 v3, v4  }
0x83: {  	v4 =	vperm.xlane v3, v0;
	_ =	sdelay $0x1  }
0x84: {  	v3 =	vperm.xlane v3, v2;
	v4 =	vadd.s32 v1, v4;
	_ =	sdelay $0x1  }
0x85: {  	v3 =	vadd.s32 v1, v3;
	_ =	sdelay $0x2  }
0x86: {  	[tilespmem:s0], [sflag:$0x2] =	stream.indirect_vreg.gather [hbm4b:s3+s2], $0x80, v4, vm0, $0xb8;
	[tilespmem:$0x10100] =	vst v63  }
0x87: {  	_ = 	snop  }
0x88: {  	[tilespmem:s1], [sflag:$0x2] =	stream.indirect_vreg.gather [hbm4b:s3+s2], $0x80, v3, vm0, $0xb8;
	[tilespmem:$0x10100] =	vst v63  }
0x89: {  	v3 =	vld [tilespmem:$0xA0];
	_ =	sdelay $0x4  }
0x8a: {  	v58 =	vshll.u32 v3, $0x1  }
0x8b: {  	v3 =	vand.u32 $0x7, v3;
	v4 =	vand.u32 $0xFFFFFFF0, v58  }
0x8c: {  	v3 =	vor.u32 v3, v4  }
0x8d: {  	v4 =	vperm.xlane v3, v0;
	_ =	sdelay $0x1  }
0x8e: {  	v3 =	vperm.xlane v3, v2;
	v4 =	vadd.s32 v1, v4;
	_ =	sdelay $0x1  }
0x8f: {  	v3 =	vadd.s32 v1, v3;
	_ =	sdelay $0x2  }
0x90: {  	[tilespmem:s12], [sflag:$0x2] =	stream.indirect_vreg.gather [hbm4b:s3+s2], $0x80, v4, vm0, $0xb8;
	[tilespmem:$0x10100] =	vst v63  }
0x91: {  	_ = 	snop  }
0x92: {  	[tilespmem:s14], [sflag:$0x2] =	stream.indirect_vreg.gather [hbm4b:s3+s2], $0x80, v3, vm0, $0xb8;
	[tilespmem:$0x10100] =	vst v63  }
0x93: {  	v3 =	vld [tilespmem:$0xB0];
	_ =	sdelay $0x4  }
0x94: {  	v59 =	vshll.u32 v3, $0x1  }
0x95: {  	v3 =	vand.u32 $0x7, v3;
	v4 =	vand.u32 $0xFFFFFFF0, v59  }
0x96: {  	v3 =	vor.u32 v3, v4  }
0x97: {  	v4 =	vperm.xlane v3, v0;
	_ =	sdelay $0x1  }
0x98: {  	v3 =	vperm.xlane v3, v2;
	v4 =	vadd.s32 v1, v4;
	_ =	sdelay $0x1  }
0x99: {  	v3 =	vadd.s32 v1, v3;
	_ =	sdelay $0x2  }
0x9a: {  	[tilespmem:s15], [sflag:$0x2] =	stream.indirect_vreg.gather [hbm4b:s3+s2], $0x80, v4, vm0, $0xb8;
	[tilespmem:$0x10100] =	vst v63  }
0x9b: {  	_ = 	snop  }
0x9c: {  	[tilespmem:s4], [sflag:$0x2] =	stream.indirect_vreg.gather [hbm4b:s3+s2], $0x80, v3, vm0, $0xb8;
	[tilespmem:$0x10100] =	vst v63  }
0x9d: {  	v3 =	vld [tilespmem:$0xC0];
	_ =	sdelay $0x4  }
0x9e: {  	v60 =	vshll.u32 v3, $0x1  }
0x9f: {  	v3 =	vand.u32 $0x7, v3;
	v4 =	vand.u32 $0xFFFFFFF0, v60  }
0xa0: {  	v3 =	vor.u32 v3, v4  }
0xa1: {  	v4 =	vperm.xlane v3, v0;
	_ =	sdelay $0x1  }
0xa2: {  	v3 =	vperm.xlane v3, v2;
	v4 =	vadd.s32 v1, v4;
	_ =	sdelay $0x1  }
0xa3: {  	v3 =	vadd.s32 v1, v3;
	_ =	sdelay $0x2  }
0xa4: {  	[tilespmem:s16], [sflag:$0x2] =	stream.indirect_vreg.gather [hbm4b:s3+s2], $0x80, v4, vm0, $0xb8;
	[tilespmem:$0x10100] =	vst v63  }
0xa5: {  	_ = 	snop  }
0xa6: {  	[tilespmem:s17], [sflag:$0x2] =	stream.indirect_vreg.gather [hbm4b:s3+s2], $0x80, v3, vm0, $0xb8;
	[tilespmem:$0x10100] =	vst v63  }
0xa7: {  	v3 =	vld [tilespmem:$0xD0];
	_ =	sdelay $0x4  }
0xa8: {  	v61 =	vshll.u32 v3, $0x1  }
0xa9: {  	v3 =	vand.u32 $0x7, v3;
	v4 =	vand.u32 $0xFFFFFFF0, v61  }
0xaa: {  	v3 =	vor.u32 v3, v4  }
0xab: {  	v4 =	vperm.xlane v3, v0;
	_ =	sdelay $0x1  }
0xac: {  	v3 =	vperm.xlane v3, v2;
	v4 =	vadd.s32 v1, v4;
	_ =	sdelay $0x1  }
0xad: {  	v3 =	vadd.s32 v1, v3;
	_ =	sdelay $0x2  }
0xae: {  	[tilespmem:s18], [sflag:$0x2] =	stream.indirect_vreg.gather [hbm4b:s3+s2], $0x80, v4, vm0, $0xb8;
	[tilespmem:$0x10100] =	vst v63  }
0xaf: {  	_ = 	snop  }
0xb0: {  	[tilespmem:s19], [sflag:$0x2] =	stream.indirect_vreg.gather [hbm4b:s3+s2], $0x80, v3, vm0, $0xb8;
	[tilespmem:$0x10100] =	vst v63  }
0xb1: {  	v3 =	vld [tilespmem:$0xE0];
	_ =	sdelay $0x4  }
0xb2: {  	v62 =	vshll.u32 v3, $0x1  }
0xb3: {  	v3 =	vand.u32 $0x7, v3;
	v4 =	vand.u32 $0xFFFFFFF0, v62  }
0xb4: {  	v3 =	vor.u32 v3, v4  }
0xb5: {  	v4 =	vperm.xlane v3, v0;
	_ =	sdelay $0x1  }
0xb6: {  	v3 =	vperm.xlane v3, v2;
	v4 =	vadd.s32 v1, v4;
	_ =	sdelay $0x1  }
0xb7: {  	v3 =	vadd.s32 v1, v3;
	_ =	sdelay $0x2  }
0xb8: {  	[tilespmem:s5], [sflag:$0x2] =	stream.indirect_vreg.gather [hbm4b:s3+s2], $0x80, v4, vm0, $0xb8;
	[tilespmem:$0x10100] =	vst v63  }
0xb9: {  	_ = 	snop  }
0xba: {  	[tilespmem:s20], [sflag:$0x2] =	stream.indirect_vreg.gather [hbm4b:s3+s2], $0x80, v3, vm0, $0xb8;
	[tilespmem:$0x10100] =	vst v63  }
0xbb: {  	v3 =	vld [tilespmem:$0xF0];
	_ =	sdelay $0x4  }
0xbc: {  	v63 =	vshll.u32 v3, $0x1  }
0xbd: {  	v3 =	vand.u32 $0x7, v3;
	v4 =	vand.u32 $0xFFFFFFF0, v63  }
0xbe: {  	v3 =	vor.u32 v3, v4  }
0xbf: {  	v4 =	vperm.xlane v3, v0;
	_ =	sdelay $0x1  }
0xc0: {  	v3 =	vperm.xlane v3, v2;
	v4 =	vadd.s32 v1, v4;
	_ =	sdelay $0x1  }
0xc1: {  	v3 =	vadd.s32 v1, v3;
	_ =	sdelay $0x2  }
0xc2: {  	[tilespmem:s6], [sflag:$0x2] =	stream.indirect_vreg.gather [hbm4b:s3+s2], $0x80, v4, vm0, $0xb8;
	[tilespmem:$0x10100] =	vst v63  }
0xc3: {  	_ = 	snop  }
0xc4: {  	[tilespmem:s21], [sflag:$0x2] =	stream.indirect_vreg.gather [hbm4b:s3+s2], $0x80, v3, vm0, $0xb8;
	[tilespmem:$0x10100] =	vst v63  }
0xc5: {  	_ =	swait.ge [sflag:s22], $0x8000  }
0xc6: {  	[sflag:s22] =	ssyncset.done $0x0  }
0xc7: {  	[sflag:s22] =	ssyncadd.s32 $0xFFFF8000  }
0xc8: {  	_ =	swait.ge [sflag:s7], $0x8000  }
0xc9: {  	p0 =	por $0x0, $0x0;
	s8 =	simm.s32 $0xFFFFFFFC;
	[sflag:s7] =	ssyncset.done $0x0  }
0xca: {  	s24 =	simm.s32 $0x0;
	s25 =	simm.s32 $0x0;
	[sflag:s7] =	ssyncadd.s32 $0xFFFF8000  }
.LBB2_2:
0xcb: {  	s9 =	sand.u32 $0x7800, s24;
	s26 =	sand.u32 $0x200, s25  }
0xcc: {  	s9 =	sor.u32 s26, s9  }
0xcd: {  	v3 =	vld [tilespmem:s9+$0x100]  }
0xce: {  	v4 =	vld [tilespmem:s9+$0x8100]  }
0xcf: {  	v5 =	vld [tilespmem:s9+$0x110]  }
0xd0: {  	v6 =	vld [tilespmem:s9+$0x8110]  }
0xd1: {  	v7 =	vld [tilespmem:s9+$0x120]  }
0xd2: {  	v8 =	vld [tilespmem:s9+$0x8120]  }
0xd3: {  	v9 =	vld [tilespmem:s9+$0x130]  }
0xd4: {  	v10 =	vld [tilespmem:s9+$0x8130]  }
0xd5: {  	v11 =	vld [tilespmem:s9+$0x140]  }
0xd6: {  	v12 =	vld [tilespmem:s9+$0x8140]  }
0xd7: {  	v13 =	vld [tilespmem:s9+$0x150]  }
0xd8: {  	v14 =	vld [tilespmem:s9+$0x8150]  }
0xd9: {  	v15 =	vld [tilespmem:s9+$0x160]  }
0xda: {  	v23 =	vld [tilespmem:s9+$0x170];
	v3 =	vadd.f32 v4, v3  }
0xdb: {  	v24 =	vld [tilespmem:s9+$0x8170];
	v5 =	vadd.f32 v6, v5  }
0xdc: {  	v22 =	vld [tilespmem:s9+$0x8160];
	v25 =	vadd.f32 v10, v9;
	[tilespmem:s9+$0x100] =	vst v3  }
0xdd: {  	v3 =	vadd.f32 v8, v7;
	[tilespmem:s9+$0x110] =	vst v5  }
0xde: {  	s26 =	simm.s32 $0x1;
	v26 =	vadd.f32 v14, v13;
	[tilespmem:s9+$0x130] =	vst v25  }
0xdf: {  	s26 =	simm.s32 @!p0 $0x0;
	[tilespmem:s9+$0x120] =	vst v3;
	v3 =	vadd.f32 v12, v11  }
0xe0: {  	s26 =	sshll.u32 s26, $0x9;
	v27 =	vadd.f32 v24, v23;
	[tilespmem:s9+$0x150] =	vst v26  }
0xe1: {  	s26 =	sadd.s32 s26, s24;
	[tilespmem:s9+$0x140] =	vst v3;
	v3 =	vadd.f32 v22, v15  }
0xe2: {  	s10 =	sor.u32 $0x400, s26;
	[tilespmem:s9+$0x170] =	vst v27  }
0xe3: {  	[tilespmem:s9+$0x160] =	vst v3;
	v3 =	vld [tilespmem:s10+$0x100]  }
0xe4: {  	v4 =	vld [tilespmem:s10+$0x8100];
	_ =	sdelay $0x4  }
0xe5: {  	v3 =	vadd.f32 v4, v3;
	_ =	sdelay $0x1  }
0xe6: {  	s28 =	sor.u32 $0x410, s26;
	[tilespmem:s10+$0x100] =	vst v3  }
0xe7: {  	v3 =	vld [tilespmem:s28+$0x100]  }
0xe8: {  	v28 =	vld [tilespmem:s28+$0x8100];
	_ =	sdelay $0x4  }
0xe9: {  	v3 =	vadd.f32 v28, v3;
	_ =	sdelay $0x1  }
0xea: {  	[tilespmem:s28+$0x100] =	vst v3;
	s28 =	sor.u32 $0x420, s26  }
0xeb: {  	v3 =	vld [tilespmem:s28+$0x100]  }
0xec: {  	v29 =	vld [tilespmem:s28+$0x8100];
	_ =	sdelay $0x4  }
0xed: {  	v3 =	vadd.f32 v29, v3;
	_ =	sdelay $0x1  }
0xee: {  	[tilespmem:s28+$0x100] =	vst v3;
	s28 =	sor.u32 $0x430, s26  }
0xef: {  	v3 =	vld [tilespmem:s28+$0x100]  }
0xf0: {  	v30 =	vld [tilespmem:s28+$0x8100];
	_ =	sdelay $0x4  }
0xf1: {  	v3 =	vadd.f32 v30, v3;
	_ =	sdelay $0x1  }
0xf2: {  	[tilespmem:s28+$0x100] =	vst v3;
	s28 =	sor.u32 $0x440, s26  }
0xf3: {  	v3 =	vld [tilespmem:s28+$0x100]  }
0xf4: {  	v31 =	vld [tilespmem:s28+$0x8100];
	_ =	sdelay $0x4  }
0xf5: {  	v3 =	vadd.f32 v31, v3;
	_ =	sdelay $0x1  }
0xf6: {  	[tilespmem:s28+$0x100] =	vst v3;
	s28 =	sor.u32 $0x450, s26  }
0xf7: {  	v3 =	vld [tilespmem:s28+$0x100]  }
0xf8: {  	v32 =	vld [tilespmem:s28+$0x8100];
	_ =	sdelay $0x4  }
0xf9: {  	v3 =	vadd.f32 v32, v3;
	_ =	sdelay $0x1  }
0xfa: {  	[tilespmem:s28+$0x100] =	vst v3;
	s28 =	sor.u32 $0x460, s26  }
0xfb: {  	v3 =	vld [tilespmem:s28+$0x100]  }
0xfc: {  	v33 =	vld [tilespmem:s28+$0x8100];
	_ =	sdelay $0x4  }
0xfd: {  	v3 =	vadd.f32 v33, v3;
	_ =	sdelay $0x1  }
0xfe: {  	[tilespmem:s28+$0x100] =	vst v3;
	s28 =	sor.u32 $0x470, s26  }
0xff: {  	v3 =	vld [tilespmem:s28+$0x100]  }
0x100: {  	v34 =	vld [tilespmem:s28+$0x8100];
	_ =	sdelay $0x4  }
0x101: {  	v3 =	vadd.f32 v34, v3;
	_ =	sdelay $0x1  }
0x102: {  	[tilespmem:s28+$0x100] =	vst v3  }
0x103: {  	v3 =	vld [tilespmem:s9+$0x180]  }
0x104: {  	v35 =	vld [tilespmem:s9+$0x8180]  }
0x105: {  	v36 =	vld [tilespmem:s9+$0x190]  }
0x106: {  	v37 =	vld [tilespmem:s9+$0x8190]  }
0x107: {  	v38 =	vld [tilespmem:s9+$0x1A0]  }
0x108: {  	v39 =	vld [tilespmem:s9+$0x81A0]  }
0x109: {  	v40 =	vld [tilespmem:s9+$0x1B0]  }
0x10a: {  	v41 =	vld [tilespmem:s9+$0x81B0]  }
0x10b: {  	v42 =	vld [tilespmem:s9+$0x1C0]  }
0x10c: {  	v43 =	vld [tilespmem:s9+$0x1D0]  }
0x10d: {  	v44 =	vld [tilespmem:s9+$0x81D0]  }
0x10e: {  	v45 =	vld [tilespmem:s9+$0x1E0]  }
0x10f: {  	v46 =	vld [tilespmem:s9+$0x81E0]  }
0x110: {  	v47 =	vld [tilespmem:s9+$0x1F0];
	v3 =	vadd.f32 v35, v3  }
0x111: {  	v48 =	vld [tilespmem:s9+$0x81F0];
	v5 =	vadd.f32 v37, v36  }
0x112: {  	v49 =	vld [tilespmem:s9+$0x81C0];
	[tilespmem:s9+$0x180] =	vst v3;
	v3 =	vadd.f32 v39, v38  }
0x113: {  	v50 =	vadd.f32 v41, v40;
	[tilespmem:s9+$0x190] =	vst v5  }
0x114: {  	[tilespmem:s9+$0x1A0] =	vst v3;
	v3 =	vadd.f32 v44, v43  }
0x115: {  	v51 =	vadd.f32 v46, v45;
	[tilespmem:s9+$0x1B0] =	vst v50  }
0x116: {  	[tilespmem:s9+$0x1D0] =	vst v3;
	v3 =	vadd.f32 v48, v47  }
0x117: {  	s10 =	sadd.s32 $0x80, s26;
	v52 =	vadd.f32 v49, v42;
	[tilespmem:s9+$0x1E0] =	vst v51  }
0x118: {  	s28 =	sor.u32 $0x400, s10;
	[tilespmem:s9+$0x1F0] =	vst v3  }
0x119: {  	[tilespmem:s9+$0x1C0] =	vst v52;
	v3 =	vld [tilespmem:s28+$0x100]  }
0x11a: {  	v4 =	vld [tilespmem:s28+$0x8100];
	_ =	sdelay $0x4  }
0x11b: {  	v3 =	vadd.f32 v4, v3;
	_ =	sdelay $0x1  }
0x11c: {  	[tilespmem:s28+$0x100] =	vst v3;
	s28 =	sor.u32 $0x410, s10  }
0x11d: {  	v3 =	vld [tilespmem:s28+$0x100]  }
0x11e: {  	v53 =	vld [tilespmem:s28+$0x8100];
	_ =	sdelay $0x4  }
0x11f: {  	v3 =	vadd.f32 v53, v3;
	_ =	sdelay $0x1  }
0x120: {  	[tilespmem:s28+$0x100] =	vst v3;
	s28 =	sor.u32 $0x420, s10  }
0x121: {  	v3 =	vld [tilespmem:s28+$0x100]  }
0x122: {  	v54 =	vld [tilespmem:s28+$0x8100];
	_ =	sdelay $0x4  }
0x123: {  	v3 =	vadd.f32 v54, v3;
	_ =	sdelay $0x1  }
0x124: {  	[tilespmem:s28+$0x100] =	vst v3;
	s28 =	sor.u32 $0x430, s10  }
0x125: {  	v3 =	vld [tilespmem:s28+$0x100]  }
0x126: {  	v55 =	vld [tilespmem:s28+$0x8100];
	_ =	sdelay $0x4  }
0x127: {  	v3 =	vadd.f32 v55, v3;
	_ =	sdelay $0x1  }
0x128: {  	[tilespmem:s28+$0x100] =	vst v3;
	s28 =	sor.u32 $0x440, s10  }
0x129: {  	v3 =	vld [tilespmem:s28+$0x100]  }
0x12a: {  	v56 =	vld [tilespmem:s28+$0x8100];
	_ =	sdelay $0x4  }
0x12b: {  	v3 =	vadd.f32 v56, v3;
	_ =	sdelay $0x1  }
0x12c: {  	[tilespmem:s28+$0x100] =	vst v3;
	s28 =	sor.u32 $0x450, s10  }
0x12d: {  	v3 =	vld [tilespmem:s28+$0x100]  }
0x12e: {  	v57 =	vld [tilespmem:s28+$0x8100];
	_ =	sdelay $0x4  }
0x12f: {  	v3 =	vadd.f32 v57, v3;
	_ =	sdelay $0x1  }
0x130: {  	[tilespmem:s28+$0x100] =	vst v3;
	s28 =	sor.u32 $0x460, s10  }
0x131: {  	v3 =	vld [tilespmem:s28+$0x100]  }
0x132: {  	v58 =	vld [tilespmem:s28+$0x8100];
	_ =	sdelay $0x4  }
0x133: {  	v3 =	vadd.f32 v58, v3;
	_ =	sdelay $0x1  }
0x134: {  	s10 =	sor.u32 $0x470, s10;
	[tilespmem:s28+$0x100] =	vst v3  }
0x135: {  	v3 =	vld [tilespmem:s10+$0x100]  }
0x136: {  	v59 =	vld [tilespmem:s10+$0x8100];
	_ =	sdelay $0x4  }
0x137: {  	v3 =	vadd.f32 v59, v3;
	_ =	sdelay $0x1  }
0x138: {  	[tilespmem:s10+$0x100] =	vst v3  }
0x139: {  	v3 =	vld [tilespmem:s9+$0x200]  }
0x13a: {  	v60 =	vld [tilespmem:s9+$0x8200]  }
0x13b: {  	v61 =	vld [tilespmem:s9+$0x210]  }
0x13c: {  	v62 =	vld [tilespmem:s9+$0x8210]  }
0x13d: {  	v63 =	vld [tilespmem:s9+$0x220]  }
0x13e: {  	v18 =	vld [tilespmem:s9+$0x8220]  }
0x13f: {  	v19 =	vld [tilespmem:s9+$0x230]  }
0x140: {  	v20 =	vld [tilespmem:s9+$0x8230]  }
0x141: {  	v21 =	vld [tilespmem:s9+$0x240]  }
0x142: {  	v22 =	vld [tilespmem:s9+$0x8240]  }
0x143: {  	v23 =	vld [tilespmem:s9+$0x250]  }
0x144: {  	v24 =	vld [tilespmem:s9+$0x8250]  }
0x145: {  	v25 =	vld [tilespmem:s9+$0x260]  }
0x146: {  	v27 =	vld [tilespmem:s9+$0x270];
	v3 =	vadd.f32 v60, v3  }
0x147: {  	v28 =	vld [tilespmem:s9+$0x8270];
	v5 =	vadd.f32 v62, v61  }
0x148: {  	v26 =	vld [tilespmem:s9+$0x8260];
	v29 =	vadd.f32 v20, v19;
	[tilespmem:s9+$0x200] =	vst v3  }
0x149: {  	v3 =	vadd.f32 v18, v63;
	[tilespmem:s9+$0x210] =	vst v5  }
0x14a: {  	v30 =	vadd.f32 v24, v23;
	[tilespmem:s9+$0x230] =	vst v29  }
0x14b: {  	[tilespmem:s9+$0x220] =	vst v3;
	v3 =	vadd.f32 v22, v21  }
0x14c: {  	v31 =	vadd.f32 v28, v27;
	[tilespmem:s9+$0x250] =	vst v30  }
0x14d: {  	s10 =	sadd.s32 $0x100, s26;
	[tilespmem:s9+$0x240] =	vst v3;
	v3 =	vadd.f32 v26, v25  }
0x14e: {  	s28 =	sor.u32 $0x400, s10;
	[tilespmem:s9+$0x270] =	vst v31  }
0x14f: {  	[tilespmem:s9+$0x260] =	vst v3;
	v3 =	vld [tilespmem:s28+$0x100]  }
0x150: {  	v4 =	vld [tilespmem:s28+$0x8100];
	_ =	sdelay $0x4  }
0x151: {  	v3 =	vadd.f32 v4, v3;
	_ =	sdelay $0x1  }
0x152: {  	[tilespmem:s28+$0x100] =	vst v3;
	s28 =	sor.u32 $0x410, s10  }
0x153: {  	v3 =	vld [tilespmem:s28+$0x100]  }
0x154: {  	v32 =	vld [tilespmem:s28+$0x8100];
	_ =	sdelay $0x4  }
0x155: {  	v3 =	vadd.f32 v32, v3;
	_ =	sdelay $0x1  }
0x156: {  	[tilespmem:s28+$0x100] =	vst v3;
	s28 =	sor.u32 $0x420, s10  }
0x157: {  	v3 =	vld [tilespmem:s28+$0x100]  }
0x158: {  	v33 =	vld [tilespmem:s28+$0x8100];
	_ =	sdelay $0x4  }
0x159: {  	v3 =	vadd.f32 v33, v3;
	_ =	sdelay $0x1  }
0x15a: {  	[tilespmem:s28+$0x100] =	vst v3;
	s28 =	sor.u32 $0x430, s10  }
0x15b: {  	v3 =	vld [tilespmem:s28+$0x100]  }
0x15c: {  	v34 =	vld [tilespmem:s28+$0x8100];
	_ =	sdelay $0x4  }
0x15d: {  	v3 =	vadd.f32 v34, v3;
	_ =	sdelay $0x1  }
0x15e: {  	[tilespmem:s28+$0x100] =	vst v3;
	s28 =	sor.u32 $0x440, s10  }
0x15f: {  	v3 =	vld [tilespmem:s28+$0x100]  }
0x160: {  	v35 =	vld [tilespmem:s28+$0x8100];
	_ =	sdelay $0x4  }
0x161: {  	v3 =	vadd.f32 v35, v3;
	_ =	sdelay $0x1  }
0x162: {  	[tilespmem:s28+$0x100] =	vst v3;
	s28 =	sor.u32 $0x450, s10  }
0x163: {  	v3 =	vld [tilespmem:s28+$0x100]  }
0x164: {  	v36 =	vld [tilespmem:s28+$0x8100];
	_ =	sdelay $0x4  }
0x165: {  	v3 =	vadd.f32 v36, v3;
	_ =	sdelay $0x1  }
0x166: {  	[tilespmem:s28+$0x100] =	vst v3;
	s28 =	sor.u32 $0x460, s10  }
0x167: {  	v3 =	vld [tilespmem:s28+$0x100]  }
0x168: {  	v37 =	vld [tilespmem:s28+$0x8100];
	_ =	sdelay $0x4  }
0x169: {  	v3 =	vadd.f32 v37, v3;
	_ =	sdelay $0x1  }
0x16a: {  	s10 =	sor.u32 $0x470, s10;
	[tilespmem:s28+$0x100] =	vst v3  }
0x16b: {  	v3 =	vld [tilespmem:s10+$0x100]  }
0x16c: {  	v38 =	vld [tilespmem:s10+$0x8100];
	_ =	sdelay $0x4  }
0x16d: {  	v3 =	vadd.f32 v38, v3;
	_ =	sdelay $0x1  }
0x16e: {  	[tilespmem:s10+$0x100] =	vst v3  }
0x16f: {  	v3 =	vld [tilespmem:s9+$0x280]  }
0x170: {  	v39 =	vld [tilespmem:s9+$0x8280]  }
0x171: {  	v40 =	vld [tilespmem:s9+$0x290]  }
0x172: {  	v41 =	vld [tilespmem:s9+$0x8290]  }
0x173: {  	v42 =	vld [tilespmem:s9+$0x2A0]  }
0x174: {  	v43 =	vld [tilespmem:s9+$0x82A0]  }
0x175: {  	v44 =	vld [tilespmem:s9+$0x2B0]  }
0x176: {  	v45 =	vld [tilespmem:s9+$0x82B0]  }
0x177: {  	v46 =	vld [tilespmem:s9+$0x2C0]  }
0x178: {  	v47 =	vld [tilespmem:s9+$0x2D0]  }
0x179: {  	v48 =	vld [tilespmem:s9+$0x82D0]  }
0x17a: {  	v49 =	vld [tilespmem:s9+$0x2E0]  }
0x17b: {  	v50 =	vld [tilespmem:s9+$0x82E0]  }
0x17c: {  	v51 =	vld [tilespmem:s9+$0x2F0];
	v3 =	vadd.f32 v39, v3  }
0x17d: {  	v52 =	vld [tilespmem:s9+$0x82F0];
	v5 =	vadd.f32 v41, v40  }
0x17e: {  	v53 =	vld [tilespmem:s9+$0x82C0];
	[tilespmem:s9+$0x280] =	vst v3;
	v3 =	vadd.f32 v43, v42  }
0x17f: {  	v54 =	vadd.f32 v45, v44;
	[tilespmem:s9+$0x290] =	vst v5  }
0x180: {  	[tilespmem:s9+$0x2A0] =	vst v3;
	v3 =	vadd.f32 v48, v47  }
0x181: {  	v55 =	vadd.f32 v50, v49;
	[tilespmem:s9+$0x2B0] =	vst v54  }
0x182: {  	[tilespmem:s9+$0x2D0] =	vst v3;
	v3 =	vadd.f32 v52, v51  }
0x183: {  	s10 =	sadd.s32 $0x180, s26;
	v56 =	vadd.f32 v53, v46;
	[tilespmem:s9+$0x2E0] =	vst v55  }
0x184: {  	s26 =	sor.u32 $0x400, s10;
	[tilespmem:s9+$0x2F0] =	vst v3  }
0x185: {  	[tilespmem:s9+$0x2C0] =	vst v56;
	v3 =	vld [tilespmem:s26+$0x100]  }
0x186: {  	v4 =	vld [tilespmem:s26+$0x8100];
	_ =	sdelay $0x4  }
0x187: {  	v3 =	vadd.f32 v4, v3;
	_ =	sdelay $0x1  }
0x188: {  	s28 =	sor.u32 $0x410, s10;
	[tilespmem:s26+$0x100] =	vst v3  }
0x189: {  	v3 =	vld [tilespmem:s28+$0x100]  }
0x18a: {  	v57 =	vld [tilespmem:s28+$0x8100];
	_ =	sdelay $0x4  }
0x18b: {  	v3 =	vadd.f32 v57, v3;
	_ =	sdelay $0x1  }
0x18c: {  	s26 =	sor.u32 $0x420, s10;
	[tilespmem:s28+$0x100] =	vst v3  }
0x18d: {  	v3 =	vld [tilespmem:s26+$0x100]  }
0x18e: {  	v58 =	vld [tilespmem:s26+$0x8100];
	_ =	sdelay $0x4  }
0x18f: {  	v3 =	vadd.f32 v58, v3;
	_ =	sdelay $0x1  }
0x190: {  	s28 =	sor.u32 $0x430, s10;
	[tilespmem:s26+$0x100] =	vst v3  }
0x191: {  	v3 =	vld [tilespmem:s28+$0x100]  }
0x192: {  	v59 =	vld [tilespmem:s28+$0x8100];
	_ =	sdelay $0x4  }
0x193: {  	v3 =	vadd.f32 v59, v3;
	_ =	sdelay $0x1  }
0x194: {  	s26 =	sor.u32 $0x440, s10;
	[tilespmem:s28+$0x100] =	vst v3  }
0x195: {  	v3 =	vld [tilespmem:s26+$0x100]  }
0x196: {  	v60 =	vld [tilespmem:s26+$0x8100];
	_ =	sdelay $0x4  }
0x197: {  	v3 =	vadd.f32 v60, v3;
	_ =	sdelay $0x1  }
0x198: {  	s28 =	sor.u32 $0x450, s10;
	[tilespmem:s26+$0x100] =	vst v3  }
0x199: {  	v3 =	vld [tilespmem:s28+$0x100]  }
0x19a: {  	v61 =	vld [tilespmem:s28+$0x8100];
	_ =	sdelay $0x4  }
0x19b: {  	v3 =	vadd.f32 v61, v3;
	_ =	sdelay $0x1  }
0x19c: {  	s26 =	sor.u32 $0x460, s10;
	[tilespmem:s28+$0x100] =	vst v3  }
0x19d: {  	v3 =	vld [tilespmem:s26+$0x100]  }
0x19e: {  	v62 =	vld [tilespmem:s26+$0x8100];
	_ =	sdelay $0x4  }
0x19f: {  	v3 =	vadd.f32 v62, v3;
	_ =	sdelay $0x1  }
0x1a0: {  	s28 =	sor.u32 $0x470, s10;
	[tilespmem:s26+$0x100] =	vst v3  }
0x1a1: {  	v3 =	vld [tilespmem:s28+$0x100]  }
0x1a2: {  	v63 =	vld [tilespmem:s28+$0x8100]  }
0x1a3: {  	s8 =	sadd.s32 $0x4, s8  }
0x1a4: {  	p1 =	slt.u32 s8, $0x7C  }
.Ltmp0:
0x1a5: {  	_ = 	snop;
	(pc) =	sbr.rel @p1 .LBB2_2-.Ltmp0, $3  }
0x1a6: {  	_ = 	snop  }
0x1a7: {  	v3 =	vadd.f32 v63, v3;
	_ =	sdelay $0x1  }
0x1a8: {  	s25 =	sadd.s32 $0x200, s25;
	p0 =	por !p0, !p0;
	s24 =	sadd.s32 $0x400, s24;
	[tilespmem:s28+$0x100] =	vst v3  }
0x1a9: {  	s8 =	simm.s32 $0x0;
	s9 =	rddreg [dreg:$0x5]  }
0x1aa: {  	[hbm4b:s9+s8] =	stream.linear.scatter [tilespmem:s13], [sflag:$0x3], $0x8000, $0x38;
	[tilespmem:$0x10100] =	vst v63  }
0x1ab: {  	_ =	swait.ge [sflag:s11], $0x8000  }
0x1ac: {  	[sflag:s11] =	ssyncset.done $0x0  }
0x1ad: {  	s26 =	rddreg [dreg:$0x6];
	[sflag:s11] =	ssyncadd.s32 $0xFFFF8000  }
0x1ae: {  	[tilespmem:s8], [sflag:$0x3] =	stream.linear.gather [hbm4b:s26+s8], $0x80, $0x38;
	[tilespmem:$0x10100] =	vst v63  }
0x1af: {  	_ =	swait.ge [sflag:s11], $0x80  }
0x1b0: {  	[sflag:s11] =	ssyncset.done $0x0  }
0x1b1: {  	s10 =	simm.s32 $0x80;
	s28 =	rddreg [dreg:$0x7];
	[sflag:s11] =	ssyncadd.s32 $0xFFFFFF80  }
0x1b2: {  	[tilespmem:s10], [sflag:$0x3] =	stream.linear.gather [hbm4b:s28+s8], $0x80, $0x38;
	[tilespmem:$0x10100] =	vst v63  }
0x1b3: {  	_ =	swait.ge [sflag:s11], $0x80  }
0x1b4: {  	[sflag:s11] =	ssyncset.done $0x0  }
0x1b5: {  	[sflag:s11] =	ssyncadd.s32 $0xFFFFFF80  }
0x1b6: {  	v3 =	vld [tilespmem:$0x0];
	_ =	sdelay $0x4  }
0x1b7: {  	v4 =	vshll.u32 v3, $0x1  }
0x1b8: {  	v3 =	vand.u32 $0x7, v3;
	v4 =	vand.u32 $0xFFFFFFF0, v4  }
0x1b9: {  	v3 =	vor.u32 v3, v4  }
0x1ba: {  	v4 =	vperm.xlane v3, v0;
	_ =	sdelay $0x1  }
0x1bb: {  	v3 =	vperm.xlane v3, v2;
	v4 =	vadd.s32 v1, v4;
	_ =	sdelay $0x1  }
0x1bc: {  	v3 =	vadd.s32 v1, v3;
	_ =	sdelay $0x2  }
0x1bd: {  	[tilespmem:s13], [sflag:$0x1] =	stream.indirect_vreg.gather [hbm4b:s3+s8], $0x80, v4, vm0, $0xb8;
	[tilespmem:$0x10100] =	vst v63  }
0x1be: {  	s24 =	simm.s32 $0x900  }
0x1bf: {  	[tilespmem:s24], [sflag:$0x1] =	stream.indirect_vreg.gather [hbm4b:s3+s8], $0x80, v3, vm0, $0xb8;
	[tilespmem:$0x10100] =	vst v63  }
0x1c0: {  	v3 =	vld [tilespmem:$0x10];
	_ =	sdelay $0x4  }
0x1c1: {  	v49 =	vshll.u32 v3, $0x1  }
0x1c2: {  	v3 =	vand.u32 $0x7, v3;
	v4 =	vand.u32 $0xFFFFFFF0, v49  }
0x1c3: {  	v3 =	vor.u32 v3, v4  }
0x1c4: {  	v4 =	vperm.xlane v3, v0;
	_ =	sdelay $0x1  }
0x1c5: {  	v3 =	vperm.xlane v3, v2;
	v4 =	vadd.s32 v1, v4;
	_ =	sdelay $0x1  }
0x1c6: {  	v3 =	vadd.s32 v1, v3;
	_ =	sdelay $0x1  }
0x1c7: {  	s25 =	simm.s32 $0x1100  }
0x1c8: {  	[tilespmem:s25], [sflag:$0x1] =	stream.indirect_vreg.gather [hbm4b:s3+s8], $0x80, v4, vm0, $0xb8;
	[tilespmem:$0x10100] =	vst v63  }
0x1c9: {  	s26 =	simm.s32 $0x1900  }
0x1ca: {  	[tilespmem:s26], [sflag:$0x1] =	stream.indirect_vreg.gather [hbm4b:s3+s8], $0x80, v3, vm0, $0xb8;
	[tilespmem:$0x10100] =	vst v63  }
0x1cb: {  	v3 =	vld [tilespmem:$0x20];
	_ =	sdelay $0x4  }
0x1cc: {  	v50 =	vshll.u32 v3, $0x1  }
0x1cd: {  	v3 =	vand.u32 $0x7, v3;
	v4 =	vand.u32 $0xFFFFFFF0, v50  }
0x1ce: {  	v3 =	vor.u32 v3, v4  }
0x1cf: {  	v4 =	vperm.xlane v3, v0;
	_ =	sdelay $0x1  }
0x1d0: {  	v3 =	vperm.xlane v3, v2;
	v4 =	vadd.s32 v1, v4;
	_ =	sdelay $0x1  }
0x1d1: {  	v3 =	vadd.s32 v1, v3;
	_ =	sdelay $0x1  }
0x1d2: {  	s28 =	simm.s32 $0x2100  }
0x1d3: {  	[tilespmem:s28], [sflag:$0x1] =	stream.indirect_vreg.gather [hbm4b:s3+s8], $0x80, v4, vm0, $0xb8;
	[tilespmem:$0x10100] =	vst v63  }
0x1d4: {  	s10 =	simm.s32 $0x2900  }
0x1d5: {  	[tilespmem:s10], [sflag:$0x1] =	stream.indirect_vreg.gather [hbm4b:s3+s8], $0x80, v3, vm0, $0xb8;
	[tilespmem:$0x10100] =	vst v63  }
0x1d6: {  	v3 =	vld [tilespmem:$0x30];
	_ =	sdelay $0x4  }
0x1d7: {  	v51 =	vshll.u32 v3, $0x1  }
0x1d8: {  	v3 =	vand.u32 $0x7, v3;
	v4 =	vand.u32 $0xFFFFFFF0, v51  }
0x1d9: {  	v3 =	vor.u32 v3, v4  }
0x1da: {  	v4 =	vperm.xlane v3, v0;
	_ =	sdelay $0x1  }
0x1db: {  	v3 =	vperm.xlane v3, v2;
	v4 =	vadd.s32 v1, v4;
	_ =	sdelay $0x1  }
0x1dc: {  	v3 =	vadd.s32 v1, v3;
	_ =	sdelay $0x1  }
0x1dd: {  	s24 =	simm.s32 $0x3100  }
0x1de: {  	[tilespmem:s24], [sflag:$0x1] =	stream.indirect_vreg.gather [hbm4b:s3+s8], $0x80, v4, vm0, $0xb8;
	[tilespmem:$0x10100] =	vst v63  }
0x1df: {  	s25 =	simm.s32 $0x3900  }
0x1e0: {  	[tilespmem:s25], [sflag:$0x1] =	stream.indirect_vreg.gather [hbm4b:s3+s8], $0x80, v3, vm0, $0xb8;
	[tilespmem:$0x10100] =	vst v63  }
0x1e1: {  	v3 =	vld [tilespmem:$0x40];
	_ =	sdelay $0x4  }
0x1e2: {  	v52 =	vshll.u32 v3, $0x1  }
0x1e3: {  	v3 =	vand.u32 $0x7, v3;
	v4 =	vand.u32 $0xFFFFFFF0, v52  }
0x1e4: {  	v3 =	vor.u32 v3, v4  }
0x1e5: {  	v4 =	vperm.xlane v3, v0;
	_ =	sdelay $0x1  }
0x1e6: {  	v3 =	vperm.xlane v3, v2;
	v4 =	vadd.s32 v1, v4;
	_ =	sdelay $0x1  }
0x1e7: {  	v3 =	vadd.s32 v1, v3;
	_ =	sdelay $0x1  }
0x1e8: {  	s26 =	simm.s32 $0x4100  }
0x1e9: {  	[tilespmem:s26], [sflag:$0x1] =	stream.indirect_vreg.gather [hbm4b:s3+s8], $0x80, v4, vm0, $0xb8;
	[tilespmem:$0x10100] =	vst v63  }
0x1ea: {  	s28 =	simm.s32 $0x4900  }
0x1eb: {  	[tilespmem:s28], [sflag:$0x1] =	stream.indirect_vreg.gather [hbm4b:s3+s8], $0x80, v3, vm0, $0xb8;
	[tilespmem:$0x10100] =	vst v63  }
0x1ec: {  	v3 =	vld [tilespmem:$0x50];
	_ =	sdelay $0x4  }
0x1ed: {  	v53 =	vshll.u32 v3, $0x1  }
0x1ee: {  	v3 =	vand.u32 $0x7, v3;
	v4 =	vand.u32 $0xFFFFFFF0, v53  }
0x1ef: {  	v3 =	vor.u32 v3, v4  }
0x1f0: {  	v4 =	vperm.xlane v3, v0;
	_ =	sdelay $0x1  }
0x1f1: {  	v3 =	vperm.xlane v3, v2;
	v4 =	vadd.s32 v1, v4;
	_ =	sdelay $0x1  }
0x1f2: {  	v3 =	vadd.s32 v1, v3;
	_ =	sdelay $0x1  }
0x1f3: {  	s10 =	simm.s32 $0x5100  }
0x1f4: {  	[tilespmem:s10], [sflag:$0x1] =	stream.indirect_vreg.gather [hbm4b:s3+s8], $0x80, v4, vm0, $0xb8;
	[tilespmem:$0x10100] =	vst v63  }
0x1f5: {  	s24 =	simm.s32 $0x5900  }
0x1f6: {  	[tilespmem:s24], [sflag:$0x1] =	stream.indirect_vreg.gather [hbm4b:s3+s8], $0x80, v3, vm0, $0xb8;
	[tilespmem:$0x10100] =	vst v63  }
0x1f7: {  	v3 =	vld [tilespmem:$0x60];
	_ =	sdelay $0x4  }
0x1f8: {  	v54 =	vshll.u32 v3, $0x1  }
0x1f9: {  	v3 =	vand.u32 $0x7, v3;
	v4 =	vand.u32 $0xFFFFFFF0, v54  }
0x1fa: {  	v3 =	vor.u32 v3, v4  }
0x1fb: {  	v4 =	vperm.xlane v3, v0;
	_ =	sdelay $0x1  }
0x1fc: {  	v3 =	vperm.xlane v3, v2;
	v4 =	vadd.s32 v1, v4;
	_ =	sdelay $0x1  }
0x1fd: {  	v3 =	vadd.s32 v1, v3;
	_ =	sdelay $0x1  }
0x1fe: {  	s25 =	simm.s32 $0x6100  }
0x1ff: {  	[tilespmem:s25], [sflag:$0x1] =	stream.indirect_vreg.gather [hbm4b:s3+s8], $0x80, v4, vm0, $0xb8;
	[tilespmem:$0x10100] =	vst v63  }
0x200: {  	s26 =	simm.s32 $0x6900  }
0x201: {  	[tilespmem:s26], [sflag:$0x1] =	stream.indirect_vreg.gather [hbm4b:s3+s8], $0x80, v3, vm0, $0xb8;
	[tilespmem:$0x10100] =	vst v63  }
0x202: {  	v3 =	vld [tilespmem:$0x70];
	_ =	sdelay $0x4  }
0x203: {  	v55 =	vshll.u32 v3, $0x1  }
0x204: {  	v3 =	vand.u32 $0x7, v3;
	v4 =	vand.u32 $0xFFFFFFF0, v55  }
0x205: {  	v3 =	vor.u32 v3, v4  }
0x206: {  	v4 =	vperm.xlane v3, v0;
	_ =	sdelay $0x1  }
0x207: {  	v3 =	vperm.xlane v3, v2;
	v4 =	vadd.s32 v1, v4;
	_ =	sdelay $0x1  }
0x208: {  	v3 =	vadd.s32 v1, v3;
	_ =	sdelay $0x1  }
0x209: {  	s28 =	simm.s32 $0x7100  }
0x20a: {  	[tilespmem:s28], [sflag:$0x1] =	stream.indirect_vreg.gather [hbm4b:s3+s8], $0x80, v4, vm0, $0xb8;
	[tilespmem:$0x10100] =	vst v63  }
0x20b: {  	_ = 	snop  }
0x20c: {  	[tilespmem:s29], [sflag:$0x1] =	stream.indirect_vreg.gather [hbm4b:s3+s8], $0x80, v3, vm0, $0xb8;
	[tilespmem:$0x10100] =	vst v63  }
0x20d: {  	v3 =	vld [tilespmem:$0x80];
	_ =	sdelay $0x4  }
0x20e: {  	v56 =	vshll.u32 v3, $0x1  }
0x20f: {  	v3 =	vand.u32 $0x7, v3;
	v4 =	vand.u32 $0xFFFFFFF0, v56  }
0x210: {  	v3 =	vor.u32 v3, v4  }
0x211: {  	v4 =	vperm.xlane v3, v0;
	_ =	sdelay $0x1  }
0x212: {  	v3 =	vperm.xlane v3, v2;
	v4 =	vadd.s32 v1, v4;
	_ =	sdelay $0x1  }
0x213: {  	v3 =	vadd.s32 v1, v3;
	_ =	sdelay $0x2  }
0x214: {  	[tilespmem:s30], [sflag:$0x2] =	stream.indirect_vreg.gather [hbm4b:s3+s8], $0x80, v4, vm0, $0xb8;
	[tilespmem:$0x10100] =	vst v63  }
0x215: {  	_ = 	snop  }
0x216: {  	[tilespmem:s31], [sflag:$0x2] =	stream.indirect_vreg.gather [hbm4b:s3+s8], $0x80, v3, vm0, $0xb8;
	[tilespmem:$0x10100] =	vst v63  }
0x217: {  	v3 =	vld [tilespmem:$0x90];
	_ =	sdelay $0x4  }
0x218: {  	v57 =	vshll.u32 v3, $0x1  }
0x219: {  	v3 =	vand.u32 $0x7, v3;
	v4 =	vand.u32 $0xFFFFFFF0, v57  }
0x21a: {  	v3 =	vor.u32 v3, v4  }
0x21b: {  	v4 =	vperm.xlane v3, v0;
	_ =	sdelay $0x1  }
0x21c: {  	v3 =	vperm.xlane v3, v2;
	v4 =	vadd.s32 v1, v4;
	_ =	sdelay $0x1  }
0x21d: {  	v3 =	vadd.s32 v1, v3;
	_ =	sdelay $0x2  }
0x21e: {  	[tilespmem:s0], [sflag:$0x2] =	stream.indirect_vreg.gather [hbm4b:s3+s8], $0x80, v4, vm0, $0xb8;
	[tilespmem:$0x10100] =	vst v63  }
0x21f: {  	_ = 	snop  }
0x220: {  	[tilespmem:s1], [sflag:$0x2] =	stream.indirect_vreg.gather [hbm4b:s3+s8], $0x80, v3, vm0, $0xb8;
	[tilespmem:$0x10100] =	vst v63  }
0x221: {  	v3 =	vld [tilespmem:$0xA0];
	_ =	sdelay $0x4  }
0x222: {  	v58 =	vshll.u32 v3, $0x1  }
0x223: {  	v3 =	vand.u32 $0x7, v3;
	v4 =	vand.u32 $0xFFFFFFF0, v58  }
0x224: {  	v3 =	vor.u32 v3, v4  }
0x225: {  	v4 =	vperm.xlane v3, v0;
	_ =	sdelay $0x1  }
0x226: {  	v3 =	vperm.xlane v3, v2;
	v4 =	vadd.s32 v1, v4;
	_ =	sdelay $0x1  }
0x227: {  	v3 =	vadd.s32 v1, v3;
	_ =	sdelay $0x2  }
0x228: {  	[tilespmem:s12], [sflag:$0x2] =	stream.indirect_vreg.gather [hbm4b:s3+s8], $0x80, v4, vm0, $0xb8;
	[tilespmem:$0x10100] =	vst v63  }
0x229: {  	_ = 	snop  }
0x22a: {  	[tilespmem:s14], [sflag:$0x2] =	stream.indirect_vreg.gather [hbm4b:s3+s8], $0x80, v3, vm0, $0xb8;
	[tilespmem:$0x10100] =	vst v63  }
0x22b: {  	v3 =	vld [tilespmem:$0xB0];
	_ =	sdelay $0x4  }
0x22c: {  	v59 =	vshll.u32 v3, $0x1  }
0x22d: {  	v3 =	vand.u32 $0x7, v3;
	v4 =	vand.u32 $0xFFFFFFF0, v59  }
0x22e: {  	v3 =	vor.u32 v3, v4  }
0x22f: {  	v4 =	vperm.xlane v3, v0;
	_ =	sdelay $0x1  }
0x230: {  	v3 =	vperm.xlane v3, v2;
	v4 =	vadd.s32 v1, v4;
	_ =	sdelay $0x1  }
0x231: {  	v3 =	vadd.s32 v1, v3;
	_ =	sdelay $0x2  }
0x232: {  	[tilespmem:s15], [sflag:$0x2] =	stream.indirect_vreg.gather [hbm4b:s3+s8], $0x80, v4, vm0, $0xb8;
	[tilespmem:$0x10100] =	vst v63  }
0x233: {  	_ = 	snop  }
0x234: {  	[tilespmem:s4], [sflag:$0x2] =	stream.indirect_vreg.gather [hbm4b:s3+s8], $0x80, v3, vm0, $0xb8;
	[tilespmem:$0x10100] =	vst v63  }
0x235: {  	v3 =	vld [tilespmem:$0xC0];
	_ =	sdelay $0x4  }
0x236: {  	v60 =	vshll.u32 v3, $0x1  }
0x237: {  	v3 =	vand.u32 $0x7, v3;
	v4 =	vand.u32 $0xFFFFFFF0, v60  }
0x238: {  	v3 =	vor.u32 v3, v4  }
0x239: {  	v4 =	vperm.xlane v3, v0;
	_ =	sdelay $0x1  }
0x23a: {  	v3 =	vperm.xlane v3, v2;
	v4 =	vadd.s32 v1, v4;
	_ =	sdelay $0x1  }
0x23b: {  	v3 =	vadd.s32 v1, v3;
	_ =	sdelay $0x2  }
0x23c: {  	[tilespmem:s16], [sflag:$0x2] =	stream.indirect_vreg.gather [hbm4b:s3+s8], $0x80, v4, vm0, $0xb8;
	[tilespmem:$0x10100] =	vst v63  }
0x23d: {  	_ = 	snop  }
0x23e: {  	[tilespmem:s17], [sflag:$0x2] =	stream.indirect_vreg.gather [hbm4b:s3+s8], $0x80, v3, vm0, $0xb8;
	[tilespmem:$0x10100] =	vst v63  }
0x23f: {  	v3 =	vld [tilespmem:$0xD0];
	_ =	sdelay $0x4  }
0x240: {  	v61 =	vshll.u32 v3, $0x1  }
0x241: {  	v3 =	vand.u32 $0x7, v3;
	v4 =	vand.u32 $0xFFFFFFF0, v61  }
0x242: {  	v3 =	vor.u32 v3, v4  }
0x243: {  	v4 =	vperm.xlane v3, v0;
	_ =	sdelay $0x1  }
0x244: {  	v3 =	vperm.xlane v3, v2;
	v4 =	vadd.s32 v1, v4;
	_ =	sdelay $0x1  }
0x245: {  	v3 =	vadd.s32 v1, v3;
	_ =	sdelay $0x2  }
0x246: {  	[tilespmem:s18], [sflag:$0x2] =	stream.indirect_vreg.gather [hbm4b:s3+s8], $0x80, v4, vm0, $0xb8;
	[tilespmem:$0x10100] =	vst v63  }
0x247: {  	_ = 	snop  }
0x248: {  	[tilespmem:s19], [sflag:$0x2] =	stream.indirect_vreg.gather [hbm4b:s3+s8], $0x80, v3, vm0, $0xb8;
	[tilespmem:$0x10100] =	vst v63  }
0x249: {  	v3 =	vld [tilespmem:$0xE0];
	_ =	sdelay $0x4  }
0x24a: {  	v62 =	vshll.u32 v3, $0x1  }
0x24b: {  	v3 =	vand.u32 $0x7, v3;
	v4 =	vand.u32 $0xFFFFFFF0, v62  }
0x24c: {  	v3 =	vor.u32 v3, v4  }
0x24d: {  	v4 =	vperm.xlane v3, v0;
	_ =	sdelay $0x1  }
0x24e: {  	v3 =	vperm.xlane v3, v2;
	v4 =	vadd.s32 v1, v4;
	_ =	sdelay $0x1  }
0x24f: {  	v3 =	vadd.s32 v1, v3;
	_ =	sdelay $0x2  }
0x250: {  	[tilespmem:s5], [sflag:$0x2] =	stream.indirect_vreg.gather [hbm4b:s3+s8], $0x80, v4, vm0, $0xb8;
	[tilespmem:$0x10100] =	vst v63  }
0x251: {  	_ = 	snop  }
0x252: {  	[tilespmem:s20], [sflag:$0x2] =	stream.indirect_vreg.gather [hbm4b:s3+s8], $0x80, v3, vm0, $0xb8;
	[tilespmem:$0x10100] =	vst v63  }
0x253: {  	v3 =	vld [tilespmem:$0xF0];
	_ =	sdelay $0x4  }
0x254: {  	v63 =	vshll.u32 v3, $0x1  }
0x255: {  	v3 =	vand.u32 $0x7, v3;
	v4 =	vand.u32 $0xFFFFFFF0, v63  }
0x256: {  	v3 =	vor.u32 v3, v4  }
0x257: {  	v4 =	vperm.xlane v3, v0;
	_ =	sdelay $0x1  }
0x258: {  	v3 =	vperm.xlane v3, v2;
	v4 =	vadd.s32 v1, v4;
	_ =	sdelay $0x1  }
0x259: {  	v3 =	vadd.s32 v1, v3;
	_ =	sdelay $0x2  }
0x25a: {  	[tilespmem:s6], [sflag:$0x2] =	stream.indirect_vreg.gather [hbm4b:s3+s8], $0x80, v4, vm0, $0xb8;
	[tilespmem:$0x10100] =	vst v63  }
0x25b: {  	_ = 	snop  }
0x25c: {  	[tilespmem:s21], [sflag:$0x2] =	stream.indirect_vreg.gather [hbm4b:s3+s8], $0x80, v3, vm0, $0xb8;
	[tilespmem:$0x10100] =	vst v63  }
0x25d: {  	_ =	swait.ge [sflag:s22], $0x8000  }
0x25e: {  	[sflag:s22] =	ssyncset.done $0x0  }
0x25f: {  	[sflag:s22] =	ssyncadd.s32 $0xFFFF8000  }
0x260: {  	_ =	swait.ge [sflag:s7], $0x8000  }
0x261: {  	p0 =	por $0x0, $0x0;
	[sflag:s7] =	ssyncset.done $0x0  }
0x262: {  	s24 =	simm.s32 $0xFFFFFFFC;
	s25 =	simm.s32 $0x0;
	[sflag:s7] =	ssyncadd.s32 $0xFFFF8000  }
.LBB2_4:
0x263: {  	s9 =	sand.u32 $0x7800, s8;
	s10 =	sand.u32 $0x200, s25  }
0x264: {  	s9 =	sor.u32 s10, s9  }
0x265: {  	v3 =	vld [tilespmem:s9+$0x100]  }
0x266: {  	v4 =	vld [tilespmem:s9+$0x8100]  }
0x267: {  	v5 =	vld [tilespmem:s9+$0x110]  }
0x268: {  	v6 =	vld [tilespmem:s9+$0x8110]  }
0x269: {  	v7 =	vld [tilespmem:s9+$0x120]  }
0x26a: {  	v8 =	vld [tilespmem:s9+$0x8120]  }
0x26b: {  	v9 =	vld [tilespmem:s9+$0x130]  }
0x26c: {  	v10 =	vld [tilespmem:s9+$0x8130]  }
0x26d: {  	v11 =	vld [tilespmem:s9+$0x140]  }
0x26e: {  	v12 =	vld [tilespmem:s9+$0x8140]  }
0x26f: {  	v13 =	vld [tilespmem:s9+$0x150]  }
0x270: {  	v14 =	vld [tilespmem:s9+$0x8150]  }
0x271: {  	v15 =	vld [tilespmem:s9+$0x160]  }
0x272: {  	v23 =	vld [tilespmem:s9+$0x170];
	v3 =	vadd.f32 v4, v3  }
0x273: {  	v24 =	vld [tilespmem:s9+$0x8170];
	v5 =	vadd.f32 v6, v5  }
0x274: {  	v22 =	vld [tilespmem:s9+$0x8160];
	v25 =	vadd.f32 v10, v9;
	[tilespmem:s9+$0x100] =	vst v3  }
0x275: {  	v3 =	vadd.f32 v8, v7;
	[tilespmem:s9+$0x110] =	vst v5  }
0x276: {  	s10 =	simm.s32 $0x1;
	v26 =	vadd.f32 v14, v13;
	[tilespmem:s9+$0x130] =	vst v25  }
0x277: {  	s10 =	simm.s32 @!p0 $0x0;
	[tilespmem:s9+$0x120] =	vst v3;
	v3 =	vadd.f32 v12, v11  }
0x278: {  	s10 =	sshll.u32 s10, $0x9;
	v27 =	vadd.f32 v24, v23;
	[tilespmem:s9+$0x150] =	vst v26  }
0x279: {  	s26 =	sadd.s32 s10, s8;
	[tilespmem:s9+$0x140] =	vst v3;
	v3 =	vadd.f32 v22, v15  }
0x27a: {  	s10 =	sor.u32 $0x400, s26;
	[tilespmem:s9+$0x170] =	vst v27  }
0x27b: {  	[tilespmem:s9+$0x160] =	vst v3;
	v3 =	vld [tilespmem:s10+$0x100]  }
0x27c: {  	v4 =	vld [tilespmem:s10+$0x8100];
	_ =	sdelay $0x4  }
0x27d: {  	v3 =	vadd.f32 v4, v3;
	_ =	sdelay $0x1  }
0x27e: {  	s28 =	sor.u32 $0x410, s26;
	[tilespmem:s10+$0x100] =	vst v3  }
0x27f: {  	v3 =	vld [tilespmem:s28+$0x100]  }
0x280: {  	v28 =	vld [tilespmem:s28+$0x8100];
	_ =	sdelay $0x4  }
0x281: {  	v3 =	vadd.f32 v28, v3;
	_ =	sdelay $0x1  }
0x282: {  	[tilespmem:s28+$0x100] =	vst v3;
	s28 =	sor.u32 $0x420, s26  }
0x283: {  	v3 =	vld [tilespmem:s28+$0x100]  }
0x284: {  	v29 =	vld [tilespmem:s28+$0x8100];
	_ =	sdelay $0x4  }
0x285: {  	v3 =	vadd.f32 v29, v3;
	_ =	sdelay $0x1  }
0x286: {  	[tilespmem:s28+$0x100] =	vst v3;
	s28 =	sor.u32 $0x430, s26  }
0x287: {  	v3 =	vld [tilespmem:s28+$0x100]  }
0x288: {  	v30 =	vld [tilespmem:s28+$0x8100];
	_ =	sdelay $0x4  }
0x289: {  	v3 =	vadd.f32 v30, v3;
	_ =	sdelay $0x1  }
0x28a: {  	[tilespmem:s28+$0x100] =	vst v3;
	s28 =	sor.u32 $0x440, s26  }
0x28b: {  	v3 =	vld [tilespmem:s28+$0x100]  }
0x28c: {  	v31 =	vld [tilespmem:s28+$0x8100];
	_ =	sdelay $0x4  }
0x28d: {  	v3 =	vadd.f32 v31, v3;
	_ =	sdelay $0x1  }
0x28e: {  	[tilespmem:s28+$0x100] =	vst v3;
	s28 =	sor.u32 $0x450, s26  }
0x28f: {  	v3 =	vld [tilespmem:s28+$0x100]  }
0x290: {  	v32 =	vld [tilespmem:s28+$0x8100];
	_ =	sdelay $0x4  }
0x291: {  	v3 =	vadd.f32 v32, v3;
	_ =	sdelay $0x1  }
0x292: {  	[tilespmem:s28+$0x100] =	vst v3;
	s28 =	sor.u32 $0x460, s26  }
0x293: {  	v3 =	vld [tilespmem:s28+$0x100]  }
0x294: {  	v33 =	vld [tilespmem:s28+$0x8100];
	_ =	sdelay $0x4  }
0x295: {  	v3 =	vadd.f32 v33, v3;
	_ =	sdelay $0x1  }
0x296: {  	[tilespmem:s28+$0x100] =	vst v3;
	s28 =	sor.u32 $0x470, s26  }
0x297: {  	v3 =	vld [tilespmem:s28+$0x100]  }
0x298: {  	v34 =	vld [tilespmem:s28+$0x8100];
	_ =	sdelay $0x4  }
0x299: {  	v3 =	vadd.f32 v34, v3;
	_ =	sdelay $0x1  }
0x29a: {  	[tilespmem:s28+$0x100] =	vst v3  }
0x29b: {  	v3 =	vld [tilespmem:s9+$0x180]  }
0x29c: {  	v35 =	vld [tilespmem:s9+$0x8180]  }
0x29d: {  	v36 =	vld [tilespmem:s9+$0x190]  }
0x29e: {  	v37 =	vld [tilespmem:s9+$0x8190]  }
0x29f: {  	v38 =	vld [tilespmem:s9+$0x1A0]  }
0x2a0: {  	v39 =	vld [tilespmem:s9+$0x81A0]  }
0x2a1: {  	v40 =	vld [tilespmem:s9+$0x1B0]  }
0x2a2: {  	v41 =	vld [tilespmem:s9+$0x81B0]  }
0x2a3: {  	v42 =	vld [tilespmem:s9+$0x1C0]  }
0x2a4: {  	v43 =	vld [tilespmem:s9+$0x1D0]  }
0x2a5: {  	v44 =	vld [tilespmem:s9+$0x81D0]  }
0x2a6: {  	v45 =	vld [tilespmem:s9+$0x1E0]  }
0x2a7: {  	v46 =	vld [tilespmem:s9+$0x81E0]  }
0x2a8: {  	v47 =	vld [tilespmem:s9+$0x1F0];
	v3 =	vadd.f32 v35, v3  }
0x2a9: {  	v48 =	vld [tilespmem:s9+$0x81F0];
	v5 =	vadd.f32 v37, v36  }
0x2aa: {  	v49 =	vld [tilespmem:s9+$0x81C0];
	[tilespmem:s9+$0x180] =	vst v3;
	v3 =	vadd.f32 v39, v38  }
0x2ab: {  	v50 =	vadd.f32 v41, v40;
	[tilespmem:s9+$0x190] =	vst v5  }
0x2ac: {  	[tilespmem:s9+$0x1A0] =	vst v3;
	v3 =	vadd.f32 v44, v43  }
0x2ad: {  	v51 =	vadd.f32 v46, v45;
	[tilespmem:s9+$0x1B0] =	vst v50  }
0x2ae: {  	[tilespmem:s9+$0x1D0] =	vst v3;
	v3 =	vadd.f32 v48, v47  }
0x2af: {  	s10 =	sadd.s32 $0x80, s26;
	v52 =	vadd.f32 v49, v42;
	[tilespmem:s9+$0x1E0] =	vst v51  }
0x2b0: {  	s28 =	sor.u32 $0x400, s10;
	[tilespmem:s9+$0x1F0] =	vst v3  }
0x2b1: {  	[tilespmem:s9+$0x1C0] =	vst v52;
	v3 =	vld [tilespmem:s28+$0x100]  }
0x2b2: {  	v4 =	vld [tilespmem:s28+$0x8100];
	_ =	sdelay $0x4  }
0x2b3: {  	v3 =	vadd.f32 v4, v3;
	_ =	sdelay $0x1  }
0x2b4: {  	[tilespmem:s28+$0x100] =	vst v3;
	s28 =	sor.u32 $0x410, s10  }
0x2b5: {  	v3 =	vld [tilespmem:s28+$0x100]  }
0x2b6: {  	v53 =	vld [tilespmem:s28+$0x8100];
	_ =	sdelay $0x4  }
0x2b7: {  	v3 =	vadd.f32 v53, v3;
	_ =	sdelay $0x1  }
0x2b8: {  	[tilespmem:s28+$0x100] =	vst v3;
	s28 =	sor.u32 $0x420, s10  }
0x2b9: {  	v3 =	vld [tilespmem:s28+$0x100]  }
0x2ba: {  	v54 =	vld [tilespmem:s28+$0x8100];
	_ =	sdelay $0x4  }
0x2bb: {  	v3 =	vadd.f32 v54, v3;
	_ =	sdelay $0x1  }
0x2bc: {  	[tilespmem:s28+$0x100] =	vst v3;
	s28 =	sor.u32 $0x430, s10  }
0x2bd: {  	v3 =	vld [tilespmem:s28+$0x100]  }
0x2be: {  	v55 =	vld [tilespmem:s28+$0x8100];
	_ =	sdelay $0x4  }
0x2bf: {  	v3 =	vadd.f32 v55, v3;
	_ =	sdelay $0x1  }
0x2c0: {  	[tilespmem:s28+$0x100] =	vst v3;
	s28 =	sor.u32 $0x440, s10  }
0x2c1: {  	v3 =	vld [tilespmem:s28+$0x100]  }
0x2c2: {  	v56 =	vld [tilespmem:s28+$0x8100];
	_ =	sdelay $0x4  }
0x2c3: {  	v3 =	vadd.f32 v56, v3;
	_ =	sdelay $0x1  }
0x2c4: {  	[tilespmem:s28+$0x100] =	vst v3;
	s28 =	sor.u32 $0x450, s10  }
0x2c5: {  	v3 =	vld [tilespmem:s28+$0x100]  }
0x2c6: {  	v57 =	vld [tilespmem:s28+$0x8100];
	_ =	sdelay $0x4  }
0x2c7: {  	v3 =	vadd.f32 v57, v3;
	_ =	sdelay $0x1  }
0x2c8: {  	[tilespmem:s28+$0x100] =	vst v3;
	s28 =	sor.u32 $0x460, s10  }
0x2c9: {  	v3 =	vld [tilespmem:s28+$0x100]  }
0x2ca: {  	v58 =	vld [tilespmem:s28+$0x8100];
	_ =	sdelay $0x4  }
0x2cb: {  	v3 =	vadd.f32 v58, v3;
	_ =	sdelay $0x1  }
0x2cc: {  	s10 =	sor.u32 $0x470, s10;
	[tilespmem:s28+$0x100] =	vst v3  }
0x2cd: {  	v3 =	vld [tilespmem:s10+$0x100]  }
0x2ce: {  	v59 =	vld [tilespmem:s10+$0x8100];
	_ =	sdelay $0x4  }
0x2cf: {  	v3 =	vadd.f32 v59, v3;
	_ =	sdelay $0x1  }
0x2d0: {  	[tilespmem:s10+$0x100] =	vst v3  }
0x2d1: {  	v3 =	vld [tilespmem:s9+$0x200]  }
0x2d2: {  	v60 =	vld [tilespmem:s9+$0x8200]  }
0x2d3: {  	v61 =	vld [tilespmem:s9+$0x210]  }
0x2d4: {  	v62 =	vld [tilespmem:s9+$0x8210]  }
0x2d5: {  	v63 =	vld [tilespmem:s9+$0x220]  }
0x2d6: {  	v18 =	vld [tilespmem:s9+$0x8220]  }
0x2d7: {  	v19 =	vld [tilespmem:s9+$0x230]  }
0x2d8: {  	v20 =	vld [tilespmem:s9+$0x8230]  }
0x2d9: {  	v21 =	vld [tilespmem:s9+$0x240]  }
0x2da: {  	v22 =	vld [tilespmem:s9+$0x8240]  }
0x2db: {  	v23 =	vld [tilespmem:s9+$0x250]  }
0x2dc: {  	v24 =	vld [tilespmem:s9+$0x8250]  }
0x2dd: {  	v25 =	vld [tilespmem:s9+$0x260]  }
0x2de: {  	v27 =	vld [tilespmem:s9+$0x270];
	v3 =	vadd.f32 v60, v3  }
0x2df: {  	v28 =	vld [tilespmem:s9+$0x8270];
	v5 =	vadd.f32 v62, v61  }
0x2e0: {  	v26 =	vld [tilespmem:s9+$0x8260];
	v29 =	vadd.f32 v20, v19;
	[tilespmem:s9+$0x200] =	vst v3  }
0x2e1: {  	v3 =	vadd.f32 v18, v63;
	[tilespmem:s9+$0x210] =	vst v5  }
0x2e2: {  	v30 =	vadd.f32 v24, v23;
	[tilespmem:s9+$0x230] =	vst v29  }
0x2e3: {  	[tilespmem:s9+$0x220] =	vst v3;
	v3 =	vadd.f32 v22, v21  }
0x2e4: {  	v31 =	vadd.f32 v28, v27;
	[tilespmem:s9+$0x250] =	vst v30  }
0x2e5: {  	s10 =	sadd.s32 $0x100, s26;
	[tilespmem:s9+$0x240] =	vst v3;
	v3 =	vadd.f32 v26, v25  }
0x2e6: {  	s28 =	sor.u32 $0x400, s10;
	[tilespmem:s9+$0x270] =	vst v31  }
0x2e7: {  	[tilespmem:s9+$0x260] =	vst v3;
	v3 =	vld [tilespmem:s28+$0x100]  }
0x2e8: {  	v4 =	vld [tilespmem:s28+$0x8100];
	_ =	sdelay $0x4  }
0x2e9: {  	v3 =	vadd.f32 v4, v3;
	_ =	sdelay $0x1  }
0x2ea: {  	[tilespmem:s28+$0x100] =	vst v3;
	s28 =	sor.u32 $0x410, s10  }
0x2eb: {  	v3 =	vld [tilespmem:s28+$0x100]  }
0x2ec: {  	v32 =	vld [tilespmem:s28+$0x8100];
	_ =	sdelay $0x4  }
0x2ed: {  	v3 =	vadd.f32 v32, v3;
	_ =	sdelay $0x1  }
0x2ee: {  	[tilespmem:s28+$0x100] =	vst v3;
	s28 =	sor.u32 $0x420, s10  }
0x2ef: {  	v3 =	vld [tilespmem:s28+$0x100]  }
0x2f0: {  	v33 =	vld [tilespmem:s28+$0x8100];
	_ =	sdelay $0x4  }
0x2f1: {  	v3 =	vadd.f32 v33, v3;
	_ =	sdelay $0x1  }
0x2f2: {  	[tilespmem:s28+$0x100] =	vst v3;
	s28 =	sor.u32 $0x430, s10  }
0x2f3: {  	v3 =	vld [tilespmem:s28+$0x100]  }
0x2f4: {  	v34 =	vld [tilespmem:s28+$0x8100];
	_ =	sdelay $0x4  }
0x2f5: {  	v3 =	vadd.f32 v34, v3;
	_ =	sdelay $0x1  }
0x2f6: {  	[tilespmem:s28+$0x100] =	vst v3;
	s28 =	sor.u32 $0x440, s10  }
0x2f7: {  	v3 =	vld [tilespmem:s28+$0x100]  }
0x2f8: {  	v35 =	vld [tilespmem:s28+$0x8100];
	_ =	sdelay $0x4  }
0x2f9: {  	v3 =	vadd.f32 v35, v3;
	_ =	sdelay $0x1  }
0x2fa: {  	[tilespmem:s28+$0x100] =	vst v3;
	s28 =	sor.u32 $0x450, s10  }
0x2fb: {  	v3 =	vld [tilespmem:s28+$0x100]  }
0x2fc: {  	v36 =	vld [tilespmem:s28+$0x8100];
	_ =	sdelay $0x4  }
0x2fd: {  	v3 =	vadd.f32 v36, v3;
	_ =	sdelay $0x1  }
0x2fe: {  	[tilespmem:s28+$0x100] =	vst v3;
	s28 =	sor.u32 $0x460, s10  }
0x2ff: {  	v3 =	vld [tilespmem:s28+$0x100]  }
0x300: {  	v37 =	vld [tilespmem:s28+$0x8100];
	_ =	sdelay $0x4  }
0x301: {  	v3 =	vadd.f32 v37, v3;
	_ =	sdelay $0x1  }
0x302: {  	s10 =	sor.u32 $0x470, s10;
	[tilespmem:s28+$0x100] =	vst v3  }
0x303: {  	v3 =	vld [tilespmem:s10+$0x100]  }
0x304: {  	v38 =	vld [tilespmem:s10+$0x8100];
	_ =	sdelay $0x4  }
0x305: {  	v3 =	vadd.f32 v38, v3;
	_ =	sdelay $0x1  }
0x306: {  	[tilespmem:s10+$0x100] =	vst v3  }
0x307: {  	v3 =	vld [tilespmem:s9+$0x280]  }
0x308: {  	v39 =	vld [tilespmem:s9+$0x8280]  }
0x309: {  	v40 =	vld [tilespmem:s9+$0x290]  }
0x30a: {  	v41 =	vld [tilespmem:s9+$0x8290]  }
0x30b: {  	v42 =	vld [tilespmem:s9+$0x2A0]  }
0x30c: {  	v43 =	vld [tilespmem:s9+$0x82A0]  }
0x30d: {  	v44 =	vld [tilespmem:s9+$0x2B0]  }
0x30e: {  	v45 =	vld [tilespmem:s9+$0x82B0]  }
0x30f: {  	v46 =	vld [tilespmem:s9+$0x2C0]  }
0x310: {  	v47 =	vld [tilespmem:s9+$0x2D0]  }
0x311: {  	v48 =	vld [tilespmem:s9+$0x82D0]  }
0x312: {  	v49 =	vld [tilespmem:s9+$0x2E0]  }
0x313: {  	v50 =	vld [tilespmem:s9+$0x82E0]  }
0x314: {  	v51 =	vld [tilespmem:s9+$0x2F0];
	v3 =	vadd.f32 v39, v3  }
0x315: {  	v52 =	vld [tilespmem:s9+$0x82F0];
	v5 =	vadd.f32 v41, v40  }
0x316: {  	v53 =	vld [tilespmem:s9+$0x82C0];
	[tilespmem:s9+$0x280] =	vst v3;
	v3 =	vadd.f32 v43, v42  }
0x317: {  	v54 =	vadd.f32 v45, v44;
	[tilespmem:s9+$0x290] =	vst v5  }
0x318: {  	[tilespmem:s9+$0x2A0] =	vst v3;
	v3 =	vadd.f32 v48, v47  }
0x319: {  	v55 =	vadd.f32 v50, v49;
	[tilespmem:s9+$0x2B0] =	vst v54  }
0x31a: {  	[tilespmem:s9+$0x2D0] =	vst v3;
	v3 =	vadd.f32 v52, v51  }
0x31b: {  	s10 =	sadd.s32 $0x180, s26;
	v56 =	vadd.f32 v53, v46;
	[tilespmem:s9+$0x2E0] =	vst v55  }
0x31c: {  	s26 =	sor.u32 $0x400, s10;
	[tilespmem:s9+$0x2F0] =	vst v3  }
0x31d: {  	[tilespmem:s9+$0x2C0] =	vst v56;
	v3 =	vld [tilespmem:s26+$0x100]  }
0x31e: {  	v4 =	vld [tilespmem:s26+$0x8100];
	_ =	sdelay $0x4  }
0x31f: {  	v3 =	vadd.f32 v4, v3;
	_ =	sdelay $0x1  }
0x320: {  	s28 =	sor.u32 $0x410, s10;
	[tilespmem:s26+$0x100] =	vst v3  }
0x321: {  	v3 =	vld [tilespmem:s28+$0x100]  }
0x322: {  	v57 =	vld [tilespmem:s28+$0x8100];
	_ =	sdelay $0x4  }
0x323: {  	v3 =	vadd.f32 v57, v3;
	_ =	sdelay $0x1  }
0x324: {  	s26 =	sor.u32 $0x420, s10;
	[tilespmem:s28+$0x100] =	vst v3  }
0x325: {  	v3 =	vld [tilespmem:s26+$0x100]  }
0x326: {  	v58 =	vld [tilespmem:s26+$0x8100];
	_ =	sdelay $0x4  }
0x327: {  	v3 =	vadd.f32 v58, v3;
	_ =	sdelay $0x1  }
0x328: {  	s28 =	sor.u32 $0x430, s10;
	[tilespmem:s26+$0x100] =	vst v3  }
0x329: {  	v3 =	vld [tilespmem:s28+$0x100]  }
0x32a: {  	v59 =	vld [tilespmem:s28+$0x8100];
	_ =	sdelay $0x4  }
0x32b: {  	v3 =	vadd.f32 v59, v3;
	_ =	sdelay $0x1  }
0x32c: {  	s26 =	sor.u32 $0x440, s10;
	[tilespmem:s28+$0x100] =	vst v3  }
0x32d: {  	v3 =	vld [tilespmem:s26+$0x100]  }
0x32e: {  	v60 =	vld [tilespmem:s26+$0x8100];
	_ =	sdelay $0x4  }
0x32f: {  	v3 =	vadd.f32 v60, v3;
	_ =	sdelay $0x1  }
0x330: {  	s28 =	sor.u32 $0x450, s10;
	[tilespmem:s26+$0x100] =	vst v3  }
0x331: {  	v3 =	vld [tilespmem:s28+$0x100]  }
0x332: {  	v61 =	vld [tilespmem:s28+$0x8100];
	_ =	sdelay $0x4  }
0x333: {  	v3 =	vadd.f32 v61, v3;
	_ =	sdelay $0x1  }
0x334: {  	s26 =	sor.u32 $0x460, s10;
	[tilespmem:s28+$0x100] =	vst v3  }
0x335: {  	v3 =	vld [tilespmem:s26+$0x100]  }
0x336: {  	v62 =	vld [tilespmem:s26+$0x8100];
	_ =	sdelay $0x4  }
0x337: {  	v3 =	vadd.f32 v62, v3;
	_ =	sdelay $0x1  }
0x338: {  	s28 =	sor.u32 $0x470, s10;
	[tilespmem:s26+$0x100] =	vst v3  }
0x339: {  	v3 =	vld [tilespmem:s28+$0x100]  }
0x33a: {  	v63 =	vld [tilespmem:s28+$0x8100]  }
0x33b: {  	s24 =	sadd.s32 $0x4, s24  }
0x33c: {  	p1 =	slt.u32 s24, $0x7C  }
.Ltmp1:
0x33d: {  	_ = 	snop;
	(pc) =	sbr.rel @p1 .LBB2_4-.Ltmp1, $3  }
0x33e: {  	_ = 	snop  }
0x33f: {  	v3 =	vadd.f32 v63, v3;
	_ =	sdelay $0x1  }
0x340: {  	s25 =	sadd.s32 $0x200, s25;
	p0 =	por !p0, !p0;
	s8 =	sadd.s32 $0x400, s8;
	[tilespmem:s28+$0x100] =	vst v3  }
0x341: {  	s8 =	rddreg [dreg:$0x8]  }
0x342: {  	[hbm4b:s8+s2] =	stream.linear.scatter [tilespmem:s13], [sflag:$0x3], $0x8000, $0x38;
	[tilespmem:$0x10100] =	vst v63  }
0x343: {  	_ =	swait.ge [sflag:s11], $0x8000  }
0x344: {  	s23 =	sadd.s32 $0x1, s23;
	s28 =	rddreg [dreg:$0x9]  }
0x345: {  	p0 =	sne.s32 s23, s28  }
.Ltmp2:
0x346: {  	_ = 	snop;
	(pc) =	sbr.rel @p0 .LBB2_1-.Ltmp2, $3  }
0x347: {  	_ =	sdelay $0x1  }
0x348: {  	[sflag:s11] =	ssyncset.done $0x0  }
0x349: {  	[sflag:s11] =	ssyncadd.s32 $0xFFFF8000  }
0x34a: {  	_ =	sfence.sel $0x180000  }
0x34b: {  	[bflag:$0x0] =	sbarrier.arrive $0xFFFF  }
0x34c: {  	_ =	strace $0x9000004A  }
0x34d: {  	s0 =	stileid.u32;
	[bflag:$0x2] =	sbarrier.arrive $0xFFFF  }
0x34e: {  	p0 =	sne.s32 s0, $0x0;
	s0 =	rddreg [dreg:$0x2]  }
0x34f: {  	s0 =	sadd.s32 @!p0 $0x100000, s0  }
0x350: {  	[sflag:s0] =	ssyncadd.tile.s32 @!p0 $0x1;
	_ =	shalt  }
.Lfunc_end2:
_tile_overlayer_lowered:
.L_overlay_start_2:
0x351: {  	(tag) =	ssettag $0x2  }
0x352: {  	s0 =	rddreg [dreg:$0x0];
	s2 =	stileid.u32  }
0x353: {  	s1 =	rddreg [dreg:$0x1];
	p0 =	sne.s32 s2, $0x0  }
0x354: {  	s3 =	rddreg [dreg:$0x2];
	[bflag:$0x3] =	sbarrier.arrive $0xFFFF;
	s2 =	simm.s32 @!p0 $0x1C03  }
0x355: {  	[timem:s3], [sflag:s2] =	dma.local @!p0 [hbm:s0], s1  }
0x356: {  	s0 =	simm.s32 @!p0 $0x3  }
0x357: {  	_ =	swait.ge @!p0 [sflag:s0], s1  }
0x358: {  	s1 =	ssub.s32 @!p0 $0x0, s1;
	[sflag:s0] =	ssyncset.done @!p0 $0x0  }
0x359: {  	[sflag:s0] =	ssyncadd.s32 @!p0 s1  }
0x35a: {  	[bflag:$0x3] =	sbarrier.arrive $0xFFFF  }
0x35b: {  	_ =	shalt  }

</sc_bundles>
